<compile_context>
chip_gen: v7x
topology: tpu7x:2x2x1
jax: 0.10.2.dev20260603
libtpu: 0.0.44.dev20260713+nightly
codegen_flags: <defaults>
</compile_context>

<pallas_src>
import functools

import jax
import jax.numpy as jnp
import numpy as np
from jax import lax
from jax.experimental import pallas as pl
from jax.experimental.pallas import tpu as pltpu
from jax.experimental.pallas import tpu_sc as plsc

EPS_BN = 1e-5
F32 = jnp.float32
I32 = jnp.int32
BIG = 1e9


SQ = np.float32(np.sqrt(np.float32(1.0 + EPS_BN)))


def _prep(layers):
    out = []
    for W, b, g, bt in layers:
        bgb = jnp.concatenate([b.reshape(1, -1), g.reshape(1, -1),
                               bt.reshape(1, -1)], axis=0)
        out.append((W.T, bgb))
    return out


def _bnrelu(h, bgb):
    return jnp.maximum(h / SQ * bgb[1:2] + bgb[2:3], 0.0)


def _dot(a, b, prec=None):
    return lax.dot_general(a, b, (((1,), (0,)), ((), ())),
                           preferred_element_type=F32, precision=prec)


def _fps_body(npoint, x_ref, y_ref, z_ref, cx_ref, cy_ref, cz_ref):
    x = x_ref[...]
    y = y_ref[...]
    z = z_ref[...]
    B, N = x.shape
    iota = lax.broadcasted_iota(I32, (B, N), 1)
    iota_o = lax.broadcasted_iota(I32, (B, npoint), 1)

    def step(t, carry):
        dist, far, ox, oy, oz = carry
        oh = iota == far
        cx = jnp.sum(jnp.where(oh, x, 0.0), axis=1, keepdims=True)
        cy = jnp.sum(jnp.where(oh, y, 0.0), axis=1, keepdims=True)
        cz = jnp.sum(jnp.where(oh, z, 0.0), axis=1, keepdims=True)
        ox = jnp.where(iota_o == t, cx, ox)
        oy = jnp.where(iota_o == t, cy, oy)
        oz = jnp.where(iota_o == t, cz, oz)
        dx = x - cx
        dy = y - cy
        dz = z - cz
        d = dx * dx + dy * dy + dz * dz
        dist = jnp.minimum(dist, d)
        m = jnp.max(dist, axis=1, keepdims=True)
        nxt = jnp.min(jnp.where(dist == m, iota, N), axis=1, keepdims=True)
        return dist, nxt, ox, oy, oz

    init = (jnp.full((B, N), 1e10, F32), jnp.zeros((B, 1), I32),
            jnp.zeros((B, npoint), F32), jnp.zeros((B, npoint), F32),
            jnp.zeros((B, npoint), F32))
    _, _, ox, oy, oz = lax.fori_loop(0, npoint, step, init)
    cx_ref[...] = ox
    cy_ref[...] = oy
    cz_ref[...] = oz


def _fps(x, y, z, npoint):
    B, N = x.shape
    shp = jax.ShapeDtypeStruct((B, npoint), F32)
    return pl.pallas_call(
        functools.partial(_fps_body, npoint),
        out_shape=(shp, shp, shp),
    )(x, y, z)


def _ballq_body(N, S, ns, r2, xr_ref, yr_ref, zr_ref, cxc_ref, cyc_ref,
                czc_ref, idx_ref):
    b = pl.program_id(0)
    xr = xr_ref[0]
    yr = yr_ref[0]
    zr = zr_ref[0]
    cxc = cxc_ref[0]
    cyc = cyc_ref[0]
    czc = czc_ref[0]

    zsc = jnp.zeros((S, 5), F32)
    c8 = jnp.concatenate([cxc, cyc, czc, zsc], axis=1)
    zsn = jnp.zeros((5, N), F32)
    x8 = jnp.concatenate([xr, yr, zr, zsn], axis=0)
    dot = _dot(c8, x8)
    c2 = cxc * cxc + cyc * cyc + czc * czc
    x2 = xr * xr + yr * yr + zr * zr
    d2 = c2 + x2 - 2.0 * dot

    giota = lax.broadcasted_iota(I32, (S, N), 1) + b * N
    key = jnp.where(d2 <= r2, giota.astype(F32), BIG)
    acc = jnp.zeros((S, ns), F32)
    lane = lax.broadcasted_iota(I32, (S, ns), 1)
    first = None
    for k in range(ns):
        mk = jnp.min(key, axis=1, keepdims=True)
        if first is None:
            first = mk
            col = mk
        else:
            col = jnp.where(mk < BIG, mk, first)
        acc = jnp.where(lane == k, col, acc)
        key = jnp.where(key == mk, BIG, key)
    idx_ref[...] = acc.astype(I32)[None]


def _ballq(x, y, z, cx, cy, cz, r, ns):
    B, N = x.shape
    S = cx.shape[1]
    xr = x.reshape(B, 1, N)
    yr = y.reshape(B, 1, N)
    zr = z.reshape(B, 1, N)
    cxc = cx.reshape(B, S, 1)
    cyc = cy.reshape(B, S, 1)
    czc = cz.reshape(B, S, 1)
    spec_1n = pl.BlockSpec((1, 1, N), lambda b: (b, 0, 0))
    spec_s1 = pl.BlockSpec((1, S, 1), lambda b: (b, 0, 0))
    return pl.pallas_call(
        functools.partial(_ballq_body, N, S, ns, r * r),
        grid=(B,),
        in_specs=[spec_1n, spec_1n, spec_1n, spec_s1, spec_s1, spec_s1],
        out_specs=pl.BlockSpec((1, S, ns), lambda b: (b, 0, 0)),
        out_shape=jax.ShapeDtypeStruct((B, S, ns), I32),
    )(xr, yr, zr, cxc, cyc, czc)


def _sc_gather(table, idx):
    T, D = table.shape
    (Btot,) = idx.shape
    info = plsc.get_sparse_core_info()
    NC, NS = info.num_cores, info.num_subcores
    NW = NC * NS
    per_w = Btot // NW
    CH = 128
    n_ch = per_w // CH
    mesh = plsc.VectorSubcoreMesh(core_axis_name="c", subcore_axis_name="s")

    @functools.partial(
        pl.kernel,
        out_type=jax.ShapeDtypeStruct((Btot, D), F32),
        mesh=mesh,
        scratch_types=[
            pltpu.VMEM((CH,), I32),
            pltpu.VMEM((CH, D), F32),
            pltpu.SemaphoreType.DMA,
        ],
    )
    def k(table_hbm, idx_hbm, out_hbm, idx_v, rows_v, sem):
        wid = lax.axis_index("s") * NC + lax.axis_index("c")
        base = wid * per_w

        def body(g, carry):
            off = base + g * CH
            pltpu.sync_copy(idx_hbm.at[pl.ds(off, CH)], idx_v)
            pltpu.async_copy(table_hbm.at[idx_v], rows_v, sem).wait()
            pltpu.sync_copy(rows_v, out_hbm.at[pl.ds(off, CH)])
            return carry

        lax.fori_loop(0, n_ch, body, 0)

    return k(table, idx)


def _gmlp_body(st, ns, nf, g_ref, cx_ref, cy_ref, cz_ref, w1_ref, bgb1_ref,
               w2_ref, bgb2_ref, w3_ref, bgb3_ref, o_ref):
    g = g_ref[...]
    R_ = st * ns
    cols = []
    for c_ in (cx_ref, cy_ref, cz_ref):
        cols.append(jnp.broadcast_to(c_[0].reshape(st, 1, 1),
                                     (st, ns, 1)).reshape(R_, 1))
    gx = g[:, 0:1] - cols[0]
    gy = g[:, 1:2] - cols[1]
    gz = g[:, 2:3] - cols[2]
    if nf == 3:
        feat = jnp.concatenate(
            [gx, gy, gz, g[:, 0:3], jnp.zeros((R_, 2), F32)], axis=1)
    else:
        feat = jnp.concatenate(
            [gx, gy, gz, g[:, 3:3 + nf], jnp.zeros((R_, 5), F32)], axis=1)
    h = _dot(feat, w1_ref[...]) + bgb1_ref[0:1]
    h = _bnrelu(h, bgb1_ref[...])
    h = _bnrelu(_dot(h, w2_ref[...]) + bgb2_ref[0:1], bgb2_ref[...])
    h = _bnrelu(_dot(h, w3_ref[...]) + bgb3_ref[0:1], bgb3_ref[...])
    C3 = h.shape[1]
    o_ref[...] = jnp.max(h.reshape(st, ns, C3), axis=1)[None]


def _gmlp(G, cx, cy, cz, nf, ns, st, w1, bgb1, w2, bgb2, w3, bgb3):
    B, S = cx.shape
    Dg = G.shape[1]
    C3 = w3.shape[1]
    nt = S // st

    def wspec(a):
        return pl.BlockSpec(a.shape, lambda b, t, nd=a.ndim: (0,) * nd)

    spec_c = pl.BlockSpec((1, st, 1), lambda b, t: (b, t, 0))
    return pl.pallas_call(
        functools.partial(_gmlp_body, st, ns, nf),
        grid=(B, nt),
        in_specs=[
            pl.BlockSpec((st * ns, Dg), lambda b, t: (b * (S // st) + t, 0)),
            spec_c, spec_c, spec_c,
            wspec(w1), wspec(bgb1), wspec(w2), wspec(bgb2), wspec(w3),
            wspec(bgb3),
        ],
        out_specs=pl.BlockSpec((1, st, C3), lambda b, t: (b, t, 0)),
        out_shape=jax.ShapeDtypeStruct((B, S, C3), F32),
    )(G, cx.reshape(B, S, 1), cy.reshape(B, S, 1), cz.reshape(B, S, 1),
      w1, bgb1, w2, bgb2, w3, bgb3)


def _sa3fp3_body(cxc_ref, cyc_ref, czc_ref, l2_ref, w1_ref, b1_ref,
                 w2_ref, b2_ref, w3_ref, b3_ref, fwa_ref, fwb_ref, fb1_ref,
                 fw2_ref, fb2_ref, o_ref):
    l2 = l2_ref[0]
    cxc = cxc_ref[0]
    cyc = cyc_ref[0]
    czc = czc_ref[0]
    feat = jnp.concatenate([cxc, cyc, czc, l2,
                            jnp.zeros((l2.shape[0], 5), F32)], axis=1)
    h = _dot(feat, w1_ref[...]) + b1_ref[0:1]
    h = _bnrelu(h, b1_ref[...])
    h = _bnrelu(_dot(h, w2_ref[...]) + b2_ref[0:1], b2_ref[...])
    h = _bnrelu(_dot(h, w3_ref[...]) + b3_ref[0:1], b3_ref[...])
    v = jnp.max(h, axis=0, keepdims=True)
    f = _dot(l2, fwa_ref[...]) + _dot(v, fwb_ref[...]) + fb1_ref[0:1]
    f = _bnrelu(f, fb1_ref[...])
    f = _bnrelu(_dot(f, fw2_ref[...]) + fb2_ref[0:1], fb2_ref[...])
    o_ref[...] = f[None]


def _sa3fp3(c2x, c2y, c2z, l2, w1, b1, w2, b2, w3, b3, fwa, fwb, fb1,
            fw2, fb2):
    B, S = c2x.shape
    cxc = c2x.reshape(B, S, 1)
    cyc = c2y.reshape(B, S, 1)
    czc = c2z.reshape(B, S, 1)
    spec_s1 = pl.BlockSpec((1, S, 1), lambda b: (b, 0, 0))

    def wspec(a):
        return pl.BlockSpec(a.shape, lambda b, nd=a.ndim: (0,) * nd)

    args = [cxc, cyc, czc, l2, w1, b1, w2, b2, w3, b3, fwa, fwb, fb1,
            fw2, fb2]
    in_specs = [spec_s1, spec_s1, spec_s1,
                pl.BlockSpec((1, S, 256), lambda b: (b, 0, 0))]
    in_specs += [wspec(a) for a in args[4:]]
    return pl.pallas_call(
        _sa3fp3_body, grid=(B,), in_specs=in_specs,
        out_specs=pl.BlockSpec((1, S, 256), lambda b: (b, 0, 0)),
        out_shape=jax.ShapeDtypeStruct((B, S, 256), F32),
    )(*args)


def _fp_body(Nq, Nr, nmm, head, qxc_ref, qyc_ref, qzc_ref, rxr_ref, ryr_ref,
             rzr_ref, pts_ref, skipw_refs, o_ref):
    pts = pts_ref[0]
    qxc = qxc_ref[0]
    qyc = qyc_ref[0]
    qzc = qzc_ref[0]
    rxr = rxr_ref[0]
    ryr = ryr_ref[0]
    rzr = rzr_ref[0]
    c8 = jnp.concatenate([qxc, qyc, qzc, jnp.zeros((Nq, 5), F32)], axis=1)
    x8 = jnp.concatenate([rxr, ryr, rzr, jnp.zeros((5, Nr), F32)], axis=0)
    dot = _dot(c8, x8)
    q2 = qxc * qxc + qyc * qyc + qzc * qzc
    r2 = rxr * rxr + ryr * ryr + rzr * rzr
    d2 = q2 + r2 - 2.0 * dot

    iota = lax.broadcasted_iota(I32, (Nq, Nr), 1)
    d = d2
    idxs, ds = [], []
    for _ in range(3):
        m = jnp.min(d, axis=1, keepdims=True)
        i = jnp.min(jnp.where(d == m, iota, Nr), axis=1, keepdims=True)
        idxs.append(i)
        ds.append(m)
        d = jnp.where(iota == i, jnp.inf, d)
    rec = [1.0 / (dk + 1e-8) for dk in ds]
    tot = rec[0] + rec[1] + rec[2]
    M = jnp.zeros((Nq, Nr), F32)
    for j in range(3):
        M = M + jnp.where(iota == idxs[j], rec[j] / tot, 0.0)
    interp = _dot(M, pts, lax.Precision.HIGHEST)
    return interp


def _fp2_body(Nq, Nr, qxc_ref, qyc_ref, qzc_ref, rxr_ref, ryr_ref, rzr_ref,
              pts_ref, skip_ref, wa_ref, wb_ref, b1_ref, w2_ref, b2_ref,
              o_ref):
    interp = _fp_body(Nq, Nr, None, None, qxc_ref, qyc_ref, qzc_ref, rxr_ref,
                      ryr_ref, rzr_ref, pts_ref, None, None)
    h = _dot(skip_ref[0], wa_ref[...]) + _dot(interp, wb_ref[...]) + b1_ref[0:1]
    h = _bnrelu(h, b1_ref[...])
    h = _bnrelu(_dot(h, w2_ref[...]) + b2_ref[0:1], b2_ref[...])
    o_ref[...] = h[None]


def _fp1_body(Nq, Nr, qxc_ref, qyc_ref, qzc_ref, rxr_ref, ryr_ref, rzr_ref,
              pts_ref, wxyz_ref, wc_ref, b1_ref, w2_ref, b2_ref, w3_ref,
              b3_ref, wc1_ref, bc1_ref, wc2_ref, bc2_ref, o_ref):
    interp = _fp_body(Nq, Nr, None, None, qxc_ref, qyc_ref, qzc_ref, rxr_ref,
                      ryr_ref, rzr_ref, pts_ref, None, None)
    wxyz = wxyz_ref[...]
    qxc = qxc_ref[0]
    qyc = qyc_ref[0]
    qzc = qzc_ref[0]
    h = _dot(interp, wc_ref[...]) + b1_ref[0:1]
    h = h + qxc * wxyz[0:1] + qyc * wxyz[1:2] + qzc * wxyz[2:3]
    h = _bnrelu(h, b1_ref[...])
    h = _bnrelu(_dot(h, w2_ref[...]) + b2_ref[0:1], b2_ref[...])
    h = _bnrelu(_dot(h, w3_ref[...]) + b3_ref[0:1], b3_ref[...])
    h = _bnrelu(_dot(h, wc1_ref[...]) + bc1_ref[0:1], bc1_ref[...])
    h = _dot(h, wc2_ref[...]) + bc2_ref[...]
    o_ref[...] = h[None]


def _fp_call(body, qx, qy, qz, rx, ry, rz, pts, extra, Cout):
    B, Nq = qx.shape
    Nr = rx.shape[1]
    Cp = pts.shape[-1]
    qxc = qx.reshape(B, Nq, 1)
    qyc = qy.reshape(B, Nq, 1)
    qzc = qz.reshape(B, Nq, 1)
    rxr = rx.reshape(B, 1, Nr)
    ryr = ry.reshape(B, 1, Nr)
    rzr = rz.reshape(B, 1, Nr)
    spec_q = pl.BlockSpec((1, Nq, 1), lambda b: (b, 0, 0))
    spec_r = pl.BlockSpec((1, 1, Nr), lambda b: (b, 0, 0))
    in_specs = [spec_q, spec_q, spec_q, spec_r, spec_r, spec_r,
                pl.BlockSpec((1, Nr, Cp), lambda b: (b, 0, 0))]
    args = [qxc, qyc, qzc, rxr, ryr, rzr, pts]
    for a in extra:
        if a.ndim == 3:
            in_specs.append(pl.BlockSpec((1,) + a.shape[1:],
                                         lambda b: (b, 0, 0)))
        else:
            in_specs.append(pl.BlockSpec(a.shape, lambda b, nd=a.ndim: (0,) * nd))
        args.append(a)
    return pl.pallas_call(
        functools.partial(body, Nq, Nr), grid=(B,), in_specs=in_specs,
        out_specs=pl.BlockSpec((1, Nq, Cout), lambda b: (b, 0, 0)),
        out_shape=jax.ShapeDtypeStruct((B, Nq, Cout), F32),
    )(*args)


def kernel(xyz, params):
    B, N, _ = xyz.shape
    x = xyz[..., 0]
    y = xyz[..., 1]
    z = xyz[..., 2]

    sa1 = _prep(params['sa1'])
    sa2 = _prep(params['sa2'])
    sa3 = _prep(params['sa3'])
    fp3 = _prep(params['fp3'])
    fp2 = _prep(params['fp2'])
    fp1 = _prep(params['fp1'])
    Wc1, bc1, gc1, btc1 = params['conv1']
    cbgb1 = jnp.concatenate([bc1.reshape(1, -1), gc1.reshape(1, -1),
                             btc1.reshape(1, -1)], axis=0)
    Wc2, bc2 = params['conv2']

    c1x, c1y, c1z = _fps(x, y, z, 512)
    W1t, bgb11 = sa1[0]
    w11 = jnp.concatenate([W1t, jnp.zeros((2, W1t.shape[1]), F32)], 0)
    idx1 = _ballq(x, y, z, c1x, c1y, c1z, 0.2, 32)
    T1 = jnp.pad(jnp.stack([x, y, z], -1).reshape(B * N, 3),
                 ((0, 0), (0, 125)))
    G1 = _sc_gather(T1, idx1.reshape(-1))
    l1 = _gmlp(G1, c1x, c1y, c1z, 3, 32, 128, w11, bgb11,
               sa1[1][0], sa1[1][1], sa1[2][0], sa1[2][1])

    c2x, c2y, c2z = _fps(c1x, c1y, c1z, 128)
    W2t, bgb21 = sa2[0]
    w21 = jnp.concatenate([W2t, jnp.zeros((5, W2t.shape[1]), F32)], 0)
    idx2 = _ballq(c1x, c1y, c1z, c2x, c2y, c2z, 0.4, 64)
    T2 = jnp.pad(jnp.concatenate(
        [jnp.stack([c1x, c1y, c1z], -1), l1], -1).reshape(B * 512, 131),
        ((0, 0), (0, 125)))
    G2 = _sc_gather(T2, idx2.reshape(-1))
    l2 = _gmlp(G2, c2x, c2y, c2z, 128, 64, 64, w21, bgb21,
               sa2[1][0], sa2[1][1], sa2[2][0], sa2[2][1])

    W31t, bgb31 = sa3[0]
    w31 = jnp.concatenate([W31t, jnp.zeros((5, W31t.shape[1]), F32)], 0)
    Wf1t, fbgb1 = fp3[0]
    l2p = _sa3fp3(c2x, c2y, c2z, l2,
                  w31, bgb31,
                  sa3[1][0], sa3[1][1],
                  sa3[2][0], sa3[2][1],
                  Wf1t[:256], Wf1t[256:], fbgb1,
                  fp3[1][0], fp3[1][1])

    Wp1t, pbgb1 = fp2[0]
    l1q = _fp_call(_fp2_body, c1x, c1y, c1z, c2x, c2y, c2z, l2p,
                   [l1, Wp1t[:128], Wp1t[128:], pbgb1,
                    fp2[1][0], fp2[1][1]], 128)

    Wq1t, qbgb1 = fp1[0]
    wxyz1 = Wq1t[:3] + Wq1t[3:6]
    out = _fp_call(_fp1_body, x, y, z, c1x, c1y, c1z, l1q,
                   [wxyz1, Wq1t[6:], qbgb1,
                    fp1[1][0], fp1[1][1],
                    fp1[2][0], fp1[2][1],
                    Wc1.T, cbgb1,
                    Wc2.T, bc2.reshape(1, -1)], 128)
    return out

# --- scband reference (transcript-rebuilt; emitter-appended) ---
"""Pipeline reference for scband-point-net2-25005299598071 (READ-ONLY COPY).

The authoritative reference and input builder live on the scoring server;
editing this copy changes nothing except your own understanding.
"""

import jax, jax.numpy as jnp
import numpy as np

EPS_BN = 1e-5


def square_distance(src, dst):
    return (jnp.sum(src ** 2, -1)[:, :, None] + jnp.sum(dst ** 2, -1)[:, None, :]
            - 2.0 * jnp.einsum('bmc,bnc->bmn', src, dst))


def index_points(points, idx):
    B = points.shape[0]
    batch = jnp.arange(B).reshape((B,) + (1,) * (idx.ndim - 1))
    return points[batch, idx]


def farthest_point_sample(xyz, npoint):
    B, N, _ = xyz.shape

    def step(state, _):
        distance, farthest = state
        centroid = index_points(xyz, farthest[:, None])  # [B,1,3]
        dist = jnp.sum((xyz - centroid) ** 2, -1)
        distance = jnp.minimum(distance, dist)
        nxt = jnp.argmax(distance, -1).astype(jnp.int32)
        return (distance, nxt), farthest

    init = (jnp.full((B, N), 1e10, dtype=xyz.dtype), jnp.zeros((B,), dtype=jnp.int32))
    _, idxs = jax.lax.scan(step, init, None, length=npoint)
    return jnp.transpose(idxs)  # [B, npoint]


def query_ball_point(radius, nsample, xyz, new_xyz):
    B, N, _ = xyz.shape
    S = new_xyz.shape[1]
    sqrdists = square_distance(new_xyz, xyz)
    group_idx = jnp.broadcast_to(jnp.arange(N, dtype=jnp.int32), (B, S, N))
    group_idx = jnp.where(sqrdists > radius ** 2, N, group_idx)
    group_idx = jnp.sort(group_idx, axis=-1)[:, :, :nsample]
    group_first = group_idx[:, :, :1]
    return jnp.where(group_idx == N, group_first, group_idx)


def bn_relu_mlp(x, layers):
    # 1x1 conv + BatchNorm (eval mode: running_mean=0, running_var=1) + ReLU
    for W, b, g, bt in layers:
        x = x @ W.T + b
        x = x / jnp.sqrt(1.0 + EPS_BN) * g + bt
        x = jax.nn.relu(x)
    return x


def sa_layer(xyz, points, npoint, radius, nsample, layers, group_all):
    B = xyz.shape[0]
    if group_all:
        new_xyz = jnp.zeros((B, 1, 3), dtype=xyz.dtype)
        new_points = jnp.concatenate([xyz[:, None], points[:, None]], -1)
    else:
        fps_idx = farthest_point_sample(xyz, npoint)
        new_xyz = index_points(xyz, fps_idx)
        idx = query_ball_point(radius, nsample, xyz, new_xyz)
        grouped_xyz = index_points(xyz, idx) - new_xyz[:, :, None, :]
        new_points = jnp.concatenate([grouped_xyz, index_points(points, idx)], -1)
    x = bn_relu_mlp(new_points, layers)
    return new_xyz, jnp.max(x, axis=2)


def fp_layer(xyz1, xyz2, points1, points2, layers):
    B, N, _ = xyz1.shape
    S = xyz2.shape[1]
    if S == 1:
        interpolated = jnp.broadcast_to(points2, (B, N, points2.shape[-1]))
    else:
        dists = square_distance(xyz1, xyz2)
        idx = jnp.argsort(dists, axis=-1)[:, :, :3]
        d = jnp.take_along_axis(dists, idx, axis=-1)
        dist_recip = 1.0 / (d + 1e-8)
        weight = dist_recip / jnp.sum(dist_recip, axis=2, keepdims=True)
        interpolated = jnp.sum(index_points(points2, idx) * weight[..., None], axis=2)
    new_points = interpolated if points1 is None else jnp.concatenate([points1, interpolated], -1)
    return bn_relu_mlp(new_points, layers)


def pointnet2_forward(xyz, params):
    l0_xyz = xyz
    l0_points = xyz
    l1_xyz, l1_points = sa_layer(l0_xyz, l0_points, 512, 0.2, 32, params['sa1'], False)
    l2_xyz, l2_points = sa_layer(l1_xyz, l1_points, 128, 0.4, 64, params['sa2'], False)
    l3_xyz, l3_points = sa_layer(l2_xyz, l2_points, None, None, None, params['sa3'], True)
    l2_points = fp_layer(l2_xyz, l3_xyz, l2_points, l3_points, params['fp3'])
    l1_points = fp_layer(l1_xyz, l2_xyz, l1_points, l2_points, params['fp2'])
    l0_points = fp_layer(l0_xyz, l1_xyz, jnp.concatenate([l0_xyz, l0_points], -1), l1_points, params['fp1'])
    W, b, g, bt = params['conv1']
    feat = jax.nn.relu((l0_points @ W.T + b) / jnp.sqrt(1.0 + EPS_BN) * g + bt)
    # dropout is identity in eval mode
    W2, b2 = params['conv2']
    return feat @ W2.T + b2  # [B, N, feature_dim]


def _make_mlp(key, in_c, channels):
    layers = []
    for c in channels:
        key, k1 = jax.random.split(key)
        W = jax.random.normal(k1, (c, in_c), dtype=jnp.float32) * (1.0 / np.sqrt(in_c))
        layers.append((W, jnp.zeros((c,), jnp.float32), jnp.ones((c,), jnp.float32), jnp.zeros((c,), jnp.float32)))
        in_c = c
    return key, layers


def setup_inputs(seed: int = 0):
    key = jax.random.key(seed)
    key, kx = jax.random.split(key)
    xyz = jax.random.uniform(kx, (16, 2048, 3), dtype=jnp.float32)
    params = {}
    key, params['sa1'] = _make_mlp(key, 6, [64, 64, 128])
    key, params['sa2'] = _make_mlp(key, 131, [128, 128, 256])
    key, params['sa3'] = _make_mlp(key, 259, [256, 512, 1024])
    key, params['fp3'] = _make_mlp(key, 1280, [256, 256])
    key, params['fp2'] = _make_mlp(key, 384, [256, 128])
    key, params['fp1'] = _make_mlp(key, 134, [128, 128, 128])
    key, k1 = jax.random.split(key)
    Wc1 = jax.random.normal(k1, (128, 128), jnp.float32) * (1.0 / np.sqrt(128))
    params['conv1'] = (Wc1, jnp.zeros((128,), jnp.float32), jnp.ones((128,), jnp.float32), jnp.zeros((128,), jnp.float32))
    key, k2 = jax.random.split(key)
    Wc2 = jax.random.normal(k2, (128, 128), jnp.float32) * (1.0 / np.sqrt(128))
    params['conv2'] = (Wc2, jnp.zeros((128,), jnp.float32))
    return {'xyz': xyz, 'params': params}


def reference(xyz, params):
    return pointnet2_forward(xyz, params)

if __name__ == "__main__":
    import jax
    _d = setup_inputs()
    print(jax.jit(kernel)(*tuple(_d.values())))

</pallas_src>

<mosaic_0001>
#map = affine_map<(d0, d1) -> (0, 0)>
#map1 = affine_map<(d0, d1) -> (0)>
module attributes {stable_mosaic.version = 14 : i64} {
  func.func @k(%arg0: i32, %arg1: i32, %arg2: memref<8192x256xf32, #tpu.memory_space<hbm>>, %arg3: memref<131072xi32, #tpu.memory_space<hbm>>, %arg4: memref<131072x256xf32, #tpu.memory_space<hbm>>, %arg5: memref<128xi32, #tpu.memory_space<vmem>>, %arg6: memref<128x256xf32, #tpu.memory_space<vmem>>, %arg7: memref<!tpu.dma_semaphore, #tpu.memory_space<semaphore_mem>>) attributes {dimension_semantics = [#tpu.dimension_semantics<core_parallel>, #tpu.dimension_semantics<subcore_parallel>], iteration_bounds = array<i64: 2, 16>, scalar_prefetch = 0 : i64, scratch_operands = 3 : i64, tpu.core_type = #tpu.core_type<sc_vector_subcore>, window_params = [{transform_indices = #map}, {transform_indices = #map1}, {transform_indices = #map}]} {
    %mul3A = arith.constant 2 : i32
    %mul3A_0 = arith.muli %arg1, %mul3A : i32
    %add3A = arith.addi %mul3A_0, %arg0 : i32
    %mul3A_1 = arith.constant 4096 : i32
    %mul3A_2 = arith.muli %add3A, %mul3A_1 : i32
    %scan3A = arith.constant 0 : i32
    %scan3A_3 = arith.constant 0 : i32
    %scan3A_4 = arith.constant 32 : i32
    %scan3A_5 = arith.addi %scan3A_3, %scan3A_4 : i32
    %scan3A_6 = arith.constant 1 : i32
    scf.for %scan3A_8 = %scan3A_3 to %scan3A_5 step %scan3A_6  : i32 {
      %mul3A_9 = arith.constant 128 : i32
      %mul3A_10 = arith.muli %scan3A_8, %mul3A_9 : i32
      %add3A_11 = arith.addi %mul3A_2, %mul3A_10 : i32
      "tpu.region"() ({
        %run_scoped3A = tpu.sem_alloc : memref<!tpu.dma_semaphore, #tpu.memory_space<semaphore_mem>>
        %dma_start3A_16 = tpu.memref_slice %arg3[%add3A_11] : memref<131072xi32, #tpu.memory_space<hbm>> -> memref<128xi32, #tpu.memory_space<hbm>>
        %dma_start3A_17 = tpu.memref_slice %arg3[%add3A_11] : memref<131072xi32, #tpu.memory_space<hbm>> -> memref<128xi32, #tpu.memory_space<hbm>>
        tpu.enqueue_dma source(%dma_start3A_17 : memref<128xi32, #tpu.memory_space<hbm>>) target(%arg5 : memref<128xi32, #tpu.memory_space<vmem>>) target_semaphore(%run_scoped3A : memref<!tpu.dma_semaphore, #tpu.memory_space<semaphore_mem>>)
        %dma_wait3A_18 = tpu.memref_slice %arg3[%add3A_11] : memref<131072xi32, #tpu.memory_space<hbm>> -> memref<128xi32, #tpu.memory_space<hbm>>
        %dma_wait3A_19 = tpu.memref_slice %arg3[%add3A_11] : memref<131072xi32, #tpu.memory_space<hbm>> -> memref<128xi32, #tpu.memory_space<hbm>>
        tpu.wait_dma2 semaphore(%run_scoped3A : memref<!tpu.dma_semaphore, #tpu.memory_space<semaphore_mem>>) src(%dma_wait3A_19 : memref<128xi32, #tpu.memory_space<hbm>>) dst(%arg5 : memref<128xi32, #tpu.memory_space<vmem>>)
        tpu.yield
      }) : () -> ()
      %dma_start3A = arith.constant 0 : i32
      %dma_start3A_12 = arith.constant 0 : i32
      %dma_start3A_13 = tpu.memref_slice %arg2[%dma_start3A, %dma_start3A_12] : memref<8192x256xf32, #tpu.memory_space<hbm>> -> memref<8192x256xf32, #tpu.memory_space<hbm>>
      tpu.enqueue_indirect_dma source(%dma_start3A_13 : memref<8192x256xf32, #tpu.memory_space<hbm>>) target(%arg6 : memref<128x256xf32, #tpu.memory_space<vmem>>) offsets(%arg5 : memref<128xi32, #tpu.memory_space<vmem>>) semaphore(%arg7 : memref<!tpu.dma_semaphore, #tpu.memory_space<semaphore_mem>>)
      %dma_wait3A = arith.constant 0 : i32
      %dma_wait3A_14 = arith.constant 0 : i32
      %dma_wait3A_15 = tpu.memref_slice %arg2[%dma_wait3A, %dma_wait3A_14] : memref<8192x256xf32, #tpu.memory_space<hbm>> -> memref<8192x256xf32, #tpu.memory_space<hbm>>
      tpu.wait_indirect_dma semaphore(%arg7 : memref<!tpu.dma_semaphore, #tpu.memory_space<semaphore_mem>>) src(%dma_wait3A_15 : memref<8192x256xf32, #tpu.memory_space<hbm>>) dst(%arg6 : memref<128x256xf32, #tpu.memory_space<vmem>>)
      "tpu.region"() ({
        %run_scoped3A = tpu.sem_alloc : memref<!tpu.dma_semaphore, #tpu.memory_space<semaphore_mem>>
        %dma_start3A_16 = arith.constant 0 : i32
        %dma_start3A_17 = tpu.memref_slice %arg4[%add3A_11, %dma_start3A_16] : memref<131072x256xf32, #tpu.memory_space<hbm>> -> memref<128x256xf32, #tpu.memory_space<hbm>>
        %dma_start3A_18 = arith.constant 0 : i32
        %dma_start3A_19 = tpu.memref_slice %arg4[%add3A_11, %dma_start3A_18] : memref<131072x256xf32, #tpu.memory_space<hbm>> -> memref<128x256xf32, #tpu.memory_space<hbm>>
        tpu.enqueue_dma source(%arg6 : memref<128x256xf32, #tpu.memory_space<vmem>>) target(%dma_start3A_19 : memref<128x256xf32, #tpu.memory_space<hbm>>) target_semaphore(%run_scoped3A : memref<!tpu.dma_semaphore, #tpu.memory_space<semaphore_mem>>)
        %dma_wait3A_20 = arith.constant 0 : i32
        %dma_wait3A_21 = tpu.memref_slice %arg4[%add3A_11, %dma_wait3A_20] : memref<131072x256xf32, #tpu.memory_space<hbm>> -> memref<128x256xf32, #tpu.memory_space<hbm>>
        %dma_wait3A_22 = arith.constant 0 : i32
        %dma_wait3A_23 = tpu.memref_slice %arg4[%add3A_11, %dma_wait3A_22] : memref<131072x256xf32, #tpu.memory_space<hbm>> -> memref<128x256xf32, #tpu.memory_space<hbm>>
        tpu.wait_dma2 semaphore(%run_scoped3A : memref<!tpu.dma_semaphore, #tpu.memory_space<semaphore_mem>>) src(%arg6 : memref<128x256xf32, #tpu.memory_space<vmem>>) dst(%dma_wait3A_23 : memref<128x256xf32, #tpu.memory_space<hbm>>)
        tpu.yield
      }) : () -> ()
    }
    %scan3A_7 = arith.constant 32 : i32
    return
  }
}

#map = affine_map<(d0, d1) -> (0, 0)>
#map1 = affine_map<(d0, d1) -> (0)>
module attributes {stable_mosaic.version = 14 : i64} {
  func.func @k(%arg0: i32, %arg1: i32, %arg2: memref<32768x128xf32, #tpu.memory_space<hbm>>, %arg3: memref<262144xi32, #tpu.memory_space<hbm>>, %arg4: memref<262144x128xf32, #tpu.memory_space<hbm>>, %arg5: memref<128xi32, #tpu.memory_space<vmem>>, %arg6: memref<128x128xf32, #tpu.memory_space<vmem>>, %arg7: memref<!tpu.dma_semaphore, #tpu.memory_space<semaphore_mem>>) attributes {dimension_semantics = [#tpu.dimension_semantics<core_parallel>, #tpu.dimension_semantics<subcore_parallel>], iteration_bounds = array<i64: 2, 16>, scalar_prefetch = 0 : i64, scratch_operands = 3 : i64, tpu.core_type = #tpu.core_type<sc_vector_subcore>, window_params = [{transform_indices = #map}, {transform_indices = #map1}, {transform_indices = #map}]} {
    %mul3A = arith.constant 2 : i32
    %mul3A_0 = arith.muli %arg1, %mul3A : i32
    %add3A = arith.addi %mul3A_0, %arg0 : i32
    %mul3A_1 = arith.constant 8192 : i32
    %mul3A_2 = arith.muli %add3A, %mul3A_1 : i32
    %scan3A = arith.constant 0 : i32
    %scan3A_3 = arith.constant 0 : i32
    %scan3A_4 = arith.constant 64 : i32
    %scan3A_5 = arith.addi %scan3A_3, %scan3A_4 : i32
    %scan3A_6 = arith.constant 1 : i32
    scf.for %scan3A_8 = %scan3A_3 to %scan3A_5 step %scan3A_6  : i32 {
      %mul3A_9 = arith.constant 128 : i32
      %mul3A_10 = arith.muli %scan3A_8, %mul3A_9 : i32
      %add3A_11 = arith.addi %mul3A_2, %mul3A_10 : i32
      "tpu.region"() ({
        %run_scoped3A = tpu.sem_alloc : memref<!tpu.dma_semaphore, #tpu.memory_space<semaphore_mem>>
        %dma_start3A_16 = tpu.memref_slice %arg3[%add3A_11] : memref<262144xi32, #tpu.memory_space<hbm>> -> memref<128xi32, #tpu.memory_space<hbm>>
        %dma_start3A_17 = tpu.memref_slice %arg3[%add3A_11] : memref<262144xi32, #tpu.memory_space<hbm>> -> memref<128xi32, #tpu.memory_space<hbm>>
        tpu.enqueue_dma source(%dma_start3A_17 : memref<128xi32, #tpu.memory_space<hbm>>) target(%arg5 : memref<128xi32, #tpu.memory_space<vmem>>) target_semaphore(%run_scoped3A : memref<!tpu.dma_semaphore, #tpu.memory_space<semaphore_mem>>)
        %dma_wait3A_18 = tpu.memref_slice %arg3[%add3A_11] : memref<262144xi32, #tpu.memory_space<hbm>> -> memref<128xi32, #tpu.memory_space<hbm>>
        %dma_wait3A_19 = tpu.memref_slice %arg3[%add3A_11] : memref<262144xi32, #tpu.memory_space<hbm>> -> memref<128xi32, #tpu.memory_space<hbm>>
        tpu.wait_dma2 semaphore(%run_scoped3A : memref<!tpu.dma_semaphore, #tpu.memory_space<semaphore_mem>>) src(%dma_wait3A_19 : memref<128xi32, #tpu.memory_space<hbm>>) dst(%arg5 : memref<128xi32, #tpu.memory_space<vmem>>)
        tpu.yield
      }) : () -> ()
      %dma_start3A = arith.constant 0 : i32
      %dma_start3A_12 = arith.constant 0 : i32
      %dma_start3A_13 = tpu.memref_slice %arg2[%dma_start3A, %dma_start3A_12] : memref<32768x128xf32, #tpu.memory_space<hbm>> -> memref<32768x128xf32, #tpu.memory_space<hbm>>
      tpu.enqueue_indirect_dma source(%dma_start3A_13 : memref<32768x128xf32, #tpu.memory_space<hbm>>) target(%arg6 : memref<128x128xf32, #tpu.memory_space<vmem>>) offsets(%arg5 : memref<128xi32, #tpu.memory_space<vmem>>) semaphore(%arg7 : memref<!tpu.dma_semaphore, #tpu.memory_space<semaphore_mem>>)
      %dma_wait3A = arith.constant 0 : i32
      %dma_wait3A_14 = arith.constant 0 : i32
      %dma_wait3A_15 = tpu.memref_slice %arg2[%dma_wait3A, %dma_wait3A_14] : memref<32768x128xf32, #tpu.memory_space<hbm>> -> memref<32768x128xf32, #tpu.memory_space<hbm>>
      tpu.wait_indirect_dma semaphore(%arg7 : memref<!tpu.dma_semaphore, #tpu.memory_space<semaphore_mem>>) src(%dma_wait3A_15 : memref<32768x128xf32, #tpu.memory_space<hbm>>) dst(%arg6 : memref<128x128xf32, #tpu.memory_space<vmem>>)
      "tpu.region"() ({
        %run_scoped3A = tpu.sem_alloc : memref<!tpu.dma_semaphore, #tpu.memory_space<semaphore_mem>>
        %dma_start3A_16 = arith.constant 0 : i32
        %dma_start3A_17 = tpu.memref_slice %arg4[%add3A_11, %dma_start3A_16] : memref<262144x128xf32, #tpu.memory_space<hbm>> -> memref<128x128xf32, #tpu.memory_space<hbm>>
        %dma_start3A_18 = arith.constant 0 : i32
        %dma_start3A_19 = tpu.memref_slice %arg4[%add3A_11, %dma_start3A_18] : memref<262144x128xf32, #tpu.memory_space<hbm>> -> memref<128x128xf32, #tpu.memory_space<hbm>>
        tpu.enqueue_dma source(%arg6 : memref<128x128xf32, #tpu.memory_space<vmem>>) target(%dma_start3A_19 : memref<128x128xf32, #tpu.memory_space<hbm>>) target_semaphore(%run_scoped3A : memref<!tpu.dma_semaphore, #tpu.memory_space<semaphore_mem>>)
        %dma_wait3A_20 = arith.constant 0 : i32
        %dma_wait3A_21 = tpu.memref_slice %arg4[%add3A_11, %dma_wait3A_20] : memref<262144x128xf32, #tpu.memory_space<hbm>> -> memref<128x128xf32, #tpu.memory_space<hbm>>
        %dma_wait3A_22 = arith.constant 0 : i32
        %dma_wait3A_23 = tpu.memref_slice %arg4[%add3A_11, %dma_wait3A_22] : memref<262144x128xf32, #tpu.memory_space<hbm>> -> memref<128x128xf32, #tpu.memory_space<hbm>>
        tpu.wait_dma2 semaphore(%run_scoped3A : memref<!tpu.dma_semaphore, #tpu.memory_space<semaphore_mem>>) src(%arg6 : memref<128x128xf32, #tpu.memory_space<vmem>>) dst(%dma_wait3A_23 : memref<128x128xf32, #tpu.memory_space<hbm>>)
        tpu.yield
      }) : () -> ()
    }
    %scan3A_7 = arith.constant 64 : i32
    return
  }
}

module attributes {stable_mosaic.version = 14 : i64} {
  func.func @_fps_body(%arg0: memref<16x2048xf32, #tpu.memory_space<vmem>>, %arg1: memref<16x2048xf32, #tpu.memory_space<vmem>>, %arg2: memref<16x2048xf32, #tpu.memory_space<vmem>>, %arg3: memref<16x512xf32, #tpu.memory_space<vmem>>, %arg4: memref<16x512xf32, #tpu.memory_space<vmem>>, %arg5: memref<16x512xf32, #tpu.memory_space<vmem>>) attributes {dimension_semantics = [], scalar_prefetch = 0 : i64, scratch_operands = 0 : i64, tpu.core_type = #tpu.core_type<tc>} {
    %get3A = arith.constant 0 : index
    %get3A_0 = arith.constant 0 : index
    %get3A_1 = vector.load %arg0[%get3A, %get3A_0] : memref<16x2048xf32, #tpu.memory_space<vmem>>, vector<16x2048xf32>
    %get3A_2 = arith.constant 0 : index
    %get3A_3 = arith.constant 0 : index
    %get3A_4 = vector.load %arg1[%get3A_2, %get3A_3] : memref<16x2048xf32, #tpu.memory_space<vmem>>, vector<16x2048xf32>
    %get3A_5 = arith.constant 0 : index
    %get3A_6 = arith.constant 0 : index
    %get3A_7 = vector.load %arg2[%get3A_5, %get3A_6] : memref<16x2048xf32, #tpu.memory_space<vmem>>, vector<16x2048xf32>
    %iota3A = tpu.iota {dimensions = array<i32: 1>} : vector<16x2048xi32>
    %iota3A_8 = tpu.iota {dimensions = array<i32: 1>} : vector<16x512xi32>
    %broadcast_in_dim3A = arith.constant 1.000000e+10 : f32
    %broadcast_in_dim3A_9 = vector.broadcast %broadcast_in_dim3A : f32 to vector<16x2048xf32>
    %broadcast_in_dim3A_10 = arith.constant 0 : i32
    %broadcast_in_dim3A_11 = vector.broadcast %broadcast_in_dim3A_10 : i32 to vector<16x1xi32>
    %broadcast_in_dim3A_12 = arith.constant 0.000000e+00 : f32
    %broadcast_in_dim3A_13 = vector.broadcast %broadcast_in_dim3A_12 : f32 to vector<16x512xf32>
    %broadcast_in_dim3A_14 = arith.constant 0.000000e+00 : f32
    %broadcast_in_dim3A_15 = vector.broadcast %broadcast_in_dim3A_14 : f32 to vector<16x512xf32>
    %broadcast_in_dim3A_16 = arith.constant 0.000000e+00 : f32
    %broadcast_in_dim3A_17 = vector.broadcast %broadcast_in_dim3A_16 : f32 to vector<16x512xf32>
    %scan3A = arith.constant 0 : i32
    %scan3A_18 = arith.constant 512 : i32
    %scan3A_19 = arith.addi %scan3A, %scan3A_18 : i32
    %scan3A_20 = arith.constant 1 : i32
    %scan3A_21:5 = scf.for %scan3A_31 = %scan3A to %scan3A_19 step %scan3A_20 iter_args(%scan3A_32 = %broadcast_in_dim3A_9, %scan3A_33 = %broadcast_in_dim3A_11, %scan3A_34 = %broadcast_in_dim3A_13, %scan3A_35 = %broadcast_in_dim3A_15, %scan3A_36 = %broadcast_in_dim3A_17) -> (vector<16x2048xf32>, vector<16x1xi32>, vector<16x512xf32>, vector<16x512xf32>, vector<16x512xf32>)  : i32 {
      %eq3A = vector.broadcast %scan3A_33 : vector<16x1xi32> to vector<16x2048xi32>
      %eq3A_37 = arith.cmpi eq, %iota3A, %eq3A : vector<16x2048xi32>
      %jit3A = arith.constant 0.000000e+00 : f32
      %broadcast_in_dim3A_38 = vector.broadcast %jit3A : f32 to vector<16x2048xf32>
      %select_n3A = arith.select %eq3A_37, %get3A_1, %broadcast_in_dim3A_38 : vector<16x2048xi1>, vector<16x2048xf32>
      %reduce_sum3A = arith.constant dense<0.000000e+00> : vector<16xf32>
      %reduce_sum3A_39 = vector.multi_reduction <add>, %select_n3A, %reduce_sum3A [1] : vector<16x2048xf32> to vector<16xf32>
      %broadcast_in_dim3A_40 = vector.shape_cast %reduce_sum3A_39 : vector<16xf32> to vector<16x1xf32>
      %jit3A_41 = arith.constant 0.000000e+00 : f32
      %broadcast_in_dim3A_42 = vector.broadcast %jit3A_41 : f32 to vector<16x2048xf32>
      %select_n3A_43 = arith.select %eq3A_37, %get3A_4, %broadcast_in_dim3A_42 : vector<16x2048xi1>, vector<16x2048xf32>
      %reduce_sum3A_44 = arith.constant dense<0.000000e+00> : vector<16xf32>
      %reduce_sum3A_45 = vector.multi_reduction <add>, %select_n3A_43, %reduce_sum3A_44 [1] : vector<16x2048xf32> to vector<16xf32>
      %broadcast_in_dim3A_46 = vector.shape_cast %reduce_sum3A_45 : vector<16xf32> to vector<16x1xf32>
      %jit3A_47 = arith.constant 0.000000e+00 : f32
      %broadcast_in_dim3A_48 = vector.broadcast %jit3A_47 : f32 to vector<16x2048xf32>
      %select_n3A_49 = arith.select %eq3A_37, %get3A_7, %broadcast_in_dim3A_48 : vector<16x2048xi1>, vector<16x2048xf32>
      %reduce_sum3A_50 = arith.constant dense<0.000000e+00> : vector<16xf32>
      %reduce_sum3A_51 = vector.multi_reduction <add>, %select_n3A_49, %reduce_sum3A_50 [1] : vector<16x2048xf32> to vector<16xf32>
      %broadcast_in_dim3A_52 = vector.shape_cast %reduce_sum3A_51 : vector<16xf32> to vector<16x1xf32>
      %eq3A_53 = vector.broadcast %scan3A_31 : i32 to vector<16x512xi32>
      %eq3A_54 = arith.cmpi eq, %iota3A_8, %eq3A_53 : vector<16x512xi32>
      %broadcast_in_dim3A_55 = vector.shape_cast %broadcast_in_dim3A_40 : vector<16x1xf32> to vector<16x1xf32>
      %broadcast_in_dim3A_56 = vector.broadcast %broadcast_in_dim3A_55 : vector<16x1xf32> to vector<16x512xf32>
      %select_n3A_57 = arith.select %eq3A_54, %broadcast_in_dim3A_56, %scan3A_34 : vector<16x512xi1>, vector<16x512xf32>
      %eq3A_58 = vector.broadcast %scan3A_31 : i32 to vector<16x512xi32>
      %eq3A_59 = arith.cmpi eq, %iota3A_8, %eq3A_58 : vector<16x512xi32>
      %broadcast_in_dim3A_60 = vector.shape_cast %broadcast_in_dim3A_46 : vector<16x1xf32> to vector<16x1xf32>
      %broadcast_in_dim3A_61 = vector.broadcast %broadcast_in_dim3A_60 : vector<16x1xf32> to vector<16x512xf32>
      %select_n3A_62 = arith.select %eq3A_59, %broadcast_in_dim3A_61, %scan3A_35 : vector<16x512xi1>, vector<16x512xf32>
      %eq3A_63 = vector.broadcast %scan3A_31 : i32 to vector<16x512xi32>
      %eq3A_64 = arith.cmpi eq, %iota3A_8, %eq3A_63 : vector<16x512xi32>
      %broadcast_in_dim3A_65 = vector.shape_cast %broadcast_in_dim3A_52 : vector<16x1xf32> to vector<16x1xf32>
      %broadcast_in_dim3A_66 = vector.broadcast %broadcast_in_dim3A_65 : vector<16x1xf32> to vector<16x512xf32>
      %select_n3A_67 = arith.select %eq3A_64, %broadcast_in_dim3A_66, %scan3A_36 : vector<16x512xi1>, vector<16x512xf32>
      %sub3A = vector.broadcast %broadcast_in_dim3A_40 : vector<16x1xf32> to vector<16x2048xf32>
      %sub3A_68 = arith.subf %get3A_1, %sub3A : vector<16x2048xf32>
      %sub3A_69 = vector.broadcast %broadcast_in_dim3A_46 : vector<16x1xf32> to vector<16x2048xf32>
      %sub3A_70 = arith.subf %get3A_4, %sub3A_69 : vector<16x2048xf32>
      %sub3A_71 = vector.broadcast %broadcast_in_dim3A_52 : vector<16x1xf32> to vector<16x2048xf32>
      %sub3A_72 = arith.subf %get3A_7, %sub3A_71 : vector<16x2048xf32>
      %mul3A = arith.mulf %sub3A_68, %sub3A_68 : vector<16x2048xf32>
      %mul3A_73 = arith.mulf %sub3A_70, %sub3A_70 : vector<16x2048xf32>
      %add3A = arith.addf %mul3A, %mul3A_73 : vector<16x2048xf32>
      %mul3A_74 = arith.mulf %sub3A_72, %sub3A_72 : vector<16x2048xf32>
      %add3A_75 = arith.addf %add3A, %mul3A_74 : vector<16x2048xf32>
      %min3A = arith.minimumf %scan3A_32, %add3A_75 : vector<16x2048xf32>
      %reduce_max3A = arith.constant dense<0xFF800000> : vector<16xf32>
      %reduce_max3A_76 = vector.multi_reduction <maximumf>, %min3A, %reduce_max3A [1] : vector<16x2048xf32> to vector<16xf32>
      %broadcast_in_dim3A_77 = vector.shape_cast %reduce_max3A_76 : vector<16xf32> to vector<16x1xf32>
      %eq3A_78 = vector.broadcast %broadcast_in_dim3A_77 : vector<16x1xf32> to vector<16x2048xf32>
      %eq3A_79 = arith.cmpf oeq, %min3A, %eq3A_78 : vector<16x2048xf32>
      %jit3A_80 = arith.constant 2048 : i32
      %broadcast_in_dim3A_81 = vector.broadcast %jit3A_80 : i32 to vector<16x2048xi32>
      %select_n3A_82 = arith.select %eq3A_79, %iota3A, %broadcast_in_dim3A_81 : vector<16x2048xi1>, vector<16x2048xi32>
      %reduce_min3A = arith.constant dense<2147483647> : vector<16xi32>
      %reduce_min3A_83 = vector.multi_reduction <minsi>, %select_n3A_82, %reduce_min3A [1] : vector<16x2048xi32> to vector<16xi32>
      %broadcast_in_dim3A_84 = vector.shape_cast %reduce_min3A_83 : vector<16xi32> to vector<16x1xi32>
      scf.yield %min3A, %broadcast_in_dim3A_84, %select_n3A_57, %select_n3A_62, %select_n3A_67 : vector<16x2048xf32>, vector<16x1xi32>, vector<16x512xf32>, vector<16x512xf32>, vector<16x512xf32>
    }
    %scan3A_22 = arith.constant 512 : i32
    %swap3A = arith.constant 0 : index
    %swap3A_23 = arith.constant 0 : index
    %swap3A_24 = vector.load %arg3[%swap3A, %swap3A_23] : memref<16x512xf32, #tpu.memory_space<vmem>>, vector<16x512xf32>
    tpu.vector_store %arg3[%swap3A, %swap3A_23], %scan3A_21#2 {strides = array<i32>} : memref<16x512xf32, #tpu.memory_space<vmem>>, vector<16x512xf32>,
    %swap3A_25 = arith.constant 0 : index
    %swap3A_26 = arith.constant 0 : index
    %swap3A_27 = vector.load %arg4[%swap3A_25, %swap3A_26] : memref<16x512xf32, #tpu.memory_space<vmem>>, vector<16x512xf32>
    tpu.vector_store %arg4[%swap3A_25, %swap3A_26], %scan3A_21#3 {strides = array<i32>} : memref<16x512xf32, #tpu.memory_space<vmem>>, vector<16x512xf32>,
    %swap3A_28 = arith.constant 0 : index
    %swap3A_29 = arith.constant 0 : index
    %swap3A_30 = vector.load %arg5[%swap3A_28, %swap3A_29] : memref<16x512xf32, #tpu.memory_space<vmem>>, vector<16x512xf32>
    tpu.vector_store %arg5[%swap3A_28, %swap3A_29], %scan3A_21#4 {strides = array<i32>} : memref<16x512xf32, #tpu.memory_space<vmem>>, vector<16x512xf32>,
    return
  }
}

module attributes {stable_mosaic.version = 14 : i64} {
  func.func @_ballq_body(%arg0: i32, %arg1: memref<1x1x2048xf32, #tpu.memory_space<vmem>>, %arg2: memref<1x1x2048xf32, #tpu.memory_space<vmem>>, %arg3: memref<1x1x2048xf32, #tpu.memory_space<vmem>>, %arg4: memref<1x512x1xf32, #tpu.memory_space<vmem>>, %arg5: memref<1x512x1xf32, #tpu.memory_space<vmem>>, %arg6: memref<1x512x1xf32, #tpu.memory_space<vmem>>, %arg7: memref<1x512x32xi32, #tpu.memory_space<vmem>>) attributes {dimension_semantics = [#tpu.dimension_semantics<arbitrary>], iteration_bounds = array<i64: 16>, scalar_prefetch = 0 : i64, scratch_operands = 0 : i64, tpu.core_type = #tpu.core_type<tc>, window_params = [{transform_indices = @transform_0, window_bounds = array<i64: 1, 1, 2048>}, {transform_indices = @transform_1, window_bounds = array<i64: 1, 1, 2048>}, {transform_indices = @transform_2, window_bounds = array<i64: 1, 1, 2048>}, {transform_indices = @transform_3, window_bounds = array<i64: 1, 512, 1>}, {transform_indices = @transform_4, window_bounds = array<i64: 1, 512, 1>}, {transform_indices = @transform_5, window_bounds = array<i64: 1, 512, 1>}, {transform_indices = @transform_6, window_bounds = array<i64: 1, 512, 32>}]} {
    %get3A = arith.constant 0 : index
    %get3A_0 = arith.constant 0 : index
    %get3A_1 = arith.constant 0 : index
    %get3A_2 = vector.load %arg1[%get3A, %get3A_0, %get3A_1] : memref<1x1x2048xf32, #tpu.memory_space<vmem>>, vector<1x1x2048xf32>
    %get3A_3 = vector.shape_cast %get3A_2 : vector<1x1x2048xf32> to vector<1x2048xf32>
    %get3A_4 = arith.constant 0 : index
    %get3A_5 = arith.constant 0 : index
    %get3A_6 = arith.constant 0 : index
    %get3A_7 = vector.load %arg2[%get3A_4, %get3A_5, %get3A_6] : memref<1x1x2048xf32, #tpu.memory_space<vmem>>, vector<1x1x2048xf32>
    %get3A_8 = vector.shape_cast %get3A_7 : vector<1x1x2048xf32> to vector<1x2048xf32>
    %get3A_9 = arith.constant 0 : index
    %get3A_10 = arith.constant 0 : index
    %get3A_11 = arith.constant 0 : index
    %get3A_12 = vector.load %arg3[%get3A_9, %get3A_10, %get3A_11] : memref<1x1x2048xf32, #tpu.memory_space<vmem>>, vector<1x1x2048xf32>
    %get3A_13 = vector.shape_cast %get3A_12 : vector<1x1x2048xf32> to vector<1x2048xf32>
    %get3A_14 = arith.constant 0 : index
    %get3A_15 = arith.constant 0 : index
    %get3A_16 = arith.constant 0 : index
    %get3A_17 = vector.load %arg4[%get3A_14, %get3A_15, %get3A_16] : memref<1x512x1xf32, #tpu.memory_space<vmem>>, vector<1x512x1xf32>
    %get3A_18 = vector.shape_cast %get3A_17 : vector<1x512x1xf32> to vector<512x1xf32>
    %get3A_19 = arith.constant 0 : index
    %get3A_20 = arith.constant 0 : index
    %get3A_21 = arith.constant 0 : index
    %get3A_22 = vector.load %arg5[%get3A_19, %get3A_20, %get3A_21] : memref<1x512x1xf32, #tpu.memory_space<vmem>>, vector<1x512x1xf32>
    %get3A_23 = vector.shape_cast %get3A_22 : vector<1x512x1xf32> to vector<512x1xf32>
    %get3A_24 = arith.constant 0 : index
    %get3A_25 = arith.constant 0 : index
    %get3A_26 = arith.constant 0 : index
    %get3A_27 = vector.load %arg6[%get3A_24, %get3A_25, %get3A_26] : memref<1x512x1xf32, #tpu.memory_space<vmem>>, vector<1x512x1xf32>
    %get3A_28 = vector.shape_cast %get3A_27 : vector<1x512x1xf32> to vector<512x1xf32>
    %broadcast_in_dim3A = arith.constant 0.000000e+00 : f32
    %broadcast_in_dim3A_29 = vector.broadcast %broadcast_in_dim3A : f32 to vector<512x5xf32>
    %concatenate3A = tpu.concatenate %get3A_18, %get3A_23, %get3A_28, %broadcast_in_dim3A_29 in 1 : vector<512x1xf32>, vector<512x1xf32>, vector<512x1xf32>, vector<512x5xf32> -> vector<512x8xf32>
    %broadcast_in_dim3A_30 = arith.constant 0.000000e+00 : f32
    %broadcast_in_dim3A_31 = vector.broadcast %broadcast_in_dim3A_30 : f32 to vector<5x2048xf32>
    %concatenate3A_32 = tpu.concatenate %get3A_3, %get3A_8, %get3A_13, %broadcast_in_dim3A_31 in 0 : vector<1x2048xf32>, vector<1x2048xf32>, vector<1x2048xf32>, vector<5x2048xf32> -> vector<8x2048xf32>
    %dot_general3A = arith.constant dense<0.000000e+00> : vector<512x2048xf32>
    %dot_general3A_33 = tpu.matmul %concatenate3A, %concatenate3A_32, %dot_general3A {dimension_numbers = #tpu.dot_dimension_numbers<[1], [0], [0], [1], [0, 0, 1, 1], [], []>, transpose_lhs_hint = false} : vector<512x8xf32>, vector<8x2048xf32>, vector<512x2048xf32> -> vector<512x2048xf32>
    %mul3A = arith.mulf %get3A_18, %get3A_18 : vector<512x1xf32>
    %mul3A_34 = arith.mulf %get3A_23, %get3A_23 : vector<512x1xf32>
    %add3A = arith.addf %mul3A, %mul3A_34 : vector<512x1xf32>
    %mul3A_35 = arith.mulf %get3A_28, %get3A_28 : vector<512x1xf32>
    %add3A_36 = arith.addf %add3A, %mul3A_35 : vector<512x1xf32>
    %mul3A_37 = arith.mulf %get3A_3, %get3A_3 : vector<1x2048xf32>
    %mul3A_38 = arith.mulf %get3A_8, %get3A_8 : vector<1x2048xf32>
    %add3A_39 = arith.addf %mul3A_37, %mul3A_38 : vector<1x2048xf32>
    %mul3A_40 = arith.mulf %get3A_13, %get3A_13 : vector<1x2048xf32>
    %add3A_41 = arith.addf %add3A_39, %mul3A_40 : vector<1x2048xf32>
    %add3A_42 = vector.broadcast %add3A_36 : vector<512x1xf32> to vector<512x2048xf32>
    %add3A_43 = vector.broadcast %add3A_41 : vector<1x2048xf32> to vector<512x2048xf32>
    %add3A_44 = arith.addf %add3A_42, %add3A_43 : vector<512x2048xf32>
    %mul3A_45 = arith.constant 2.000000e+00 : f32
    %mul3A_46 = vector.broadcast %mul3A_45 : f32 to vector<512x2048xf32>
    %mul3A_47 = arith.mulf %mul3A_46, %dot_general3A_33 : vector<512x2048xf32>
    %sub3A = arith.subf %add3A_44, %mul3A_47 : vector<512x2048xf32>
    %iota3A = tpu.iota {dimensions = array<i32: 1>} : vector<512x2048xi32>
    %mul3A_48 = arith.constant 2048 : i32
    %mul3A_49 = arith.muli %arg0, %mul3A_48 : i32
    %add3A_50 = vector.broadcast %mul3A_49 : i32 to vector<512x2048xi32>
    %add3A_51 = arith.addi %iota3A, %add3A_50 : vector<512x2048xi32>
    %le3A = arith.constant 4.000000e-02 : f32
    %le3A_52 = vector.broadcast %le3A : f32 to vector<512x2048xf32>
    %le3A_53 = arith.cmpf ole, %sub3A, %le3A_52 : vector<512x2048xf32>
    %convert_element_type3A = arith.sitofp %add3A_51 : vector<512x2048xi32> to vector<512x2048xf32>
    %jit3A = arith.constant 1.000000e+09 : f32
    %broadcast_in_dim3A_54 = vector.broadcast %jit3A : f32 to vector<512x2048xf32>
    %select_n3A = arith.select %le3A_53, %convert_element_type3A, %broadcast_in_dim3A_54 : vector<512x2048xi1>, vector<512x2048xf32>
    %broadcast_in_dim3A_55 = arith.constant 0.000000e+00 : f32
    %broadcast_in_dim3A_56 = vector.broadcast %broadcast_in_dim3A_55 : f32 to vector<512x32xf32>
    %iota3A_57 = tpu.iota {dimensions = array<i32: 1>} : vector<512x32xi32>
    %reduce_min3A = arith.constant dense<0x7F800000> : vector<512xf32>
    %reduce_min3A_58 = vector.multi_reduction <minimumf>, %select_n3A, %reduce_min3A [1] : vector<512x2048xf32> to vector<512xf32>
    %broadcast_in_dim3A_59 = vector.shape_cast %reduce_min3A_58 : vector<512xf32> to vector<512x1xf32>
    %eq3A = arith.constant 0 : i32
    %eq3A_60 = vector.broadcast %eq3A : i32 to vector<512x32xi32>
    %eq3A_61 = arith.cmpi eq, %iota3A_57, %eq3A_60 : vector<512x32xi32>
    %broadcast_in_dim3A_62 = vector.shape_cast %broadcast_in_dim3A_59 : vector<512x1xf32> to vector<512x1xf32>
    %broadcast_in_dim3A_63 = vector.broadcast %broadcast_in_dim3A_62 : vector<512x1xf32> to vector<512x32xf32>
    %select_n3A_64 = arith.select %eq3A_61, %broadcast_in_dim3A_63, %broadcast_in_dim3A_56 : vector<512x32xi1>, vector<512x32xf32>
    %eq3A_65 = vector.broadcast %broadcast_in_dim3A_59 : vector<512x1xf32> to vector<512x2048xf32>
    %eq3A_66 = arith.cmpf oeq, %select_n3A, %eq3A_65 : vector<512x2048xf32>
    %jit3A_67 = arith.constant 1.000000e+09 : f32
    %broadcast_in_dim3A_68 = vector.broadcast %jit3A_67 : f32 to vector<512x2048xf32>
    %select_n3A_69 = arith.select %eq3A_66, %broadcast_in_dim3A_68, %select_n3A : vector<512x2048xi1>, vector<512x2048xf32>
    %reduce_min3A_70 = arith.constant dense<0x7F800000> : vector<512xf32>
    %reduce_min3A_71 = vector.multi_reduction <minimumf>, %select_n3A_69, %reduce_min3A_70 [1] : vector<512x2048xf32> to vector<512xf32>
    %broadcast_in_dim3A_72 = vector.shape_cast %reduce_min3A_71 : vector<512xf32> to vector<512x1xf32>
    %lt3A = arith.constant 1.000000e+09 : f32
    %lt3A_73 = vector.broadcast %lt3A : f32 to vector<512x1xf32>
    %lt3A_74 = arith.cmpf olt, %broadcast_in_dim3A_72, %lt3A_73 : vector<512x1xf32>
    %select_n3A_75 = arith.select %lt3A_74, %broadcast_in_dim3A_72, %broadcast_in_dim3A_59 : vector<512x1xi1>, vector<512x1xf32>
    %eq3A_76 = arith.constant 1 : i32
    %eq3A_77 = vector.broadcast %eq3A_76 : i32 to vector<512x32xi32>
    %eq3A_78 = arith.cmpi eq, %iota3A_57, %eq3A_77 : vector<512x32xi32>
    %broadcast_in_dim3A_79 = vector.shape_cast %select_n3A_75 : vector<512x1xf32> to vector<512x1xf32>
    %broadcast_in_dim3A_80 = vector.broadcast %broadcast_in_dim3A_79 : vector<512x1xf32> to vector<512x32xf32>
    %select_n3A_81 = arith.select %eq3A_78, %broadcast_in_dim3A_80, %select_n3A_64 : vector<512x32xi1>, vector<512x32xf32>
    %eq3A_82 = vector.broadcast %broadcast_in_dim3A_72 : vector<512x1xf32> to vector<512x2048xf32>
    %eq3A_83 = arith.cmpf oeq, %select_n3A_69, %eq3A_82 : vector<512x2048xf32>
    %jit3A_84 = arith.constant 1.000000e+09 : f32
    %broadcast_in_dim3A_85 = vector.broadcast %jit3A_84 : f32 to vector<512x2048xf32>
    %select_n3A_86 = arith.select %eq3A_83, %broadcast_in_dim3A_85, %select_n3A_69 : vector<512x2048xi1>, vector<512x2048xf32>
    %reduce_min3A_87 = arith.constant dense<0x7F800000> : vector<512xf32>
    %reduce_min3A_88 = vector.multi_reduction <minimumf>, %select_n3A_86, %reduce_min3A_87 [1] : vector<512x2048xf32> to vector<512xf32>
    %broadcast_in_dim3A_89 = vector.shape_cast %reduce_min3A_88 : vector<512xf32> to vector<512x1xf32>
    %lt3A_90 = arith.constant 1.000000e+09 : f32
    %lt3A_91 = vector.broadcast %lt3A_90 : f32 to vector<512x1xf32>
    %lt3A_92 = arith.cmpf olt, %broadcast_in_dim3A_89, %lt3A_91 : vector<512x1xf32>
    %select_n3A_93 = arith.select %lt3A_92, %broadcast_in_dim3A_89, %broadcast_in_dim3A_59 : vector<512x1xi1>, vector<512x1xf32>
    %eq3A_94 = arith.constant 2 : i32
    %eq3A_95 = vector.broadcast %eq3A_94 : i32 to vector<512x32xi32>
    %eq3A_96 = arith.cmpi eq, %iota3A_57, %eq3A_95 : vector<512x32xi32>
    %broadcast_in_dim3A_97 = vector.shape_cast %select_n3A_93 : vector<512x1xf32> to vector<512x1xf32>
    %broadcast_in_dim3A_98 = vector.broadcast %broadcast_in_dim3A_97 : vector<512x1xf32> to vector<512x32xf32>
    %select_n3A_99 = arith.select %eq3A_96, %broadcast_in_dim3A_98, %select_n3A_81 : vector<512x32xi1>, vector<512x32xf32>
    %eq3A_100 = vector.broadcast %broadcast_in_dim3A_89 : vector<512x1xf32> to vector<512x2048xf32>
    %eq3A_101 = arith.cmpf oeq, %select_n3A_86, %eq3A_100 : vector<512x2048xf32>
    %jit3A_102 = arith.constant 1.000000e+09 : f32
    %broadcast_in_dim3A_103 = vector.broadcast %jit3A_102 : f32 to vector<512x2048xf32>
    %select_n3A_104 = arith.select %eq3A_101, %broadcast_in_dim3A_103, %select_n3A_86 : vector<512x2048xi1>, vector<512x2048xf32>
    %reduce_min3A_105 = arith.constant dense<0x7F800000> : vector<512xf32>
    %reduce_min3A_106 = vector.multi_reduction <minimumf>, %select_n3A_104, %reduce_min3A_105 [1] : vector<512x2048xf32> to vector<512xf32>
    %broadcast_in_dim3A_107 = vector.shape_cast %reduce_min3A_106 : vector<512xf32> to vector<512x1xf32>
    %lt3A_108 = arith.constant 1.000000e+09 : f32
    %lt3A_109 = vector.broadcast %lt3A_108 : f32 to vector<512x1xf32>
    %lt3A_110 = arith.cmpf olt, %broadcast_in_dim3A_107, %lt3A_109 : vector<512x1xf32>
    %select_n3A_111 = arith.select %lt3A_110, %broadcast_in_dim3A_107, %broadcast_in_dim3A_59 : vector<512x1xi1>, vector<512x1xf32>
    %eq3A_112 = arith.constant 3 : i32
    %eq3A_113 = vector.broadcast %eq3A_112 : i32 to vector<512x32xi32>
    %eq3A_114 = arith.cmpi eq, %iota3A_57, %eq3A_113 : vector<512x32xi32>
    %broadcast_in_dim3A_115 = vector.shape_cast %select_n3A_111 : vector<512x1xf32> to vector<512x1xf32>
    %broadcast_in_dim3A_116 = vector.broadcast %broadcast_in_dim3A_115 : vector<512x1xf32> to vector<512x32xf32>
    %select_n3A_117 = arith.select %eq3A_114, %broadcast_in_dim3A_116, %select_n3A_99 : vector<512x32xi1>, vector<512x32xf32>
    %eq3A_118 = vector.broadcast %broadcast_in_dim3A_107 : vector<512x1xf32> to vector<512x2048xf32>
    %eq3A_119 = arith.cmpf oeq, %select_n3A_104, %eq3A_118 : vector<512x2048xf32>
    %jit3A_120 = arith.constant 1.000000e+09 : f32
    %broadcast_in_dim3A_121 = vector.broadcast %jit3A_120 : f32 to vector<512x2048xf32>
    %select_n3A_122 = arith.select %eq3A_119, %broadcast_in_dim3A_121, %select_n3A_104 : vector<512x2048xi1>, vector<512x2048xf32>
    %reduce_min3A_123 = arith.constant dense<0x7F800000> : vector<512xf32>
    %reduce_min3A_124 = vector.multi_reduction <minimumf>, %select_n3A_122, %reduce_min3A_123 [1] : vector<512x2048xf32> to vector<512xf32>
    %broadcast_in_dim3A_125 = vector.shape_cast %reduce_min3A_124 : vector<512xf32> to vector<512x1xf32>
    %lt3A_126 = arith.constant 1.000000e+09 : f32
    %lt3A_127 = vector.broadcast %lt3A_126 : f32 to vector<512x1xf32>
    %lt3A_128 = arith.cmpf olt, %broadcast_in_dim3A_125, %lt3A_127 : vector<512x1xf32>
    %select_n3A_129 = arith.select %lt3A_128, %broadcast_in_dim3A_125, %broadcast_in_dim3A_59 : vector<512x1xi1>, vector<512x1xf32>
    %eq3A_130 = arith.constant 4 : i32
    %eq3A_131 = vector.broadcast %eq3A_130 : i32 to vector<512x32xi32>
    %eq3A_132 = arith.cmpi eq, %iota3A_57, %eq3A_131 : vector<512x32xi32>
    %broadcast_in_dim3A_133 = vector.shape_cast %select_n3A_129 : vector<512x1xf32> to vector<512x1xf32>
    %broadcast_in_dim3A_134 = vector.broadcast %broadcast_in_dim3A_133 : vector<512x1xf32> to vector<512x32xf32>
    %select_n3A_135 = arith.select %eq3A_132, %broadcast_in_dim3A_134, %select_n3A_117 : vector<512x32xi1>, vector<512x32xf32>
    %eq3A_136 = vector.broadcast %broadcast_in_dim3A_125 : vector<512x1xf32> to vector<512x2048xf32>
    %eq3A_137 = arith.cmpf oeq, %select_n3A_122, %eq3A_136 : vector<512x2048xf32>
    %jit3A_138 = arith.constant 1.000000e+09 : f32
    %broadcast_in_dim3A_139 = vector.broadcast %jit3A_138 : f32 to vector<512x2048xf32>
    %select_n3A_140 = arith.select %eq3A_137, %broadcast_in_dim3A_139, %select_n3A_122 : vector<512x2048xi1>, vector<512x2048xf32>
    %reduce_min3A_141 = arith.constant dense<0x7F800000> : vector<512xf32>
    %reduce_min3A_142 = vector.multi_reduction <minimumf>, %select_n3A_140, %reduce_min3A_141 [1] : vector<512x2048xf32> to vector<512xf32>
    %broadcast_in_dim3A_143 = vector.shape_cast %reduce_min3A_142 : vector<512xf32> to vector<512x1xf32>
    %lt3A_144 = arith.constant 1.000000e+09 : f32
    %lt3A_145 = vector.broadcast %lt3A_144 : f32 to vector<512x1xf32>
    %lt3A_146 = arith.cmpf olt, %broadcast_in_dim3A_143, %lt3A_145 : vector<512x1xf32>
    %select_n3A_147 = arith.select %lt3A_146, %broadcast_in_dim3A_143, %broadcast_in_dim3A_59 : vector<512x1xi1>, vector<512x1xf32>
    %eq3A_148 = arith.constant 5 : i32
    %eq3A_149 = vector.broadcast %eq3A_148 : i32 to vector<512x32xi32>
    %eq3A_150 = arith.cmpi eq, %iota3A_57, %eq3A_149 : vector<512x32xi32>
    %broadcast_in_dim3A_151 = vector.shape_cast %select_n3A_147 : vector<512x1xf32> to vector<512x1xf32>
    %broadcast_in_dim3A_152 = vector.broadcast %broadcast_in_dim3A_151 : vector<512x1xf32> to vector<512x32xf32>
    %select_n3A_153 = arith.select %eq3A_150, %broadcast_in_dim3A_152, %select_n3A_135 : vector<512x32xi1>, vector<512x32xf32>
    %eq3A_154 = vector.broadcast %broadcast_in_dim3A_143 : vector<512x1xf32> to vector<512x2048xf32>
    %eq3A_155 = arith.cmpf oeq, %select_n3A_140, %eq3A_154 : vector<512x2048xf32>
    %jit3A_156 = arith.constant 1.000000e+09 : f32
    %broadcast_in_dim3A_157 = vector.broadcast %jit3A_156 : f32 to vector<512x2048xf32>
    %select_n3A_158 = arith.select %eq3A_155, %broadcast_in_dim3A_157, %select_n3A_140 : vector<512x2048xi1>, vector<512x2048xf32>
    %reduce_min3A_159 = arith.constant dense<0x7F800000> : vector<512xf32>
    %reduce_min3A_160 = vector.multi_reduction <minimumf>, %select_n3A_158, %reduce_min3A_159 [1] : vector<512x2048xf32> to vector<512xf32>
    %broadcast_in_dim3A_161 = vector.shape_cast %reduce_min3A_160 : vector<512xf32> to vector<512x1xf32>
    %lt3A_162 = arith.constant 1.000000e+09 : f32
    %lt3A_163 = vector.broadcast %lt3A_162 : f32 to vector<512x1xf32>
    %lt3A_164 = arith.cmpf olt, %broadcast_in_dim3A_161, %lt3A_163 : vector<512x1xf32>
    %select_n3A_165 = arith.select %lt3A_164, %broadcast_in_dim3A_161, %broadcast_in_dim3A_59 : vector<512x1xi1>, vector<512x1xf32>
    %eq3A_166 = arith.constant 6 : i32
    %eq3A_167 = vector.broadcast %eq3A_166 : i32 to vector<512x32xi32>
    %eq3A_168 = arith.cmpi eq, %iota3A_57, %eq3A_167 : vector<512x32xi32>
    %broadcast_in_dim3A_169 = vector.shape_cast %select_n3A_165 : vector<512x1xf32> to vector<512x1xf32>
    %broadcast_in_dim3A_170 = vector.broadcast %broadcast_in_dim3A_169 : vector<512x1xf32> to vector<512x32xf32>
    %select_n3A_171 = arith.select %eq3A_168, %broadcast_in_dim3A_170, %select_n3A_153 : vector<512x32xi1>, vector<512x32xf32>
    %eq3A_172 = vector.broadcast %broadcast_in_dim3A_161 : vector<512x1xf32> to vector<512x2048xf32>
    %eq3A_173 = arith.cmpf oeq, %select_n3A_158, %eq3A_172 : vector<512x2048xf32>
    %jit3A_174 = arith.constant 1.000000e+09 : f32
    %broadcast_in_dim3A_175 = vector.broadcast %jit3A_174 : f32 to vector<512x2048xf32>
    %select_n3A_176 = arith.select %eq3A_173, %broadcast_in_dim3A_175, %select_n3A_158 : vector<512x2048xi1>, vector<512x2048xf32>
    %reduce_min3A_177 = arith.constant dense<0x7F800000> : vector<512xf32>
    %reduce_min3A_178 = vector.multi_reduction <minimumf>, %select_n3A_176, %reduce_min3A_177 [1] : vector<512x2048xf32> to vector<512xf32>
    %broadcast_in_dim3A_179 = vector.shape_cast %reduce_min3A_178 : vector<512xf32> to vector<512x1xf32>
    %lt3A_180 = arith.constant 1.000000e+09 : f32
    %lt3A_181 = vector.broadcast %lt3A_180 : f32 to vector<512x1xf32>
    %lt3A_182 = arith.cmpf olt, %broadcast_in_dim3A_179, %lt3A_181 : vector<512x1xf32>
    %select_n3A_183 = arith.select %lt3A_182, %broadcast_in_dim3A_179, %broadcast_in_dim3A_59 : vector<512x1xi1>, vector<512x1xf32>
    %eq3A_184 = arith.constant 7 : i32
    %eq3A_185 = vector.broadcast %eq3A_184 : i32 to vector<512x32xi32>
    %eq3A_186 = arith.cmpi eq, %iota3A_57, %eq3A_185 : vector<512x32xi32>
    %broadcast_in_dim3A_187 = vector.shape_cast %select_n3A_183 : vector<512x1xf32> to vector<512x1xf32>
    %broadcast_in_dim3A_188 = vector.broadcast %broadcast_in_dim3A_187 : vector<512x1xf32> to vector<512x32xf32>
    %select_n3A_189 = arith.select %eq3A_186, %broadcast_in_dim3A_188, %select_n3A_171 : vector<512x32xi1>, vector<512x32xf32>
    %eq3A_190 = vector.broadcast %broadcast_in_dim3A_179 : vector<512x1xf32> to vector<512x2048xf32>
    %eq3A_191 = arith.cmpf oeq, %select_n3A_176, %eq3A_190 : vector<512x2048xf32>
    %jit3A_192 = arith.constant 1.000000e+09 : f32
    %broadcast_in_dim3A_193 = vector.broadcast %jit3A_192 : f32 to vector<512x2048xf32>
    %select_n3A_194 = arith.select %eq3A_191, %broadcast_in_dim3A_193, %select_n3A_176 : vector<512x2048xi1>, vector<512x2048xf32>
    %reduce_min3A_195 = arith.constant dense<0x7F800000> : vector<512xf32>
    %reduce_min3A_196 = vector.multi_reduction <minimumf>, %select_n3A_194, %reduce_min3A_195 [1] : vector<512x2048xf32> to vector<512xf32>
    %broadcast_in_dim3A_197 = vector.shape_cast %reduce_min3A_196 : vector<512xf32> to vector<512x1xf32>
    %lt3A_198 = arith.constant 1.000000e+09 : f32
    %lt3A_199 = vector.broadcast %lt3A_198 : f32 to vector<512x1xf32>
    %lt3A_200 = arith.cmpf olt, %broadcast_in_dim3A_197, %lt3A_199 : vector<512x1xf32>
    %select_n3A_201 = arith.select %lt3A_200, %broadcast_in_dim3A_197, %broadcast_in_dim3A_59 : vector<512x1xi1>, vector<512x1xf32>
    %eq3A_202 = arith.constant 8 : i32
    %eq3A_203 = vector.broadcast %eq3A_202 : i32 to vector<512x32xi32>
    %eq3A_204 = arith.cmpi eq, %iota3A_57, %eq3A_203 : vector<512x32xi32>
    %broadcast_in_dim3A_205 = vector.shape_cast %select_n3A_201 : vector<512x1xf32> to vector<512x1xf32>
    %broadcast_in_dim3A_206 = vector.broadcast %broadcast_in_dim3A_205 : vector<512x1xf32> to vector<512x32xf32>
    %select_n3A_207 = arith.select %eq3A_204, %broadcast_in_dim3A_206, %select_n3A_189 : vector<512x32xi1>, vector<512x32xf32>
    %eq3A_208 = vector.broadcast %broadcast_in_dim3A_197 : vector<512x1xf32> to vector<512x2048xf32>
    %eq3A_209 = arith.cmpf oeq, %select_n3A_194, %eq3A_208 : vector<512x2048xf32>
    %jit3A_210 = arith.constant 1.000000e+09 : f32
    %broadcast_in_dim3A_211 = vector.broadcast %jit3A_210 : f32 to vector<512x2048xf32>
    %select_n3A_212 = arith.select %eq3A_209, %broadcast_in_dim3A_211, %select_n3A_194 : vector<512x2048xi1>, vector<512x2048xf32>
    %reduce_min3A_213 = arith.constant dense<0x7F800000> : vector<512xf32>
    %reduce_min3A_214 = vector.multi_reduction <minimumf>, %select_n3A_212, %reduce_min3A_213 [1] : vector<512x2048xf32> to vector<512xf32>
    %broadcast_in_dim3A_215 = vector.shape_cast %reduce_min3A_214 : vector<512xf32> to vector<512x1xf32>
    %lt3A_216 = arith.constant 1.000000e+09 : f32
    %lt3A_217 = vector.broadcast %lt3A_216 : f32 to vector<512x1xf32>
    %lt3A_218 = arith.cmpf olt, %broadcast_in_dim3A_215, %lt3A_217 : vector<512x1xf32>
    %select_n3A_219 = arith.select %lt3A_218, %broadcast_in_dim3A_215, %broadcast_in_dim3A_59 : vector<512x1xi1>, vector<512x1xf32>
    %eq3A_220 = arith.constant 9 : i32
    %eq3A_221 = vector.broadcast %eq3A_220 : i32 to vector<512x32xi32>
    %eq3A_222 = arith.cmpi eq, %iota3A_57, %eq3A_221 : vector<512x32xi32>
    %broadcast_in_dim3A_223 = vector.shape_cast %select_n3A_219 : vector<512x1xf32> to vector<512x1xf32>
    %broadcast_in_dim3A_224 = vector.broadcast %broadcast_in_dim3A_223 : vector<512x1xf32> to vector<512x32xf32>
    %select_n3A_225 = arith.select %eq3A_222, %broadcast_in_dim3A_224, %select_n3A_207 : vector<512x32xi1>, vector<512x32xf32>
    %eq3A_226 = vector.broadcast %broadcast_in_dim3A_215 : vector<512x1xf32> to vector<512x2048xf32>
    %eq3A_227 = arith.cmpf oeq, %select_n3A_212, %eq3A_226 : vector<512x2048xf32>
    %jit3A_228 = arith.constant 1.000000e+09 : f32
    %broadcast_in_dim3A_229 = vector.broadcast %jit3A_228 : f32 to vector<512x2048xf32>
    %select_n3A_230 = arith.select %eq3A_227, %broadcast_in_dim3A_229, %select_n3A_212 : vector<512x2048xi1>, vector<512x2048xf32>
    %reduce_min3A_231 = arith.constant dense<0x7F800000> : vector<512xf32>
    %reduce_min3A_232 = vector.multi_reduction <minimumf>, %select_n3A_230, %reduce_min3A_231 [1] : vector<512x2048xf32> to vector<512xf32>
    %broadcast_in_dim3A_233 = vector.shape_cast %reduce_min3A_232 : vector<512xf32> to vector<512x1xf32>
    %lt3A_234 = arith.constant 1.000000e+09 : f32
    %lt3A_235 = vector.broadcast %lt3A_234 : f32 to vector<512x1xf32>
    %lt3A_236 = arith.cmpf olt, %broadcast_in_dim3A_233, %lt3A_235 : vector<512x1xf32>
    %select_n3A_237 = arith.select %lt3A_236, %broadcast_in_dim3A_233, %broadcast_in_dim3A_59 : vector<512x1xi1>, vector<512x1xf32>
    %eq3A_238 = arith.constant 10 : i32
    %eq3A_239 = vector.broadcast %eq3A_238 : i32 to vector<512x32xi32>
    %eq3A_240 = arith.cmpi eq, %iota3A_57, %eq3A_239 : vector<512x32xi32>
    %broadcast_in_dim3A_241 = vector.shape_cast %select_n3A_237 : vector<512x1xf32> to vector<512x1xf32>
    %broadcast_in_dim3A_242 = vector.broadcast %broadcast_in_dim3A_241 : vector<512x1xf32> to vector<512x32xf32>
    %select_n3A_243 = arith.select %eq3A_240, %broadcast_in_dim3A_242, %select_n3A_225 : vector<512x32xi1>, vector<512x32xf32>
    %eq3A_244 = vector.broadcast %broadcast_in_dim3A_233 : vector<512x1xf32> to vector<512x2048xf32>
    %eq3A_245 = arith.cmpf oeq, %select_n3A_230, %eq3A_244 : vector<512x2048xf32>
    %jit3A_246 = arith.constant 1.000000e+09 : f32
    %broadcast_in_dim3A_247 = vector.broadcast %jit3A_246 : f32 to vector<512x2048xf32>
    %select_n3A_248 = arith.select %eq3A_245, %broadcast_in_dim3A_247, %select_n3A_230 : vector<512x2048xi1>, vector<512x2048xf32>
    %reduce_min3A_249 = arith.constant dense<0x7F800000> : vector<512xf32>
    %reduce_min3A_250 = vector.multi_reduction <minimumf>, %select_n3A_248, %reduce_min3A_249 [1] : vector<512x2048xf32> to vector<512xf32>
    %broadcast_in_dim3A_251 = vector.shape_cast %reduce_min3A_250 : vector<512xf32> to vector<512x1xf32>
    %lt3A_252 = arith.constant 1.000000e+09 : f32
    %lt3A_253 = vector.broadcast %lt3A_252 : f32 to vector<512x1xf32>
    %lt3A_254 = arith.cmpf olt, %broadcast_in_dim3A_251, %lt3A_253 : vector<512x1xf32>
    %select_n3A_255 = arith.select %lt3A_254, %broadcast_in_dim3A_251, %broadcast_in_dim3A_59 : vector<512x1xi1>, vector<512x1xf32>
    %eq3A_256 = arith.constant 11 : i32
    %eq3A_257 = vector.broadcast %eq3A_256 : i32 to vector<512x32xi32>
    %eq3A_258 = arith.cmpi eq, %iota3A_57, %eq3A_257 : vector<512x32xi32>
    %broadcast_in_dim3A_259 = vector.shape_cast %select_n3A_255 : vector<512x1xf32> to vector<512x1xf32>
    %broadcast_in_dim3A_260 = vector.broadcast %broadcast_in_dim3A_259 : vector<512x1xf32> to vector<512x32xf32>
    %select_n3A_261 = arith.select %eq3A_258, %broadcast_in_dim3A_260, %select_n3A_243 : vector<512x32xi1>, vector<512x32xf32>
    %eq3A_262 = vector.broadcast %broadcast_in_dim3A_251 : vector<512x1xf32> to vector<512x2048xf32>
    %eq3A_263 = arith.cmpf oeq, %select_n3A_248, %eq3A_262 : vector<512x2048xf32>
    %jit3A_264 = arith.constant 1.000000e+09 : f32
    %broadcast_in_dim3A_265 = vector.broadcast %jit3A_264 : f32 to vector<512x2048xf32>
    %select_n3A_266 = arith.select %eq3A_263, %broadcast_in_dim3A_265, %select_n3A_248 : vector<512x2048xi1>, vector<512x2048xf32>
    %reduce_min3A_267 = arith.constant dense<0x7F800000> : vector<512xf32>
    %reduce_min3A_268 = vector.multi_reduction <minimumf>, %select_n3A_266, %reduce_min3A_267 [1] : vector<512x2048xf32> to vector<512xf32>
    %broadcast_in_dim3A_269 = vector.shape_cast %reduce_min3A_268 : vector<512xf32> to vector<512x1xf32>
    %lt3A_270 = arith.constant 1.000000e+09 : f32
    %lt3A_271 = vector.broadcast %lt3A_270 : f32 to vector<512x1xf32>
    %lt3A_272 = arith.cmpf olt, %broadcast_in_dim3A_269, %lt3A_271 : vector<512x1xf32>
    %select_n3A_273 = arith.select %lt3A_272, %broadcast_in_dim3A_269, %broadcast_in_dim3A_59 : vector<512x1xi1>, vector<512x1xf32>
    %eq3A_274 = arith.constant 12 : i32
    %eq3A_275 = vector.broadcast %eq3A_274 : i32 to vector<512x32xi32>
    %eq3A_276 = arith.cmpi eq, %iota3A_57, %eq3A_275 : vector<512x32xi32>
    %broadcast_in_dim3A_277 = vector.shape_cast %select_n3A_273 : vector<512x1xf32> to vector<512x1xf32>
    %broadcast_in_dim3A_278 = vector.broadcast %broadcast_in_dim3A_277 : vector<512x1xf32> to vector<512x32xf32>
    %select_n3A_279 = arith.select %eq3A_276, %broadcast_in_dim3A_278, %select_n3A_261 : vector<512x32xi1>, vector<512x32xf32>
    %eq3A_280 = vector.broadcast %broadcast_in_dim3A_269 : vector<512x1xf32> to vector<512x2048xf32>
    %eq3A_281 = arith.cmpf oeq, %select_n3A_266, %eq3A_280 : vector<512x2048xf32>
    %jit3A_282 = arith.constant 1.000000e+09 : f32
    %broadcast_in_dim3A_283 = vector.broadcast %jit3A_282 : f32 to vector<512x2048xf32>
    %select_n3A_284 = arith.select %eq3A_281, %broadcast_in_dim3A_283, %select_n3A_266 : vector<512x2048xi1>, vector<512x2048xf32>
    %reduce_min3A_285 = arith.constant dense<0x7F800000> : vector<512xf32>
    %reduce_min3A_286 = vector.multi_reduction <minimumf>, %select_n3A_284, %reduce_min3A_285 [1] : vector<512x2048xf32> to vector<512xf32>
    %broadcast_in_dim3A_287 = vector.shape_cast %reduce_min3A_286 : vector<512xf32> to vector<512x1xf32>
    %lt3A_288 = arith.constant 1.000000e+09 : f32
    %lt3A_289 = vector.broadcast %lt3A_288 : f32 to vector<512x1xf32>
    %lt3A_290 = arith.cmpf olt, %broadcast_in_dim3A_287, %lt3A_289 : vector<512x1xf32>
    %select_n3A_291 = arith.select %lt3A_290, %broadcast_in_dim3A_287, %broadcast_in_dim3A_59 : vector<512x1xi1>, vector<512x1xf32>
    %eq3A_292 = arith.constant 13 : i32
    %eq3A_293 = vector.broadcast %eq3A_292 : i32 to vector<512x32xi32>
    %eq3A_294 = arith.cmpi eq, %iota3A_57, %eq3A_293 : vector<512x32xi32>
    %broadcast_in_dim3A_295 = vector.shape_cast %select_n3A_291 : vector<512x1xf32> to vector<512x1xf32>
    %broadcast_in_dim3A_296 = vector.broadcast %broadcast_in_dim3A_295 : vector<512x1xf32> to vector<512x32xf32>
    %select_n3A_297 = arith.select %eq3A_294, %broadcast_in_dim3A_296, %select_n3A_279 : vector<512x32xi1>, vector<512x32xf32>
    %eq3A_298 = vector.broadcast %broadcast_in_dim3A_287 : vector<512x1xf32> to vector<512x2048xf32>
    %eq3A_299 = arith.cmpf oeq, %select_n3A_284, %eq3A_298 : vector<512x2048xf32>
    %jit3A_300 = arith.constant 1.000000e+09 : f32
    %broadcast_in_dim3A_301 = vector.broadcast %jit3A_300 : f32 to vector<512x2048xf32>
    %select_n3A_302 = arith.select %eq3A_299, %broadcast_in_dim3A_301, %select_n3A_284 : vector<512x2048xi1>, vector<512x2048xf32>
    %reduce_min3A_303 = arith.constant dense<0x7F800000> : vector<512xf32>
    %reduce_min3A_304 = vector.multi_reduction <minimumf>, %select_n3A_302, %reduce_min3A_303 [1] : vector<512x2048xf32> to vector<512xf32>
    %broadcast_in_dim3A_305 = vector.shape_cast %reduce_min3A_304 : vector<512xf32> to vector<512x1xf32>
    %lt3A_306 = arith.constant 1.000000e+09 : f32
    %lt3A_307 = vector.broadcast %lt3A_306 : f32 to vector<512x1xf32>
    %lt3A_308 = arith.cmpf olt, %broadcast_in_dim3A_305, %lt3A_307 : vector<512x1xf32>
    %select_n3A_309 = arith.select %lt3A_308, %broadcast_in_dim3A_305, %broadcast_in_dim3A_59 : vector<512x1xi1>, vector<512x1xf32>
    %eq3A_310 = arith.constant 14 : i32
    %eq3A_311 = vector.broadcast %eq3A_310 : i32 to vector<512x32xi32>
    %eq3A_312 = arith.cmpi eq, %iota3A_57, %eq3A_311 : vector<512x32xi32>
    %broadcast_in_dim3A_313 = vector.shape_cast %select_n3A_309 : vector<512x1xf32> to vector<512x1xf32>
    %broadcast_in_dim3A_314 = vector.broadcast %broadcast_in_dim3A_313 : vector<512x1xf32> to vector<512x32xf32>
    %select_n3A_315 = arith.select %eq3A_312, %broadcast_in_dim3A_314, %select_n3A_297 : vector<512x32xi1>, vector<512x32xf32>
    %eq3A_316 = vector.broadcast %broadcast_in_dim3A_305 : vector<512x1xf32> to vector<512x2048xf32>
    %eq3A_317 = arith.cmpf oeq, %select_n3A_302, %eq3A_316 : vector<512x2048xf32>
    %jit3A_318 = arith.constant 1.000000e+09 : f32
    %broadcast_in_dim3A_319 = vector.broadcast %jit3A_318 : f32 to vector<512x2048xf32>
    %select_n3A_320 = arith.select %eq3A_317, %broadcast_in_dim3A_319, %select_n3A_302 : vector<512x2048xi1>, vector<512x2048xf32>
    %reduce_min3A_321 = arith.constant dense<0x7F800000> : vector<512xf32>
    %reduce_min3A_322 = vector.multi_reduction <minimumf>, %select_n3A_320, %reduce_min3A_321 [1] : vector<512x2048xf32> to vector<512xf32>
    %broadcast_in_dim3A_323 = vector.shape_cast %reduce_min3A_322 : vector<512xf32> to vector<512x1xf32>
    %lt3A_324 = arith.constant 1.000000e+09 : f32
    %lt3A_325 = vector.broadcast %lt3A_324 : f32 to vector<512x1xf32>
    %lt3A_326 = arith.cmpf olt, %broadcast_in_dim3A_323, %lt3A_325 : vector<512x1xf32>
    %select_n3A_327 = arith.select %lt3A_326, %broadcast_in_dim3A_323, %broadcast_in_dim3A_59 : vector<512x1xi1>, vector<512x1xf32>
    %eq3A_328 = arith.constant 15 : i32
    %eq3A_329 = vector.broadcast %eq3A_328 : i32 to vector<512x32xi32>
    %eq3A_330 = arith.cmpi eq, %iota3A_57, %eq3A_329 : vector<512x32xi32>
    %broadcast_in_dim3A_331 = vector.shape_cast %select_n3A_327 : vector<512x1xf32> to vector<512x1xf32>
    %broadcast_in_dim3A_332 = vector.broadcast %broadcast_in_dim3A_331 : vector<512x1xf32> to vector<512x32xf32>
    %select_n3A_333 = arith.select %eq3A_330, %broadcast_in_dim3A_332, %select_n3A_315 : vector<512x32xi1>, vector<512x32xf32>
    %eq3A_334 = vector.broadcast %broadcast_in_dim3A_323 : vector<512x1xf32> to vector<512x2048xf32>
    %eq3A_335 = arith.cmpf oeq, %select_n3A_320, %eq3A_334 : vector<512x2048xf32>
    %jit3A_336 = arith.constant 1.000000e+09 : f32
    %broadcast_in_dim3A_337 = vector.broadcast %jit3A_336 : f32 to vector<512x2048xf32>
    %select_n3A_338 = arith.select %eq3A_335, %broadcast_in_dim3A_337, %select_n3A_320 : vector<512x2048xi1>, vector<512x2048xf32>
    %reduce_min3A_339 = arith.constant dense<0x7F800000> : vector<512xf32>
    %reduce_min3A_340 = vector.multi_reduction <minimumf>, %select_n3A_338, %reduce_min3A_339 [1] : vector<512x2048xf32> to vector<512xf32>
    %broadcast_in_dim3A_341 = vector.shape_cast %reduce_min3A_340 : vector<512xf32> to vector<512x1xf32>
    %lt3A_342 = arith.constant 1.000000e+09 : f32
    %lt3A_343 = vector.broadcast %lt3A_342 : f32 to vector<512x1xf32>
    %lt3A_344 = arith.cmpf olt, %broadcast_in_dim3A_341, %lt3A_343 : vector<512x1xf32>
    %select_n3A_345 = arith.select %lt3A_344, %broadcast_in_dim3A_341, %broadcast_in_dim3A_59 : vector<512x1xi1>, vector<512x1xf32>
    %eq3A_346 = arith.constant 16 : i32
    %eq3A_347 = vector.broadcast %eq3A_346 : i32 to vector<512x32xi32>
    %eq3A_348 = arith.cmpi eq, %iota3A_57, %eq3A_347 : vector<512x32xi32>
    %broadcast_in_dim3A_349 = vector.shape_cast %select_n3A_345 : vector<512x1xf32> to vector<512x1xf32>
    %broadcast_in_dim3A_350 = vector.broadcast %broadcast_in_dim3A_349 : vector<512x1xf32> to vector<512x32xf32>
    %select_n3A_351 = arith.select %eq3A_348, %broadcast_in_dim3A_350, %select_n3A_333 : vector<512x32xi1>, vector<512x32xf32>
    %eq3A_352 = vector.broadcast %broadcast_in_dim3A_341 : vector<512x1xf32> to vector<512x2048xf32>
    %eq3A_353 = arith.cmpf oeq, %select_n3A_338, %eq3A_352 : vector<512x2048xf32>
    %jit3A_354 = arith.constant 1.000000e+09 : f32
    %broadcast_in_dim3A_355 = vector.broadcast %jit3A_354 : f32 to vector<512x2048xf32>
    %select_n3A_356 = arith.select %eq3A_353, %broadcast_in_dim3A_355, %select_n3A_338 : vector<512x2048xi1>, vector<512x2048xf32>
    %reduce_min3A_357 = arith.constant dense<0x7F800000> : vector<512xf32>
    %reduce_min3A_358 = vector.multi_reduction <minimumf>, %select_n3A_356, %reduce_min3A_357 [1] : vector<512x2048xf32> to vector<512xf32>
    %broadcast_in_dim3A_359 = vector.shape_cast %reduce_min3A_358 : vector<512xf32> to vector<512x1xf32>
    %lt3A_360 = arith.constant 1.000000e+09 : f32
    %lt3A_361 = vector.broadcast %lt3A_360 : f32 to vector<512x1xf32>
    %lt3A_362 = arith.cmpf olt, %broadcast_in_dim3A_359, %lt3A_361 : vector<512x1xf32>
    %select_n3A_363 = arith.select %lt3A_362, %broadcast_in_dim3A_359, %broadcast_in_dim3A_59 : vector<512x1xi1>, vector<512x1xf32>
    %eq3A_364 = arith.constant 17 : i32
    %eq3A_365 = vector.broadcast %eq3A_364 : i32 to vector<512x32xi32>
    %eq3A_366 = arith.cmpi eq, %iota3A_57, %eq3A_365 : vector<512x32xi32>
    %broadcast_in_dim3A_367 = vector.shape_cast %select_n3A_363 : vector<512x1xf32> to vector<512x1xf32>
    %broadcast_in_dim3A_368 = vector.broadcast %broadcast_in_dim3A_367 : vector<512x1xf32> to vector<512x32xf32>
    %select_n3A_369 = arith.select %eq3A_366, %broadcast_in_dim3A_368, %select_n3A_351 : vector<512x32xi1>, vector<512x32xf32>
    %eq3A_370 = vector.broadcast %broadcast_in_dim3A_359 : vector<512x1xf32> to vector<512x2048xf32>
    %eq3A_371 = arith.cmpf oeq, %select_n3A_356, %eq3A_370 : vector<512x2048xf32>
    %jit3A_372 = arith.constant 1.000000e+09 : f32
    %broadcast_in_dim3A_373 = vector.broadcast %jit3A_372 : f32 to vector<512x2048xf32>
    %select_n3A_374 = arith.select %eq3A_371, %broadcast_in_dim3A_373, %select_n3A_356 : vector<512x2048xi1>, vector<512x2048xf32>
    %reduce_min3A_375 = arith.constant dense<0x7F800000> : vector<512xf32>
    %reduce_min3A_376 = vector.multi_reduction <minimumf>, %select_n3A_374, %reduce_min3A_375 [1] : vector<512x2048xf32> to vector<512xf32>
    %broadcast_in_dim3A_377 = vector.shape_cast %reduce_min3A_376 : vector<512xf32> to vector<512x1xf32>
    %lt3A_378 = arith.constant 1.000000e+09 : f32
    %lt3A_379 = vector.broadcast %lt3A_378 : f32 to vector<512x1xf32>
    %lt3A_380 = arith.cmpf olt, %broadcast_in_dim3A_377, %lt3A_379 : vector<512x1xf32>
    %select_n3A_381 = arith.select %lt3A_380, %broadcast_in_dim3A_377, %broadcast_in_dim3A_59 : vector<512x1xi1>, vector<512x1xf32>
    %eq3A_382 = arith.constant 18 : i32
    %eq3A_383 = vector.broadcast %eq3A_382 : i32 to vector<512x32xi32>
    %eq3A_384 = arith.cmpi eq, %iota3A_57, %eq3A_383 : vector<512x32xi32>
    %broadcast_in_dim3A_385 = vector.shape_cast %select_n3A_381 : vector<512x1xf32> to vector<512x1xf32>
    %broadcast_in_dim3A_386 = vector.broadcast %broadcast_in_dim3A_385 : vector<512x1xf32> to vector<512x32xf32>
    %select_n3A_387 = arith.select %eq3A_384, %broadcast_in_dim3A_386, %select_n3A_369 : vector<512x32xi1>, vector<512x32xf32>
    %eq3A_388 = vector.broadcast %broadcast_in_dim3A_377 : vector<512x1xf32> to vector<512x2048xf32>
    %eq3A_389 = arith.cmpf oeq, %select_n3A_374, %eq3A_388 : vector<512x2048xf32>
    %jit3A_390 = arith.constant 1.000000e+09 : f32
    %broadcast_in_dim3A_391 = vector.broadcast %jit3A_390 : f32 to vector<512x2048xf32>
    %select_n3A_392 = arith.select %eq3A_389, %broadcast_in_dim3A_391, %select_n3A_374 : vector<512x2048xi1>, vector<512x2048xf32>
    %reduce_min3A_393 = arith.constant dense<0x7F800000> : vector<512xf32>
    %reduce_min3A_394 = vector.multi_reduction <minimumf>, %select_n3A_392, %reduce_min3A_393 [1] : vector<512x2048xf32> to vector<512xf32>
    %broadcast_in_dim3A_395 = vector.shape_cast %reduce_min3A_394 : vector<512xf32> to vector<512x1xf32>
    %lt3A_396 = arith.constant 1.000000e+09 : f32
    %lt3A_397 = vector.broadcast %lt3A_396 : f32 to vector<512x1xf32>
    %lt3A_398 = arith.cmpf olt, %broadcast_in_dim3A_395, %lt3A_397 : vector<512x1xf32>
    %select_n3A_399 = arith.select %lt3A_398, %broadcast_in_dim3A_395, %broadcast_in_dim3A_59 : vector<512x1xi1>, vector<512x1xf32>
    %eq3A_400 = arith.constant 19 : i32
    %eq3A_401 = vector.broadcast %eq3A_400 : i32 to vector<512x32xi32>
    %eq3A_402 = arith.cmpi eq, %iota3A_57, %eq3A_401 : vector<512x32xi32>
    %broadcast_in_dim3A_403 = vector.shape_cast %select_n3A_399 : vector<512x1xf32> to vector<512x1xf32>
    %broadcast_in_dim3A_404 = vector.broadcast %broadcast_in_dim3A_403 : vector<512x1xf32> to vector<512x32xf32>
    %select_n3A_405 = arith.select %eq3A_402, %broadcast_in_dim3A_404, %select_n3A_387 : vector<512x32xi1>, vector<512x32xf32>
    %eq3A_406 = vector.broadcast %broadcast_in_dim3A_395 : vector<512x1xf32> to vector<512x2048xf32>
    %eq3A_407 = arith.cmpf oeq, %select_n3A_392, %eq3A_406 : vector<512x2048xf32>
    %jit3A_408 = arith.constant 1.000000e+09 : f32
    %broadcast_in_dim3A_409 = vector.broadcast %jit3A_408 : f32 to vector<512x2048xf32>
    %select_n3A_410 = arith.select %eq3A_407, %broadcast_in_dim3A_409, %select_n3A_392 : vector<512x2048xi1>, vector<512x2048xf32>
    %reduce_min3A_411 = arith.constant dense<0x7F800000> : vector<512xf32>
    %reduce_min3A_412 = vector.multi_reduction <minimumf>, %select_n3A_410, %reduce_min3A_411 [1] : vector<512x2048xf32> to vector<512xf32>
    %broadcast_in_dim3A_413 = vector.shape_cast %reduce_min3A_412 : vector<512xf32> to vector<512x1xf32>
    %lt3A_414 = arith.constant 1.000000e+09 : f32
    %lt3A_415 = vector.broadcast %lt3A_414 : f32 to vector<512x1xf32>
    %lt3A_416 = arith.cmpf olt, %broadcast_in_dim3A_413, %lt3A_415 : vector<512x1xf32>
    %select_n3A_417 = arith.select %lt3A_416, %broadcast_in_dim3A_413, %broadcast_in_dim3A_59 : vector<512x1xi1>, vector<512x1xf32>
    %eq3A_418 = arith.constant 20 : i32
    %eq3A_419 = vector.broadcast %eq3A_418 : i32 to vector<512x32xi32>
    %eq3A_420 = arith.cmpi eq, %iota3A_57, %eq3A_419 : vector<512x32xi32>
    %broadcast_in_dim3A_421 = vector.shape_cast %select_n3A_417 : vector<512x1xf32> to vector<512x1xf32>
    %broadcast_in_dim3A_422 = vector.broadcast %broadcast_in_dim3A_421 : vector<512x1xf32> to vector<512x32xf32>
    %select_n3A_423 = arith.select %eq3A_420, %broadcast_in_dim3A_422, %select_n3A_405 : vector<512x32xi1>, vector<512x32xf32>
    %eq3A_424 = vector.broadcast %broadcast_in_dim3A_413 : vector<512x1xf32> to vector<512x2048xf32>
    %eq3A_425 = arith.cmpf oeq, %select_n3A_410, %eq3A_424 : vector<512x2048xf32>
    %jit3A_426 = arith.constant 1.000000e+09 : f32
    %broadcast_in_dim3A_427 = vector.broadcast %jit3A_426 : f32 to vector<512x2048xf32>
    %select_n3A_428 = arith.select %eq3A_425, %broadcast_in_dim3A_427, %select_n3A_410 : vector<512x2048xi1>, vector<512x2048xf32>
    %reduce_min3A_429 = arith.constant dense<0x7F800000> : vector<512xf32>
    %reduce_min3A_430 = vector.multi_reduction <minimumf>, %select_n3A_428, %reduce_min3A_429 [1] : vector<512x2048xf32> to vector<512xf32>
    %broadcast_in_dim3A_431 = vector.shape_cast %reduce_min3A_430 : vector<512xf32> to vector<512x1xf32>
    %lt3A_432 = arith.constant 1.000000e+09 : f32
    %lt3A_433 = vector.broadcast %lt3A_432 : f32 to vector<512x1xf32>
    %lt3A_434 = arith.cmpf olt, %broadcast_in_dim3A_431, %lt3A_433 : vector<512x1xf32>
    %select_n3A_435 = arith.select %lt3A_434, %broadcast_in_dim3A_431, %broadcast_in_dim3A_59 : vector<512x1xi1>, vector<512x1xf32>
    %eq3A_436 = arith.constant 21 : i32
    %eq3A_437 = vector.broadcast %eq3A_436 : i32 to vector<512x32xi32>
    %eq3A_438 = arith.cmpi eq, %iota3A_57, %eq3A_437 : vector<512x32xi32>
    %broadcast_in_dim3A_439 = vector.shape_cast %select_n3A_435 : vector<512x1xf32> to vector<512x1xf32>
    %broadcast_in_dim3A_440 = vector.broadcast %broadcast_in_dim3A_439 : vector<512x1xf32> to vector<512x32xf32>
    %select_n3A_441 = arith.select %eq3A_438, %broadcast_in_dim3A_440, %select_n3A_423 : vector<512x32xi1>, vector<512x32xf32>
    %eq3A_442 = vector.broadcast %broadcast_in_dim3A_431 : vector<512x1xf32> to vector<512x2048xf32>
    %eq3A_443 = arith.cmpf oeq, %select_n3A_428, %eq3A_442 : vector<512x2048xf32>
    %jit3A_444 = arith.constant 1.000000e+09 : f32
    %broadcast_in_dim3A_445 = vector.broadcast %jit3A_444 : f32 to vector<512x2048xf32>
    %select_n3A_446 = arith.select %eq3A_443, %broadcast_in_dim3A_445, %select_n3A_428 : vector<512x2048xi1>, vector<512x2048xf32>
    %reduce_min3A_447 = arith.constant dense<0x7F800000> : vector<512xf32>
    %reduce_min3A_448 = vector.multi_reduction <minimumf>, %select_n3A_446, %reduce_min3A_447 [1] : vector<512x2048xf32> to vector<512xf32>
    %broadcast_in_dim3A_449 = vector.shape_cast %reduce_min3A_448 : vector<512xf32> to vector<512x1xf32>
    %lt3A_450 = arith.constant 1.000000e+09 : f32
    %lt3A_451 = vector.broadcast %lt3A_450 : f32 to vector<512x1xf32>
    %lt3A_452 = arith.cmpf olt, %broadcast_in_dim3A_449, %lt3A_451 : vector<512x1xf32>
    %select_n3A_453 = arith.select %lt3A_452, %broadcast_in_dim3A_449, %broadcast_in_dim3A_59 : vector<512x1xi1>, vector<512x1xf32>
    %eq3A_454 = arith.constant 22 : i32
    %eq3A_455 = vector.broadcast %eq3A_454 : i32 to vector<512x32xi32>
    %eq3A_456 = arith.cmpi eq, %iota3A_57, %eq3A_455 : vector<512x32xi32>
    %broadcast_in_dim3A_457 = vector.shape_cast %select_n3A_453 : vector<512x1xf32> to vector<512x1xf32>
    %broadcast_in_dim3A_458 = vector.broadcast %broadcast_in_dim3A_457 : vector<512x1xf32> to vector<512x32xf32>
    %select_n3A_459 = arith.select %eq3A_456, %broadcast_in_dim3A_458, %select_n3A_441 : vector<512x32xi1>, vector<512x32xf32>
    %eq3A_460 = vector.broadcast %broadcast_in_dim3A_449 : vector<512x1xf32> to vector<512x2048xf32>
    %eq3A_461 = arith.cmpf oeq, %select_n3A_446, %eq3A_460 : vector<512x2048xf32>
    %jit3A_462 = arith.constant 1.000000e+09 : f32
    %broadcast_in_dim3A_463 = vector.broadcast %jit3A_462 : f32 to vector<512x2048xf32>
    %select_n3A_464 = arith.select %eq3A_461, %broadcast_in_dim3A_463, %select_n3A_446 : vector<512x2048xi1>, vector<512x2048xf32>
    %reduce_min3A_465 = arith.constant dense<0x7F800000> : vector<512xf32>
    %reduce_min3A_466 = vector.multi_reduction <minimumf>, %select_n3A_464, %reduce_min3A_465 [1] : vector<512x2048xf32> to vector<512xf32>
    %broadcast_in_dim3A_467 = vector.shape_cast %reduce_min3A_466 : vector<512xf32> to vector<512x1xf32>
    %lt3A_468 = arith.constant 1.000000e+09 : f32
    %lt3A_469 = vector.broadcast %lt3A_468 : f32 to vector<512x1xf32>
    %lt3A_470 = arith.cmpf olt, %broadcast_in_dim3A_467, %lt3A_469 : vector<512x1xf32>
    %select_n3A_471 = arith.select %lt3A_470, %broadcast_in_dim3A_467, %broadcast_in_dim3A_59 : vector<512x1xi1>, vector<512x1xf32>
    %eq3A_472 = arith.constant 23 : i32
    %eq3A_473 = vector.broadcast %eq3A_472 : i32 to vector<512x32xi32>
    %eq3A_474 = arith.cmpi eq, %iota3A_57, %eq3A_473 : vector<512x32xi32>
    %broadcast_in_dim3A_475 = vector.shape_cast %select_n3A_471 : vector<512x1xf32> to vector<512x1xf32>
    %broadcast_in_dim3A_476 = vector.broadcast %broadcast_in_dim3A_475 : vector<512x1xf32> to vector<512x32xf32>
    %select_n3A_477 = arith.select %eq3A_474, %broadcast_in_dim3A_476, %select_n3A_459 : vector<512x32xi1>, vector<512x32xf32>
    %eq3A_478 = vector.broadcast %broadcast_in_dim3A_467 : vector<512x1xf32> to vector<512x2048xf32>
    %eq3A_479 = arith.cmpf oeq, %select_n3A_464, %eq3A_478 : vector<512x2048xf32>
    %jit3A_480 = arith.constant 1.000000e+09 : f32
    %broadcast_in_dim3A_481 = vector.broadcast %jit3A_480 : f32 to vector<512x2048xf32>
    %select_n3A_482 = arith.select %eq3A_479, %broadcast_in_dim3A_481, %select_n3A_464 : vector<512x2048xi1>, vector<512x2048xf32>
    %reduce_min3A_483 = arith.constant dense<0x7F800000> : vector<512xf32>
    %reduce_min3A_484 = vector.multi_reduction <minimumf>, %select_n3A_482, %reduce_min3A_483 [1] : vector<512x2048xf32> to vector<512xf32>
    %broadcast_in_dim3A_485 = vector.shape_cast %reduce_min3A_484 : vector<512xf32> to vector<512x1xf32>
    %lt3A_486 = arith.constant 1.000000e+09 : f32
    %lt3A_487 = vector.broadcast %lt3A_486 : f32 to vector<512x1xf32>
    %lt3A_488 = arith.cmpf olt, %broadcast_in_dim3A_485, %lt3A_487 : vector<512x1xf32>
    %select_n3A_489 = arith.select %lt3A_488, %broadcast_in_dim3A_485, %broadcast_in_dim3A_59 : vector<512x1xi1>, vector<512x1xf32>
    %eq3A_490 = arith.constant 24 : i32
    %eq3A_491 = vector.broadcast %eq3A_490 : i32 to vector<512x32xi32>
    %eq3A_492 = arith.cmpi eq, %iota3A_57, %eq3A_491 : vector<512x32xi32>
    %broadcast_in_dim3A_493 = vector.shape_cast %select_n3A_489 : vector<512x1xf32> to vector<512x1xf32>
    %broadcast_in_dim3A_494 = vector.broadcast %broadcast_in_dim3A_493 : vector<512x1xf32> to vector<512x32xf32>
    %select_n3A_495 = arith.select %eq3A_492, %broadcast_in_dim3A_494, %select_n3A_477 : vector<512x32xi1>, vector<512x32xf32>
    %eq3A_496 = vector.broadcast %broadcast_in_dim3A_485 : vector<512x1xf32> to vector<512x2048xf32>
    %eq3A_497 = arith.cmpf oeq, %select_n3A_482, %eq3A_496 : vector<512x2048xf32>
    %jit3A_498 = arith.constant 1.000000e+09 : f32
    %broadcast_in_dim3A_499 = vector.broadcast %jit3A_498 : f32 to vector<512x2048xf32>
    %select_n3A_500 = arith.select %eq3A_497, %broadcast_in_dim3A_499, %select_n3A_482 : vector<512x2048xi1>, vector<512x2048xf32>
    %reduce_min3A_501 = arith.constant dense<0x7F800000> : vector<512xf32>
    %reduce_min3A_502 = vector.multi_reduction <minimumf>, %select_n3A_500, %reduce_min3A_501 [1] : vector<512x2048xf32> to vector<512xf32>
    %broadcast_in_dim3A_503 = vector.shape_cast %reduce_min3A_502 : vector<512xf32> to vector<512x1xf32>
    %lt3A_504 = arith.constant 1.000000e+09 : f32
    %lt3A_505 = vector.broadcast %lt3A_504 : f32 to vector<512x1xf32>
    %lt3A_506 = arith.cmpf olt, %broadcast_in_dim3A_503, %lt3A_505 : vector<512x1xf32>
    %select_n3A_507 = arith.select %lt3A_506, %broadcast_in_dim3A_503, %broadcast_in_dim3A_59 : vector<512x1xi1>, vector<512x1xf32>
    %eq3A_508 = arith.constant 25 : i32
    %eq3A_509 = vector.broadcast %eq3A_508 : i32 to vector<512x32xi32>
    %eq3A_510 = arith.cmpi eq, %iota3A_57, %eq3A_509 : vector<512x32xi32>
    %broadcast_in_dim3A_511 = vector.shape_cast %select_n3A_507 : vector<512x1xf32> to vector<512x1xf32>
    %broadcast_in_dim3A_512 = vector.broadcast %broadcast_in_dim3A_511 : vector<512x1xf32> to vector<512x32xf32>
    %select_n3A_513 = arith.select %eq3A_510, %broadcast_in_dim3A_512, %select_n3A_495 : vector<512x32xi1>, vector<512x32xf32>
    %eq3A_514 = vector.broadcast %broadcast_in_dim3A_503 : vector<512x1xf32> to vector<512x2048xf32>
    %eq3A_515 = arith.cmpf oeq, %select_n3A_500, %eq3A_514 : vector<512x2048xf32>
    %jit3A_516 = arith.constant 1.000000e+09 : f32
    %broadcast_in_dim3A_517 = vector.broadcast %jit3A_516 : f32 to vector<512x2048xf32>
    %select_n3A_518 = arith.select %eq3A_515, %broadcast_in_dim3A_517, %select_n3A_500 : vector<512x2048xi1>, vector<512x2048xf32>
    %reduce_min3A_519 = arith.constant dense<0x7F800000> : vector<512xf32>
    %reduce_min3A_520 = vector.multi_reduction <minimumf>, %select_n3A_518, %reduce_min3A_519 [1] : vector<512x2048xf32> to vector<512xf32>
    %broadcast_in_dim3A_521 = vector.shape_cast %reduce_min3A_520 : vector<512xf32> to vector<512x1xf32>
    %lt3A_522 = arith.constant 1.000000e+09 : f32
    %lt3A_523 = vector.broadcast %lt3A_522 : f32 to vector<512x1xf32>
    %lt3A_524 = arith.cmpf olt, %broadcast_in_dim3A_521, %lt3A_523 : vector<512x1xf32>
    %select_n3A_525 = arith.select %lt3A_524, %broadcast_in_dim3A_521, %broadcast_in_dim3A_59 : vector<512x1xi1>, vector<512x1xf32>
    %eq3A_526 = arith.constant 26 : i32
    %eq3A_527 = vector.broadcast %eq3A_526 : i32 to vector<512x32xi32>
    %eq3A_528 = arith.cmpi eq, %iota3A_57, %eq3A_527 : vector<512x32xi32>
    %broadcast_in_dim3A_529 = vector.shape_cast %select_n3A_525 : vector<512x1xf32> to vector<512x1xf32>
    %broadcast_in_dim3A_530 = vector.broadcast %broadcast_in_dim3A_529 : vector<512x1xf32> to vector<512x32xf32>
    %select_n3A_531 = arith.select %eq3A_528, %broadcast_in_dim3A_530, %select_n3A_513 : vector<512x32xi1>, vector<512x32xf32>
    %eq3A_532 = vector.broadcast %broadcast_in_dim3A_521 : vector<512x1xf32> to vector<512x2048xf32>
    %eq3A_533 = arith.cmpf oeq, %select_n3A_518, %eq3A_532 : vector<512x2048xf32>
    %jit3A_534 = arith.constant 1.000000e+09 : f32
    %broadcast_in_dim3A_535 = vector.broadcast %jit3A_534 : f32 to vector<512x2048xf32>
    %select_n3A_536 = arith.select %eq3A_533, %broadcast_in_dim3A_535, %select_n3A_518 : vector<512x2048xi1>, vector<512x2048xf32>
    %reduce_min3A_537 = arith.constant dense<0x7F800000> : vector<512xf32>
    %reduce_min3A_538 = vector.multi_reduction <minimumf>, %select_n3A_536, %reduce_min3A_537 [1] : vector<512x2048xf32> to vector<512xf32>
    %broadcast_in_dim3A_539 = vector.shape_cast %reduce_min3A_538 : vector<512xf32> to vector<512x1xf32>
    %lt3A_540 = arith.constant 1.000000e+09 : f32
    %lt3A_541 = vector.broadcast %lt3A_540 : f32 to vector<512x1xf32>
    %lt3A_542 = arith.cmpf olt, %broadcast_in_dim3A_539, %lt3A_541 : vector<512x1xf32>
    %select_n3A_543 = arith.select %lt3A_542, %broadcast_in_dim3A_539, %broadcast_in_dim3A_59 : vector<512x1xi1>, vector<512x1xf32>
    %eq3A_544 = arith.constant 27 : i32
    %eq3A_545 = vector.broadcast %eq3A_544 : i32 to vector<512x32xi32>
    %eq3A_546 = arith.cmpi eq, %iota3A_57, %eq3A_545 : vector<512x32xi32>
    %broadcast_in_dim3A_547 = vector.shape_cast %select_n3A_543 : vector<512x1xf32> to vector<512x1xf32>
    %broadcast_in_dim3A_548 = vector.broadcast %broadcast_in_dim3A_547 : vector<512x1xf32> to vector<512x32xf32>
    %select_n3A_549 = arith.select %eq3A_546, %broadcast_in_dim3A_548, %select_n3A_531 : vector<512x32xi1>, vector<512x32xf32>
    %eq3A_550 = vector.broadcast %broadcast_in_dim3A_539 : vector<512x1xf32> to vector<512x2048xf32>
    %eq3A_551 = arith.cmpf oeq, %select_n3A_536, %eq3A_550 : vector<512x2048xf32>
    %jit3A_552 = arith.constant 1.000000e+09 : f32
    %broadcast_in_dim3A_553 = vector.broadcast %jit3A_552 : f32 to vector<512x2048xf32>
    %select_n3A_554 = arith.select %eq3A_551, %broadcast_in_dim3A_553, %select_n3A_536 : vector<512x2048xi1>, vector<512x2048xf32>
    %reduce_min3A_555 = arith.constant dense<0x7F800000> : vector<512xf32>
    %reduce_min3A_556 = vector.multi_reduction <minimumf>, %select_n3A_554, %reduce_min3A_555 [1] : vector<512x2048xf32> to vector<512xf32>
    %broadcast_in_dim3A_557 = vector.shape_cast %reduce_min3A_556 : vector<512xf32> to vector<512x1xf32>
    %lt3A_558 = arith.constant 1.000000e+09 : f32
    %lt3A_559 = vector.broadcast %lt3A_558 : f32 to vector<512x1xf32>
    %lt3A_560 = arith.cmpf olt, %broadcast_in_dim3A_557, %lt3A_559 : vector<512x1xf32>
    %select_n3A_561 = arith.select %lt3A_560, %broadcast_in_dim3A_557, %broadcast_in_dim3A_59 : vector<512x1xi1>, vector<512x1xf32>
    %eq3A_562 = arith.constant 28 : i32
    %eq3A_563 = vector.broadcast %eq3A_562 : i32 to vector<512x32xi32>
    %eq3A_564 = arith.cmpi eq, %iota3A_57, %eq3A_563 : vector<512x32xi32>
    %broadcast_in_dim3A_565 = vector.shape_cast %select_n3A_561 : vector<512x1xf32> to vector<512x1xf32>
    %broadcast_in_dim3A_566 = vector.broadcast %broadcast_in_dim3A_565 : vector<512x1xf32> to vector<512x32xf32>
    %select_n3A_567 = arith.select %eq3A_564, %broadcast_in_dim3A_566, %select_n3A_549 : vector<512x32xi1>, vector<512x32xf32>
    %eq3A_568 = vector.broadcast %broadcast_in_dim3A_557 : vector<512x1xf32> to vector<512x2048xf32>
    %eq3A_569 = arith.cmpf oeq, %select_n3A_554, %eq3A_568 : vector<512x2048xf32>
    %jit3A_570 = arith.constant 1.000000e+09 : f32
    %broadcast_in_dim3A_571 = vector.broadcast %jit3A_570 : f32 to vector<512x2048xf32>
    %select_n3A_572 = arith.select %eq3A_569, %broadcast_in_dim3A_571, %select_n3A_554 : vector<512x2048xi1>, vector<512x2048xf32>
    %reduce_min3A_573 = arith.constant dense<0x7F800000> : vector<512xf32>
    %reduce_min3A_574 = vector.multi_reduction <minimumf>, %select_n3A_572, %reduce_min3A_573 [1] : vector<512x2048xf32> to vector<512xf32>
    %broadcast_in_dim3A_575 = vector.shape_cast %reduce_min3A_574 : vector<512xf32> to vector<512x1xf32>
    %lt3A_576 = arith.constant 1.000000e+09 : f32
    %lt3A_577 = vector.broadcast %lt3A_576 : f32 to vector<512x1xf32>
    %lt3A_578 = arith.cmpf olt, %broadcast_in_dim3A_575, %lt3A_577 : vector<512x1xf32>
    %select_n3A_579 = arith.select %lt3A_578, %broadcast_in_dim3A_575, %broadcast_in_dim3A_59 : vector<512x1xi1>, vector<512x1xf32>
    %eq3A_580 = arith.constant 29 : i32
    %eq3A_581 = vector.broadcast %eq3A_580 : i32 to vector<512x32xi32>
    %eq3A_582 = arith.cmpi eq, %iota3A_57, %eq3A_581 : vector<512x32xi32>
    %broadcast_in_dim3A_583 = vector.shape_cast %select_n3A_579 : vector<512x1xf32> to vector<512x1xf32>
    %broadcast_in_dim3A_584 = vector.broadcast %broadcast_in_dim3A_583 : vector<512x1xf32> to vector<512x32xf32>
    %select_n3A_585 = arith.select %eq3A_582, %broadcast_in_dim3A_584, %select_n3A_567 : vector<512x32xi1>, vector<512x32xf32>
    %eq3A_586 = vector.broadcast %broadcast_in_dim3A_575 : vector<512x1xf32> to vector<512x2048xf32>
    %eq3A_587 = arith.cmpf oeq, %select_n3A_572, %eq3A_586 : vector<512x2048xf32>
    %jit3A_588 = arith.constant 1.000000e+09 : f32
    %broadcast_in_dim3A_589 = vector.broadcast %jit3A_588 : f32 to vector<512x2048xf32>
    %select_n3A_590 = arith.select %eq3A_587, %broadcast_in_dim3A_589, %select_n3A_572 : vector<512x2048xi1>, vector<512x2048xf32>
    %reduce_min3A_591 = arith.constant dense<0x7F800000> : vector<512xf32>
    %reduce_min3A_592 = vector.multi_reduction <minimumf>, %select_n3A_590, %reduce_min3A_591 [1] : vector<512x2048xf32> to vector<512xf32>
    %broadcast_in_dim3A_593 = vector.shape_cast %reduce_min3A_592 : vector<512xf32> to vector<512x1xf32>
    %lt3A_594 = arith.constant 1.000000e+09 : f32
    %lt3A_595 = vector.broadcast %lt3A_594 : f32 to vector<512x1xf32>
    %lt3A_596 = arith.cmpf olt, %broadcast_in_dim3A_593, %lt3A_595 : vector<512x1xf32>
    %select_n3A_597 = arith.select %lt3A_596, %broadcast_in_dim3A_593, %broadcast_in_dim3A_59 : vector<512x1xi1>, vector<512x1xf32>
    %eq3A_598 = arith.constant 30 : i32
    %eq3A_599 = vector.broadcast %eq3A_598 : i32 to vector<512x32xi32>
    %eq3A_600 = arith.cmpi eq, %iota3A_57, %eq3A_599 : vector<512x32xi32>
    %broadcast_in_dim3A_601 = vector.shape_cast %select_n3A_597 : vector<512x1xf32> to vector<512x1xf32>
    %broadcast_in_dim3A_602 = vector.broadcast %broadcast_in_dim3A_601 : vector<512x1xf32> to vector<512x32xf32>
    %select_n3A_603 = arith.select %eq3A_600, %broadcast_in_dim3A_602, %select_n3A_585 : vector<512x32xi1>, vector<512x32xf32>
    %eq3A_604 = vector.broadcast %broadcast_in_dim3A_593 : vector<512x1xf32> to vector<512x2048xf32>
    %eq3A_605 = arith.cmpf oeq, %select_n3A_590, %eq3A_604 : vector<512x2048xf32>
    %jit3A_606 = arith.constant 1.000000e+09 : f32
    %broadcast_in_dim3A_607 = vector.broadcast %jit3A_606 : f32 to vector<512x2048xf32>
    %select_n3A_608 = arith.select %eq3A_605, %broadcast_in_dim3A_607, %select_n3A_590 : vector<512x2048xi1>, vector<512x2048xf32>
    %reduce_min3A_609 = arith.constant dense<0x7F800000> : vector<512xf32>
    %reduce_min3A_610 = vector.multi_reduction <minimumf>, %select_n3A_608, %reduce_min3A_609 [1] : vector<512x2048xf32> to vector<512xf32>
    %broadcast_in_dim3A_611 = vector.shape_cast %reduce_min3A_610 : vector<512xf32> to vector<512x1xf32>
    %lt3A_612 = arith.constant 1.000000e+09 : f32
    %lt3A_613 = vector.broadcast %lt3A_612 : f32 to vector<512x1xf32>
    %lt3A_614 = arith.cmpf olt, %broadcast_in_dim3A_611, %lt3A_613 : vector<512x1xf32>
    %select_n3A_615 = arith.select %lt3A_614, %broadcast_in_dim3A_611, %broadcast_in_dim3A_59 : vector<512x1xi1>, vector<512x1xf32>
    %eq3A_616 = arith.constant 31 : i32
    %eq3A_617 = vector.broadcast %eq3A_616 : i32 to vector<512x32xi32>
    %eq3A_618 = arith.cmpi eq, %iota3A_57, %eq3A_617 : vector<512x32xi32>
    %broadcast_in_dim3A_619 = vector.shape_cast %select_n3A_615 : vector<512x1xf32> to vector<512x1xf32>
    %broadcast_in_dim3A_620 = vector.broadcast %broadcast_in_dim3A_619 : vector<512x1xf32> to vector<512x32xf32>
    %select_n3A_621 = arith.select %eq3A_618, %broadcast_in_dim3A_620, %select_n3A_603 : vector<512x32xi1>, vector<512x32xf32>
    %convert_element_type3A_622 = arith.fptosi %select_n3A_621 : vector<512x32xf32> to vector<512x32xi32>
    %broadcast_in_dim3A_623 = vector.shape_cast %convert_element_type3A_622 : vector<512x32xi32> to vector<1x512x32xi32>
    %swap3A = arith.constant 0 : index
    %swap3A_624 = arith.constant 0 : index
    %swap3A_625 = arith.constant 0 : index
    %swap3A_626 = vector.load %arg7[%swap3A, %swap3A_624, %swap3A_625] : memref<1x512x32xi32, #tpu.memory_space<vmem>>, vector<1x512x32xi32>
    tpu.vector_store %arg7[%swap3A, %swap3A_624, %swap3A_625], %broadcast_in_dim3A_623 {strides = array<i32>} : memref<1x512x32xi32, #tpu.memory_space<vmem>>, vector<1x512x32xi32>,
    return
  }
  func.func @transform_0(%arg0: i32) -> (i32, i32, i32) {
    %c0_i32 = arith.constant 0 : i32
    %c0_i32_0 = arith.constant 0 : i32
    %c0_i32_1 = arith.constant 0 : i32
    return %arg0, %c0_i32, %c0_i32_0 : i32, i32, i32
  }
  func.func @transform_1(%arg0: i32) -> (i32, i32, i32) {
    %c0_i32 = arith.constant 0 : i32
    %c0_i32_0 = arith.constant 0 : i32
    %c0_i32_1 = arith.constant 0 : i32
    return %arg0, %c0_i32, %c0_i32_0 : i32, i32, i32
  }
  func.func @transform_2(%arg0: i32) -> (i32, i32, i32) {
    %c0_i32 = arith.constant 0 : i32
    %c0_i32_0 = arith.constant 0 : i32
    %c0_i32_1 = arith.constant 0 : i32
    return %arg0, %c0_i32, %c0_i32_0 : i32, i32, i32
  }
  func.func @transform_3(%arg0: i32) -> (i32, i32, i32) {
    %c0_i32 = arith.constant 0 : i32
    %c0_i32_0 = arith.constant 0 : i32
    %c0_i32_1 = arith.constant 0 : i32
    return %arg0, %c0_i32, %c0_i32_0 : i32, i32, i32
  }
  func.func @transform_4(%arg0: i32) -> (i32, i32, i32) {
    %c0_i32 = arith.constant 0 : i32
    %c0_i32_0 = arith.constant 0 : i32
    %c0_i32_1 = arith.constant 0 : i32
    return %arg0, %c0_i32, %c0_i32_0 : i32, i32, i32
  }
  func.func @transform_5(%arg0: i32) -> (i32, i32, i32) {
    %c0_i32 = arith.constant 0 : i32
    %c0_i32_0 = arith.constant 0 : i32
    %c0_i32_1 = arith.constant 0 : i32
    return %arg0, %c0_i32, %c0_i32_0 : i32, i32, i32
  }
  func.func @transform_6(%arg0: i32) -> (i32, i32, i32) {
    %c0_i32 = arith.constant 0 : i32
    %c0_i32_0 = arith.constant 0 : i32
    %c0_i32_1 = arith.constant 0 : i32
    return %arg0, %c0_i32, %c0_i32_0 : i32, i32, i32
  }
}

module attributes {stable_mosaic.version = 14 : i64} {
  func.func @_fps_body(%arg0: memref<16x512xf32, #tpu.memory_space<vmem>>, %arg1: memref<16x512xf32, #tpu.memory_space<vmem>>, %arg2: memref<16x512xf32, #tpu.memory_space<vmem>>, %arg3: memref<16x128xf32, #tpu.memory_space<vmem>>, %arg4: memref<16x128xf32, #tpu.memory_space<vmem>>, %arg5: memref<16x128xf32, #tpu.memory_space<vmem>>) attributes {dimension_semantics = [], scalar_prefetch = 0 : i64, scratch_operands = 0 : i64, tpu.core_type = #tpu.core_type<tc>} {
    %get3A = arith.constant 0 : index
    %get3A_0 = arith.constant 0 : index
    %get3A_1 = vector.load %arg0[%get3A, %get3A_0] : memref<16x512xf32, #tpu.memory_space<vmem>>, vector<16x512xf32>
    %get3A_2 = arith.constant 0 : index
    %get3A_3 = arith.constant 0 : index
    %get3A_4 = vector.load %arg1[%get3A_2, %get3A_3] : memref<16x512xf32, #tpu.memory_space<vmem>>, vector<16x512xf32>
    %get3A_5 = arith.constant 0 : index
    %get3A_6 = arith.constant 0 : index
    %get3A_7 = vector.load %arg2[%get3A_5, %get3A_6] : memref<16x512xf32, #tpu.memory_space<vmem>>, vector<16x512xf32>
    %iota3A = tpu.iota {dimensions = array<i32: 1>} : vector<16x512xi32>
    %iota3A_8 = tpu.iota {dimensions = array<i32: 1>} : vector<16x128xi32>
    %broadcast_in_dim3A = arith.constant 1.000000e+10 : f32
    %broadcast_in_dim3A_9 = vector.broadcast %broadcast_in_dim3A : f32 to vector<16x512xf32>
    %broadcast_in_dim3A_10 = arith.constant 0 : i32
    %broadcast_in_dim3A_11 = vector.broadcast %broadcast_in_dim3A_10 : i32 to vector<16x1xi32>
    %broadcast_in_dim3A_12 = arith.constant 0.000000e+00 : f32
    %broadcast_in_dim3A_13 = vector.broadcast %broadcast_in_dim3A_12 : f32 to vector<16x128xf32>
    %broadcast_in_dim3A_14 = arith.constant 0.000000e+00 : f32
    %broadcast_in_dim3A_15 = vector.broadcast %broadcast_in_dim3A_14 : f32 to vector<16x128xf32>
    %broadcast_in_dim3A_16 = arith.constant 0.000000e+00 : f32
    %broadcast_in_dim3A_17 = vector.broadcast %broadcast_in_dim3A_16 : f32 to vector<16x128xf32>
    %scan3A = arith.constant 0 : i32
    %scan3A_18 = arith.constant 128 : i32
    %scan3A_19 = arith.addi %scan3A, %scan3A_18 : i32
    %scan3A_20 = arith.constant 1 : i32
    %scan3A_21:5 = scf.for %scan3A_31 = %scan3A to %scan3A_19 step %scan3A_20 iter_args(%scan3A_32 = %broadcast_in_dim3A_9, %scan3A_33 = %broadcast_in_dim3A_11, %scan3A_34 = %broadcast_in_dim3A_13, %scan3A_35 = %broadcast_in_dim3A_15, %scan3A_36 = %broadcast_in_dim3A_17) -> (vector<16x512xf32>, vector<16x1xi32>, vector<16x128xf32>, vector<16x128xf32>, vector<16x128xf32>)  : i32 {
      %eq3A = vector.broadcast %scan3A_33 : vector<16x1xi32> to vector<16x512xi32>
      %eq3A_37 = arith.cmpi eq, %iota3A, %eq3A : vector<16x512xi32>
      %jit3A = arith.constant 0.000000e+00 : f32
      %broadcast_in_dim3A_38 = vector.broadcast %jit3A : f32 to vector<16x512xf32>
      %select_n3A = arith.select %eq3A_37, %get3A_1, %broadcast_in_dim3A_38 : vector<16x512xi1>, vector<16x512xf32>
      %reduce_sum3A = arith.constant dense<0.000000e+00> : vector<16xf32>
      %reduce_sum3A_39 = vector.multi_reduction <add>, %select_n3A, %reduce_sum3A [1] : vector<16x512xf32> to vector<16xf32>
      %broadcast_in_dim3A_40 = vector.shape_cast %reduce_sum3A_39 : vector<16xf32> to vector<16x1xf32>
      %jit3A_41 = arith.constant 0.000000e+00 : f32
      %broadcast_in_dim3A_42 = vector.broadcast %jit3A_41 : f32 to vector<16x512xf32>
      %select_n3A_43 = arith.select %eq3A_37, %get3A_4, %broadcast_in_dim3A_42 : vector<16x512xi1>, vector<16x512xf32>
      %reduce_sum3A_44 = arith.constant dense<0.000000e+00> : vector<16xf32>
      %reduce_sum3A_45 = vector.multi_reduction <add>, %select_n3A_43, %reduce_sum3A_44 [1] : vector<16x512xf32> to vector<16xf32>
      %broadcast_in_dim3A_46 = vector.shape_cast %reduce_sum3A_45 : vector<16xf32> to vector<16x1xf32>
      %jit3A_47 = arith.constant 0.000000e+00 : f32
      %broadcast_in_dim3A_48 = vector.broadcast %jit3A_47 : f32 to vector<16x512xf32>
      %select_n3A_49 = arith.select %eq3A_37, %get3A_7, %broadcast_in_dim3A_48 : vector<16x512xi1>, vector<16x512xf32>
      %reduce_sum3A_50 = arith.constant dense<0.000000e+00> : vector<16xf32>
      %reduce_sum3A_51 = vector.multi_reduction <add>, %select_n3A_49, %reduce_sum3A_50 [1] : vector<16x512xf32> to vector<16xf32>
      %broadcast_in_dim3A_52 = vector.shape_cast %reduce_sum3A_51 : vector<16xf32> to vector<16x1xf32>
      %eq3A_53 = vector.broadcast %scan3A_31 : i32 to vector<16x128xi32>
      %eq3A_54 = arith.cmpi eq, %iota3A_8, %eq3A_53 : vector<16x128xi32>
      %broadcast_in_dim3A_55 = vector.shape_cast %broadcast_in_dim3A_40 : vector<16x1xf32> to vector<16x1xf32>
      %broadcast_in_dim3A_56 = vector.broadcast %broadcast_in_dim3A_55 : vector<16x1xf32> to vector<16x128xf32>
      %select_n3A_57 = arith.select %eq3A_54, %broadcast_in_dim3A_56, %scan3A_34 : vector<16x128xi1>, vector<16x128xf32>
      %eq3A_58 = vector.broadcast %scan3A_31 : i32 to vector<16x128xi32>
      %eq3A_59 = arith.cmpi eq, %iota3A_8, %eq3A_58 : vector<16x128xi32>
      %broadcast_in_dim3A_60 = vector.shape_cast %broadcast_in_dim3A_46 : vector<16x1xf32> to vector<16x1xf32>
      %broadcast_in_dim3A_61 = vector.broadcast %broadcast_in_dim3A_60 : vector<16x1xf32> to vector<16x128xf32>
      %select_n3A_62 = arith.select %eq3A_59, %broadcast_in_dim3A_61, %scan3A_35 : vector<16x128xi1>, vector<16x128xf32>
      %eq3A_63 = vector.broadcast %scan3A_31 : i32 to vector<16x128xi32>
      %eq3A_64 = arith.cmpi eq, %iota3A_8, %eq3A_63 : vector<16x128xi32>
      %broadcast_in_dim3A_65 = vector.shape_cast %broadcast_in_dim3A_52 : vector<16x1xf32> to vector<16x1xf32>
      %broadcast_in_dim3A_66 = vector.broadcast %broadcast_in_dim3A_65 : vector<16x1xf32> to vector<16x128xf32>
      %select_n3A_67 = arith.select %eq3A_64, %broadcast_in_dim3A_66, %scan3A_36 : vector<16x128xi1>, vector<16x128xf32>
      %sub3A = vector.broadcast %broadcast_in_dim3A_40 : vector<16x1xf32> to vector<16x512xf32>
      %sub3A_68 = arith.subf %get3A_1, %sub3A : vector<16x512xf32>
      %sub3A_69 = vector.broadcast %broadcast_in_dim3A_46 : vector<16x1xf32> to vector<16x512xf32>
      %sub3A_70 = arith.subf %get3A_4, %sub3A_69 : vector<16x512xf32>
      %sub3A_71 = vector.broadcast %broadcast_in_dim3A_52 : vector<16x1xf32> to vector<16x512xf32>
      %sub3A_72 = arith.subf %get3A_7, %sub3A_71 : vector<16x512xf32>
      %mul3A = arith.mulf %sub3A_68, %sub3A_68 : vector<16x512xf32>
      %mul3A_73 = arith.mulf %sub3A_70, %sub3A_70 : vector<16x512xf32>
      %add3A = arith.addf %mul3A, %mul3A_73 : vector<16x512xf32>
      %mul3A_74 = arith.mulf %sub3A_72, %sub3A_72 : vector<16x512xf32>
      %add3A_75 = arith.addf %add3A, %mul3A_74 : vector<16x512xf32>
      %min3A = arith.minimumf %scan3A_32, %add3A_75 : vector<16x512xf32>
      %reduce_max3A = arith.constant dense<0xFF800000> : vector<16xf32>
      %reduce_max3A_76 = vector.multi_reduction <maximumf>, %min3A, %reduce_max3A [1] : vector<16x512xf32> to vector<16xf32>
      %broadcast_in_dim3A_77 = vector.shape_cast %reduce_max3A_76 : vector<16xf32> to vector<16x1xf32>
      %eq3A_78 = vector.broadcast %broadcast_in_dim3A_77 : vector<16x1xf32> to vector<16x512xf32>
      %eq3A_79 = arith.cmpf oeq, %min3A, %eq3A_78 : vector<16x512xf32>
      %jit3A_80 = arith.constant 512 : i32
      %broadcast_in_dim3A_81 = vector.broadcast %jit3A_80 : i32 to vector<16x512xi32>
      %select_n3A_82 = arith.select %eq3A_79, %iota3A, %broadcast_in_dim3A_81 : vector<16x512xi1>, vector<16x512xi32>
      %reduce_min3A = arith.constant dense<2147483647> : vector<16xi32>
      %reduce_min3A_83 = vector.multi_reduction <minsi>, %select_n3A_82, %reduce_min3A [1] : vector<16x512xi32> to vector<16xi32>
      %broadcast_in_dim3A_84 = vector.shape_cast %reduce_min3A_83 : vector<16xi32> to vector<16x1xi32>
      scf.yield %min3A, %broadcast_in_dim3A_84, %select_n3A_57, %select_n3A_62, %select_n3A_67 : vector<16x512xf32>, vector<16x1xi32>, vector<16x128xf32>, vector<16x128xf32>, vector<16x128xf32>
    }
    %scan3A_22 = arith.constant 128 : i32
    %swap3A = arith.constant 0 : index
    %swap3A_23 = arith.constant 0 : index
    %swap3A_24 = vector.load %arg3[%swap3A, %swap3A_23] : memref<16x128xf32, #tpu.memory_space<vmem>>, vector<16x128xf32>
    tpu.vector_store %arg3[%swap3A, %swap3A_23], %scan3A_21#2 {strides = array<i32>} : memref<16x128xf32, #tpu.memory_space<vmem>>, vector<16x128xf32>,
    %swap3A_25 = arith.constant 0 : index
    %swap3A_26 = arith.constant 0 : index
    %swap3A_27 = vector.load %arg4[%swap3A_25, %swap3A_26] : memref<16x128xf32, #tpu.memory_space<vmem>>, vector<16x128xf32>
    tpu.vector_store %arg4[%swap3A_25, %swap3A_26], %scan3A_21#3 {strides = array<i32>} : memref<16x128xf32, #tpu.memory_space<vmem>>, vector<16x128xf32>,
    %swap3A_28 = arith.constant 0 : index
    %swap3A_29 = arith.constant 0 : index
    %swap3A_30 = vector.load %arg5[%swap3A_28, %swap3A_29] : memref<16x128xf32, #tpu.memory_space<vmem>>, vector<16x128xf32>
    tpu.vector_store %arg5[%swap3A_28, %swap3A_29], %scan3A_21#4 {strides = array<i32>} : memref<16x128xf32, #tpu.memory_space<vmem>>, vector<16x128xf32>,
    return
  }
}

module attributes {stable_mosaic.version = 14 : i64} {
  func.func @_ballq_body(%arg0: i32, %arg1: memref<1x1x512xf32, #tpu.memory_space<vmem>>, %arg2: memref<1x1x512xf32, #tpu.memory_space<vmem>>, %arg3: memref<1x1x512xf32, #tpu.memory_space<vmem>>, %arg4: memref<1x128x1xf32, #tpu.memory_space<vmem>>, %arg5: memref<1x128x1xf32, #tpu.memory_space<vmem>>, %arg6: memref<1x128x1xf32, #tpu.memory_space<vmem>>, %arg7: memref<1x128x64xi32, #tpu.memory_space<vmem>>) attributes {dimension_semantics = [#tpu.dimension_semantics<arbitrary>], iteration_bounds = array<i64: 16>, scalar_prefetch = 0 : i64, scratch_operands = 0 : i64, tpu.core_type = #tpu.core_type<tc>, window_params = [{transform_indices = @transform_0, window_bounds = array<i64: 1, 1, 512>}, {transform_indices = @transform_1, window_bounds = array<i64: 1, 1, 512>}, {transform_indices = @transform_2, window_bounds = array<i64: 1, 1, 512>}, {transform_indices = @transform_3, window_bounds = array<i64: 1, 128, 1>}, {transform_indices = @transform_4, window_bounds = array<i64: 1, 128, 1>}, {transform_indices = @transform_5, window_bounds = array<i64: 1, 128, 1>}, {transform_indices = @transform_6, window_bounds = array<i64: 1, 128, 64>}]} {
    %get3A = arith.constant 0 : index
    %get3A_0 = arith.constant 0 : index
    %get3A_1 = arith.constant 0 : index
    %get3A_2 = vector.load %arg1[%get3A, %get3A_0, %get3A_1] : memref<1x1x512xf32, #tpu.memory_space<vmem>>, vector<1x1x512xf32>
    %get3A_3 = vector.shape_cast %get3A_2 : vector<1x1x512xf32> to vector<1x512xf32>
    %get3A_4 = arith.constant 0 : index
    %get3A_5 = arith.constant 0 : index
    %get3A_6 = arith.constant 0 : index
    %get3A_7 = vector.load %arg2[%get3A_4, %get3A_5, %get3A_6] : memref<1x1x512xf32, #tpu.memory_space<vmem>>, vector<1x1x512xf32>
    %get3A_8 = vector.shape_cast %get3A_7 : vector<1x1x512xf32> to vector<1x512xf32>
    %get3A_9 = arith.constant 0 : index
    %get3A_10 = arith.constant 0 : index
    %get3A_11 = arith.constant 0 : index
    %get3A_12 = vector.load %arg3[%get3A_9, %get3A_10, %get3A_11] : memref<1x1x512xf32, #tpu.memory_space<vmem>>, vector<1x1x512xf32>
    %get3A_13 = vector.shape_cast %get3A_12 : vector<1x1x512xf32> to vector<1x512xf32>
    %get3A_14 = arith.constant 0 : index
    %get3A_15 = arith.constant 0 : index
    %get3A_16 = arith.constant 0 : index
    %get3A_17 = vector.load %arg4[%get3A_14, %get3A_15, %get3A_16] : memref<1x128x1xf32, #tpu.memory_space<vmem>>, vector<1x128x1xf32>
    %get3A_18 = vector.shape_cast %get3A_17 : vector<1x128x1xf32> to vector<128x1xf32>
    %get3A_19 = arith.constant 0 : index
    %get3A_20 = arith.constant 0 : index
    %get3A_21 = arith.constant 0 : index
    %get3A_22 = vector.load %arg5[%get3A_19, %get3A_20, %get3A_21] : memref<1x128x1xf32, #tpu.memory_space<vmem>>, vector<1x128x1xf32>
    %get3A_23 = vector.shape_cast %get3A_22 : vector<1x128x1xf32> to vector<128x1xf32>
    %get3A_24 = arith.constant 0 : index
    %get3A_25 = arith.constant 0 : index
    %get3A_26 = arith.constant 0 : index
    %get3A_27 = vector.load %arg6[%get3A_24, %get3A_25, %get3A_26] : memref<1x128x1xf32, #tpu.memory_space<vmem>>, vector<1x128x1xf32>
    %get3A_28 = vector.shape_cast %get3A_27 : vector<1x128x1xf32> to vector<128x1xf32>
    %broadcast_in_dim3A = arith.constant 0.000000e+00 : f32
    %broadcast_in_dim3A_29 = vector.broadcast %broadcast_in_dim3A : f32 to vector<128x5xf32>
    %concatenate3A = tpu.concatenate %get3A_18, %get3A_23, %get3A_28, %broadcast_in_dim3A_29 in 1 : vector<128x1xf32>, vector<128x1xf32>, vector<128x1xf32>, vector<128x5xf32> -> vector<128x8xf32>
    %broadcast_in_dim3A_30 = arith.constant 0.000000e+00 : f32
    %broadcast_in_dim3A_31 = vector.broadcast %broadcast_in_dim3A_30 : f32 to vector<5x512xf32>
    %concatenate3A_32 = tpu.concatenate %get3A_3, %get3A_8, %get3A_13, %broadcast_in_dim3A_31 in 0 : vector<1x512xf32>, vector<1x512xf32>, vector<1x512xf32>, vector<5x512xf32> -> vector<8x512xf32>
    %dot_general3A = arith.constant dense<0.000000e+00> : vector<128x512xf32>
    %dot_general3A_33 = tpu.matmul %concatenate3A, %concatenate3A_32, %dot_general3A {dimension_numbers = #tpu.dot_dimension_numbers<[1], [0], [0], [1], [0, 0, 1, 1], [], []>, transpose_lhs_hint = false} : vector<128x8xf32>, vector<8x512xf32>, vector<128x512xf32> -> vector<128x512xf32>
    %mul3A = arith.mulf %get3A_18, %get3A_18 : vector<128x1xf32>
    %mul3A_34 = arith.mulf %get3A_23, %get3A_23 : vector<128x1xf32>
    %add3A = arith.addf %mul3A, %mul3A_34 : vector<128x1xf32>
    %mul3A_35 = arith.mulf %get3A_28, %get3A_28 : vector<128x1xf32>
    %add3A_36 = arith.addf %add3A, %mul3A_35 : vector<128x1xf32>
    %mul3A_37 = arith.mulf %get3A_3, %get3A_3 : vector<1x512xf32>
    %mul3A_38 = arith.mulf %get3A_8, %get3A_8 : vector<1x512xf32>
    %add3A_39 = arith.addf %mul3A_37, %mul3A_38 : vector<1x512xf32>
    %mul3A_40 = arith.mulf %get3A_13, %get3A_13 : vector<1x512xf32>
    %add3A_41 = arith.addf %add3A_39, %mul3A_40 : vector<1x512xf32>
    %add3A_42 = vector.broadcast %add3A_36 : vector<128x1xf32> to vector<128x512xf32>
    %add3A_43 = vector.broadcast %add3A_41 : vector<1x512xf32> to vector<128x512xf32>
    %add3A_44 = arith.addf %add3A_42, %add3A_43 : vector<128x512xf32>
    %mul3A_45 = arith.constant 2.000000e+00 : f32
    %mul3A_46 = vector.broadcast %mul3A_45 : f32 to vector<128x512xf32>
    %mul3A_47 = arith.mulf %mul3A_46, %dot_general3A_33 : vector<128x512xf32>
    %sub3A = arith.subf %add3A_44, %mul3A_47 : vector<128x512xf32>
    %iota3A = tpu.iota {dimensions = array<i32: 1>} : vector<128x512xi32>
    %mul3A_48 = arith.constant 512 : i32
    %mul3A_49 = arith.muli %arg0, %mul3A_48 : i32
    %add3A_50 = vector.broadcast %mul3A_49 : i32 to vector<128x512xi32>
    %add3A_51 = arith.addi %iota3A, %add3A_50 : vector<128x512xi32>
    %le3A = arith.constant 1.600000e-01 : f32
    %le3A_52 = vector.broadcast %le3A : f32 to vector<128x512xf32>
    %le3A_53 = arith.cmpf ole, %sub3A, %le3A_52 : vector<128x512xf32>
    %convert_element_type3A = arith.sitofp %add3A_51 : vector<128x512xi32> to vector<128x512xf32>
    %jit3A = arith.constant 1.000000e+09 : f32
    %broadcast_in_dim3A_54 = vector.broadcast %jit3A : f32 to vector<128x512xf32>
    %select_n3A = arith.select %le3A_53, %convert_element_type3A, %broadcast_in_dim3A_54 : vector<128x512xi1>, vector<128x512xf32>
    %broadcast_in_dim3A_55 = arith.constant 0.000000e+00 : f32
    %broadcast_in_dim3A_56 = vector.broadcast %broadcast_in_dim3A_55 : f32 to vector<128x64xf32>
    %iota3A_57 = tpu.iota {dimensions = array<i32: 1>} : vector<128x64xi32>
    %reduce_min3A = arith.constant dense<0x7F800000> : vector<128xf32>
    %reduce_min3A_58 = vector.multi_reduction <minimumf>, %select_n3A, %reduce_min3A [1] : vector<128x512xf32> to vector<128xf32>
    %broadcast_in_dim3A_59 = vector.shape_cast %reduce_min3A_58 : vector<128xf32> to vector<128x1xf32>
    %eq3A = arith.constant 0 : i32
    %eq3A_60 = vector.broadcast %eq3A : i32 to vector<128x64xi32>
    %eq3A_61 = arith.cmpi eq, %iota3A_57, %eq3A_60 : vector<128x64xi32>
    %broadcast_in_dim3A_62 = vector.shape_cast %broadcast_in_dim3A_59 : vector<128x1xf32> to vector<128x1xf32>
    %broadcast_in_dim3A_63 = vector.broadcast %broadcast_in_dim3A_62 : vector<128x1xf32> to vector<128x64xf32>
    %select_n3A_64 = arith.select %eq3A_61, %broadcast_in_dim3A_63, %broadcast_in_dim3A_56 : vector<128x64xi1>, vector<128x64xf32>
    %eq3A_65 = vector.broadcast %broadcast_in_dim3A_59 : vector<128x1xf32> to vector<128x512xf32>
    %eq3A_66 = arith.cmpf oeq, %select_n3A, %eq3A_65 : vector<128x512xf32>
    %jit3A_67 = arith.constant 1.000000e+09 : f32
    %broadcast_in_dim3A_68 = vector.broadcast %jit3A_67 : f32 to vector<128x512xf32>
    %select_n3A_69 = arith.select %eq3A_66, %broadcast_in_dim3A_68, %select_n3A : vector<128x512xi1>, vector<128x512xf32>
    %reduce_min3A_70 = arith.constant dense<0x7F800000> : vector<128xf32>
    %reduce_min3A_71 = vector.multi_reduction <minimumf>, %select_n3A_69, %reduce_min3A_70 [1] : vector<128x512xf32> to vector<128xf32>
    %broadcast_in_dim3A_72 = vector.shape_cast %reduce_min3A_71 : vector<128xf32> to vector<128x1xf32>
    %lt3A = arith.constant 1.000000e+09 : f32
    %lt3A_73 = vector.broadcast %lt3A : f32 to vector<128x1xf32>
    %lt3A_74 = arith.cmpf olt, %broadcast_in_dim3A_72, %lt3A_73 : vector<128x1xf32>
    %select_n3A_75 = arith.select %lt3A_74, %broadcast_in_dim3A_72, %broadcast_in_dim3A_59 : vector<128x1xi1>, vector<128x1xf32>
    %eq3A_76 = arith.constant 1 : i32
    %eq3A_77 = vector.broadcast %eq3A_76 : i32 to vector<128x64xi32>
    %eq3A_78 = arith.cmpi eq, %iota3A_57, %eq3A_77 : vector<128x64xi32>
    %broadcast_in_dim3A_79 = vector.shape_cast %select_n3A_75 : vector<128x1xf32> to vector<128x1xf32>
    %broadcast_in_dim3A_80 = vector.broadcast %broadcast_in_dim3A_79 : vector<128x1xf32> to vector<128x64xf32>
    %select_n3A_81 = arith.select %eq3A_78, %broadcast_in_dim3A_80, %select_n3A_64 : vector<128x64xi1>, vector<128x64xf32>
    %eq3A_82 = vector.broadcast %broadcast_in_dim3A_72 : vector<128x1xf32> to vector<128x512xf32>
    %eq3A_83 = arith.cmpf oeq, %select_n3A_69, %eq3A_82 : vector<128x512xf32>
    %jit3A_84 = arith.constant 1.000000e+09 : f32
    %broadcast_in_dim3A_85 = vector.broadcast %jit3A_84 : f32 to vector<128x512xf32>
    %select_n3A_86 = arith.select %eq3A_83, %broadcast_in_dim3A_85, %select_n3A_69 : vector<128x512xi1>, vector<128x512xf32>
    %reduce_min3A_87 = arith.constant dense<0x7F800000> : vector<128xf32>
    %reduce_min3A_88 = vector.multi_reduction <minimumf>, %select_n3A_86, %reduce_min3A_87 [1] : vector<128x512xf32> to vector<128xf32>
    %broadcast_in_dim3A_89 = vector.shape_cast %reduce_min3A_88 : vector<128xf32> to vector<128x1xf32>
    %lt3A_90 = arith.constant 1.000000e+09 : f32
    %lt3A_91 = vector.broadcast %lt3A_90 : f32 to vector<128x1xf32>
    %lt3A_92 = arith.cmpf olt, %broadcast_in_dim3A_89, %lt3A_91 : vector<128x1xf32>
    %select_n3A_93 = arith.select %lt3A_92, %broadcast_in_dim3A_89, %broadcast_in_dim3A_59 : vector<128x1xi1>, vector<128x1xf32>
    %eq3A_94 = arith.constant 2 : i32
    %eq3A_95 = vector.broadcast %eq3A_94 : i32 to vector<128x64xi32>
    %eq3A_96 = arith.cmpi eq, %iota3A_57, %eq3A_95 : vector<128x64xi32>
    %broadcast_in_dim3A_97 = vector.shape_cast %select_n3A_93 : vector<128x1xf32> to vector<128x1xf32>
    %broadcast_in_dim3A_98 = vector.broadcast %broadcast_in_dim3A_97 : vector<128x1xf32> to vector<128x64xf32>
    %select_n3A_99 = arith.select %eq3A_96, %broadcast_in_dim3A_98, %select_n3A_81 : vector<128x64xi1>, vector<128x64xf32>
    %eq3A_100 = vector.broadcast %broadcast_in_dim3A_89 : vector<128x1xf32> to vector<128x512xf32>
    %eq3A_101 = arith.cmpf oeq, %select_n3A_86, %eq3A_100 : vector<128x512xf32>
    %jit3A_102 = arith.constant 1.000000e+09 : f32
    %broadcast_in_dim3A_103 = vector.broadcast %jit3A_102 : f32 to vector<128x512xf32>
    %select_n3A_104 = arith.select %eq3A_101, %broadcast_in_dim3A_103, %select_n3A_86 : vector<128x512xi1>, vector<128x512xf32>
    %reduce_min3A_105 = arith.constant dense<0x7F800000> : vector<128xf32>
    %reduce_min3A_106 = vector.multi_reduction <minimumf>, %select_n3A_104, %reduce_min3A_105 [1] : vector<128x512xf32> to vector<128xf32>
    %broadcast_in_dim3A_107 = vector.shape_cast %reduce_min3A_106 : vector<128xf32> to vector<128x1xf32>
    %lt3A_108 = arith.constant 1.000000e+09 : f32
    %lt3A_109 = vector.broadcast %lt3A_108 : f32 to vector<128x1xf32>
    %lt3A_110 = arith.cmpf olt, %broadcast_in_dim3A_107, %lt3A_109 : vector<128x1xf32>
    %select_n3A_111 = arith.select %lt3A_110, %broadcast_in_dim3A_107, %broadcast_in_dim3A_59 : vector<128x1xi1>, vector<128x1xf32>
    %eq3A_112 = arith.constant 3 : i32
    %eq3A_113 = vector.broadcast %eq3A_112 : i32 to vector<128x64xi32>
    %eq3A_114 = arith.cmpi eq, %iota3A_57, %eq3A_113 : vector<128x64xi32>
    %broadcast_in_dim3A_115 = vector.shape_cast %select_n3A_111 : vector<128x1xf32> to vector<128x1xf32>
    %broadcast_in_dim3A_116 = vector.broadcast %broadcast_in_dim3A_115 : vector<128x1xf32> to vector<128x64xf32>
    %select_n3A_117 = arith.select %eq3A_114, %broadcast_in_dim3A_116, %select_n3A_99 : vector<128x64xi1>, vector<128x64xf32>
    %eq3A_118 = vector.broadcast %broadcast_in_dim3A_107 : vector<128x1xf32> to vector<128x512xf32>
    %eq3A_119 = arith.cmpf oeq, %select_n3A_104, %eq3A_118 : vector<128x512xf32>
    %jit3A_120 = arith.constant 1.000000e+09 : f32
    %broadcast_in_dim3A_121 = vector.broadcast %jit3A_120 : f32 to vector<128x512xf32>
    %select_n3A_122 = arith.select %eq3A_119, %broadcast_in_dim3A_121, %select_n3A_104 : vector<128x512xi1>, vector<128x512xf32>
    %reduce_min3A_123 = arith.constant dense<0x7F800000> : vector<128xf32>
    %reduce_min3A_124 = vector.multi_reduction <minimumf>, %select_n3A_122, %reduce_min3A_123 [1] : vector<128x512xf32> to vector<128xf32>
    %broadcast_in_dim3A_125 = vector.shape_cast %reduce_min3A_124 : vector<128xf32> to vector<128x1xf32>
    %lt3A_126 = arith.constant 1.000000e+09 : f32
    %lt3A_127 = vector.broadcast %lt3A_126 : f32 to vector<128x1xf32>
    %lt3A_128 = arith.cmpf olt, %broadcast_in_dim3A_125, %lt3A_127 : vector<128x1xf32>
    %select_n3A_129 = arith.select %lt3A_128, %broadcast_in_dim3A_125, %broadcast_in_dim3A_59 : vector<128x1xi1>, vector<128x1xf32>
    %eq3A_130 = arith.constant 4 : i32
    %eq3A_131 = vector.broadcast %eq3A_130 : i32 to vector<128x64xi32>
    %eq3A_132 = arith.cmpi eq, %iota3A_57, %eq3A_131 : vector<128x64xi32>
    %broadcast_in_dim3A_133 = vector.shape_cast %select_n3A_129 : vector<128x1xf32> to vector<128x1xf32>
    %broadcast_in_dim3A_134 = vector.broadcast %broadcast_in_dim3A_133 : vector<128x1xf32> to vector<128x64xf32>
    %select_n3A_135 = arith.select %eq3A_132, %broadcast_in_dim3A_134, %select_n3A_117 : vector<128x64xi1>, vector<128x64xf32>
    %eq3A_136 = vector.broadcast %broadcast_in_dim3A_125 : vector<128x1xf32> to vector<128x512xf32>
    %eq3A_137 = arith.cmpf oeq, %select_n3A_122, %eq3A_136 : vector<128x512xf32>
    %jit3A_138 = arith.constant 1.000000e+09 : f32
    %broadcast_in_dim3A_139 = vector.broadcast %jit3A_138 : f32 to vector<128x512xf32>
    %select_n3A_140 = arith.select %eq3A_137, %broadcast_in_dim3A_139, %select_n3A_122 : vector<128x512xi1>, vector<128x512xf32>
    %reduce_min3A_141 = arith.constant dense<0x7F800000> : vector<128xf32>
    %reduce_min3A_142 = vector.multi_reduction <minimumf>, %select_n3A_140, %reduce_min3A_141 [1] : vector<128x512xf32> to vector<128xf32>
    %broadcast_in_dim3A_143 = vector.shape_cast %reduce_min3A_142 : vector<128xf32> to vector<128x1xf32>
    %lt3A_144 = arith.constant 1.000000e+09 : f32
    %lt3A_145 = vector.broadcast %lt3A_144 : f32 to vector<128x1xf32>
    %lt3A_146 = arith.cmpf olt, %broadcast_in_dim3A_143, %lt3A_145 : vector<128x1xf32>
    %select_n3A_147 = arith.select %lt3A_146, %broadcast_in_dim3A_143, %broadcast_in_dim3A_59 : vector<128x1xi1>, vector<128x1xf32>
    %eq3A_148 = arith.constant 5 : i32
    %eq3A_149 = vector.broadcast %eq3A_148 : i32 to vector<128x64xi32>
    %eq3A_150 = arith.cmpi eq, %iota3A_57, %eq3A_149 : vector<128x64xi32>
    %broadcast_in_dim3A_151 = vector.shape_cast %select_n3A_147 : vector<128x1xf32> to vector<128x1xf32>
    %broadcast_in_dim3A_152 = vector.broadcast %broadcast_in_dim3A_151 : vector<128x1xf32> to vector<128x64xf32>
    %select_n3A_153 = arith.select %eq3A_150, %broadcast_in_dim3A_152, %select_n3A_135 : vector<128x64xi1>, vector<128x64xf32>
    %eq3A_154 = vector.broadcast %broadcast_in_dim3A_143 : vector<128x1xf32> to vector<128x512xf32>
    %eq3A_155 = arith.cmpf oeq, %select_n3A_140, %eq3A_154 : vector<128x512xf32>
    %jit3A_156 = arith.constant 1.000000e+09 : f32
    %broadcast_in_dim3A_157 = vector.broadcast %jit3A_156 : f32 to vector<128x512xf32>
    %select_n3A_158 = arith.select %eq3A_155, %broadcast_in_dim3A_157, %select_n3A_140 : vector<128x512xi1>, vector<128x512xf32>
    %reduce_min3A_159 = arith.constant dense<0x7F800000> : vector<128xf32>
    %reduce_min3A_160 = vector.multi_reduction <minimumf>, %select_n3A_158, %reduce_min3A_159 [1] : vector<128x512xf32> to vector<128xf32>
    %broadcast_in_dim3A_161 = vector.shape_cast %reduce_min3A_160 : vector<128xf32> to vector<128x1xf32>
    %lt3A_162 = arith.constant 1.000000e+09 : f32
    %lt3A_163 = vector.broadcast %lt3A_162 : f32 to vector<128x1xf32>
    %lt3A_164 = arith.cmpf olt, %broadcast_in_dim3A_161, %lt3A_163 : vector<128x1xf32>
    %select_n3A_165 = arith.select %lt3A_164, %broadcast_in_dim3A_161, %broadcast_in_dim3A_59 : vector<128x1xi1>, vector<128x1xf32>
    %eq3A_166 = arith.constant 6 : i32
    %eq3A_167 = vector.broadcast %eq3A_166 : i32 to vector<128x64xi32>
    %eq3A_168 = arith.cmpi eq, %iota3A_57, %eq3A_167 : vector<128x64xi32>
    %broadcast_in_dim3A_169 = vector.shape_cast %select_n3A_165 : vector<128x1xf32> to vector<128x1xf32>
    %broadcast_in_dim3A_170 = vector.broadcast %broadcast_in_dim3A_169 : vector<128x1xf32> to vector<128x64xf32>
    %select_n3A_171 = arith.select %eq3A_168, %broadcast_in_dim3A_170, %select_n3A_153 : vector<128x64xi1>, vector<128x64xf32>
    %eq3A_172 = vector.broadcast %broadcast_in_dim3A_161 : vector<128x1xf32> to vector<128x512xf32>
    %eq3A_173 = arith.cmpf oeq, %select_n3A_158, %eq3A_172 : vector<128x512xf32>
    %jit3A_174 = arith.constant 1.000000e+09 : f32
    %broadcast_in_dim3A_175 = vector.broadcast %jit3A_174 : f32 to vector<128x512xf32>
    %select_n3A_176 = arith.select %eq3A_173, %broadcast_in_dim3A_175, %select_n3A_158 : vector<128x512xi1>, vector<128x512xf32>
    %reduce_min3A_177 = arith.constant dense<0x7F800000> : vector<128xf32>
    %reduce_min3A_178 = vector.multi_reduction <minimumf>, %select_n3A_176, %reduce_min3A_177 [1] : vector<128x512xf32> to vector<128xf32>
    %broadcast_in_dim3A_179 = vector.shape_cast %reduce_min3A_178 : vector<128xf32> to vector<128x1xf32>
    %lt3A_180 = arith.constant 1.000000e+09 : f32
    %lt3A_181 = vector.broadcast %lt3A_180 : f32 to vector<128x1xf32>
    %lt3A_182 = arith.cmpf olt, %broadcast_in_dim3A_179, %lt3A_181 : vector<128x1xf32>
    %select_n3A_183 = arith.select %lt3A_182, %broadcast_in_dim3A_179, %broadcast_in_dim3A_59 : vector<128x1xi1>, vector<128x1xf32>
    %eq3A_184 = arith.constant 7 : i32
    %eq3A_185 = vector.broadcast %eq3A_184 : i32 to vector<128x64xi32>
    %eq3A_186 = arith.cmpi eq, %iota3A_57, %eq3A_185 : vector<128x64xi32>
    %broadcast_in_dim3A_187 = vector.shape_cast %select_n3A_183 : vector<128x1xf32> to vector<128x1xf32>
    %broadcast_in_dim3A_188 = vector.broadcast %broadcast_in_dim3A_187 : vector<128x1xf32> to vector<128x64xf32>
    %select_n3A_189 = arith.select %eq3A_186, %broadcast_in_dim3A_188, %select_n3A_171 : vector<128x64xi1>, vector<128x64xf32>
    %eq3A_190 = vector.broadcast %broadcast_in_dim3A_179 : vector<128x1xf32> to vector<128x512xf32>
    %eq3A_191 = arith.cmpf oeq, %select_n3A_176, %eq3A_190 : vector<128x512xf32>
    %jit3A_192 = arith.constant 1.000000e+09 : f32
    %broadcast_in_dim3A_193 = vector.broadcast %jit3A_192 : f32 to vector<128x512xf32>
    %select_n3A_194 = arith.select %eq3A_191, %broadcast_in_dim3A_193, %select_n3A_176 : vector<128x512xi1>, vector<128x512xf32>
    %reduce_min3A_195 = arith.constant dense<0x7F800000> : vector<128xf32>
    %reduce_min3A_196 = vector.multi_reduction <minimumf>, %select_n3A_194, %reduce_min3A_195 [1] : vector<128x512xf32> to vector<128xf32>
    %broadcast_in_dim3A_197 = vector.shape_cast %reduce_min3A_196 : vector<128xf32> to vector<128x1xf32>
    %lt3A_198 = arith.constant 1.000000e+09 : f32
    %lt3A_199 = vector.broadcast %lt3A_198 : f32 to vector<128x1xf32>
    %lt3A_200 = arith.cmpf olt, %broadcast_in_dim3A_197, %lt3A_199 : vector<128x1xf32>
    %select_n3A_201 = arith.select %lt3A_200, %broadcast_in_dim3A_197, %broadcast_in_dim3A_59 : vector<128x1xi1>, vector<128x1xf32>
    %eq3A_202 = arith.constant 8 : i32
    %eq3A_203 = vector.broadcast %eq3A_202 : i32 to vector<128x64xi32>
    %eq3A_204 = arith.cmpi eq, %iota3A_57, %eq3A_203 : vector<128x64xi32>
    %broadcast_in_dim3A_205 = vector.shape_cast %select_n3A_201 : vector<128x1xf32> to vector<128x1xf32>
    %broadcast_in_dim3A_206 = vector.broadcast %broadcast_in_dim3A_205 : vector<128x1xf32> to vector<128x64xf32>
    %select_n3A_207 = arith.select %eq3A_204, %broadcast_in_dim3A_206, %select_n3A_189 : vector<128x64xi1>, vector<128x64xf32>
    %eq3A_208 = vector.broadcast %broadcast_in_dim3A_197 : vector<128x1xf32> to vector<128x512xf32>
    %eq3A_209 = arith.cmpf oeq, %select_n3A_194, %eq3A_208 : vector<128x512xf32>
    %jit3A_210 = arith.constant 1.000000e+09 : f32
    %broadcast_in_dim3A_211 = vector.broadcast %jit3A_210 : f32 to vector<128x512xf32>
    %select_n3A_212 = arith.select %eq3A_209, %broadcast_in_dim3A_211, %select_n3A_194 : vector<128x512xi1>, vector<128x512xf32>
    %reduce_min3A_213 = arith.constant dense<0x7F800000> : vector<128xf32>
    %reduce_min3A_214 = vector.multi_reduction <minimumf>, %select_n3A_212, %reduce_min3A_213 [1] : vector<128x512xf32> to vector<128xf32>
    %broadcast_in_dim3A_215 = vector.shape_cast %reduce_min3A_214 : vector<128xf32> to vector<128x1xf32>
    %lt3A_216 = arith.constant 1.000000e+09 : f32
    %lt3A_217 = vector.broadcast %lt3A_216 : f32 to vector<128x1xf32>
    %lt3A_218 = arith.cmpf olt, %broadcast_in_dim3A_215, %lt3A_217 : vector<128x1xf32>
    %select_n3A_219 = arith.select %lt3A_218, %broadcast_in_dim3A_215, %broadcast_in_dim3A_59 : vector<128x1xi1>, vector<128x1xf32>
    %eq3A_220 = arith.constant 9 : i32
    %eq3A_221 = vector.broadcast %eq3A_220 : i32 to vector<128x64xi32>
    %eq3A_222 = arith.cmpi eq, %iota3A_57, %eq3A_221 : vector<128x64xi32>
    %broadcast_in_dim3A_223 = vector.shape_cast %select_n3A_219 : vector<128x1xf32> to vector<128x1xf32>
    %broadcast_in_dim3A_224 = vector.broadcast %broadcast_in_dim3A_223 : vector<128x1xf32> to vector<128x64xf32>
    %select_n3A_225 = arith.select %eq3A_222, %broadcast_in_dim3A_224, %select_n3A_207 : vector<128x64xi1>, vector<128x64xf32>
    %eq3A_226 = vector.broadcast %broadcast_in_dim3A_215 : vector<128x1xf32> to vector<128x512xf32>
    %eq3A_227 = arith.cmpf oeq, %select_n3A_212, %eq3A_226 : vector<128x512xf32>
    %jit3A_228 = arith.constant 1.000000e+09 : f32
    %broadcast_in_dim3A_229 = vector.broadcast %jit3A_228 : f32 to vector<128x512xf32>
    %select_n3A_230 = arith.select %eq3A_227, %broadcast_in_dim3A_229, %select_n3A_212 : vector<128x512xi1>, vector<128x512xf32>
    %reduce_min3A_231 = arith.constant dense<0x7F800000> : vector<128xf32>
    %reduce_min3A_232 = vector.multi_reduction <minimumf>, %select_n3A_230, %reduce_min3A_231 [1] : vector<128x512xf32> to vector<128xf32>
    %broadcast_in_dim3A_233 = vector.shape_cast %reduce_min3A_232 : vector<128xf32> to vector<128x1xf32>
    %lt3A_234 = arith.constant 1.000000e+09 : f32
    %lt3A_235 = vector.broadcast %lt3A_234 : f32 to vector<128x1xf32>
    %lt3A_236 = arith.cmpf olt, %broadcast_in_dim3A_233, %lt3A_235 : vector<128x1xf32>
    %select_n3A_237 = arith.select %lt3A_236, %broadcast_in_dim3A_233, %broadcast_in_dim3A_59 : vector<128x1xi1>, vector<128x1xf32>
    %eq3A_238 = arith.constant 10 : i32
    %eq3A_239 = vector.broadcast %eq3A_238 : i32 to vector<128x64xi32>
    %eq3A_240 = arith.cmpi eq, %iota3A_57, %eq3A_239 : vector<128x64xi32>
    %broadcast_in_dim3A_241 = vector.shape_cast %select_n3A_237 : vector<128x1xf32> to vector<128x1xf32>
    %broadcast_in_dim3A_242 = vector.broadcast %broadcast_in_dim3A_241 : vector<128x1xf32> to vector<128x64xf32>
    %select_n3A_243 = arith.select %eq3A_240, %broadcast_in_dim3A_242, %select_n3A_225 : vector<128x64xi1>, vector<128x64xf32>
    %eq3A_244 = vector.broadcast %broadcast_in_dim3A_233 : vector<128x1xf32> to vector<128x512xf32>
    %eq3A_245 = arith.cmpf oeq, %select_n3A_230, %eq3A_244 : vector<128x512xf32>
    %jit3A_246 = arith.constant 1.000000e+09 : f32
    %broadcast_in_dim3A_247 = vector.broadcast %jit3A_246 : f32 to vector<128x512xf32>
    %select_n3A_248 = arith.select %eq3A_245, %broadcast_in_dim3A_247, %select_n3A_230 : vector<128x512xi1>, vector<128x512xf32>
    %reduce_min3A_249 = arith.constant dense<0x7F800000> : vector<128xf32>
    %reduce_min3A_250 = vector.multi_reduction <minimumf>, %select_n3A_248, %reduce_min3A_249 [1] : vector<128x512xf32> to vector<128xf32>
    %broadcast_in_dim3A_251 = vector.shape_cast %reduce_min3A_250 : vector<128xf32> to vector<128x1xf32>
    %lt3A_252 = arith.constant 1.000000e+09 : f32
    %lt3A_253 = vector.broadcast %lt3A_252 : f32 to vector<128x1xf32>
    %lt3A_254 = arith.cmpf olt, %broadcast_in_dim3A_251, %lt3A_253 : vector<128x1xf32>
    %select_n3A_255 = arith.select %lt3A_254, %broadcast_in_dim3A_251, %broadcast_in_dim3A_59 : vector<128x1xi1>, vector<128x1xf32>
    %eq3A_256 = arith.constant 11 : i32
    %eq3A_257 = vector.broadcast %eq3A_256 : i32 to vector<128x64xi32>
    %eq3A_258 = arith.cmpi eq, %iota3A_57, %eq3A_257 : vector<128x64xi32>
    %broadcast_in_dim3A_259 = vector.shape_cast %select_n3A_255 : vector<128x1xf32> to vector<128x1xf32>
    %broadcast_in_dim3A_260 = vector.broadcast %broadcast_in_dim3A_259 : vector<128x1xf32> to vector<128x64xf32>
    %select_n3A_261 = arith.select %eq3A_258, %broadcast_in_dim3A_260, %select_n3A_243 : vector<128x64xi1>, vector<128x64xf32>
    %eq3A_262 = vector.broadcast %broadcast_in_dim3A_251 : vector<128x1xf32> to vector<128x512xf32>
    %eq3A_263 = arith.cmpf oeq, %select_n3A_248, %eq3A_262 : vector<128x512xf32>
    %jit3A_264 = arith.constant 1.000000e+09 : f32
    %broadcast_in_dim3A_265 = vector.broadcast %jit3A_264 : f32 to vector<128x512xf32>
    %select_n3A_266 = arith.select %eq3A_263, %broadcast_in_dim3A_265, %select_n3A_248 : vector<128x512xi1>, vector<128x512xf32>
    %reduce_min3A_267 = arith.constant dense<0x7F800000> : vector<128xf32>
    %reduce_min3A_268 = vector.multi_reduction <minimumf>, %select_n3A_266, %reduce_min3A_267 [1] : vector<128x512xf32> to vector<128xf32>
    %broadcast_in_dim3A_269 = vector.shape_cast %reduce_min3A_268 : vector<128xf32> to vector<128x1xf32>
    %lt3A_270 = arith.constant 1.000000e+09 : f32
    %lt3A_271 = vector.broadcast %lt3A_270 : f32 to vector<128x1xf32>
    %lt3A_272 = arith.cmpf olt, %broadcast_in_dim3A_269, %lt3A_271 : vector<128x1xf32>
    %select_n3A_273 = arith.select %lt3A_272, %broadcast_in_dim3A_269, %broadcast_in_dim3A_59 : vector<128x1xi1>, vector<128x1xf32>
    %eq3A_274 = arith.constant 12 : i32
    %eq3A_275 = vector.broadcast %eq3A_274 : i32 to vector<128x64xi32>
    %eq3A_276 = arith.cmpi eq, %iota3A_57, %eq3A_275 : vector<128x64xi32>
    %broadcast_in_dim3A_277 = vector.shape_cast %select_n3A_273 : vector<128x1xf32> to vector<128x1xf32>
    %broadcast_in_dim3A_278 = vector.broadcast %broadcast_in_dim3A_277 : vector<128x1xf32> to vector<128x64xf32>
    %select_n3A_279 = arith.select %eq3A_276, %broadcast_in_dim3A_278, %select_n3A_261 : vector<128x64xi1>, vector<128x64xf32>
    %eq3A_280 = vector.broadcast %broadcast_in_dim3A_269 : vector<128x1xf32> to vector<128x512xf32>
    %eq3A_281 = arith.cmpf oeq, %select_n3A_266, %eq3A_280 : vector<128x512xf32>
    %jit3A_282 = arith.constant 1.000000e+09 : f32
    %broadcast_in_dim3A_283 = vector.broadcast %jit3A_282 : f32 to vector<128x512xf32>
    %select_n3A_284 = arith.select %eq3A_281, %broadcast_in_dim3A_283, %select_n3A_266 : vector<128x512xi1>, vector<128x512xf32>
    %reduce_min3A_285 = arith.constant dense<0x7F800000> : vector<128xf32>
    %reduce_min3A_286 = vector.multi_reduction <minimumf>, %select_n3A_284, %reduce_min3A_285 [1] : vector<128x512xf32> to vector<128xf32>
    %broadcast_in_dim3A_287 = vector.shape_cast %reduce_min3A_286 : vector<128xf32> to vector<128x1xf32>
    %lt3A_288 = arith.constant 1.000000e+09 : f32
    %lt3A_289 = vector.broadcast %lt3A_288 : f32 to vector<128x1xf32>
    %lt3A_290 = arith.cmpf olt, %broadcast_in_dim3A_287, %lt3A_289 : vector<128x1xf32>
    %select_n3A_291 = arith.select %lt3A_290, %broadcast_in_dim3A_287, %broadcast_in_dim3A_59 : vector<128x1xi1>, vector<128x1xf32>
    %eq3A_292 = arith.constant 13 : i32
    %eq3A_293 = vector.broadcast %eq3A_292 : i32 to vector<128x64xi32>
    %eq3A_294 = arith.cmpi eq, %iota3A_57, %eq3A_293 : vector<128x64xi32>
    %broadcast_in_dim3A_295 = vector.shape_cast %select_n3A_291 : vector<128x1xf32> to vector<128x1xf32>
    %broadcast_in_dim3A_296 = vector.broadcast %broadcast_in_dim3A_295 : vector<128x1xf32> to vector<128x64xf32>
    %select_n3A_297 = arith.select %eq3A_294, %broadcast_in_dim3A_296, %select_n3A_279 : vector<128x64xi1>, vector<128x64xf32>
    %eq3A_298 = vector.broadcast %broadcast_in_dim3A_287 : vector<128x1xf32> to vector<128x512xf32>
    %eq3A_299 = arith.cmpf oeq, %select_n3A_284, %eq3A_298 : vector<128x512xf32>
    %jit3A_300 = arith.constant 1.000000e+09 : f32
    %broadcast_in_dim3A_301 = vector.broadcast %jit3A_300 : f32 to vector<128x512xf32>
    %select_n3A_302 = arith.select %eq3A_299, %broadcast_in_dim3A_301, %select_n3A_284 : vector<128x512xi1>, vector<128x512xf32>
    %reduce_min3A_303 = arith.constant dense<0x7F800000> : vector<128xf32>
    %reduce_min3A_304 = vector.multi_reduction <minimumf>, %select_n3A_302, %reduce_min3A_303 [1] : vector<128x512xf32> to vector<128xf32>
    %broadcast_in_dim3A_305 = vector.shape_cast %reduce_min3A_304 : vector<128xf32> to vector<128x1xf32>
    %lt3A_306 = arith.constant 1.000000e+09 : f32
    %lt3A_307 = vector.broadcast %lt3A_306 : f32 to vector<128x1xf32>
    %lt3A_308 = arith.cmpf olt, %broadcast_in_dim3A_305, %lt3A_307 : vector<128x1xf32>
    %select_n3A_309 = arith.select %lt3A_308, %broadcast_in_dim3A_305, %broadcast_in_dim3A_59 : vector<128x1xi1>, vector<128x1xf32>
    %eq3A_310 = arith.constant 14 : i32
    %eq3A_311 = vector.broadcast %eq3A_310 : i32 to vector<128x64xi32>
    %eq3A_312 = arith.cmpi eq, %iota3A_57, %eq3A_311 : vector<128x64xi32>
    %broadcast_in_dim3A_313 = vector.shape_cast %select_n3A_309 : vector<128x1xf32> to vector<128x1xf32>
    %broadcast_in_dim3A_314 = vector.broadcast %broadcast_in_dim3A_313 : vector<128x1xf32> to vector<128x64xf32>
    %select_n3A_315 = arith.select %eq3A_312, %broadcast_in_dim3A_314, %select_n3A_297 : vector<128x64xi1>, vector<128x64xf32>
    %eq3A_316 = vector.broadcast %broadcast_in_dim3A_305 : vector<128x1xf32> to vector<128x512xf32>
    %eq3A_317 = arith.cmpf oeq, %select_n3A_302, %eq3A_316 : vector<128x512xf32>
    %jit3A_318 = arith.constant 1.000000e+09 : f32
    %broadcast_in_dim3A_319 = vector.broadcast %jit3A_318 : f32 to vector<128x512xf32>
    %select_n3A_320 = arith.select %eq3A_317, %broadcast_in_dim3A_319, %select_n3A_302 : vector<128x512xi1>, vector<128x512xf32>
    %reduce_min3A_321 = arith.constant dense<0x7F800000> : vector<128xf32>
    %reduce_min3A_322 = vector.multi_reduction <minimumf>, %select_n3A_320, %reduce_min3A_321 [1] : vector<128x512xf32> to vector<128xf32>
    %broadcast_in_dim3A_323 = vector.shape_cast %reduce_min3A_322 : vector<128xf32> to vector<128x1xf32>
    %lt3A_324 = arith.constant 1.000000e+09 : f32
    %lt3A_325 = vector.broadcast %lt3A_324 : f32 to vector<128x1xf32>
    %lt3A_326 = arith.cmpf olt, %broadcast_in_dim3A_323, %lt3A_325 : vector<128x1xf32>
    %select_n3A_327 = arith.select %lt3A_326, %broadcast_in_dim3A_323, %broadcast_in_dim3A_59 : vector<128x1xi1>, vector<128x1xf32>
    %eq3A_328 = arith.constant 15 : i32
    %eq3A_329 = vector.broadcast %eq3A_328 : i32 to vector<128x64xi32>
    %eq3A_330 = arith.cmpi eq, %iota3A_57, %eq3A_329 : vector<128x64xi32>
    %broadcast_in_dim3A_331 = vector.shape_cast %select_n3A_327 : vector<128x1xf32> to vector<128x1xf32>
    %broadcast_in_dim3A_332 = vector.broadcast %broadcast_in_dim3A_331 : vector<128x1xf32> to vector<128x64xf32>
    %select_n3A_333 = arith.select %eq3A_330, %broadcast_in_dim3A_332, %select_n3A_315 : vector<128x64xi1>, vector<128x64xf32>
    %eq3A_334 = vector.broadcast %broadcast_in_dim3A_323 : vector<128x1xf32> to vector<128x512xf32>
    %eq3A_335 = arith.cmpf oeq, %select_n3A_320, %eq3A_334 : vector<128x512xf32>
    %jit3A_336 = arith.constant 1.000000e+09 : f32
    %broadcast_in_dim3A_337 = vector.broadcast %jit3A_336 : f32 to vector<128x512xf32>
    %select_n3A_338 = arith.select %eq3A_335, %broadcast_in_dim3A_337, %select_n3A_320 : vector<128x512xi1>, vector<128x512xf32>
    %reduce_min3A_339 = arith.constant dense<0x7F800000> : vector<128xf32>
    %reduce_min3A_340 = vector.multi_reduction <minimumf>, %select_n3A_338, %reduce_min3A_339 [1] : vector<128x512xf32> to vector<128xf32>
    %broadcast_in_dim3A_341 = vector.shape_cast %reduce_min3A_340 : vector<128xf32> to vector<128x1xf32>
    %lt3A_342 = arith.constant 1.000000e+09 : f32
    %lt3A_343 = vector.broadcast %lt3A_342 : f32 to vector<128x1xf32>
    %lt3A_344 = arith.cmpf olt, %broadcast_in_dim3A_341, %lt3A_343 : vector<128x1xf32>
    %select_n3A_345 = arith.select %lt3A_344, %broadcast_in_dim3A_341, %broadcast_in_dim3A_59 : vector<128x1xi1>, vector<128x1xf32>
    %eq3A_346 = arith.constant 16 : i32
    %eq3A_347 = vector.broadcast %eq3A_346 : i32 to vector<128x64xi32>
    %eq3A_348 = arith.cmpi eq, %iota3A_57, %eq3A_347 : vector<128x64xi32>
    %broadcast_in_dim3A_349 = vector.shape_cast %select_n3A_345 : vector<128x1xf32> to vector<128x1xf32>
    %broadcast_in_dim3A_350 = vector.broadcast %broadcast_in_dim3A_349 : vector<128x1xf32> to vector<128x64xf32>
    %select_n3A_351 = arith.select %eq3A_348, %broadcast_in_dim3A_350, %select_n3A_333 : vector<128x64xi1>, vector<128x64xf32>
    %eq3A_352 = vector.broadcast %broadcast_in_dim3A_341 : vector<128x1xf32> to vector<128x512xf32>
    %eq3A_353 = arith.cmpf oeq, %select_n3A_338, %eq3A_352 : vector<128x512xf32>
    %jit3A_354 = arith.constant 1.000000e+09 : f32
    %broadcast_in_dim3A_355 = vector.broadcast %jit3A_354 : f32 to vector<128x512xf32>
    %select_n3A_356 = arith.select %eq3A_353, %broadcast_in_dim3A_355, %select_n3A_338 : vector<128x512xi1>, vector<128x512xf32>
    %reduce_min3A_357 = arith.constant dense<0x7F800000> : vector<128xf32>
    %reduce_min3A_358 = vector.multi_reduction <minimumf>, %select_n3A_356, %reduce_min3A_357 [1] : vector<128x512xf32> to vector<128xf32>
    %broadcast_in_dim3A_359 = vector.shape_cast %reduce_min3A_358 : vector<128xf32> to vector<128x1xf32>
    %lt3A_360 = arith.constant 1.000000e+09 : f32
    %lt3A_361 = vector.broadcast %lt3A_360 : f32 to vector<128x1xf32>
    %lt3A_362 = arith.cmpf olt, %broadcast_in_dim3A_359, %lt3A_361 : vector<128x1xf32>
    %select_n3A_363 = arith.select %lt3A_362, %broadcast_in_dim3A_359, %broadcast_in_dim3A_59 : vector<128x1xi1>, vector<128x1xf32>
    %eq3A_364 = arith.constant 17 : i32
    %eq3A_365 = vector.broadcast %eq3A_364 : i32 to vector<128x64xi32>
    %eq3A_366 = arith.cmpi eq, %iota3A_57, %eq3A_365 : vector<128x64xi32>
    %broadcast_in_dim3A_367 = vector.shape_cast %select_n3A_363 : vector<128x1xf32> to vector<128x1xf32>
    %broadcast_in_dim3A_368 = vector.broadcast %broadcast_in_dim3A_367 : vector<128x1xf32> to vector<128x64xf32>
    %select_n3A_369 = arith.select %eq3A_366, %broadcast_in_dim3A_368, %select_n3A_351 : vector<128x64xi1>, vector<128x64xf32>
    %eq3A_370 = vector.broadcast %broadcast_in_dim3A_359 : vector<128x1xf32> to vector<128x512xf32>
    %eq3A_371 = arith.cmpf oeq, %select_n3A_356, %eq3A_370 : vector<128x512xf32>
    %jit3A_372 = arith.constant 1.000000e+09 : f32
    %broadcast_in_dim3A_373 = vector.broadcast %jit3A_372 : f32 to vector<128x512xf32>
    %select_n3A_374 = arith.select %eq3A_371, %broadcast_in_dim3A_373, %select_n3A_356 : vector<128x512xi1>, vector<128x512xf32>
    %reduce_min3A_375 = arith.constant dense<0x7F800000> : vector<128xf32>
    %reduce_min3A_376 = vector.multi_reduction <minimumf>, %select_n3A_374, %reduce_min3A_375 [1] : vector<128x512xf32> to vector<128xf32>
    %broadcast_in_dim3A_377 = vector.shape_cast %reduce_min3A_376 : vector<128xf32> to vector<128x1xf32>
    %lt3A_378 = arith.constant 1.000000e+09 : f32
    %lt3A_379 = vector.broadcast %lt3A_378 : f32 to vector<128x1xf32>
    %lt3A_380 = arith.cmpf olt, %broadcast_in_dim3A_377, %lt3A_379 : vector<128x1xf32>
    %select_n3A_381 = arith.select %lt3A_380, %broadcast_in_dim3A_377, %broadcast_in_dim3A_59 : vector<128x1xi1>, vector<128x1xf32>
    %eq3A_382 = arith.constant 18 : i32
    %eq3A_383 = vector.broadcast %eq3A_382 : i32 to vector<128x64xi32>
    %eq3A_384 = arith.cmpi eq, %iota3A_57, %eq3A_383 : vector<128x64xi32>
    %broadcast_in_dim3A_385 = vector.shape_cast %select_n3A_381 : vector<128x1xf32> to vector<128x1xf32>
    %broadcast_in_dim3A_386 = vector.broadcast %broadcast_in_dim3A_385 : vector<128x1xf32> to vector<128x64xf32>
    %select_n3A_387 = arith.select %eq3A_384, %broadcast_in_dim3A_386, %select_n3A_369 : vector<128x64xi1>, vector<128x64xf32>
    %eq3A_388 = vector.broadcast %broadcast_in_dim3A_377 : vector<128x1xf32> to vector<128x512xf32>
    %eq3A_389 = arith.cmpf oeq, %select_n3A_374, %eq3A_388 : vector<128x512xf32>
    %jit3A_390 = arith.constant 1.000000e+09 : f32
    %broadcast_in_dim3A_391 = vector.broadcast %jit3A_390 : f32 to vector<128x512xf32>
    %select_n3A_392 = arith.select %eq3A_389, %broadcast_in_dim3A_391, %select_n3A_374 : vector<128x512xi1>, vector<128x512xf32>
    %reduce_min3A_393 = arith.constant dense<0x7F800000> : vector<128xf32>
    %reduce_min3A_394 = vector.multi_reduction <minimumf>, %select_n3A_392, %reduce_min3A_393 [1] : vector<128x512xf32> to vector<128xf32>
    %broadcast_in_dim3A_395 = vector.shape_cast %reduce_min3A_394 : vector<128xf32> to vector<128x1xf32>
    %lt3A_396 = arith.constant 1.000000e+09 : f32
    %lt3A_397 = vector.broadcast %lt3A_396 : f32 to vector<128x1xf32>
    %lt3A_398 = arith.cmpf olt, %broadcast_in_dim3A_395, %lt3A_397 : vector<128x1xf32>
    %select_n3A_399 = arith.select %lt3A_398, %broadcast_in_dim3A_395, %broadcast_in_dim3A_59 : vector<128x1xi1>, vector<128x1xf32>
    %eq3A_400 = arith.constant 19 : i32
    %eq3A_401 = vector.broadcast %eq3A_400 : i32 to vector<128x64xi32>
    %eq3A_402 = arith.cmpi eq, %iota3A_57, %eq3A_401 : vector<128x64xi32>
    %broadcast_in_dim3A_403 = vector.shape_cast %select_n3A_399 : vector<128x1xf32> to vector<128x1xf32>
    %broadcast_in_dim3A_404 = vector.broadcast %broadcast_in_dim3A_403 : vector<128x1xf32> to vector<128x64xf32>
    %select_n3A_405 = arith.select %eq3A_402, %broadcast_in_dim3A_404, %select_n3A_387 : vector<128x64xi1>, vector<128x64xf32>
    %eq3A_406 = vector.broadcast %broadcast_in_dim3A_395 : vector<128x1xf32> to vector<128x512xf32>
    %eq3A_407 = arith.cmpf oeq, %select_n3A_392, %eq3A_406 : vector<128x512xf32>
    %jit3A_408 = arith.constant 1.000000e+09 : f32
    %broadcast_in_dim3A_409 = vector.broadcast %jit3A_408 : f32 to vector<128x512xf32>
    %select_n3A_410 = arith.select %eq3A_407, %broadcast_in_dim3A_409, %select_n3A_392 : vector<128x512xi1>, vector<128x512xf32>
    %reduce_min3A_411 = arith.constant dense<0x7F800000> : vector<128xf32>
    %reduce_min3A_412 = vector.multi_reduction <minimumf>, %select_n3A_410, %reduce_min3A_411 [1] : vector<128x512xf32> to vector<128xf32>
    %broadcast_in_dim3A_413 = vector.shape_cast %reduce_min3A_412 : vector<128xf32> to vector<128x1xf32>
    %lt3A_414 = arith.constant 1.000000e+09 : f32
    %lt3A_415 = vector.broadcast %lt3A_414 : f32 to vector<128x1xf32>
    %lt3A_416 = arith.cmpf olt, %broadcast_in_dim3A_413, %lt3A_415 : vector<128x1xf32>
    %select_n3A_417 = arith.select %lt3A_416, %broadcast_in_dim3A_413, %broadcast_in_dim3A_59 : vector<128x1xi1>, vector<128x1xf32>
    %eq3A_418 = arith.constant 20 : i32
    %eq3A_419 = vector.broadcast %eq3A_418 : i32 to vector<128x64xi32>
    %eq3A_420 = arith.cmpi eq, %iota3A_57, %eq3A_419 : vector<128x64xi32>
    %broadcast_in_dim3A_421 = vector.shape_cast %select_n3A_417 : vector<128x1xf32> to vector<128x1xf32>
    %broadcast_in_dim3A_422 = vector.broadcast %broadcast_in_dim3A_421 : vector<128x1xf32> to vector<128x64xf32>
    %select_n3A_423 = arith.select %eq3A_420, %broadcast_in_dim3A_422, %select_n3A_405 : vector<128x64xi1>, vector<128x64xf32>
    %eq3A_424 = vector.broadcast %broadcast_in_dim3A_413 : vector<128x1xf32> to vector<128x512xf32>
    %eq3A_425 = arith.cmpf oeq, %select_n3A_410, %eq3A_424 : vector<128x512xf32>
    %jit3A_426 = arith.constant 1.000000e+09 : f32
    %broadcast_in_dim3A_427 = vector.broadcast %jit3A_426 : f32 to vector<128x512xf32>
    %select_n3A_428 = arith.select %eq3A_425, %broadcast_in_dim3A_427, %select_n3A_410 : vector<128x512xi1>, vector<128x512xf32>
    %reduce_min3A_429 = arith.constant dense<0x7F800000> : vector<128xf32>
    %reduce_min3A_430 = vector.multi_reduction <minimumf>, %select_n3A_428, %reduce_min3A_429 [1] : vector<128x512xf32> to vector<128xf32>
    %broadcast_in_dim3A_431 = vector.shape_cast %reduce_min3A_430 : vector<128xf32> to vector<128x1xf32>
    %lt3A_432 = arith.constant 1.000000e+09 : f32
    %lt3A_433 = vector.broadcast %lt3A_432 : f32 to vector<128x1xf32>
    %lt3A_434 = arith.cmpf olt, %broadcast_in_dim3A_431, %lt3A_433 : vector<128x1xf32>
    %select_n3A_435 = arith.select %lt3A_434, %broadcast_in_dim3A_431, %broadcast_in_dim3A_59 : vector<128x1xi1>, vector<128x1xf32>
    %eq3A_436 = arith.constant 21 : i32
    %eq3A_437 = vector.broadcast %eq3A_436 : i32 to vector<128x64xi32>
    %eq3A_438 = arith.cmpi eq, %iota3A_57, %eq3A_437 : vector<128x64xi32>
    %broadcast_in_dim3A_439 = vector.shape_cast %select_n3A_435 : vector<128x1xf32> to vector<128x1xf32>
    %broadcast_in_dim3A_440 = vector.broadcast %broadcast_in_dim3A_439 : vector<128x1xf32> to vector<128x64xf32>
    %select_n3A_441 = arith.select %eq3A_438, %broadcast_in_dim3A_440, %select_n3A_423 : vector<128x64xi1>, vector<128x64xf32>
    %eq3A_442 = vector.broadcast %broadcast_in_dim3A_431 : vector<128x1xf32> to vector<128x512xf32>
    %eq3A_443 = arith.cmpf oeq, %select_n3A_428, %eq3A_442 : vector<128x512xf32>
    %jit3A_444 = arith.constant 1.000000e+09 : f32
    %broadcast_in_dim3A_445 = vector.broadcast %jit3A_444 : f32 to vector<128x512xf32>
    %select_n3A_446 = arith.select %eq3A_443, %broadcast_in_dim3A_445, %select_n3A_428 : vector<128x512xi1>, vector<128x512xf32>
    %reduce_min3A_447 = arith.constant dense<0x7F800000> : vector<128xf32>
    %reduce_min3A_448 = vector.multi_reduction <minimumf>, %select_n3A_446, %reduce_min3A_447 [1] : vector<128x512xf32> to vector<128xf32>
    %broadcast_in_dim3A_449 = vector.shape_cast %reduce_min3A_448 : vector<128xf32> to vector<128x1xf32>
    %lt3A_450 = arith.constant 1.000000e+09 : f32
    %lt3A_451 = vector.broadcast %lt3A_450 : f32 to vector<128x1xf32>
    %lt3A_452 = arith.cmpf olt, %broadcast_in_dim3A_449, %lt3A_451 : vector<128x1xf32>
    %select_n3A_453 = arith.select %lt3A_452, %broadcast_in_dim3A_449, %broadcast_in_dim3A_59 : vector<128x1xi1>, vector<128x1xf32>
    %eq3A_454 = arith.constant 22 : i32
    %eq3A_455 = vector.broadcast %eq3A_454 : i32 to vector<128x64xi32>
    %eq3A_456 = arith.cmpi eq, %iota3A_57, %eq3A_455 : vector<128x64xi32>
    %broadcast_in_dim3A_457 = vector.shape_cast %select_n3A_453 : vector<128x1xf32> to vector<128x1xf32>
    %broadcast_in_dim3A_458 = vector.broadcast %broadcast_in_dim3A_457 : vector<128x1xf32> to vector<128x64xf32>
    %select_n3A_459 = arith.select %eq3A_456, %broadcast_in_dim3A_458, %select_n3A_441 : vector<128x64xi1>, vector<128x64xf32>
    %eq3A_460 = vector.broadcast %broadcast_in_dim3A_449 : vector<128x1xf32> to vector<128x512xf32>
    %eq3A_461 = arith.cmpf oeq, %select_n3A_446, %eq3A_460 : vector<128x512xf32>
    %jit3A_462 = arith.constant 1.000000e+09 : f32
    %broadcast_in_dim3A_463 = vector.broadcast %jit3A_462 : f32 to vector<128x512xf32>
    %select_n3A_464 = arith.select %eq3A_461, %broadcast_in_dim3A_463, %select_n3A_446 : vector<128x512xi1>, vector<128x512xf32>
    %reduce_min3A_465 = arith.constant dense<0x7F800000> : vector<128xf32>
    %reduce_min3A_466 = vector.multi_reduction <minimumf>, %select_n3A_464, %reduce_min3A_465 [1] : vector<128x512xf32> to vector<128xf32>
    %broadcast_in_dim3A_467 = vector.shape_cast %reduce_min3A_466 : vector<128xf32> to vector<128x1xf32>
    %lt3A_468 = arith.constant 1.000000e+09 : f32
    %lt3A_469 = vector.broadcast %lt3A_468 : f32 to vector<128x1xf32>
    %lt3A_470 = arith.cmpf olt, %broadcast_in_dim3A_467, %lt3A_469 : vector<128x1xf32>
    %select_n3A_471 = arith.select %lt3A_470, %broadcast_in_dim3A_467, %broadcast_in_dim3A_59 : vector<128x1xi1>, vector<128x1xf32>
    %eq3A_472 = arith.constant 23 : i32
    %eq3A_473 = vector.broadcast %eq3A_472 : i32 to vector<128x64xi32>
    %eq3A_474 = arith.cmpi eq, %iota3A_57, %eq3A_473 : vector<128x64xi32>
    %broadcast_in_dim3A_475 = vector.shape_cast %select_n3A_471 : vector<128x1xf32> to vector<128x1xf32>
    %broadcast_in_dim3A_476 = vector.broadcast %broadcast_in_dim3A_475 : vector<128x1xf32> to vector<128x64xf32>
    %select_n3A_477 = arith.select %eq3A_474, %broadcast_in_dim3A_476, %select_n3A_459 : vector<128x64xi1>, vector<128x64xf32>
    %eq3A_478 = vector.broadcast %broadcast_in_dim3A_467 : vector<128x1xf32> to vector<128x512xf32>
    %eq3A_479 = arith.cmpf oeq, %select_n3A_464, %eq3A_478 : vector<128x512xf32>
    %jit3A_480 = arith.constant 1.000000e+09 : f32
    %broadcast_in_dim3A_481 = vector.broadcast %jit3A_480 : f32 to vector<128x512xf32>
    %select_n3A_482 = arith.select %eq3A_479, %broadcast_in_dim3A_481, %select_n3A_464 : vector<128x512xi1>, vector<128x512xf32>
    %reduce_min3A_483 = arith.constant dense<0x7F800000> : vector<128xf32>
    %reduce_min3A_484 = vector.multi_reduction <minimumf>, %select_n3A_482, %reduce_min3A_483 [1] : vector<128x512xf32> to vector<128xf32>
    %broadcast_in_dim3A_485 = vector.shape_cast %reduce_min3A_484 : vector<128xf32> to vector<128x1xf32>
    %lt3A_486 = arith.constant 1.000000e+09 : f32
    %lt3A_487 = vector.broadcast %lt3A_486 : f32 to vector<128x1xf32>
    %lt3A_488 = arith.cmpf olt, %broadcast_in_dim3A_485, %lt3A_487 : vector<128x1xf32>
    %select_n3A_489 = arith.select %lt3A_488, %broadcast_in_dim3A_485, %broadcast_in_dim3A_59 : vector<128x1xi1>, vector<128x1xf32>
    %eq3A_490 = arith.constant 24 : i32
    %eq3A_491 = vector.broadcast %eq3A_490 : i32 to vector<128x64xi32>
    %eq3A_492 = arith.cmpi eq, %iota3A_57, %eq3A_491 : vector<128x64xi32>
    %broadcast_in_dim3A_493 = vector.shape_cast %select_n3A_489 : vector<128x1xf32> to vector<128x1xf32>
    %broadcast_in_dim3A_494 = vector.broadcast %broadcast_in_dim3A_493 : vector<128x1xf32> to vector<128x64xf32>
    %select_n3A_495 = arith.select %eq3A_492, %broadcast_in_dim3A_494, %select_n3A_477 : vector<128x64xi1>, vector<128x64xf32>
    %eq3A_496 = vector.broadcast %broadcast_in_dim3A_485 : vector<128x1xf32> to vector<128x512xf32>
    %eq3A_497 = arith.cmpf oeq, %select_n3A_482, %eq3A_496 : vector<128x512xf32>
    %jit3A_498 = arith.constant 1.000000e+09 : f32
    %broadcast_in_dim3A_499 = vector.broadcast %jit3A_498 : f32 to vector<128x512xf32>
    %select_n3A_500 = arith.select %eq3A_497, %broadcast_in_dim3A_499, %select_n3A_482 : vector<128x512xi1>, vector<128x512xf32>
    %reduce_min3A_501 = arith.constant dense<0x7F800000> : vector<128xf32>
    %reduce_min3A_502 = vector.multi_reduction <minimumf>, %select_n3A_500, %reduce_min3A_501 [1] : vector<128x512xf32> to vector<128xf32>
    %broadcast_in_dim3A_503 = vector.shape_cast %reduce_min3A_502 : vector<128xf32> to vector<128x1xf32>
    %lt3A_504 = arith.constant 1.000000e+09 : f32
    %lt3A_505 = vector.broadcast %lt3A_504 : f32 to vector<128x1xf32>
    %lt3A_506 = arith.cmpf olt, %broadcast_in_dim3A_503, %lt3A_505 : vector<128x1xf32>
    %select_n3A_507 = arith.select %lt3A_506, %broadcast_in_dim3A_503, %broadcast_in_dim3A_59 : vector<128x1xi1>, vector<128x1xf32>
    %eq3A_508 = arith.constant 25 : i32
    %eq3A_509 = vector.broadcast %eq3A_508 : i32 to vector<128x64xi32>
    %eq3A_510 = arith.cmpi eq, %iota3A_57, %eq3A_509 : vector<128x64xi32>
    %broadcast_in_dim3A_511 = vector.shape_cast %select_n3A_507 : vector<128x1xf32> to vector<128x1xf32>
    %broadcast_in_dim3A_512 = vector.broadcast %broadcast_in_dim3A_511 : vector<128x1xf32> to vector<128x64xf32>
    %select_n3A_513 = arith.select %eq3A_510, %broadcast_in_dim3A_512, %select_n3A_495 : vector<128x64xi1>, vector<128x64xf32>
    %eq3A_514 = vector.broadcast %broadcast_in_dim3A_503 : vector<128x1xf32> to vector<128x512xf32>
    %eq3A_515 = arith.cmpf oeq, %select_n3A_500, %eq3A_514 : vector<128x512xf32>
    %jit3A_516 = arith.constant 1.000000e+09 : f32
    %broadcast_in_dim3A_517 = vector.broadcast %jit3A_516 : f32 to vector<128x512xf32>
    %select_n3A_518 = arith.select %eq3A_515, %broadcast_in_dim3A_517, %select_n3A_500 : vector<128x512xi1>, vector<128x512xf32>
    %reduce_min3A_519 = arith.constant dense<0x7F800000> : vector<128xf32>
    %reduce_min3A_520 = vector.multi_reduction <minimumf>, %select_n3A_518, %reduce_min3A_519 [1] : vector<128x512xf32> to vector<128xf32>
    %broadcast_in_dim3A_521 = vector.shape_cast %reduce_min3A_520 : vector<128xf32> to vector<128x1xf32>
    %lt3A_522 = arith.constant 1.000000e+09 : f32
    %lt3A_523 = vector.broadcast %lt3A_522 : f32 to vector<128x1xf32>
    %lt3A_524 = arith.cmpf olt, %broadcast_in_dim3A_521, %lt3A_523 : vector<128x1xf32>
    %select_n3A_525 = arith.select %lt3A_524, %broadcast_in_dim3A_521, %broadcast_in_dim3A_59 : vector<128x1xi1>, vector<128x1xf32>
    %eq3A_526 = arith.constant 26 : i32
    %eq3A_527 = vector.broadcast %eq3A_526 : i32 to vector<128x64xi32>
    %eq3A_528 = arith.cmpi eq, %iota3A_57, %eq3A_527 : vector<128x64xi32>
    %broadcast_in_dim3A_529 = vector.shape_cast %select_n3A_525 : vector<128x1xf32> to vector<128x1xf32>
    %broadcast_in_dim3A_530 = vector.broadcast %broadcast_in_dim3A_529 : vector<128x1xf32> to vector<128x64xf32>
    %select_n3A_531 = arith.select %eq3A_528, %broadcast_in_dim3A_530, %select_n3A_513 : vector<128x64xi1>, vector<128x64xf32>
    %eq3A_532 = vector.broadcast %broadcast_in_dim3A_521 : vector<128x1xf32> to vector<128x512xf32>
    %eq3A_533 = arith.cmpf oeq, %select_n3A_518, %eq3A_532 : vector<128x512xf32>
    %jit3A_534 = arith.constant 1.000000e+09 : f32
    %broadcast_in_dim3A_535 = vector.broadcast %jit3A_534 : f32 to vector<128x512xf32>
    %select_n3A_536 = arith.select %eq3A_533, %broadcast_in_dim3A_535, %select_n3A_518 : vector<128x512xi1>, vector<128x512xf32>
    %reduce_min3A_537 = arith.constant dense<0x7F800000> : vector<128xf32>
    %reduce_min3A_538 = vector.multi_reduction <minimumf>, %select_n3A_536, %reduce_min3A_537 [1] : vector<128x512xf32> to vector<128xf32>
    %broadcast_in_dim3A_539 = vector.shape_cast %reduce_min3A_538 : vector<128xf32> to vector<128x1xf32>
    %lt3A_540 = arith.constant 1.000000e+09 : f32
    %lt3A_541 = vector.broadcast %lt3A_540 : f32 to vector<128x1xf32>
    %lt3A_542 = arith.cmpf olt, %broadcast_in_dim3A_539, %lt3A_541 : vector<128x1xf32>
    %select_n3A_543 = arith.select %lt3A_542, %broadcast_in_dim3A_539, %broadcast_in_dim3A_59 : vector<128x1xi1>, vector<128x1xf32>
    %eq3A_544 = arith.constant 27 : i32
    %eq3A_545 = vector.broadcast %eq3A_544 : i32 to vector<128x64xi32>
    %eq3A_546 = arith.cmpi eq, %iota3A_57, %eq3A_545 : vector<128x64xi32>
    %broadcast_in_dim3A_547 = vector.shape_cast %select_n3A_543 : vector<128x1xf32> to vector<128x1xf32>
    %broadcast_in_dim3A_548 = vector.broadcast %broadcast_in_dim3A_547 : vector<128x1xf32> to vector<128x64xf32>
    %select_n3A_549 = arith.select %eq3A_546, %broadcast_in_dim3A_548, %select_n3A_531 : vector<128x64xi1>, vector<128x64xf32>
    %eq3A_550 = vector.broadcast %broadcast_in_dim3A_539 : vector<128x1xf32> to vector<128x512xf32>
    %eq3A_551 = arith.cmpf oeq, %select_n3A_536, %eq3A_550 : vector<128x512xf32>
    %jit3A_552 = arith.constant 1.000000e+09 : f32
    %broadcast_in_dim3A_553 = vector.broadcast %jit3A_552 : f32 to vector<128x512xf32>
    %select_n3A_554 = arith.select %eq3A_551, %broadcast_in_dim3A_553, %select_n3A_536 : vector<128x512xi1>, vector<128x512xf32>
    %reduce_min3A_555 = arith.constant dense<0x7F800000> : vector<128xf32>
    %reduce_min3A_556 = vector.multi_reduction <minimumf>, %select_n3A_554, %reduce_min3A_555 [1] : vector<128x512xf32> to vector<128xf32>
    %broadcast_in_dim3A_557 = vector.shape_cast %reduce_min3A_556 : vector<128xf32> to vector<128x1xf32>
    %lt3A_558 = arith.constant 1.000000e+09 : f32
    %lt3A_559 = vector.broadcast %lt3A_558 : f32 to vector<128x1xf32>
    %lt3A_560 = arith.cmpf olt, %broadcast_in_dim3A_557, %lt3A_559 : vector<128x1xf32>
    %select_n3A_561 = arith.select %lt3A_560, %broadcast_in_dim3A_557, %broadcast_in_dim3A_59 : vector<128x1xi1>, vector<128x1xf32>
    %eq3A_562 = arith.constant 28 : i32
    %eq3A_563 = vector.broadcast %eq3A_562 : i32 to vector<128x64xi32>
    %eq3A_564 = arith.cmpi eq, %iota3A_57, %eq3A_563 : vector<128x64xi32>
    %broadcast_in_dim3A_565 = vector.shape_cast %select_n3A_561 : vector<128x1xf32> to vector<128x1xf32>
    %broadcast_in_dim3A_566 = vector.broadcast %broadcast_in_dim3A_565 : vector<128x1xf32> to vector<128x64xf32>
    %select_n3A_567 = arith.select %eq3A_564, %broadcast_in_dim3A_566, %select_n3A_549 : vector<128x64xi1>, vector<128x64xf32>
    %eq3A_568 = vector.broadcast %broadcast_in_dim3A_557 : vector<128x1xf32> to vector<128x512xf32>
    %eq3A_569 = arith.cmpf oeq, %select_n3A_554, %eq3A_568 : vector<128x512xf32>
    %jit3A_570 = arith.constant 1.000000e+09 : f32
    %broadcast_in_dim3A_571 = vector.broadcast %jit3A_570 : f32 to vector<128x512xf32>
    %select_n3A_572 = arith.select %eq3A_569, %broadcast_in_dim3A_571, %select_n3A_554 : vector<128x512xi1>, vector<128x512xf32>
    %reduce_min3A_573 = arith.constant dense<0x7F800000> : vector<128xf32>
    %reduce_min3A_574 = vector.multi_reduction <minimumf>, %select_n3A_572, %reduce_min3A_573 [1] : vector<128x512xf32> to vector<128xf32>
    %broadcast_in_dim3A_575 = vector.shape_cast %reduce_min3A_574 : vector<128xf32> to vector<128x1xf32>
    %lt3A_576 = arith.constant 1.000000e+09 : f32
    %lt3A_577 = vector.broadcast %lt3A_576 : f32 to vector<128x1xf32>
    %lt3A_578 = arith.cmpf olt, %broadcast_in_dim3A_575, %lt3A_577 : vector<128x1xf32>
    %select_n3A_579 = arith.select %lt3A_578, %broadcast_in_dim3A_575, %broadcast_in_dim3A_59 : vector<128x1xi1>, vector<128x1xf32>
    %eq3A_580 = arith.constant 29 : i32
    %eq3A_581 = vector.broadcast %eq3A_580 : i32 to vector<128x64xi32>
    %eq3A_582 = arith.cmpi eq, %iota3A_57, %eq3A_581 : vector<128x64xi32>
    %broadcast_in_dim3A_583 = vector.shape_cast %select_n3A_579 : vector<128x1xf32> to vector<128x1xf32>
    %broadcast_in_dim3A_584 = vector.broadcast %broadcast_in_dim3A_583 : vector<128x1xf32> to vector<128x64xf32>
    %select_n3A_585 = arith.select %eq3A_582, %broadcast_in_dim3A_584, %select_n3A_567 : vector<128x64xi1>, vector<128x64xf32>
    %eq3A_586 = vector.broadcast %broadcast_in_dim3A_575 : vector<128x1xf32> to vector<128x512xf32>
    %eq3A_587 = arith.cmpf oeq, %select_n3A_572, %eq3A_586 : vector<128x512xf32>
    %jit3A_588 = arith.constant 1.000000e+09 : f32
    %broadcast_in_dim3A_589 = vector.broadcast %jit3A_588 : f32 to vector<128x512xf32>
    %select_n3A_590 = arith.select %eq3A_587, %broadcast_in_dim3A_589, %select_n3A_572 : vector<128x512xi1>, vector<128x512xf32>
    %reduce_min3A_591 = arith.constant dense<0x7F800000> : vector<128xf32>
    %reduce_min3A_592 = vector.multi_reduction <minimumf>, %select_n3A_590, %reduce_min3A_591 [1] : vector<128x512xf32> to vector<128xf32>
    %broadcast_in_dim3A_593 = vector.shape_cast %reduce_min3A_592 : vector<128xf32> to vector<128x1xf32>
    %lt3A_594 = arith.constant 1.000000e+09 : f32
    %lt3A_595 = vector.broadcast %lt3A_594 : f32 to vector<128x1xf32>
    %lt3A_596 = arith.cmpf olt, %broadcast_in_dim3A_593, %lt3A_595 : vector<128x1xf32>
    %select_n3A_597 = arith.select %lt3A_596, %broadcast_in_dim3A_593, %broadcast_in_dim3A_59 : vector<128x1xi1>, vector<128x1xf32>
    %eq3A_598 = arith.constant 30 : i32
    %eq3A_599 = vector.broadcast %eq3A_598 : i32 to vector<128x64xi32>
    %eq3A_600 = arith.cmpi eq, %iota3A_57, %eq3A_599 : vector<128x64xi32>
    %broadcast_in_dim3A_601 = vector.shape_cast %select_n3A_597 : vector<128x1xf32> to vector<128x1xf32>
    %broadcast_in_dim3A_602 = vector.broadcast %broadcast_in_dim3A_601 : vector<128x1xf32> to vector<128x64xf32>
    %select_n3A_603 = arith.select %eq3A_600, %broadcast_in_dim3A_602, %select_n3A_585 : vector<128x64xi1>, vector<128x64xf32>
    %eq3A_604 = vector.broadcast %broadcast_in_dim3A_593 : vector<128x1xf32> to vector<128x512xf32>
    %eq3A_605 = arith.cmpf oeq, %select_n3A_590, %eq3A_604 : vector<128x512xf32>
    %jit3A_606 = arith.constant 1.000000e+09 : f32
    %broadcast_in_dim3A_607 = vector.broadcast %jit3A_606 : f32 to vector<128x512xf32>
    %select_n3A_608 = arith.select %eq3A_605, %broadcast_in_dim3A_607, %select_n3A_590 : vector<128x512xi1>, vector<128x512xf32>
    %reduce_min3A_609 = arith.constant dense<0x7F800000> : vector<128xf32>
    %reduce_min3A_610 = vector.multi_reduction <minimumf>, %select_n3A_608, %reduce_min3A_609 [1] : vector<128x512xf32> to vector<128xf32>
    %broadcast_in_dim3A_611 = vector.shape_cast %reduce_min3A_610 : vector<128xf32> to vector<128x1xf32>
    %lt3A_612 = arith.constant 1.000000e+09 : f32
    %lt3A_613 = vector.broadcast %lt3A_612 : f32 to vector<128x1xf32>
    %lt3A_614 = arith.cmpf olt, %broadcast_in_dim3A_611, %lt3A_613 : vector<128x1xf32>
    %select_n3A_615 = arith.select %lt3A_614, %broadcast_in_dim3A_611, %broadcast_in_dim3A_59 : vector<128x1xi1>, vector<128x1xf32>
    %eq3A_616 = arith.constant 31 : i32
    %eq3A_617 = vector.broadcast %eq3A_616 : i32 to vector<128x64xi32>
    %eq3A_618 = arith.cmpi eq, %iota3A_57, %eq3A_617 : vector<128x64xi32>
    %broadcast_in_dim3A_619 = vector.shape_cast %select_n3A_615 : vector<128x1xf32> to vector<128x1xf32>
    %broadcast_in_dim3A_620 = vector.broadcast %broadcast_in_dim3A_619 : vector<128x1xf32> to vector<128x64xf32>
    %select_n3A_621 = arith.select %eq3A_618, %broadcast_in_dim3A_620, %select_n3A_603 : vector<128x64xi1>, vector<128x64xf32>
    %eq3A_622 = vector.broadcast %broadcast_in_dim3A_611 : vector<128x1xf32> to vector<128x512xf32>
    %eq3A_623 = arith.cmpf oeq, %select_n3A_608, %eq3A_622 : vector<128x512xf32>
    %jit3A_624 = arith.constant 1.000000e+09 : f32
    %broadcast_in_dim3A_625 = vector.broadcast %jit3A_624 : f32 to vector<128x512xf32>
    %select_n3A_626 = arith.select %eq3A_623, %broadcast_in_dim3A_625, %select_n3A_608 : vector<128x512xi1>, vector<128x512xf32>
    %reduce_min3A_627 = arith.constant dense<0x7F800000> : vector<128xf32>
    %reduce_min3A_628 = vector.multi_reduction <minimumf>, %select_n3A_626, %reduce_min3A_627 [1] : vector<128x512xf32> to vector<128xf32>
    %broadcast_in_dim3A_629 = vector.shape_cast %reduce_min3A_628 : vector<128xf32> to vector<128x1xf32>
    %lt3A_630 = arith.constant 1.000000e+09 : f32
    %lt3A_631 = vector.broadcast %lt3A_630 : f32 to vector<128x1xf32>
    %lt3A_632 = arith.cmpf olt, %broadcast_in_dim3A_629, %lt3A_631 : vector<128x1xf32>
    %select_n3A_633 = arith.select %lt3A_632, %broadcast_in_dim3A_629, %broadcast_in_dim3A_59 : vector<128x1xi1>, vector<128x1xf32>
    %eq3A_634 = arith.constant 32 : i32
    %eq3A_635 = vector.broadcast %eq3A_634 : i32 to vector<128x64xi32>
    %eq3A_636 = arith.cmpi eq, %iota3A_57, %eq3A_635 : vector<128x64xi32>
    %broadcast_in_dim3A_637 = vector.shape_cast %select_n3A_633 : vector<128x1xf32> to vector<128x1xf32>
    %broadcast_in_dim3A_638 = vector.broadcast %broadcast_in_dim3A_637 : vector<128x1xf32> to vector<128x64xf32>
    %select_n3A_639 = arith.select %eq3A_636, %broadcast_in_dim3A_638, %select_n3A_621 : vector<128x64xi1>, vector<128x64xf32>
    %eq3A_640 = vector.broadcast %broadcast_in_dim3A_629 : vector<128x1xf32> to vector<128x512xf32>
    %eq3A_641 = arith.cmpf oeq, %select_n3A_626, %eq3A_640 : vector<128x512xf32>
    %jit3A_642 = arith.constant 1.000000e+09 : f32
    %broadcast_in_dim3A_643 = vector.broadcast %jit3A_642 : f32 to vector<128x512xf32>
    %select_n3A_644 = arith.select %eq3A_641, %broadcast_in_dim3A_643, %select_n3A_626 : vector<128x512xi1>, vector<128x512xf32>
    %reduce_min3A_645 = arith.constant dense<0x7F800000> : vector<128xf32>
    %reduce_min3A_646 = vector.multi_reduction <minimumf>, %select_n3A_644, %reduce_min3A_645 [1] : vector<128x512xf32> to vector<128xf32>
    %broadcast_in_dim3A_647 = vector.shape_cast %reduce_min3A_646 : vector<128xf32> to vector<128x1xf32>
    %lt3A_648 = arith.constant 1.000000e+09 : f32
    %lt3A_649 = vector.broadcast %lt3A_648 : f32 to vector<128x1xf32>
    %lt3A_650 = arith.cmpf olt, %broadcast_in_dim3A_647, %lt3A_649 : vector<128x1xf32>
    %select_n3A_651 = arith.select %lt3A_650, %broadcast_in_dim3A_647, %broadcast_in_dim3A_59 : vector<128x1xi1>, vector<128x1xf32>
    %eq3A_652 = arith.constant 33 : i32
    %eq3A_653 = vector.broadcast %eq3A_652 : i32 to vector<128x64xi32>
    %eq3A_654 = arith.cmpi eq, %iota3A_57, %eq3A_653 : vector<128x64xi32>
    %broadcast_in_dim3A_655 = vector.shape_cast %select_n3A_651 : vector<128x1xf32> to vector<128x1xf32>
    %broadcast_in_dim3A_656 = vector.broadcast %broadcast_in_dim3A_655 : vector<128x1xf32> to vector<128x64xf32>
    %select_n3A_657 = arith.select %eq3A_654, %broadcast_in_dim3A_656, %select_n3A_639 : vector<128x64xi1>, vector<128x64xf32>
    %eq3A_658 = vector.broadcast %broadcast_in_dim3A_647 : vector<128x1xf32> to vector<128x512xf32>
    %eq3A_659 = arith.cmpf oeq, %select_n3A_644, %eq3A_658 : vector<128x512xf32>
    %jit3A_660 = arith.constant 1.000000e+09 : f32
    %broadcast_in_dim3A_661 = vector.broadcast %jit3A_660 : f32 to vector<128x512xf32>
    %select_n3A_662 = arith.select %eq3A_659, %broadcast_in_dim3A_661, %select_n3A_644 : vector<128x512xi1>, vector<128x512xf32>
    %reduce_min3A_663 = arith.constant dense<0x7F800000> : vector<128xf32>
    %reduce_min3A_664 = vector.multi_reduction <minimumf>, %select_n3A_662, %reduce_min3A_663 [1] : vector<128x512xf32> to vector<128xf32>
    %broadcast_in_dim3A_665 = vector.shape_cast %reduce_min3A_664 : vector<128xf32> to vector<128x1xf32>
    %lt3A_666 = arith.constant 1.000000e+09 : f32
    %lt3A_667 = vector.broadcast %lt3A_666 : f32 to vector<128x1xf32>
    %lt3A_668 = arith.cmpf olt, %broadcast_in_dim3A_665, %lt3A_667 : vector<128x1xf32>
    %select_n3A_669 = arith.select %lt3A_668, %broadcast_in_dim3A_665, %broadcast_in_dim3A_59 : vector<128x1xi1>, vector<128x1xf32>
    %eq3A_670 = arith.constant 34 : i32
    %eq3A_671 = vector.broadcast %eq3A_670 : i32 to vector<128x64xi32>
    %eq3A_672 = arith.cmpi eq, %iota3A_57, %eq3A_671 : vector<128x64xi32>
    %broadcast_in_dim3A_673 = vector.shape_cast %select_n3A_669 : vector<128x1xf32> to vector<128x1xf32>
    %broadcast_in_dim3A_674 = vector.broadcast %broadcast_in_dim3A_673 : vector<128x1xf32> to vector<128x64xf32>
    %select_n3A_675 = arith.select %eq3A_672, %broadcast_in_dim3A_674, %select_n3A_657 : vector<128x64xi1>, vector<128x64xf32>
    %eq3A_676 = vector.broadcast %broadcast_in_dim3A_665 : vector<128x1xf32> to vector<128x512xf32>
    %eq3A_677 = arith.cmpf oeq, %select_n3A_662, %eq3A_676 : vector<128x512xf32>
    %jit3A_678 = arith.constant 1.000000e+09 : f32
    %broadcast_in_dim3A_679 = vector.broadcast %jit3A_678 : f32 to vector<128x512xf32>
    %select_n3A_680 = arith.select %eq3A_677, %broadcast_in_dim3A_679, %select_n3A_662 : vector<128x512xi1>, vector<128x512xf32>
    %reduce_min3A_681 = arith.constant dense<0x7F800000> : vector<128xf32>
    %reduce_min3A_682 = vector.multi_reduction <minimumf>, %select_n3A_680, %reduce_min3A_681 [1] : vector<128x512xf32> to vector<128xf32>
    %broadcast_in_dim3A_683 = vector.shape_cast %reduce_min3A_682 : vector<128xf32> to vector<128x1xf32>
    %lt3A_684 = arith.constant 1.000000e+09 : f32
    %lt3A_685 = vector.broadcast %lt3A_684 : f32 to vector<128x1xf32>
    %lt3A_686 = arith.cmpf olt, %broadcast_in_dim3A_683, %lt3A_685 : vector<128x1xf32>
    %select_n3A_687 = arith.select %lt3A_686, %broadcast_in_dim3A_683, %broadcast_in_dim3A_59 : vector<128x1xi1>, vector<128x1xf32>
    %eq3A_688 = arith.constant 35 : i32
    %eq3A_689 = vector.broadcast %eq3A_688 : i32 to vector<128x64xi32>
    %eq3A_690 = arith.cmpi eq, %iota3A_57, %eq3A_689 : vector<128x64xi32>
    %broadcast_in_dim3A_691 = vector.shape_cast %select_n3A_687 : vector<128x1xf32> to vector<128x1xf32>
    %broadcast_in_dim3A_692 = vector.broadcast %broadcast_in_dim3A_691 : vector<128x1xf32> to vector<128x64xf32>
    %select_n3A_693 = arith.select %eq3A_690, %broadcast_in_dim3A_692, %select_n3A_675 : vector<128x64xi1>, vector<128x64xf32>
    %eq3A_694 = vector.broadcast %broadcast_in_dim3A_683 : vector<128x1xf32> to vector<128x512xf32>
    %eq3A_695 = arith.cmpf oeq, %select_n3A_680, %eq3A_694 : vector<128x512xf32>
    %jit3A_696 = arith.constant 1.000000e+09 : f32
    %broadcast_in_dim3A_697 = vector.broadcast %jit3A_696 : f32 to vector<128x512xf32>
    %select_n3A_698 = arith.select %eq3A_695, %broadcast_in_dim3A_697, %select_n3A_680 : vector<128x512xi1>, vector<128x512xf32>
    %reduce_min3A_699 = arith.constant dense<0x7F800000> : vector<128xf32>
    %reduce_min3A_700 = vector.multi_reduction <minimumf>, %select_n3A_698, %reduce_min3A_699 [1] : vector<128x512xf32> to vector<128xf32>
    %broadcast_in_dim3A_701 = vector.shape_cast %reduce_min3A_700 : vector<128xf32> to vector<128x1xf32>
    %lt3A_702 = arith.constant 1.000000e+09 : f32
    %lt3A_703 = vector.broadcast %lt3A_702 : f32 to vector<128x1xf32>
    %lt3A_704 = arith.cmpf olt, %broadcast_in_dim3A_701, %lt3A_703 : vector<128x1xf32>
    %select_n3A_705 = arith.select %lt3A_704, %broadcast_in_dim3A_701, %broadcast_in_dim3A_59 : vector<128x1xi1>, vector<128x1xf32>
    %eq3A_706 = arith.constant 36 : i32
    %eq3A_707 = vector.broadcast %eq3A_706 : i32 to vector<128x64xi32>
    %eq3A_708 = arith.cmpi eq, %iota3A_57, %eq3A_707 : vector<128x64xi32>
    %broadcast_in_dim3A_709 = vector.shape_cast %select_n3A_705 : vector<128x1xf32> to vector<128x1xf32>
    %broadcast_in_dim3A_710 = vector.broadcast %broadcast_in_dim3A_709 : vector<128x1xf32> to vector<128x64xf32>
    %select_n3A_711 = arith.select %eq3A_708, %broadcast_in_dim3A_710, %select_n3A_693 : vector<128x64xi1>, vector<128x64xf32>
    %eq3A_712 = vector.broadcast %broadcast_in_dim3A_701 : vector<128x1xf32> to vector<128x512xf32>
    %eq3A_713 = arith.cmpf oeq, %select_n3A_698, %eq3A_712 : vector<128x512xf32>
    %jit3A_714 = arith.constant 1.000000e+09 : f32
    %broadcast_in_dim3A_715 = vector.broadcast %jit3A_714 : f32 to vector<128x512xf32>
    %select_n3A_716 = arith.select %eq3A_713, %broadcast_in_dim3A_715, %select_n3A_698 : vector<128x512xi1>, vector<128x512xf32>
    %reduce_min3A_717 = arith.constant dense<0x7F800000> : vector<128xf32>
    %reduce_min3A_718 = vector.multi_reduction <minimumf>, %select_n3A_716, %reduce_min3A_717 [1] : vector<128x512xf32> to vector<128xf32>
    %broadcast_in_dim3A_719 = vector.shape_cast %reduce_min3A_718 : vector<128xf32> to vector<128x1xf32>
    %lt3A_720 = arith.constant 1.000000e+09 : f32
    %lt3A_721 = vector.broadcast %lt3A_720 : f32 to vector<128x1xf32>
    %lt3A_722 = arith.cmpf olt, %broadcast_in_dim3A_719, %lt3A_721 : vector<128x1xf32>
    %select_n3A_723 = arith.select %lt3A_722, %broadcast_in_dim3A_719, %broadcast_in_dim3A_59 : vector<128x1xi1>, vector<128x1xf32>
    %eq3A_724 = arith.constant 37 : i32
    %eq3A_725 = vector.broadcast %eq3A_724 : i32 to vector<128x64xi32>
    %eq3A_726 = arith.cmpi eq, %iota3A_57, %eq3A_725 : vector<128x64xi32>
    %broadcast_in_dim3A_727 = vector.shape_cast %select_n3A_723 : vector<128x1xf32> to vector<128x1xf32>
    %broadcast_in_dim3A_728 = vector.broadcast %broadcast_in_dim3A_727 : vector<128x1xf32> to vector<128x64xf32>
    %select_n3A_729 = arith.select %eq3A_726, %broadcast_in_dim3A_728, %select_n3A_711 : vector<128x64xi1>, vector<128x64xf32>
    %eq3A_730 = vector.broadcast %broadcast_in_dim3A_719 : vector<128x1xf32> to vector<128x512xf32>
    %eq3A_731 = arith.cmpf oeq, %select_n3A_716, %eq3A_730 : vector<128x512xf32>
    %jit3A_732 = arith.constant 1.000000e+09 : f32
    %broadcast_in_dim3A_733 = vector.broadcast %jit3A_732 : f32 to vector<128x512xf32>
    %select_n3A_734 = arith.select %eq3A_731, %broadcast_in_dim3A_733, %select_n3A_716 : vector<128x512xi1>, vector<128x512xf32>
    %reduce_min3A_735 = arith.constant dense<0x7F800000> : vector<128xf32>
    %reduce_min3A_736 = vector.multi_reduction <minimumf>, %select_n3A_734, %reduce_min3A_735 [1] : vector<128x512xf32> to vector<128xf32>
    %broadcast_in_dim3A_737 = vector.shape_cast %reduce_min3A_736 : vector<128xf32> to vector<128x1xf32>
    %lt3A_738 = arith.constant 1.000000e+09 : f32
    %lt3A_739 = vector.broadcast %lt3A_738 : f32 to vector<128x1xf32>
    %lt3A_740 = arith.cmpf olt, %broadcast_in_dim3A_737, %lt3A_739 : vector<128x1xf32>
    %select_n3A_741 = arith.select %lt3A_740, %broadcast_in_dim3A_737, %broadcast_in_dim3A_59 : vector<128x1xi1>, vector<128x1xf32>
    %eq3A_742 = arith.constant 38 : i32
    %eq3A_743 = vector.broadcast %eq3A_742 : i32 to vector<128x64xi32>
    %eq3A_744 = arith.cmpi eq, %iota3A_57, %eq3A_743 : vector<128x64xi32>
    %broadcast_in_dim3A_745 = vector.shape_cast %select_n3A_741 : vector<128x1xf32> to vector<128x1xf32>
    %broadcast_in_dim3A_746 = vector.broadcast %broadcast_in_dim3A_745 : vector<128x1xf32> to vector<128x64xf32>
    %select_n3A_747 = arith.select %eq3A_744, %broadcast_in_dim3A_746, %select_n3A_729 : vector<128x64xi1>, vector<128x64xf32>
    %eq3A_748 = vector.broadcast %broadcast_in_dim3A_737 : vector<128x1xf32> to vector<128x512xf32>
    %eq3A_749 = arith.cmpf oeq, %select_n3A_734, %eq3A_748 : vector<128x512xf32>
    %jit3A_750 = arith.constant 1.000000e+09 : f32
    %broadcast_in_dim3A_751 = vector.broadcast %jit3A_750 : f32 to vector<128x512xf32>
    %select_n3A_752 = arith.select %eq3A_749, %broadcast_in_dim3A_751, %select_n3A_734 : vector<128x512xi1>, vector<128x512xf32>
    %reduce_min3A_753 = arith.constant dense<0x7F800000> : vector<128xf32>
    %reduce_min3A_754 = vector.multi_reduction <minimumf>, %select_n3A_752, %reduce_min3A_753 [1] : vector<128x512xf32> to vector<128xf32>
    %broadcast_in_dim3A_755 = vector.shape_cast %reduce_min3A_754 : vector<128xf32> to vector<128x1xf32>
    %lt3A_756 = arith.constant 1.000000e+09 : f32
    %lt3A_757 = vector.broadcast %lt3A_756 : f32 to vector<128x1xf32>
    %lt3A_758 = arith.cmpf olt, %broadcast_in_dim3A_755, %lt3A_757 : vector<128x1xf32>
    %select_n3A_759 = arith.select %lt3A_758, %broadcast_in_dim3A_755, %broadcast_in_dim3A_59 : vector<128x1xi1>, vector<128x1xf32>
    %eq3A_760 = arith.constant 39 : i32
    %eq3A_761 = vector.broadcast %eq3A_760 : i32 to vector<128x64xi32>
    %eq3A_762 = arith.cmpi eq, %iota3A_57, %eq3A_761 : vector<128x64xi32>
    %broadcast_in_dim3A_763 = vector.shape_cast %select_n3A_759 : vector<128x1xf32> to vector<128x1xf32>
    %broadcast_in_dim3A_764 = vector.broadcast %broadcast_in_dim3A_763 : vector<128x1xf32> to vector<128x64xf32>
    %select_n3A_765 = arith.select %eq3A_762, %broadcast_in_dim3A_764, %select_n3A_747 : vector<128x64xi1>, vector<128x64xf32>
    %eq3A_766 = vector.broadcast %broadcast_in_dim3A_755 : vector<128x1xf32> to vector<128x512xf32>
    %eq3A_767 = arith.cmpf oeq, %select_n3A_752, %eq3A_766 : vector<128x512xf32>
    %jit3A_768 = arith.constant 1.000000e+09 : f32
    %broadcast_in_dim3A_769 = vector.broadcast %jit3A_768 : f32 to vector<128x512xf32>
    %select_n3A_770 = arith.select %eq3A_767, %broadcast_in_dim3A_769, %select_n3A_752 : vector<128x512xi1>, vector<128x512xf32>
    %reduce_min3A_771 = arith.constant dense<0x7F800000> : vector<128xf32>
    %reduce_min3A_772 = vector.multi_reduction <minimumf>, %select_n3A_770, %reduce_min3A_771 [1] : vector<128x512xf32> to vector<128xf32>
    %broadcast_in_dim3A_773 = vector.shape_cast %reduce_min3A_772 : vector<128xf32> to vector<128x1xf32>
    %lt3A_774 = arith.constant 1.000000e+09 : f32
    %lt3A_775 = vector.broadcast %lt3A_774 : f32 to vector<128x1xf32>
    %lt3A_776 = arith.cmpf olt, %broadcast_in_dim3A_773, %lt3A_775 : vector<128x1xf32>
    %select_n3A_777 = arith.select %lt3A_776, %broadcast_in_dim3A_773, %broadcast_in_dim3A_59 : vector<128x1xi1>, vector<128x1xf32>
    %eq3A_778 = arith.constant 40 : i32
    %eq3A_779 = vector.broadcast %eq3A_778 : i32 to vector<128x64xi32>
    %eq3A_780 = arith.cmpi eq, %iota3A_57, %eq3A_779 : vector<128x64xi32>
    %broadcast_in_dim3A_781 = vector.shape_cast %select_n3A_777 : vector<128x1xf32> to vector<128x1xf32>
    %broadcast_in_dim3A_782 = vector.broadcast %broadcast_in_dim3A_781 : vector<128x1xf32> to vector<128x64xf32>
    %select_n3A_783 = arith.select %eq3A_780, %broadcast_in_dim3A_782, %select_n3A_765 : vector<128x64xi1>, vector<128x64xf32>
    %eq3A_784 = vector.broadcast %broadcast_in_dim3A_773 : vector<128x1xf32> to vector<128x512xf32>
    %eq3A_785 = arith.cmpf oeq, %select_n3A_770, %eq3A_784 : vector<128x512xf32>
    %jit3A_786 = arith.constant 1.000000e+09 : f32
    %broadcast_in_dim3A_787 = vector.broadcast %jit3A_786 : f32 to vector<128x512xf32>
    %select_n3A_788 = arith.select %eq3A_785, %broadcast_in_dim3A_787, %select_n3A_770 : vector<128x512xi1>, vector<128x512xf32>
    %reduce_min3A_789 = arith.constant dense<0x7F800000> : vector<128xf32>
    %reduce_min3A_790 = vector.multi_reduction <minimumf>, %select_n3A_788, %reduce_min3A_789 [1] : vector<128x512xf32> to vector<128xf32>
    %broadcast_in_dim3A_791 = vector.shape_cast %reduce_min3A_790 : vector<128xf32> to vector<128x1xf32>
    %lt3A_792 = arith.constant 1.000000e+09 : f32
    %lt3A_793 = vector.broadcast %lt3A_792 : f32 to vector<128x1xf32>
    %lt3A_794 = arith.cmpf olt, %broadcast_in_dim3A_791, %lt3A_793 : vector<128x1xf32>
    %select_n3A_795 = arith.select %lt3A_794, %broadcast_in_dim3A_791, %broadcast_in_dim3A_59 : vector<128x1xi1>, vector<128x1xf32>
    %eq3A_796 = arith.constant 41 : i32
    %eq3A_797 = vector.broadcast %eq3A_796 : i32 to vector<128x64xi32>
    %eq3A_798 = arith.cmpi eq, %iota3A_57, %eq3A_797 : vector<128x64xi32>
    %broadcast_in_dim3A_799 = vector.shape_cast %select_n3A_795 : vector<128x1xf32> to vector<128x1xf32>
    %broadcast_in_dim3A_800 = vector.broadcast %broadcast_in_dim3A_799 : vector<128x1xf32> to vector<128x64xf32>
    %select_n3A_801 = arith.select %eq3A_798, %broadcast_in_dim3A_800, %select_n3A_783 : vector<128x64xi1>, vector<128x64xf32>
    %eq3A_802 = vector.broadcast %broadcast_in_dim3A_791 : vector<128x1xf32> to vector<128x512xf32>
    %eq3A_803 = arith.cmpf oeq, %select_n3A_788, %eq3A_802 : vector<128x512xf32>
    %jit3A_804 = arith.constant 1.000000e+09 : f32
    %broadcast_in_dim3A_805 = vector.broadcast %jit3A_804 : f32 to vector<128x512xf32>
    %select_n3A_806 = arith.select %eq3A_803, %broadcast_in_dim3A_805, %select_n3A_788 : vector<128x512xi1>, vector<128x512xf32>
    %reduce_min3A_807 = arith.constant dense<0x7F800000> : vector<128xf32>
    %reduce_min3A_808 = vector.multi_reduction <minimumf>, %select_n3A_806, %reduce_min3A_807 [1] : vector<128x512xf32> to vector<128xf32>
    %broadcast_in_dim3A_809 = vector.shape_cast %reduce_min3A_808 : vector<128xf32> to vector<128x1xf32>
    %lt3A_810 = arith.constant 1.000000e+09 : f32
    %lt3A_811 = vector.broadcast %lt3A_810 : f32 to vector<128x1xf32>
    %lt3A_812 = arith.cmpf olt, %broadcast_in_dim3A_809, %lt3A_811 : vector<128x1xf32>
    %select_n3A_813 = arith.select %lt3A_812, %broadcast_in_dim3A_809, %broadcast_in_dim3A_59 : vector<128x1xi1>, vector<128x1xf32>
    %eq3A_814 = arith.constant 42 : i32
    %eq3A_815 = vector.broadcast %eq3A_814 : i32 to vector<128x64xi32>
    %eq3A_816 = arith.cmpi eq, %iota3A_57, %eq3A_815 : vector<128x64xi32>
    %broadcast_in_dim3A_817 = vector.shape_cast %select_n3A_813 : vector<128x1xf32> to vector<128x1xf32>
    %broadcast_in_dim3A_818 = vector.broadcast %broadcast_in_dim3A_817 : vector<128x1xf32> to vector<128x64xf32>
    %select_n3A_819 = arith.select %eq3A_816, %broadcast_in_dim3A_818, %select_n3A_801 : vector<128x64xi1>, vector<128x64xf32>
    %eq3A_820 = vector.broadcast %broadcast_in_dim3A_809 : vector<128x1xf32> to vector<128x512xf32>
    %eq3A_821 = arith.cmpf oeq, %select_n3A_806, %eq3A_820 : vector<128x512xf32>
    %jit3A_822 = arith.constant 1.000000e+09 : f32
    %broadcast_in_dim3A_823 = vector.broadcast %jit3A_822 : f32 to vector<128x512xf32>
    %select_n3A_824 = arith.select %eq3A_821, %broadcast_in_dim3A_823, %select_n3A_806 : vector<128x512xi1>, vector<128x512xf32>
    %reduce_min3A_825 = arith.constant dense<0x7F800000> : vector<128xf32>
    %reduce_min3A_826 = vector.multi_reduction <minimumf>, %select_n3A_824, %reduce_min3A_825 [1] : vector<128x512xf32> to vector<128xf32>
    %broadcast_in_dim3A_827 = vector.shape_cast %reduce_min3A_826 : vector<128xf32> to vector<128x1xf32>
    %lt3A_828 = arith.constant 1.000000e+09 : f32
    %lt3A_829 = vector.broadcast %lt3A_828 : f32 to vector<128x1xf32>
    %lt3A_830 = arith.cmpf olt, %broadcast_in_dim3A_827, %lt3A_829 : vector<128x1xf32>
    %select_n3A_831 = arith.select %lt3A_830, %broadcast_in_dim3A_827, %broadcast_in_dim3A_59 : vector<128x1xi1>, vector<128x1xf32>
    %eq3A_832 = arith.constant 43 : i32
    %eq3A_833 = vector.broadcast %eq3A_832 : i32 to vector<128x64xi32>
    %eq3A_834 = arith.cmpi eq, %iota3A_57, %eq3A_833 : vector<128x64xi32>
    %broadcast_in_dim3A_835 = vector.shape_cast %select_n3A_831 : vector<128x1xf32> to vector<128x1xf32>
    %broadcast_in_dim3A_836 = vector.broadcast %broadcast_in_dim3A_835 : vector<128x1xf32> to vector<128x64xf32>
    %select_n3A_837 = arith.select %eq3A_834, %broadcast_in_dim3A_836, %select_n3A_819 : vector<128x64xi1>, vector<128x64xf32>
    %eq3A_838 = vector.broadcast %broadcast_in_dim3A_827 : vector<128x1xf32> to vector<128x512xf32>
    %eq3A_839 = arith.cmpf oeq, %select_n3A_824, %eq3A_838 : vector<128x512xf32>
    %jit3A_840 = arith.constant 1.000000e+09 : f32
    %broadcast_in_dim3A_841 = vector.broadcast %jit3A_840 : f32 to vector<128x512xf32>
    %select_n3A_842 = arith.select %eq3A_839, %broadcast_in_dim3A_841, %select_n3A_824 : vector<128x512xi1>, vector<128x512xf32>
    %reduce_min3A_843 = arith.constant dense<0x7F800000> : vector<128xf32>
    %reduce_min3A_844 = vector.multi_reduction <minimumf>, %select_n3A_842, %reduce_min3A_843 [1] : vector<128x512xf32> to vector<128xf32>
    %broadcast_in_dim3A_845 = vector.shape_cast %reduce_min3A_844 : vector<128xf32> to vector<128x1xf32>
    %lt3A_846 = arith.constant 1.000000e+09 : f32
    %lt3A_847 = vector.broadcast %lt3A_846 : f32 to vector<128x1xf32>
    %lt3A_848 = arith.cmpf olt, %broadcast_in_dim3A_845, %lt3A_847 : vector<128x1xf32>
    %select_n3A_849 = arith.select %lt3A_848, %broadcast_in_dim3A_845, %broadcast_in_dim3A_59 : vector<128x1xi1>, vector<128x1xf32>
    %eq3A_850 = arith.constant 44 : i32
    %eq3A_851 = vector.broadcast %eq3A_850 : i32 to vector<128x64xi32>
    %eq3A_852 = arith.cmpi eq, %iota3A_57, %eq3A_851 : vector<128x64xi32>
    %broadcast_in_dim3A_853 = vector.shape_cast %select_n3A_849 : vector<128x1xf32> to vector<128x1xf32>
    %broadcast_in_dim3A_854 = vector.broadcast %broadcast_in_dim3A_853 : vector<128x1xf32> to vector<128x64xf32>
    %select_n3A_855 = arith.select %eq3A_852, %broadcast_in_dim3A_854, %select_n3A_837 : vector<128x64xi1>, vector<128x64xf32>
    %eq3A_856 = vector.broadcast %broadcast_in_dim3A_845 : vector<128x1xf32> to vector<128x512xf32>
    %eq3A_857 = arith.cmpf oeq, %select_n3A_842, %eq3A_856 : vector<128x512xf32>
    %jit3A_858 = arith.constant 1.000000e+09 : f32
    %broadcast_in_dim3A_859 = vector.broadcast %jit3A_858 : f32 to vector<128x512xf32>
    %select_n3A_860 = arith.select %eq3A_857, %broadcast_in_dim3A_859, %select_n3A_842 : vector<128x512xi1>, vector<128x512xf32>
    %reduce_min3A_861 = arith.constant dense<0x7F800000> : vector<128xf32>
    %reduce_min3A_862 = vector.multi_reduction <minimumf>, %select_n3A_860, %reduce_min3A_861 [1] : vector<128x512xf32> to vector<128xf32>
    %broadcast_in_dim3A_863 = vector.shape_cast %reduce_min3A_862 : vector<128xf32> to vector<128x1xf32>
    %lt3A_864 = arith.constant 1.000000e+09 : f32
    %lt3A_865 = vector.broadcast %lt3A_864 : f32 to vector<128x1xf32>
    %lt3A_866 = arith.cmpf olt, %broadcast_in_dim3A_863, %lt3A_865 : vector<128x1xf32>
    %select_n3A_867 = arith.select %lt3A_866, %broadcast_in_dim3A_863, %broadcast_in_dim3A_59 : vector<128x1xi1>, vector<128x1xf32>
    %eq3A_868 = arith.constant 45 : i32
    %eq3A_869 = vector.broadcast %eq3A_868 : i32 to vector<128x64xi32>
    %eq3A_870 = arith.cmpi eq, %iota3A_57, %eq3A_869 : vector<128x64xi32>
    %broadcast_in_dim3A_871 = vector.shape_cast %select_n3A_867 : vector<128x1xf32> to vector<128x1xf32>
    %broadcast_in_dim3A_872 = vector.broadcast %broadcast_in_dim3A_871 : vector<128x1xf32> to vector<128x64xf32>
    %select_n3A_873 = arith.select %eq3A_870, %broadcast_in_dim3A_872, %select_n3A_855 : vector<128x64xi1>, vector<128x64xf32>
    %eq3A_874 = vector.broadcast %broadcast_in_dim3A_863 : vector<128x1xf32> to vector<128x512xf32>
    %eq3A_875 = arith.cmpf oeq, %select_n3A_860, %eq3A_874 : vector<128x512xf32>
    %jit3A_876 = arith.constant 1.000000e+09 : f32
    %broadcast_in_dim3A_877 = vector.broadcast %jit3A_876 : f32 to vector<128x512xf32>
    %select_n3A_878 = arith.select %eq3A_875, %broadcast_in_dim3A_877, %select_n3A_860 : vector<128x512xi1>, vector<128x512xf32>
    %reduce_min3A_879 = arith.constant dense<0x7F800000> : vector<128xf32>
    %reduce_min3A_880 = vector.multi_reduction <minimumf>, %select_n3A_878, %reduce_min3A_879 [1] : vector<128x512xf32> to vector<128xf32>
    %broadcast_in_dim3A_881 = vector.shape_cast %reduce_min3A_880 : vector<128xf32> to vector<128x1xf32>
    %lt3A_882 = arith.constant 1.000000e+09 : f32
    %lt3A_883 = vector.broadcast %lt3A_882 : f32 to vector<128x1xf32>
    %lt3A_884 = arith.cmpf olt, %broadcast_in_dim3A_881, %lt3A_883 : vector<128x1xf32>
    %select_n3A_885 = arith.select %lt3A_884, %broadcast_in_dim3A_881, %broadcast_in_dim3A_59 : vector<128x1xi1>, vector<128x1xf32>
    %eq3A_886 = arith.constant 46 : i32
    %eq3A_887 = vector.broadcast %eq3A_886 : i32 to vector<128x64xi32>
    %eq3A_888 = arith.cmpi eq, %iota3A_57, %eq3A_887 : vector<128x64xi32>
    %broadcast_in_dim3A_889 = vector.shape_cast %select_n3A_885 : vector<128x1xf32> to vector<128x1xf32>
    %broadcast_in_dim3A_890 = vector.broadcast %broadcast_in_dim3A_889 : vector<128x1xf32> to vector<128x64xf32>
    %select_n3A_891 = arith.select %eq3A_888, %broadcast_in_dim3A_890, %select_n3A_873 : vector<128x64xi1>, vector<128x64xf32>
    %eq3A_892 = vector.broadcast %broadcast_in_dim3A_881 : vector<128x1xf32> to vector<128x512xf32>
    %eq3A_893 = arith.cmpf oeq, %select_n3A_878, %eq3A_892 : vector<128x512xf32>
    %jit3A_894 = arith.constant 1.000000e+09 : f32
    %broadcast_in_dim3A_895 = vector.broadcast %jit3A_894 : f32 to vector<128x512xf32>
    %select_n3A_896 = arith.select %eq3A_893, %broadcast_in_dim3A_895, %select_n3A_878 : vector<128x512xi1>, vector<128x512xf32>
    %reduce_min3A_897 = arith.constant dense<0x7F800000> : vector<128xf32>
    %reduce_min3A_898 = vector.multi_reduction <minimumf>, %select_n3A_896, %reduce_min3A_897 [1] : vector<128x512xf32> to vector<128xf32>
    %broadcast_in_dim3A_899 = vector.shape_cast %reduce_min3A_898 : vector<128xf32> to vector<128x1xf32>
    %lt3A_900 = arith.constant 1.000000e+09 : f32
    %lt3A_901 = vector.broadcast %lt3A_900 : f32 to vector<128x1xf32>
    %lt3A_902 = arith.cmpf olt, %broadcast_in_dim3A_899, %lt3A_901 : vector<128x1xf32>
    %select_n3A_903 = arith.select %lt3A_902, %broadcast_in_dim3A_899, %broadcast_in_dim3A_59 : vector<128x1xi1>, vector<128x1xf32>
    %eq3A_904 = arith.constant 47 : i32
    %eq3A_905 = vector.broadcast %eq3A_904 : i32 to vector<128x64xi32>
    %eq3A_906 = arith.cmpi eq, %iota3A_57, %eq3A_905 : vector<128x64xi32>
    %broadcast_in_dim3A_907 = vector.shape_cast %select_n3A_903 : vector<128x1xf32> to vector<128x1xf32>
    %broadcast_in_dim3A_908 = vector.broadcast %broadcast_in_dim3A_907 : vector<128x1xf32> to vector<128x64xf32>
    %select_n3A_909 = arith.select %eq3A_906, %broadcast_in_dim3A_908, %select_n3A_891 : vector<128x64xi1>, vector<128x64xf32>
    %eq3A_910 = vector.broadcast %broadcast_in_dim3A_899 : vector<128x1xf32> to vector<128x512xf32>
    %eq3A_911 = arith.cmpf oeq, %select_n3A_896, %eq3A_910 : vector<128x512xf32>
    %jit3A_912 = arith.constant 1.000000e+09 : f32
    %broadcast_in_dim3A_913 = vector.broadcast %jit3A_912 : f32 to vector<128x512xf32>
    %select_n3A_914 = arith.select %eq3A_911, %broadcast_in_dim3A_913, %select_n3A_896 : vector<128x512xi1>, vector<128x512xf32>
    %reduce_min3A_915 = arith.constant dense<0x7F800000> : vector<128xf32>
    %reduce_min3A_916 = vector.multi_reduction <minimumf>, %select_n3A_914, %reduce_min3A_915 [1] : vector<128x512xf32> to vector<128xf32>
    %broadcast_in_dim3A_917 = vector.shape_cast %reduce_min3A_916 : vector<128xf32> to vector<128x1xf32>
    %lt3A_918 = arith.constant 1.000000e+09 : f32
    %lt3A_919 = vector.broadcast %lt3A_918 : f32 to vector<128x1xf32>
    %lt3A_920 = arith.cmpf olt, %broadcast_in_dim3A_917, %lt3A_919 : vector<128x1xf32>
    %select_n3A_921 = arith.select %lt3A_920, %broadcast_in_dim3A_917, %broadcast_in_dim3A_59 : vector<128x1xi1>, vector<128x1xf32>
    %eq3A_922 = arith.constant 48 : i32
    %eq3A_923 = vector.broadcast %eq3A_922 : i32 to vector<128x64xi32>
    %eq3A_924 = arith.cmpi eq, %iota3A_57, %eq3A_923 : vector<128x64xi32>
    %broadcast_in_dim3A_925 = vector.shape_cast %select_n3A_921 : vector<128x1xf32> to vector<128x1xf32>
    %broadcast_in_dim3A_926 = vector.broadcast %broadcast_in_dim3A_925 : vector<128x1xf32> to vector<128x64xf32>
    %select_n3A_927 = arith.select %eq3A_924, %broadcast_in_dim3A_926, %select_n3A_909 : vector<128x64xi1>, vector<128x64xf32>
    %eq3A_928 = vector.broadcast %broadcast_in_dim3A_917 : vector<128x1xf32> to vector<128x512xf32>
    %eq3A_929 = arith.cmpf oeq, %select_n3A_914, %eq3A_928 : vector<128x512xf32>
    %jit3A_930 = arith.constant 1.000000e+09 : f32
    %broadcast_in_dim3A_931 = vector.broadcast %jit3A_930 : f32 to vector<128x512xf32>
    %select_n3A_932 = arith.select %eq3A_929, %broadcast_in_dim3A_931, %select_n3A_914 : vector<128x512xi1>, vector<128x512xf32>
    %reduce_min3A_933 = arith.constant dense<0x7F800000> : vector<128xf32>
    %reduce_min3A_934 = vector.multi_reduction <minimumf>, %select_n3A_932, %reduce_min3A_933 [1] : vector<128x512xf32> to vector<128xf32>
    %broadcast_in_dim3A_935 = vector.shape_cast %reduce_min3A_934 : vector<128xf32> to vector<128x1xf32>
    %lt3A_936 = arith.constant 1.000000e+09 : f32
    %lt3A_937 = vector.broadcast %lt3A_936 : f32 to vector<128x1xf32>
    %lt3A_938 = arith.cmpf olt, %broadcast_in_dim3A_935, %lt3A_937 : vector<128x1xf32>
    %select_n3A_939 = arith.select %lt3A_938, %broadcast_in_dim3A_935, %broadcast_in_dim3A_59 : vector<128x1xi1>, vector<128x1xf32>
    %eq3A_940 = arith.constant 49 : i32
    %eq3A_941 = vector.broadcast %eq3A_940 : i32 to vector<128x64xi32>
    %eq3A_942 = arith.cmpi eq, %iota3A_57, %eq3A_941 : vector<128x64xi32>
    %broadcast_in_dim3A_943 = vector.shape_cast %select_n3A_939 : vector<128x1xf32> to vector<128x1xf32>
    %broadcast_in_dim3A_944 = vector.broadcast %broadcast_in_dim3A_943 : vector<128x1xf32> to vector<128x64xf32>
    %select_n3A_945 = arith.select %eq3A_942, %broadcast_in_dim3A_944, %select_n3A_927 : vector<128x64xi1>, vector<128x64xf32>
    %eq3A_946 = vector.broadcast %broadcast_in_dim3A_935 : vector<128x1xf32> to vector<128x512xf32>
    %eq3A_947 = arith.cmpf oeq, %select_n3A_932, %eq3A_946 : vector<128x512xf32>
    %jit3A_948 = arith.constant 1.000000e+09 : f32
    %broadcast_in_dim3A_949 = vector.broadcast %jit3A_948 : f32 to vector<128x512xf32>
    %select_n3A_950 = arith.select %eq3A_947, %broadcast_in_dim3A_949, %select_n3A_932 : vector<128x512xi1>, vector<128x512xf32>
    %reduce_min3A_951 = arith.constant dense<0x7F800000> : vector<128xf32>
    %reduce_min3A_952 = vector.multi_reduction <minimumf>, %select_n3A_950, %reduce_min3A_951 [1] : vector<128x512xf32> to vector<128xf32>
    %broadcast_in_dim3A_953 = vector.shape_cast %reduce_min3A_952 : vector<128xf32> to vector<128x1xf32>
    %lt3A_954 = arith.constant 1.000000e+09 : f32
    %lt3A_955 = vector.broadcast %lt3A_954 : f32 to vector<128x1xf32>
    %lt3A_956 = arith.cmpf olt, %broadcast_in_dim3A_953, %lt3A_955 : vector<128x1xf32>
    %select_n3A_957 = arith.select %lt3A_956, %broadcast_in_dim3A_953, %broadcast_in_dim3A_59 : vector<128x1xi1>, vector<128x1xf32>
    %eq3A_958 = arith.constant 50 : i32
    %eq3A_959 = vector.broadcast %eq3A_958 : i32 to vector<128x64xi32>
    %eq3A_960 = arith.cmpi eq, %iota3A_57, %eq3A_959 : vector<128x64xi32>
    %broadcast_in_dim3A_961 = vector.shape_cast %select_n3A_957 : vector<128x1xf32> to vector<128x1xf32>
    %broadcast_in_dim3A_962 = vector.broadcast %broadcast_in_dim3A_961 : vector<128x1xf32> to vector<128x64xf32>
    %select_n3A_963 = arith.select %eq3A_960, %broadcast_in_dim3A_962, %select_n3A_945 : vector<128x64xi1>, vector<128x64xf32>
    %eq3A_964 = vector.broadcast %broadcast_in_dim3A_953 : vector<128x1xf32> to vector<128x512xf32>
    %eq3A_965 = arith.cmpf oeq, %select_n3A_950, %eq3A_964 : vector<128x512xf32>
    %jit3A_966 = arith.constant 1.000000e+09 : f32
    %broadcast_in_dim3A_967 = vector.broadcast %jit3A_966 : f32 to vector<128x512xf32>
    %select_n3A_968 = arith.select %eq3A_965, %broadcast_in_dim3A_967, %select_n3A_950 : vector<128x512xi1>, vector<128x512xf32>
    %reduce_min3A_969 = arith.constant dense<0x7F800000> : vector<128xf32>
    %reduce_min3A_970 = vector.multi_reduction <minimumf>, %select_n3A_968, %reduce_min3A_969 [1] : vector<128x512xf32> to vector<128xf32>
    %broadcast_in_dim3A_971 = vector.shape_cast %reduce_min3A_970 : vector<128xf32> to vector<128x1xf32>
    %lt3A_972 = arith.constant 1.000000e+09 : f32
    %lt3A_973 = vector.broadcast %lt3A_972 : f32 to vector<128x1xf32>
    %lt3A_974 = arith.cmpf olt, %broadcast_in_dim3A_971, %lt3A_973 : vector<128x1xf32>
    %select_n3A_975 = arith.select %lt3A_974, %broadcast_in_dim3A_971, %broadcast_in_dim3A_59 : vector<128x1xi1>, vector<128x1xf32>
    %eq3A_976 = arith.constant 51 : i32
    %eq3A_977 = vector.broadcast %eq3A_976 : i32 to vector<128x64xi32>
    %eq3A_978 = arith.cmpi eq, %iota3A_57, %eq3A_977 : vector<128x64xi32>
    %broadcast_in_dim3A_979 = vector.shape_cast %select_n3A_975 : vector<128x1xf32> to vector<128x1xf32>
    %broadcast_in_dim3A_980 = vector.broadcast %broadcast_in_dim3A_979 : vector<128x1xf32> to vector<128x64xf32>
    %select_n3A_981 = arith.select %eq3A_978, %broadcast_in_dim3A_980, %select_n3A_963 : vector<128x64xi1>, vector<128x64xf32>
    %eq3A_982 = vector.broadcast %broadcast_in_dim3A_971 : vector<128x1xf32> to vector<128x512xf32>
    %eq3A_983 = arith.cmpf oeq, %select_n3A_968, %eq3A_982 : vector<128x512xf32>
    %jit3A_984 = arith.constant 1.000000e+09 : f32
    %broadcast_in_dim3A_985 = vector.broadcast %jit3A_984 : f32 to vector<128x512xf32>
    %select_n3A_986 = arith.select %eq3A_983, %broadcast_in_dim3A_985, %select_n3A_968 : vector<128x512xi1>, vector<128x512xf32>
    %reduce_min3A_987 = arith.constant dense<0x7F800000> : vector<128xf32>
    %reduce_min3A_988 = vector.multi_reduction <minimumf>, %select_n3A_986, %reduce_min3A_987 [1] : vector<128x512xf32> to vector<128xf32>
    %broadcast_in_dim3A_989 = vector.shape_cast %reduce_min3A_988 : vector<128xf32> to vector<128x1xf32>
    %lt3A_990 = arith.constant 1.000000e+09 : f32
    %lt3A_991 = vector.broadcast %lt3A_990 : f32 to vector<128x1xf32>
    %lt3A_992 = arith.cmpf olt, %broadcast_in_dim3A_989, %lt3A_991 : vector<128x1xf32>
    %select_n3A_993 = arith.select %lt3A_992, %broadcast_in_dim3A_989, %broadcast_in_dim3A_59 : vector<128x1xi1>, vector<128x1xf32>
    %eq3A_994 = arith.constant 52 : i32
    %eq3A_995 = vector.broadcast %eq3A_994 : i32 to vector<128x64xi32>
    %eq3A_996 = arith.cmpi eq, %iota3A_57, %eq3A_995 : vector<128x64xi32>
    %broadcast_in_dim3A_997 = vector.shape_cast %select_n3A_993 : vector<128x1xf32> to vector<128x1xf32>
    %broadcast_in_dim3A_998 = vector.broadcast %broadcast_in_dim3A_997 : vector<128x1xf32> to vector<128x64xf32>
    %select_n3A_999 = arith.select %eq3A_996, %broadcast_in_dim3A_998, %select_n3A_981 : vector<128x64xi1>, vector<128x64xf32>
    %eq3A_1000 = vector.broadcast %broadcast_in_dim3A_989 : vector<128x1xf32> to vector<128x512xf32>
    %eq3A_1001 = arith.cmpf oeq, %select_n3A_986, %eq3A_1000 : vector<128x512xf32>
    %jit3A_1002 = arith.constant 1.000000e+09 : f32
    %broadcast_in_dim3A_1003 = vector.broadcast %jit3A_1002 : f32 to vector<128x512xf32>
    %select_n3A_1004 = arith.select %eq3A_1001, %broadcast_in_dim3A_1003, %select_n3A_986 : vector<128x512xi1>, vector<128x512xf32>
    %reduce_min3A_1005 = arith.constant dense<0x7F800000> : vector<128xf32>
    %reduce_min3A_1006 = vector.multi_reduction <minimumf>, %select_n3A_1004, %reduce_min3A_1005 [1] : vector<128x512xf32> to vector<128xf32>
    %broadcast_in_dim3A_1007 = vector.shape_cast %reduce_min3A_1006 : vector<128xf32> to vector<128x1xf32>
    %lt3A_1008 = arith.constant 1.000000e+09 : f32
    %lt3A_1009 = vector.broadcast %lt3A_1008 : f32 to vector<128x1xf32>
    %lt3A_1010 = arith.cmpf olt, %broadcast_in_dim3A_1007, %lt3A_1009 : vector<128x1xf32>
    %select_n3A_1011 = arith.select %lt3A_1010, %broadcast_in_dim3A_1007, %broadcast_in_dim3A_59 : vector<128x1xi1>, vector<128x1xf32>
    %eq3A_1012 = arith.constant 53 : i32
    %eq3A_1013 = vector.broadcast %eq3A_1012 : i32 to vector<128x64xi32>
    %eq3A_1014 = arith.cmpi eq, %iota3A_57, %eq3A_1013 : vector<128x64xi32>
    %broadcast_in_dim3A_1015 = vector.shape_cast %select_n3A_1011 : vector<128x1xf32> to vector<128x1xf32>
    %broadcast_in_dim3A_1016 = vector.broadcast %broadcast_in_dim3A_1015 : vector<128x1xf32> to vector<128x64xf32>
    %select_n3A_1017 = arith.select %eq3A_1014, %broadcast_in_dim3A_1016, %select_n3A_999 : vector<128x64xi1>, vector<128x64xf32>
    %eq3A_1018 = vector.broadcast %broadcast_in_dim3A_1007 : vector<128x1xf32> to vector<128x512xf32>
    %eq3A_1019 = arith.cmpf oeq, %select_n3A_1004, %eq3A_1018 : vector<128x512xf32>
    %jit3A_1020 = arith.constant 1.000000e+09 : f32
    %broadcast_in_dim3A_1021 = vector.broadcast %jit3A_1020 : f32 to vector<128x512xf32>
    %select_n3A_1022 = arith.select %eq3A_1019, %broadcast_in_dim3A_1021, %select_n3A_1004 : vector<128x512xi1>, vector<128x512xf32>
    %reduce_min3A_1023 = arith.constant dense<0x7F800000> : vector<128xf32>
    %reduce_min3A_1024 = vector.multi_reduction <minimumf>, %select_n3A_1022, %reduce_min3A_1023 [1] : vector<128x512xf32> to vector<128xf32>
    %broadcast_in_dim3A_1025 = vector.shape_cast %reduce_min3A_1024 : vector<128xf32> to vector<128x1xf32>
    %lt3A_1026 = arith.constant 1.000000e+09 : f32
    %lt3A_1027 = vector.broadcast %lt3A_1026 : f32 to vector<128x1xf32>
    %lt3A_1028 = arith.cmpf olt, %broadcast_in_dim3A_1025, %lt3A_1027 : vector<128x1xf32>
    %select_n3A_1029 = arith.select %lt3A_1028, %broadcast_in_dim3A_1025, %broadcast_in_dim3A_59 : vector<128x1xi1>, vector<128x1xf32>
    %eq3A_1030 = arith.constant 54 : i32
    %eq3A_1031 = vector.broadcast %eq3A_1030 : i32 to vector<128x64xi32>
    %eq3A_1032 = arith.cmpi eq, %iota3A_57, %eq3A_1031 : vector<128x64xi32>
    %broadcast_in_dim3A_1033 = vector.shape_cast %select_n3A_1029 : vector<128x1xf32> to vector<128x1xf32>
    %broadcast_in_dim3A_1034 = vector.broadcast %broadcast_in_dim3A_1033 : vector<128x1xf32> to vector<128x64xf32>
    %select_n3A_1035 = arith.select %eq3A_1032, %broadcast_in_dim3A_1034, %select_n3A_1017 : vector<128x64xi1>, vector<128x64xf32>
    %eq3A_1036 = vector.broadcast %broadcast_in_dim3A_1025 : vector<128x1xf32> to vector<128x512xf32>
    %eq3A_1037 = arith.cmpf oeq, %select_n3A_1022, %eq3A_1036 : vector<128x512xf32>
    %jit3A_1038 = arith.constant 1.000000e+09 : f32
    %broadcast_in_dim3A_1039 = vector.broadcast %jit3A_1038 : f32 to vector<128x512xf32>
    %select_n3A_1040 = arith.select %eq3A_1037, %broadcast_in_dim3A_1039, %select_n3A_1022 : vector<128x512xi1>, vector<128x512xf32>
    %reduce_min3A_1041 = arith.constant dense<0x7F800000> : vector<128xf32>
    %reduce_min3A_1042 = vector.multi_reduction <minimumf>, %select_n3A_1040, %reduce_min3A_1041 [1] : vector<128x512xf32> to vector<128xf32>
    %broadcast_in_dim3A_1043 = vector.shape_cast %reduce_min3A_1042 : vector<128xf32> to vector<128x1xf32>
    %lt3A_1044 = arith.constant 1.000000e+09 : f32
    %lt3A_1045 = vector.broadcast %lt3A_1044 : f32 to vector<128x1xf32>
    %lt3A_1046 = arith.cmpf olt, %broadcast_in_dim3A_1043, %lt3A_1045 : vector<128x1xf32>
    %select_n3A_1047 = arith.select %lt3A_1046, %broadcast_in_dim3A_1043, %broadcast_in_dim3A_59 : vector<128x1xi1>, vector<128x1xf32>
    %eq3A_1048 = arith.constant 55 : i32
    %eq3A_1049 = vector.broadcast %eq3A_1048 : i32 to vector<128x64xi32>
    %eq3A_1050 = arith.cmpi eq, %iota3A_57, %eq3A_1049 : vector<128x64xi32>
    %broadcast_in_dim3A_1051 = vector.shape_cast %select_n3A_1047 : vector<128x1xf32> to vector<128x1xf32>
    %broadcast_in_dim3A_1052 = vector.broadcast %broadcast_in_dim3A_1051 : vector<128x1xf32> to vector<128x64xf32>
    %select_n3A_1053 = arith.select %eq3A_1050, %broadcast_in_dim3A_1052, %select_n3A_1035 : vector<128x64xi1>, vector<128x64xf32>
    %eq3A_1054 = vector.broadcast %broadcast_in_dim3A_1043 : vector<128x1xf32> to vector<128x512xf32>
    %eq3A_1055 = arith.cmpf oeq, %select_n3A_1040, %eq3A_1054 : vector<128x512xf32>
    %jit3A_1056 = arith.constant 1.000000e+09 : f32
    %broadcast_in_dim3A_1057 = vector.broadcast %jit3A_1056 : f32 to vector<128x512xf32>
    %select_n3A_1058 = arith.select %eq3A_1055, %broadcast_in_dim3A_1057, %select_n3A_1040 : vector<128x512xi1>, vector<128x512xf32>
    %reduce_min3A_1059 = arith.constant dense<0x7F800000> : vector<128xf32>
    %reduce_min3A_1060 = vector.multi_reduction <minimumf>, %select_n3A_1058, %reduce_min3A_1059 [1] : vector<128x512xf32> to vector<128xf32>
    %broadcast_in_dim3A_1061 = vector.shape_cast %reduce_min3A_1060 : vector<128xf32> to vector<128x1xf32>
    %lt3A_1062 = arith.constant 1.000000e+09 : f32
    %lt3A_1063 = vector.broadcast %lt3A_1062 : f32 to vector<128x1xf32>
    %lt3A_1064 = arith.cmpf olt, %broadcast_in_dim3A_1061, %lt3A_1063 : vector<128x1xf32>
    %select_n3A_1065 = arith.select %lt3A_1064, %broadcast_in_dim3A_1061, %broadcast_in_dim3A_59 : vector<128x1xi1>, vector<128x1xf32>
    %eq3A_1066 = arith.constant 56 : i32
    %eq3A_1067 = vector.broadcast %eq3A_1066 : i32 to vector<128x64xi32>
    %eq3A_1068 = arith.cmpi eq, %iota3A_57, %eq3A_1067 : vector<128x64xi32>
    %broadcast_in_dim3A_1069 = vector.shape_cast %select_n3A_1065 : vector<128x1xf32> to vector<128x1xf32>
    %broadcast_in_dim3A_1070 = vector.broadcast %broadcast_in_dim3A_1069 : vector<128x1xf32> to vector<128x64xf32>
    %select_n3A_1071 = arith.select %eq3A_1068, %broadcast_in_dim3A_1070, %select_n3A_1053 : vector<128x64xi1>, vector<128x64xf32>
    %eq3A_1072 = vector.broadcast %broadcast_in_dim3A_1061 : vector<128x1xf32> to vector<128x512xf32>
    %eq3A_1073 = arith.cmpf oeq, %select_n3A_1058, %eq3A_1072 : vector<128x512xf32>
    %jit3A_1074 = arith.constant 1.000000e+09 : f32
    %broadcast_in_dim3A_1075 = vector.broadcast %jit3A_1074 : f32 to vector<128x512xf32>
    %select_n3A_1076 = arith.select %eq3A_1073, %broadcast_in_dim3A_1075, %select_n3A_1058 : vector<128x512xi1>, vector<128x512xf32>
    %reduce_min3A_1077 = arith.constant dense<0x7F800000> : vector<128xf32>
    %reduce_min3A_1078 = vector.multi_reduction <minimumf>, %select_n3A_1076, %reduce_min3A_1077 [1] : vector<128x512xf32> to vector<128xf32>
    %broadcast_in_dim3A_1079 = vector.shape_cast %reduce_min3A_1078 : vector<128xf32> to vector<128x1xf32>
    %lt3A_1080 = arith.constant 1.000000e+09 : f32
    %lt3A_1081 = vector.broadcast %lt3A_1080 : f32 to vector<128x1xf32>
    %lt3A_1082 = arith.cmpf olt, %broadcast_in_dim3A_1079, %lt3A_1081 : vector<128x1xf32>
    %select_n3A_1083 = arith.select %lt3A_1082, %broadcast_in_dim3A_1079, %broadcast_in_dim3A_59 : vector<128x1xi1>, vector<128x1xf32>
    %eq3A_1084 = arith.constant 57 : i32
    %eq3A_1085 = vector.broadcast %eq3A_1084 : i32 to vector<128x64xi32>
    %eq3A_1086 = arith.cmpi eq, %iota3A_57, %eq3A_1085 : vector<128x64xi32>
    %broadcast_in_dim3A_1087 = vector.shape_cast %select_n3A_1083 : vector<128x1xf32> to vector<128x1xf32>
    %broadcast_in_dim3A_1088 = vector.broadcast %broadcast_in_dim3A_1087 : vector<128x1xf32> to vector<128x64xf32>
    %select_n3A_1089 = arith.select %eq3A_1086, %broadcast_in_dim3A_1088, %select_n3A_1071 : vector<128x64xi1>, vector<128x64xf32>
    %eq3A_1090 = vector.broadcast %broadcast_in_dim3A_1079 : vector<128x1xf32> to vector<128x512xf32>
    %eq3A_1091 = arith.cmpf oeq, %select_n3A_1076, %eq3A_1090 : vector<128x512xf32>
    %jit3A_1092 = arith.constant 1.000000e+09 : f32
    %broadcast_in_dim3A_1093 = vector.broadcast %jit3A_1092 : f32 to vector<128x512xf32>
    %select_n3A_1094 = arith.select %eq3A_1091, %broadcast_in_dim3A_1093, %select_n3A_1076 : vector<128x512xi1>, vector<128x512xf32>
    %reduce_min3A_1095 = arith.constant dense<0x7F800000> : vector<128xf32>
    %reduce_min3A_1096 = vector.multi_reduction <minimumf>, %select_n3A_1094, %reduce_min3A_1095 [1] : vector<128x512xf32> to vector<128xf32>
    %broadcast_in_dim3A_1097 = vector.shape_cast %reduce_min3A_1096 : vector<128xf32> to vector<128x1xf32>
    %lt3A_1098 = arith.constant 1.000000e+09 : f32
    %lt3A_1099 = vector.broadcast %lt3A_1098 : f32 to vector<128x1xf32>
    %lt3A_1100 = arith.cmpf olt, %broadcast_in_dim3A_1097, %lt3A_1099 : vector<128x1xf32>
    %select_n3A_1101 = arith.select %lt3A_1100, %broadcast_in_dim3A_1097, %broadcast_in_dim3A_59 : vector<128x1xi1>, vector<128x1xf32>
    %eq3A_1102 = arith.constant 58 : i32
    %eq3A_1103 = vector.broadcast %eq3A_1102 : i32 to vector<128x64xi32>
    %eq3A_1104 = arith.cmpi eq, %iota3A_57, %eq3A_1103 : vector<128x64xi32>
    %broadcast_in_dim3A_1105 = vector.shape_cast %select_n3A_1101 : vector<128x1xf32> to vector<128x1xf32>
    %broadcast_in_dim3A_1106 = vector.broadcast %broadcast_in_dim3A_1105 : vector<128x1xf32> to vector<128x64xf32>
    %select_n3A_1107 = arith.select %eq3A_1104, %broadcast_in_dim3A_1106, %select_n3A_1089 : vector<128x64xi1>, vector<128x64xf32>
    %eq3A_1108 = vector.broadcast %broadcast_in_dim3A_1097 : vector<128x1xf32> to vector<128x512xf32>
    %eq3A_1109 = arith.cmpf oeq, %select_n3A_1094, %eq3A_1108 : vector<128x512xf32>
    %jit3A_1110 = arith.constant 1.000000e+09 : f32
    %broadcast_in_dim3A_1111 = vector.broadcast %jit3A_1110 : f32 to vector<128x512xf32>
    %select_n3A_1112 = arith.select %eq3A_1109, %broadcast_in_dim3A_1111, %select_n3A_1094 : vector<128x512xi1>, vector<128x512xf32>
    %reduce_min3A_1113 = arith.constant dense<0x7F800000> : vector<128xf32>
    %reduce_min3A_1114 = vector.multi_reduction <minimumf>, %select_n3A_1112, %reduce_min3A_1113 [1] : vector<128x512xf32> to vector<128xf32>
    %broadcast_in_dim3A_1115 = vector.shape_cast %reduce_min3A_1114 : vector<128xf32> to vector<128x1xf32>
    %lt3A_1116 = arith.constant 1.000000e+09 : f32
    %lt3A_1117 = vector.broadcast %lt3A_1116 : f32 to vector<128x1xf32>
    %lt3A_1118 = arith.cmpf olt, %broadcast_in_dim3A_1115, %lt3A_1117 : vector<128x1xf32>
    %select_n3A_1119 = arith.select %lt3A_1118, %broadcast_in_dim3A_1115, %broadcast_in_dim3A_59 : vector<128x1xi1>, vector<128x1xf32>
    %eq3A_1120 = arith.constant 59 : i32
    %eq3A_1121 = vector.broadcast %eq3A_1120 : i32 to vector<128x64xi32>
    %eq3A_1122 = arith.cmpi eq, %iota3A_57, %eq3A_1121 : vector<128x64xi32>
    %broadcast_in_dim3A_1123 = vector.shape_cast %select_n3A_1119 : vector<128x1xf32> to vector<128x1xf32>
    %broadcast_in_dim3A_1124 = vector.broadcast %broadcast_in_dim3A_1123 : vector<128x1xf32> to vector<128x64xf32>
    %select_n3A_1125 = arith.select %eq3A_1122, %broadcast_in_dim3A_1124, %select_n3A_1107 : vector<128x64xi1>, vector<128x64xf32>
    %eq3A_1126 = vector.broadcast %broadcast_in_dim3A_1115 : vector<128x1xf32> to vector<128x512xf32>
    %eq3A_1127 = arith.cmpf oeq, %select_n3A_1112, %eq3A_1126 : vector<128x512xf32>
    %jit3A_1128 = arith.constant 1.000000e+09 : f32
    %broadcast_in_dim3A_1129 = vector.broadcast %jit3A_1128 : f32 to vector<128x512xf32>
    %select_n3A_1130 = arith.select %eq3A_1127, %broadcast_in_dim3A_1129, %select_n3A_1112 : vector<128x512xi1>, vector<128x512xf32>
    %reduce_min3A_1131 = arith.constant dense<0x7F800000> : vector<128xf32>
    %reduce_min3A_1132 = vector.multi_reduction <minimumf>, %select_n3A_1130, %reduce_min3A_1131 [1] : vector<128x512xf32> to vector<128xf32>
    %broadcast_in_dim3A_1133 = vector.shape_cast %reduce_min3A_1132 : vector<128xf32> to vector<128x1xf32>
    %lt3A_1134 = arith.constant 1.000000e+09 : f32
    %lt3A_1135 = vector.broadcast %lt3A_1134 : f32 to vector<128x1xf32>
    %lt3A_1136 = arith.cmpf olt, %broadcast_in_dim3A_1133, %lt3A_1135 : vector<128x1xf32>
    %select_n3A_1137 = arith.select %lt3A_1136, %broadcast_in_dim3A_1133, %broadcast_in_dim3A_59 : vector<128x1xi1>, vector<128x1xf32>
    %eq3A_1138 = arith.constant 60 : i32
    %eq3A_1139 = vector.broadcast %eq3A_1138 : i32 to vector<128x64xi32>
    %eq3A_1140 = arith.cmpi eq, %iota3A_57, %eq3A_1139 : vector<128x64xi32>
    %broadcast_in_dim3A_1141 = vector.shape_cast %select_n3A_1137 : vector<128x1xf32> to vector<128x1xf32>
    %broadcast_in_dim3A_1142 = vector.broadcast %broadcast_in_dim3A_1141 : vector<128x1xf32> to vector<128x64xf32>
    %select_n3A_1143 = arith.select %eq3A_1140, %broadcast_in_dim3A_1142, %select_n3A_1125 : vector<128x64xi1>, vector<128x64xf32>
    %eq3A_1144 = vector.broadcast %broadcast_in_dim3A_1133 : vector<128x1xf32> to vector<128x512xf32>
    %eq3A_1145 = arith.cmpf oeq, %select_n3A_1130, %eq3A_1144 : vector<128x512xf32>
    %jit3A_1146 = arith.constant 1.000000e+09 : f32
    %broadcast_in_dim3A_1147 = vector.broadcast %jit3A_1146 : f32 to vector<128x512xf32>
    %select_n3A_1148 = arith.select %eq3A_1145, %broadcast_in_dim3A_1147, %select_n3A_1130 : vector<128x512xi1>, vector<128x512xf32>
    %reduce_min3A_1149 = arith.constant dense<0x7F800000> : vector<128xf32>
    %reduce_min3A_1150 = vector.multi_reduction <minimumf>, %select_n3A_1148, %reduce_min3A_1149 [1] : vector<128x512xf32> to vector<128xf32>
    %broadcast_in_dim3A_1151 = vector.shape_cast %reduce_min3A_1150 : vector<128xf32> to vector<128x1xf32>
    %lt3A_1152 = arith.constant 1.000000e+09 : f32
    %lt3A_1153 = vector.broadcast %lt3A_1152 : f32 to vector<128x1xf32>
    %lt3A_1154 = arith.cmpf olt, %broadcast_in_dim3A_1151, %lt3A_1153 : vector<128x1xf32>
    %select_n3A_1155 = arith.select %lt3A_1154, %broadcast_in_dim3A_1151, %broadcast_in_dim3A_59 : vector<128x1xi1>, vector<128x1xf32>
    %eq3A_1156 = arith.constant 61 : i32
    %eq3A_1157 = vector.broadcast %eq3A_1156 : i32 to vector<128x64xi32>
    %eq3A_1158 = arith.cmpi eq, %iota3A_57, %eq3A_1157 : vector<128x64xi32>
    %broadcast_in_dim3A_1159 = vector.shape_cast %select_n3A_1155 : vector<128x1xf32> to vector<128x1xf32>
    %broadcast_in_dim3A_1160 = vector.broadcast %broadcast_in_dim3A_1159 : vector<128x1xf32> to vector<128x64xf32>
    %select_n3A_1161 = arith.select %eq3A_1158, %broadcast_in_dim3A_1160, %select_n3A_1143 : vector<128x64xi1>, vector<128x64xf32>
    %eq3A_1162 = vector.broadcast %broadcast_in_dim3A_1151 : vector<128x1xf32> to vector<128x512xf32>
    %eq3A_1163 = arith.cmpf oeq, %select_n3A_1148, %eq3A_1162 : vector<128x512xf32>
    %jit3A_1164 = arith.constant 1.000000e+09 : f32
    %broadcast_in_dim3A_1165 = vector.broadcast %jit3A_1164 : f32 to vector<128x512xf32>
    %select_n3A_1166 = arith.select %eq3A_1163, %broadcast_in_dim3A_1165, %select_n3A_1148 : vector<128x512xi1>, vector<128x512xf32>
    %reduce_min3A_1167 = arith.constant dense<0x7F800000> : vector<128xf32>
    %reduce_min3A_1168 = vector.multi_reduction <minimumf>, %select_n3A_1166, %reduce_min3A_1167 [1] : vector<128x512xf32> to vector<128xf32>
    %broadcast_in_dim3A_1169 = vector.shape_cast %reduce_min3A_1168 : vector<128xf32> to vector<128x1xf32>
    %lt3A_1170 = arith.constant 1.000000e+09 : f32
    %lt3A_1171 = vector.broadcast %lt3A_1170 : f32 to vector<128x1xf32>
    %lt3A_1172 = arith.cmpf olt, %broadcast_in_dim3A_1169, %lt3A_1171 : vector<128x1xf32>
    %select_n3A_1173 = arith.select %lt3A_1172, %broadcast_in_dim3A_1169, %broadcast_in_dim3A_59 : vector<128x1xi1>, vector<128x1xf32>
    %eq3A_1174 = arith.constant 62 : i32
    %eq3A_1175 = vector.broadcast %eq3A_1174 : i32 to vector<128x64xi32>
    %eq3A_1176 = arith.cmpi eq, %iota3A_57, %eq3A_1175 : vector<128x64xi32>
    %broadcast_in_dim3A_1177 = vector.shape_cast %select_n3A_1173 : vector<128x1xf32> to vector<128x1xf32>
    %broadcast_in_dim3A_1178 = vector.broadcast %broadcast_in_dim3A_1177 : vector<128x1xf32> to vector<128x64xf32>
    %select_n3A_1179 = arith.select %eq3A_1176, %broadcast_in_dim3A_1178, %select_n3A_1161 : vector<128x64xi1>, vector<128x64xf32>
    %eq3A_1180 = vector.broadcast %broadcast_in_dim3A_1169 : vector<128x1xf32> to vector<128x512xf32>
    %eq3A_1181 = arith.cmpf oeq, %select_n3A_1166, %eq3A_1180 : vector<128x512xf32>
    %jit3A_1182 = arith.constant 1.000000e+09 : f32
    %broadcast_in_dim3A_1183 = vector.broadcast %jit3A_1182 : f32 to vector<128x512xf32>
    %select_n3A_1184 = arith.select %eq3A_1181, %broadcast_in_dim3A_1183, %select_n3A_1166 : vector<128x512xi1>, vector<128x512xf32>
    %reduce_min3A_1185 = arith.constant dense<0x7F800000> : vector<128xf32>
    %reduce_min3A_1186 = vector.multi_reduction <minimumf>, %select_n3A_1184, %reduce_min3A_1185 [1] : vector<128x512xf32> to vector<128xf32>
    %broadcast_in_dim3A_1187 = vector.shape_cast %reduce_min3A_1186 : vector<128xf32> to vector<128x1xf32>
    %lt3A_1188 = arith.constant 1.000000e+09 : f32
    %lt3A_1189 = vector.broadcast %lt3A_1188 : f32 to vector<128x1xf32>
    %lt3A_1190 = arith.cmpf olt, %broadcast_in_dim3A_1187, %lt3A_1189 : vector<128x1xf32>
    %select_n3A_1191 = arith.select %lt3A_1190, %broadcast_in_dim3A_1187, %broadcast_in_dim3A_59 : vector<128x1xi1>, vector<128x1xf32>
    %eq3A_1192 = arith.constant 63 : i32
    %eq3A_1193 = vector.broadcast %eq3A_1192 : i32 to vector<128x64xi32>
    %eq3A_1194 = arith.cmpi eq, %iota3A_57, %eq3A_1193 : vector<128x64xi32>
    %broadcast_in_dim3A_1195 = vector.shape_cast %select_n3A_1191 : vector<128x1xf32> to vector<128x1xf32>
    %broadcast_in_dim3A_1196 = vector.broadcast %broadcast_in_dim3A_1195 : vector<128x1xf32> to vector<128x64xf32>
    %select_n3A_1197 = arith.select %eq3A_1194, %broadcast_in_dim3A_1196, %select_n3A_1179 : vector<128x64xi1>, vector<128x64xf32>
    %convert_element_type3A_1198 = arith.fptosi %select_n3A_1197 : vector<128x64xf32> to vector<128x64xi32>
    %broadcast_in_dim3A_1199 = vector.shape_cast %convert_element_type3A_1198 : vector<128x64xi32> to vector<1x128x64xi32>
    %swap3A = arith.constant 0 : index
    %swap3A_1200 = arith.constant 0 : index
    %swap3A_1201 = arith.constant 0 : index
    %swap3A_1202 = vector.load %arg7[%swap3A, %swap3A_1200, %swap3A_1201] : memref<1x128x64xi32, #tpu.memory_space<vmem>>, vector<1x128x64xi32>
    tpu.vector_store %arg7[%swap3A, %swap3A_1200, %swap3A_1201], %broadcast_in_dim3A_1199 {strides = array<i32>} : memref<1x128x64xi32, #tpu.memory_space<vmem>>, vector<1x128x64xi32>,
    return
  }
  func.func @transform_0(%arg0: i32) -> (i32, i32, i32) {
    %c0_i32 = arith.constant 0 : i32
    %c0_i32_0 = arith.constant 0 : i32
    %c0_i32_1 = arith.constant 0 : i32
    return %arg0, %c0_i32, %c0_i32_0 : i32, i32, i32
  }
  func.func @transform_1(%arg0: i32) -> (i32, i32, i32) {
    %c0_i32 = arith.constant 0 : i32
    %c0_i32_0 = arith.constant 0 : i32
    %c0_i32_1 = arith.constant 0 : i32
    return %arg0, %c0_i32, %c0_i32_0 : i32, i32, i32
  }
  func.func @transform_2(%arg0: i32) -> (i32, i32, i32) {
    %c0_i32 = arith.constant 0 : i32
    %c0_i32_0 = arith.constant 0 : i32
    %c0_i32_1 = arith.constant 0 : i32
    return %arg0, %c0_i32, %c0_i32_0 : i32, i32, i32
  }
  func.func @transform_3(%arg0: i32) -> (i32, i32, i32) {
    %c0_i32 = arith.constant 0 : i32
    %c0_i32_0 = arith.constant 0 : i32
    %c0_i32_1 = arith.constant 0 : i32
    return %arg0, %c0_i32, %c0_i32_0 : i32, i32, i32
  }
  func.func @transform_4(%arg0: i32) -> (i32, i32, i32) {
    %c0_i32 = arith.constant 0 : i32
    %c0_i32_0 = arith.constant 0 : i32
    %c0_i32_1 = arith.constant 0 : i32
    return %arg0, %c0_i32, %c0_i32_0 : i32, i32, i32
  }
  func.func @transform_5(%arg0: i32) -> (i32, i32, i32) {
    %c0_i32 = arith.constant 0 : i32
    %c0_i32_0 = arith.constant 0 : i32
    %c0_i32_1 = arith.constant 0 : i32
    return %arg0, %c0_i32, %c0_i32_0 : i32, i32, i32
  }
  func.func @transform_6(%arg0: i32) -> (i32, i32, i32) {
    %c0_i32 = arith.constant 0 : i32
    %c0_i32_0 = arith.constant 0 : i32
    %c0_i32_1 = arith.constant 0 : i32
    return %arg0, %c0_i32, %c0_i32_0 : i32, i32, i32
  }
}

module attributes {stable_mosaic.version = 14 : i64} {
  func.func @_gmlp_body(%arg0: i32, %arg1: i32, %arg2: memref<4096x128xf32, #tpu.memory_space<vmem>>, %arg3: memref<1x128x1xf32, #tpu.memory_space<vmem>>, %arg4: memref<1x128x1xf32, #tpu.memory_space<vmem>>, %arg5: memref<1x128x1xf32, #tpu.memory_space<vmem>>, %arg6: memref<8x64xf32, #tpu.memory_space<vmem>>, %arg7: memref<3x64xf32, #tpu.memory_space<vmem>>, %arg8: memref<64x64xf32, #tpu.memory_space<vmem>>, %arg9: memref<3x64xf32, #tpu.memory_space<vmem>>, %arg10: memref<64x128xf32, #tpu.memory_space<vmem>>, %arg11: memref<3x128xf32, #tpu.memory_space<vmem>>, %arg12: memref<1x128x128xf32, #tpu.memory_space<vmem>>) attributes {dimension_semantics = [#tpu.dimension_semantics<arbitrary>, #tpu.dimension_semantics<arbitrary>], iteration_bounds = array<i64: 16, 4>, scalar_prefetch = 0 : i64, scratch_operands = 0 : i64, tpu.core_type = #tpu.core_type<tc>, window_params = [{transform_indices = @transform_0, window_bounds = array<i64: 4096, 128>}, {transform_indices = @transform_1, window_bounds = array<i64: 1, 128, 1>}, {transform_indices = @transform_2, window_bounds = array<i64: 1, 128, 1>}, {transform_indices = @transform_3, window_bounds = array<i64: 1, 128, 1>}, {pipeline_mode = #tpu.pipeline_mode<synchronous>, transform_indices = @transform_4, window_bounds = array<i64: 8, 64>}, {pipeline_mode = #tpu.pipeline_mode<synchronous>, transform_indices = @transform_5, window_bounds = array<i64: 3, 64>}, {pipeline_mode = #tpu.pipeline_mode<synchronous>, transform_indices = @transform_6, window_bounds = array<i64: 64, 64>}, {pipeline_mode = #tpu.pipeline_mode<synchronous>, transform_indices = @transform_7, window_bounds = array<i64: 3, 64>}, {pipeline_mode = #tpu.pipeline_mode<synchronous>, transform_indices = @transform_8, window_bounds = array<i64: 64, 128>}, {pipeline_mode = #tpu.pipeline_mode<synchronous>, transform_indices = @transform_9, window_bounds = array<i64: 3, 128>}, {transform_indices = @transform_10, window_bounds = array<i64: 1, 128, 128>}]} {
    %get3A = arith.constant 0 : index
    %get3A_0 = arith.constant 0 : index
    %get3A_1 = vector.load %arg2[%get3A, %get3A_0] : memref<4096x128xf32, #tpu.memory_space<vmem>>, vector<4096x128xf32>
    %get3A_2 = arith.constant 0 : index
    %get3A_3 = arith.constant 0 : index
    %get3A_4 = arith.constant 0 : index
    %get3A_5 = vector.load %arg3[%get3A_2, %get3A_3, %get3A_4] : memref<1x128x1xf32, #tpu.memory_space<vmem>>, vector<1x128x1xf32>
    %get3A_6 = vector.shape_cast %get3A_5 : vector<1x128x1xf32> to vector<128x1xf32>
    %reshape3A = vector.shape_cast %get3A_6 : vector<128x1xf32> to vector<128x1x1xf32>
    %broadcast_in_dim3A = vector.shape_cast %reshape3A : vector<128x1x1xf32> to vector<128x1x1xf32>
    %broadcast_in_dim3A_7 = vector.broadcast %broadcast_in_dim3A : vector<128x1x1xf32> to vector<128x32x1xf32>
    %reshape3A_8 = vector.shape_cast %broadcast_in_dim3A_7 : vector<128x32x1xf32> to vector<4096x1xf32>
    %get3A_9 = arith.constant 0 : index
    %get3A_10 = arith.constant 0 : index
    %get3A_11 = arith.constant 0 : index
    %get3A_12 = vector.load %arg4[%get3A_9, %get3A_10, %get3A_11] : memref<1x128x1xf32, #tpu.memory_space<vmem>>, vector<1x128x1xf32>
    %get3A_13 = vector.shape_cast %get3A_12 : vector<1x128x1xf32> to vector<128x1xf32>
    %reshape3A_14 = vector.shape_cast %get3A_13 : vector<128x1xf32> to vector<128x1x1xf32>
    %broadcast_in_dim3A_15 = vector.shape_cast %reshape3A_14 : vector<128x1x1xf32> to vector<128x1x1xf32>
    %broadcast_in_dim3A_16 = vector.broadcast %broadcast_in_dim3A_15 : vector<128x1x1xf32> to vector<128x32x1xf32>
    %reshape3A_17 = vector.shape_cast %broadcast_in_dim3A_16 : vector<128x32x1xf32> to vector<4096x1xf32>
    %get3A_18 = arith.constant 0 : index
    %get3A_19 = arith.constant 0 : index
    %get3A_20 = arith.constant 0 : index
    %get3A_21 = vector.load %arg5[%get3A_18, %get3A_19, %get3A_20] : memref<1x128x1xf32, #tpu.memory_space<vmem>>, vector<1x128x1xf32>
    %get3A_22 = vector.shape_cast %get3A_21 : vector<1x128x1xf32> to vector<128x1xf32>
    %reshape3A_23 = vector.shape_cast %get3A_22 : vector<128x1xf32> to vector<128x1x1xf32>
    %broadcast_in_dim3A_24 = vector.shape_cast %reshape3A_23 : vector<128x1x1xf32> to vector<128x1x1xf32>
    %broadcast_in_dim3A_25 = vector.broadcast %broadcast_in_dim3A_24 : vector<128x1x1xf32> to vector<128x32x1xf32>
    %reshape3A_26 = vector.shape_cast %broadcast_in_dim3A_25 : vector<128x32x1xf32> to vector<4096x1xf32>
    %slice3A = vector.extract_strided_slice %get3A_1 {offsets = [0, 0], sizes = [4096, 1], strides = [1, 1]} : vector<4096x128xf32> to vector<4096x1xf32>
    %sub3A = arith.subf %slice3A, %reshape3A_8 : vector<4096x1xf32>
    %slice3A_27 = vector.extract_strided_slice %get3A_1 {offsets = [0, 1], sizes = [4096, 1], strides = [1, 1]} : vector<4096x128xf32> to vector<4096x1xf32>
    %sub3A_28 = arith.subf %slice3A_27, %reshape3A_17 : vector<4096x1xf32>
    %slice3A_29 = vector.extract_strided_slice %get3A_1 {offsets = [0, 2], sizes = [4096, 1], strides = [1, 1]} : vector<4096x128xf32> to vector<4096x1xf32>
    %sub3A_30 = arith.subf %slice3A_29, %reshape3A_26 : vector<4096x1xf32>
    %slice3A_31 = vector.extract_strided_slice %get3A_1 {offsets = [0, 0], sizes = [4096, 3], strides = [1, 1]} : vector<4096x128xf32> to vector<4096x3xf32>
    %broadcast_in_dim3A_32 = arith.constant 0.000000e+00 : f32
    %broadcast_in_dim3A_33 = vector.broadcast %broadcast_in_dim3A_32 : f32 to vector<4096x2xf32>
    %concatenate3A = tpu.concatenate %sub3A, %sub3A_28, %sub3A_30, %slice3A_31, %broadcast_in_dim3A_33 in 1 : vector<4096x1xf32>, vector<4096x1xf32>, vector<4096x1xf32>, vector<4096x3xf32>, vector<4096x2xf32> -> vector<4096x8xf32>
    %get3A_34 = arith.constant 0 : index
    %get3A_35 = arith.constant 0 : index
    %get3A_36 = vector.load %arg6[%get3A_34, %get3A_35] : memref<8x64xf32, #tpu.memory_space<vmem>>, vector<8x64xf32>
    %dot_general3A = arith.constant dense<0.000000e+00> : vector<4096x64xf32>
    %dot_general3A_37 = tpu.matmul %concatenate3A, %get3A_36, %dot_general3A {dimension_numbers = #tpu.dot_dimension_numbers<[1], [0], [0], [1], [0, 0, 1, 1], [], []>, transpose_lhs_hint = false} : vector<4096x8xf32>, vector<8x64xf32>, vector<4096x64xf32> -> vector<4096x64xf32>
    %get3A_38 = arith.constant 0 : index
    %get3A_39 = arith.constant 0 : index
    %get3A_40 = vector.load %arg7[%get3A_38, %get3A_39] : memref<3x64xf32, #tpu.memory_space<vmem>>, vector<1x64xf32>
    %add3A = vector.broadcast %get3A_40 : vector<1x64xf32> to vector<4096x64xf32>
    %add3A_41 = arith.addf %dot_general3A_37, %add3A : vector<4096x64xf32>
    %get3A_42 = arith.constant 0 : index
    %get3A_43 = arith.constant 0 : index
    %get3A_44 = vector.load %arg7[%get3A_42, %get3A_43] : memref<3x64xf32, #tpu.memory_space<vmem>>, vector<3x64xf32>
    %div3A = arith.constant 1.00000501 : f32
    %div3A_45 = vector.broadcast %div3A : f32 to vector<4096x64xf32>
    %div3A_46 = arith.divf %add3A_41, %div3A_45 : vector<4096x64xf32>
    %slice3A_47 = vector.extract_strided_slice %get3A_44 {offsets = [1, 0], sizes = [1, 64], strides = [1, 1]} : vector<3x64xf32> to vector<1x64xf32>
    %mul3A = vector.broadcast %slice3A_47 : vector<1x64xf32> to vector<4096x64xf32>
    %mul3A_48 = arith.mulf %div3A_46, %mul3A : vector<4096x64xf32>
    %slice3A_49 = vector.extract_strided_slice %get3A_44 {offsets = [2, 0], sizes = [1, 64], strides = [1, 1]} : vector<3x64xf32> to vector<1x64xf32>
    %add3A_50 = vector.broadcast %slice3A_49 : vector<1x64xf32> to vector<4096x64xf32>
    %add3A_51 = arith.addf %mul3A_48, %add3A_50 : vector<4096x64xf32>
    %max3A = arith.constant 0.000000e+00 : f32
    %max3A_52 = vector.broadcast %max3A : f32 to vector<4096x64xf32>
    %max3A_53 = arith.maximumf %add3A_51, %max3A_52 : vector<4096x64xf32>
    %get3A_54 = arith.constant 0 : index
    %get3A_55 = arith.constant 0 : index
    %get3A_56 = vector.load %arg8[%get3A_54, %get3A_55] : memref<64x64xf32, #tpu.memory_space<vmem>>, vector<64x64xf32>
    %dot_general3A_57 = arith.constant dense<0.000000e+00> : vector<4096x64xf32>
    %dot_general3A_58 = tpu.matmul %max3A_53, %get3A_56, %dot_general3A_57 {dimension_numbers = #tpu.dot_dimension_numbers<[1], [0], [0], [1], [0, 0, 1, 1], [], []>, transpose_lhs_hint = false} : vector<4096x64xf32>, vector<64x64xf32>, vector<4096x64xf32> -> vector<4096x64xf32>
    %get3A_59 = arith.constant 0 : index
    %get3A_60 = arith.constant 0 : index
    %get3A_61 = vector.load %arg9[%get3A_59, %get3A_60] : memref<3x64xf32, #tpu.memory_space<vmem>>, vector<1x64xf32>
    %add3A_62 = vector.broadcast %get3A_61 : vector<1x64xf32> to vector<4096x64xf32>
    %add3A_63 = arith.addf %dot_general3A_58, %add3A_62 : vector<4096x64xf32>
    %get3A_64 = arith.constant 0 : index
    %get3A_65 = arith.constant 0 : index
    %get3A_66 = vector.load %arg9[%get3A_64, %get3A_65] : memref<3x64xf32, #tpu.memory_space<vmem>>, vector<3x64xf32>
    %div3A_67 = arith.constant 1.00000501 : f32
    %div3A_68 = vector.broadcast %div3A_67 : f32 to vector<4096x64xf32>
    %div3A_69 = arith.divf %add3A_63, %div3A_68 : vector<4096x64xf32>
    %slice3A_70 = vector.extract_strided_slice %get3A_66 {offsets = [1, 0], sizes = [1, 64], strides = [1, 1]} : vector<3x64xf32> to vector<1x64xf32>
    %mul3A_71 = vector.broadcast %slice3A_70 : vector<1x64xf32> to vector<4096x64xf32>
    %mul3A_72 = arith.mulf %div3A_69, %mul3A_71 : vector<4096x64xf32>
    %slice3A_73 = vector.extract_strided_slice %get3A_66 {offsets = [2, 0], sizes = [1, 64], strides = [1, 1]} : vector<3x64xf32> to vector<1x64xf32>
    %add3A_74 = vector.broadcast %slice3A_73 : vector<1x64xf32> to vector<4096x64xf32>
    %add3A_75 = arith.addf %mul3A_72, %add3A_74 : vector<4096x64xf32>
    %max3A_76 = arith.constant 0.000000e+00 : f32
    %max3A_77 = vector.broadcast %max3A_76 : f32 to vector<4096x64xf32>
    %max3A_78 = arith.maximumf %add3A_75, %max3A_77 : vector<4096x64xf32>
    %get3A_79 = arith.constant 0 : index
    %get3A_80 = arith.constant 0 : index
    %get3A_81 = vector.load %arg10[%get3A_79, %get3A_80] : memref<64x128xf32, #tpu.memory_space<vmem>>, vector<64x128xf32>
    %dot_general3A_82 = arith.constant dense<0.000000e+00> : vector<4096x128xf32>
    %dot_general3A_83 = tpu.matmul %max3A_78, %get3A_81, %dot_general3A_82 {dimension_numbers = #tpu.dot_dimension_numbers<[1], [0], [0], [1], [0, 0, 1, 1], [], []>, transpose_lhs_hint = false} : vector<4096x64xf32>, vector<64x128xf32>, vector<4096x128xf32> -> vector<4096x128xf32>
    %get3A_84 = arith.constant 0 : index
    %get3A_85 = arith.constant 0 : index
    %get3A_86 = vector.load %arg11[%get3A_84, %get3A_85] : memref<3x128xf32, #tpu.memory_space<vmem>>, vector<1x128xf32>
    %add3A_87 = vector.broadcast %get3A_86 : vector<1x128xf32> to vector<4096x128xf32>
    %add3A_88 = arith.addf %dot_general3A_83, %add3A_87 : vector<4096x128xf32>
    %get3A_89 = arith.constant 0 : index
    %get3A_90 = arith.constant 0 : index
    %get3A_91 = vector.load %arg11[%get3A_89, %get3A_90] : memref<3x128xf32, #tpu.memory_space<vmem>>, vector<3x128xf32>
    %div3A_92 = arith.constant 1.00000501 : f32
    %div3A_93 = vector.broadcast %div3A_92 : f32 to vector<4096x128xf32>
    %div3A_94 = arith.divf %add3A_88, %div3A_93 : vector<4096x128xf32>
    %slice3A_95 = vector.extract_strided_slice %get3A_91 {offsets = [1, 0], sizes = [1, 128], strides = [1, 1]} : vector<3x128xf32> to vector<1x128xf32>
    %mul3A_96 = vector.broadcast %slice3A_95 : vector<1x128xf32> to vector<4096x128xf32>
    %mul3A_97 = arith.mulf %div3A_94, %mul3A_96 : vector<4096x128xf32>
    %slice3A_98 = vector.extract_strided_slice %get3A_91 {offsets = [2, 0], sizes = [1, 128], strides = [1, 1]} : vector<3x128xf32> to vector<1x128xf32>
    %add3A_99 = vector.broadcast %slice3A_98 : vector<1x128xf32> to vector<4096x128xf32>
    %add3A_100 = arith.addf %mul3A_97, %add3A_99 : vector<4096x128xf32>
    %max3A_101 = arith.constant 0.000000e+00 : f32
    %max3A_102 = vector.broadcast %max3A_101 : f32 to vector<4096x128xf32>
    %max3A_103 = arith.maximumf %add3A_100, %max3A_102 : vector<4096x128xf32>
    %reshape3A_104 = vector.shape_cast %max3A_103 : vector<4096x128xf32> to vector<128x32x128xf32>
    %reduce_max3A = arith.constant dense<0xFF800000> : vector<128x128xf32>
    %reduce_max3A_105 = vector.multi_reduction <maximumf>, %reshape3A_104, %reduce_max3A [1] : vector<128x32x128xf32> to vector<128x128xf32>
    %broadcast_in_dim3A_106 = vector.shape_cast %reduce_max3A_105 : vector<128x128xf32> to vector<1x128x128xf32>
    %swap3A = arith.constant 0 : index
    %swap3A_107 = arith.constant 0 : index
    %swap3A_108 = arith.constant 0 : index
    %swap3A_109 = vector.load %arg12[%swap3A, %swap3A_107, %swap3A_108] : memref<1x128x128xf32, #tpu.memory_space<vmem>>, vector<1x128x128xf32>
    tpu.vector_store %arg12[%swap3A, %swap3A_107, %swap3A_108], %broadcast_in_dim3A_106 {strides = array<i32>} : memref<1x128x128xf32, #tpu.memory_space<vmem>>, vector<1x128x128xf32>,
    return
  }
  func.func @transform_0(%arg0: i32, %arg1: i32) -> (i32, i32) {
    %mul3A = arith.constant 4 : i32
    %mul3A_0 = arith.muli %arg0, %mul3A : i32
    %add3A = arith.addi %mul3A_0, %arg1 : i32
    %c0_i32 = arith.constant 0 : i32
    %c0_i32_1 = arith.constant 0 : i32
    return %add3A, %c0_i32 : i32, i32
  }
  func.func @transform_1(%arg0: i32, %arg1: i32) -> (i32, i32, i32) {
    %c0_i32 = arith.constant 0 : i32
    %c0_i32_0 = arith.constant 0 : i32
    return %arg0, %arg1, %c0_i32 : i32, i32, i32
  }
  func.func @transform_2(%arg0: i32, %arg1: i32) -> (i32, i32, i32) {
    %c0_i32 = arith.constant 0 : i32
    %c0_i32_0 = arith.constant 0 : i32
    return %arg0, %arg1, %c0_i32 : i32, i32, i32
  }
  func.func @transform_3(%arg0: i32, %arg1: i32) -> (i32, i32, i32) {
    %c0_i32 = arith.constant 0 : i32
    %c0_i32_0 = arith.constant 0 : i32
    return %arg0, %arg1, %c0_i32 : i32, i32, i32
  }
  func.func @transform_4(%arg0: i32, %arg1: i32) -> (i32, i32) {
    %c0_i32 = arith.constant 0 : i32
    %c0_i32_0 = arith.constant 0 : i32
    %c0_i32_1 = arith.constant 0 : i32
    return %c0_i32, %c0_i32_0 : i32, i32
  }
  func.func @transform_5(%arg0: i32, %arg1: i32) -> (i32, i32) {
    %c0_i32 = arith.constant 0 : i32
    %c0_i32_0 = arith.constant 0 : i32
    %c0_i32_1 = arith.constant 0 : i32
    return %c0_i32, %c0_i32_0 : i32, i32
  }
  func.func @transform_6(%arg0: i32, %arg1: i32) -> (i32, i32) {
    %c0_i32 = arith.constant 0 : i32
    %c0_i32_0 = arith.constant 0 : i32
    %c0_i32_1 = arith.constant 0 : i32
    return %c0_i32, %c0_i32_0 : i32, i32
  }
  func.func @transform_7(%arg0: i32, %arg1: i32) -> (i32, i32) {
    %c0_i32 = arith.constant 0 : i32
    %c0_i32_0 = arith.constant 0 : i32
    %c0_i32_1 = arith.constant 0 : i32
    return %c0_i32, %c0_i32_0 : i32, i32
  }
  func.func @transform_8(%arg0: i32, %arg1: i32) -> (i32, i32) {
    %c0_i32 = arith.constant 0 : i32
    %c0_i32_0 = arith.constant 0 : i32
    %c0_i32_1 = arith.constant 0 : i32
    return %c0_i32, %c0_i32_0 : i32, i32
  }
  func.func @transform_9(%arg0: i32, %arg1: i32) -> (i32, i32) {
    %c0_i32 = arith.constant 0 : i32
    %c0_i32_0 = arith.constant 0 : i32
    %c0_i32_1 = arith.constant 0 : i32
    return %c0_i32, %c0_i32_0 : i32, i32
  }
  func.func @transform_10(%arg0: i32, %arg1: i32) -> (i32, i32, i32) {
    %c0_i32 = arith.constant 0 : i32
    %c0_i32_0 = arith.constant 0 : i32
    return %arg0, %arg1, %c0_i32 : i32, i32, i32
  }
}

module attributes {stable_mosaic.version = 14 : i64} {
  func.func @_gmlp_body(%arg0: i32, %arg1: i32, %arg2: memref<4096x256xf32, #tpu.memory_space<vmem>>, %arg3: memref<1x64x1xf32, #tpu.memory_space<vmem>>, %arg4: memref<1x64x1xf32, #tpu.memory_space<vmem>>, %arg5: memref<1x64x1xf32, #tpu.memory_space<vmem>>, %arg6: memref<136x128xf32, #tpu.memory_space<vmem>>, %arg7: memref<3x128xf32, #tpu.memory_space<vmem>>, %arg8: memref<128x128xf32, #tpu.memory_space<vmem>>, %arg9: memref<3x128xf32, #tpu.memory_space<vmem>>, %arg10: memref<128x256xf32, #tpu.memory_space<vmem>>, %arg11: memref<3x256xf32, #tpu.memory_space<vmem>>, %arg12: memref<1x64x256xf32, #tpu.memory_space<vmem>>) attributes {dimension_semantics = [#tpu.dimension_semantics<arbitrary>, #tpu.dimension_semantics<arbitrary>], iteration_bounds = array<i64: 16, 2>, scalar_prefetch = 0 : i64, scratch_operands = 0 : i64, tpu.core_type = #tpu.core_type<tc>, window_params = [{transform_indices = @transform_0, window_bounds = array<i64: 4096, 256>}, {transform_indices = @transform_1, window_bounds = array<i64: 1, 64, 1>}, {transform_indices = @transform_2, window_bounds = array<i64: 1, 64, 1>}, {transform_indices = @transform_3, window_bounds = array<i64: 1, 64, 1>}, {pipeline_mode = #tpu.pipeline_mode<synchronous>, transform_indices = @transform_4, window_bounds = array<i64: 136, 128>}, {pipeline_mode = #tpu.pipeline_mode<synchronous>, transform_indices = @transform_5, window_bounds = array<i64: 3, 128>}, {pipeline_mode = #tpu.pipeline_mode<synchronous>, transform_indices = @transform_6, window_bounds = array<i64: 128, 128>}, {pipeline_mode = #tpu.pipeline_mode<synchronous>, transform_indices = @transform_7, window_bounds = array<i64: 3, 128>}, {pipeline_mode = #tpu.pipeline_mode<synchronous>, transform_indices = @transform_8, window_bounds = array<i64: 128, 256>}, {pipeline_mode = #tpu.pipeline_mode<synchronous>, transform_indices = @transform_9, window_bounds = array<i64: 3, 256>}, {transform_indices = @transform_10, window_bounds = array<i64: 1, 64, 256>}]} {
    %get3A = arith.constant 0 : index
    %get3A_0 = arith.constant 0 : index
    %get3A_1 = vector.load %arg2[%get3A, %get3A_0] : memref<4096x256xf32, #tpu.memory_space<vmem>>, vector<4096x256xf32>
    %get3A_2 = arith.constant 0 : index
    %get3A_3 = arith.constant 0 : index
    %get3A_4 = arith.constant 0 : index
    %get3A_5 = vector.load %arg3[%get3A_2, %get3A_3, %get3A_4] : memref<1x64x1xf32, #tpu.memory_space<vmem>>, vector<1x64x1xf32>
    %get3A_6 = vector.shape_cast %get3A_5 : vector<1x64x1xf32> to vector<64x1xf32>
    %reshape3A = vector.shape_cast %get3A_6 : vector<64x1xf32> to vector<64x1x1xf32>
    %broadcast_in_dim3A = vector.shape_cast %reshape3A : vector<64x1x1xf32> to vector<64x1x1xf32>
    %broadcast_in_dim3A_7 = vector.broadcast %broadcast_in_dim3A : vector<64x1x1xf32> to vector<64x64x1xf32>
    %reshape3A_8 = vector.shape_cast %broadcast_in_dim3A_7 : vector<64x64x1xf32> to vector<4096x1xf32>
    %get3A_9 = arith.constant 0 : index
    %get3A_10 = arith.constant 0 : index
    %get3A_11 = arith.constant 0 : index
    %get3A_12 = vector.load %arg4[%get3A_9, %get3A_10, %get3A_11] : memref<1x64x1xf32, #tpu.memory_space<vmem>>, vector<1x64x1xf32>
    %get3A_13 = vector.shape_cast %get3A_12 : vector<1x64x1xf32> to vector<64x1xf32>
    %reshape3A_14 = vector.shape_cast %get3A_13 : vector<64x1xf32> to vector<64x1x1xf32>
    %broadcast_in_dim3A_15 = vector.shape_cast %reshape3A_14 : vector<64x1x1xf32> to vector<64x1x1xf32>
    %broadcast_in_dim3A_16 = vector.broadcast %broadcast_in_dim3A_15 : vector<64x1x1xf32> to vector<64x64x1xf32>
    %reshape3A_17 = vector.shape_cast %broadcast_in_dim3A_16 : vector<64x64x1xf32> to vector<4096x1xf32>
    %get3A_18 = arith.constant 0 : index
    %get3A_19 = arith.constant 0 : index
    %get3A_20 = arith.constant 0 : index
    %get3A_21 = vector.load %arg5[%get3A_18, %get3A_19, %get3A_20] : memref<1x64x1xf32, #tpu.memory_space<vmem>>, vector<1x64x1xf32>
    %get3A_22 = vector.shape_cast %get3A_21 : vector<1x64x1xf32> to vector<64x1xf32>
    %reshape3A_23 = vector.shape_cast %get3A_22 : vector<64x1xf32> to vector<64x1x1xf32>
    %broadcast_in_dim3A_24 = vector.shape_cast %reshape3A_23 : vector<64x1x1xf32> to vector<64x1x1xf32>
    %broadcast_in_dim3A_25 = vector.broadcast %broadcast_in_dim3A_24 : vector<64x1x1xf32> to vector<64x64x1xf32>
    %reshape3A_26 = vector.shape_cast %broadcast_in_dim3A_25 : vector<64x64x1xf32> to vector<4096x1xf32>
    %slice3A = vector.extract_strided_slice %get3A_1 {offsets = [0, 0], sizes = [4096, 1], strides = [1, 1]} : vector<4096x256xf32> to vector<4096x1xf32>
    %sub3A = arith.subf %slice3A, %reshape3A_8 : vector<4096x1xf32>
    %slice3A_27 = vector.extract_strided_slice %get3A_1 {offsets = [0, 1], sizes = [4096, 1], strides = [1, 1]} : vector<4096x256xf32> to vector<4096x1xf32>
    %sub3A_28 = arith.subf %slice3A_27, %reshape3A_17 : vector<4096x1xf32>
    %slice3A_29 = vector.extract_strided_slice %get3A_1 {offsets = [0, 2], sizes = [4096, 1], strides = [1, 1]} : vector<4096x256xf32> to vector<4096x1xf32>
    %sub3A_30 = arith.subf %slice3A_29, %reshape3A_26 : vector<4096x1xf32>
    %slice3A_31 = vector.extract_strided_slice %get3A_1 {offsets = [0, 3], sizes = [4096, 128], strides = [1, 1]} : vector<4096x256xf32> to vector<4096x128xf32>
    %broadcast_in_dim3A_32 = arith.constant 0.000000e+00 : f32
    %broadcast_in_dim3A_33 = vector.broadcast %broadcast_in_dim3A_32 : f32 to vector<4096x5xf32>
    %concatenate3A = tpu.concatenate %sub3A, %sub3A_28, %sub3A_30, %slice3A_31, %broadcast_in_dim3A_33 in 1 : vector<4096x1xf32>, vector<4096x1xf32>, vector<4096x1xf32>, vector<4096x128xf32>, vector<4096x5xf32> -> vector<4096x136xf32>
    %get3A_34 = arith.constant 0 : index
    %get3A_35 = arith.constant 0 : index
    %get3A_36 = vector.load %arg6[%get3A_34, %get3A_35] : memref<136x128xf32, #tpu.memory_space<vmem>>, vector<136x128xf32>
    %dot_general3A = arith.constant dense<0.000000e+00> : vector<4096x128xf32>
    %dot_general3A_37 = tpu.matmul %concatenate3A, %get3A_36, %dot_general3A {dimension_numbers = #tpu.dot_dimension_numbers<[1], [0], [0], [1], [0, 0, 1, 1], [], []>, transpose_lhs_hint = false} : vector<4096x136xf32>, vector<136x128xf32>, vector<4096x128xf32> -> vector<4096x128xf32>
    %get3A_38 = arith.constant 0 : index
    %get3A_39 = arith.constant 0 : index
    %get3A_40 = vector.load %arg7[%get3A_38, %get3A_39] : memref<3x128xf32, #tpu.memory_space<vmem>>, vector<1x128xf32>
    %add3A = vector.broadcast %get3A_40 : vector<1x128xf32> to vector<4096x128xf32>
    %add3A_41 = arith.addf %dot_general3A_37, %add3A : vector<4096x128xf32>
    %get3A_42 = arith.constant 0 : index
    %get3A_43 = arith.constant 0 : index
    %get3A_44 = vector.load %arg7[%get3A_42, %get3A_43] : memref<3x128xf32, #tpu.memory_space<vmem>>, vector<3x128xf32>
    %div3A = arith.constant 1.00000501 : f32
    %div3A_45 = vector.broadcast %div3A : f32 to vector<4096x128xf32>
    %div3A_46 = arith.divf %add3A_41, %div3A_45 : vector<4096x128xf32>
    %slice3A_47 = vector.extract_strided_slice %get3A_44 {offsets = [1, 0], sizes = [1, 128], strides = [1, 1]} : vector<3x128xf32> to vector<1x128xf32>
    %mul3A = vector.broadcast %slice3A_47 : vector<1x128xf32> to vector<4096x128xf32>
    %mul3A_48 = arith.mulf %div3A_46, %mul3A : vector<4096x128xf32>
    %slice3A_49 = vector.extract_strided_slice %get3A_44 {offsets = [2, 0], sizes = [1, 128], strides = [1, 1]} : vector<3x128xf32> to vector<1x128xf32>
    %add3A_50 = vector.broadcast %slice3A_49 : vector<1x128xf32> to vector<4096x128xf32>
    %add3A_51 = arith.addf %mul3A_48, %add3A_50 : vector<4096x128xf32>
    %max3A = arith.constant 0.000000e+00 : f32
    %max3A_52 = vector.broadcast %max3A : f32 to vector<4096x128xf32>
    %max3A_53 = arith.maximumf %add3A_51, %max3A_52 : vector<4096x128xf32>
    %get3A_54 = arith.constant 0 : index
    %get3A_55 = arith.constant 0 : index
    %get3A_56 = vector.load %arg8[%get3A_54, %get3A_55] : memref<128x128xf32, #tpu.memory_space<vmem>>, vector<128x128xf32>
    %dot_general3A_57 = arith.constant dense<0.000000e+00> : vector<4096x128xf32>
    %dot_general3A_58 = tpu.matmul %max3A_53, %get3A_56, %dot_general3A_57 {dimension_numbers = #tpu.dot_dimension_numbers<[1], [0], [0], [1], [0, 0, 1, 1], [], []>, transpose_lhs_hint = false} : vector<4096x128xf32>, vector<128x128xf32>, vector<4096x128xf32> -> vector<4096x128xf32>
    %get3A_59 = arith.constant 0 : index
    %get3A_60 = arith.constant 0 : index
    %get3A_61 = vector.load %arg9[%get3A_59, %get3A_60] : memref<3x128xf32, #tpu.memory_space<vmem>>, vector<1x128xf32>
    %add3A_62 = vector.broadcast %get3A_61 : vector<1x128xf32> to vector<4096x128xf32>
    %add3A_63 = arith.addf %dot_general3A_58, %add3A_62 : vector<4096x128xf32>
    %get3A_64 = arith.constant 0 : index
    %get3A_65 = arith.constant 0 : index
    %get3A_66 = vector.load %arg9[%get3A_64, %get3A_65] : memref<3x128xf32, #tpu.memory_space<vmem>>, vector<3x128xf32>
    %div3A_67 = arith.constant 1.00000501 : f32
    %div3A_68 = vector.broadcast %div3A_67 : f32 to vector<4096x128xf32>
    %div3A_69 = arith.divf %add3A_63, %div3A_68 : vector<4096x128xf32>
    %slice3A_70 = vector.extract_strided_slice %get3A_66 {offsets = [1, 0], sizes = [1, 128], strides = [1, 1]} : vector<3x128xf32> to vector<1x128xf32>
    %mul3A_71 = vector.broadcast %slice3A_70 : vector<1x128xf32> to vector<4096x128xf32>
    %mul3A_72 = arith.mulf %div3A_69, %mul3A_71 : vector<4096x128xf32>
    %slice3A_73 = vector.extract_strided_slice %get3A_66 {offsets = [2, 0], sizes = [1, 128], strides = [1, 1]} : vector<3x128xf32> to vector<1x128xf32>
    %add3A_74 = vector.broadcast %slice3A_73 : vector<1x128xf32> to vector<4096x128xf32>
    %add3A_75 = arith.addf %mul3A_72, %add3A_74 : vector<4096x128xf32>
    %max3A_76 = arith.constant 0.000000e+00 : f32
    %max3A_77 = vector.broadcast %max3A_76 : f32 to vector<4096x128xf32>
    %max3A_78 = arith.maximumf %add3A_75, %max3A_77 : vector<4096x128xf32>
    %get3A_79 = arith.constant 0 : index
    %get3A_80 = arith.constant 0 : index
    %get3A_81 = vector.load %arg10[%get3A_79, %get3A_80] : memref<128x256xf32, #tpu.memory_space<vmem>>, vector<128x256xf32>
    %dot_general3A_82 = arith.constant dense<0.000000e+00> : vector<4096x256xf32>
    %dot_general3A_83 = tpu.matmul %max3A_78, %get3A_81, %dot_general3A_82 {dimension_numbers = #tpu.dot_dimension_numbers<[1], [0], [0], [1], [0, 0, 1, 1], [], []>, transpose_lhs_hint = false} : vector<4096x128xf32>, vector<128x256xf32>, vector<4096x256xf32> -> vector<4096x256xf32>
    %get3A_84 = arith.constant 0 : index
    %get3A_85 = arith.constant 0 : index
    %get3A_86 = vector.load %arg11[%get3A_84, %get3A_85] : memref<3x256xf32, #tpu.memory_space<vmem>>, vector<1x256xf32>
    %add3A_87 = vector.broadcast %get3A_86 : vector<1x256xf32> to vector<4096x256xf32>
    %add3A_88 = arith.addf %dot_general3A_83, %add3A_87 : vector<4096x256xf32>
    %get3A_89 = arith.constant 0 : index
    %get3A_90 = arith.constant 0 : index
    %get3A_91 = vector.load %arg11[%get3A_89, %get3A_90] : memref<3x256xf32, #tpu.memory_space<vmem>>, vector<3x256xf32>
    %div3A_92 = arith.constant 1.00000501 : f32
    %div3A_93 = vector.broadcast %div3A_92 : f32 to vector<4096x256xf32>
    %div3A_94 = arith.divf %add3A_88, %div3A_93 : vector<4096x256xf32>
    %slice3A_95 = vector.extract_strided_slice %get3A_91 {offsets = [1, 0], sizes = [1, 256], strides = [1, 1]} : vector<3x256xf32> to vector<1x256xf32>
    %mul3A_96 = vector.broadcast %slice3A_95 : vector<1x256xf32> to vector<4096x256xf32>
    %mul3A_97 = arith.mulf %div3A_94, %mul3A_96 : vector<4096x256xf32>
    %slice3A_98 = vector.extract_strided_slice %get3A_91 {offsets = [2, 0], sizes = [1, 256], strides = [1, 1]} : vector<3x256xf32> to vector<1x256xf32>
    %add3A_99 = vector.broadcast %slice3A_98 : vector<1x256xf32> to vector<4096x256xf32>
    %add3A_100 = arith.addf %mul3A_97, %add3A_99 : vector<4096x256xf32>
    %max3A_101 = arith.constant 0.000000e+00 : f32
    %max3A_102 = vector.broadcast %max3A_101 : f32 to vector<4096x256xf32>
    %max3A_103 = arith.maximumf %add3A_100, %max3A_102 : vector<4096x256xf32>
    %reshape3A_104 = vector.shape_cast %max3A_103 : vector<4096x256xf32> to vector<64x64x256xf32>
    %reduce_max3A = arith.constant dense<0xFF800000> : vector<64x256xf32>
    %reduce_max3A_105 = vector.multi_reduction <maximumf>, %reshape3A_104, %reduce_max3A [1] : vector<64x64x256xf32> to vector<64x256xf32>
    %broadcast_in_dim3A_106 = vector.shape_cast %reduce_max3A_105 : vector<64x256xf32> to vector<1x64x256xf32>
    %swap3A = arith.constant 0 : index
    %swap3A_107 = arith.constant 0 : index
    %swap3A_108 = arith.constant 0 : index
    %swap3A_109 = vector.load %arg12[%swap3A, %swap3A_107, %swap3A_108] : memref<1x64x256xf32, #tpu.memory_space<vmem>>, vector<1x64x256xf32>
    tpu.vector_store %arg12[%swap3A, %swap3A_107, %swap3A_108], %broadcast_in_dim3A_106 {strides = array<i32>} : memref<1x64x256xf32, #tpu.memory_space<vmem>>, vector<1x64x256xf32>,
    return
  }
  func.func @transform_0(%arg0: i32, %arg1: i32) -> (i32, i32) {
    %mul3A = arith.constant 2 : i32
    %mul3A_0 = arith.muli %arg0, %mul3A : i32
    %add3A = arith.addi %mul3A_0, %arg1 : i32
    %c0_i32 = arith.constant 0 : i32
    %c0_i32_1 = arith.constant 0 : i32
    return %add3A, %c0_i32 : i32, i32
  }
  func.func @transform_1(%arg0: i32, %arg1: i32) -> (i32, i32, i32) {
    %c0_i32 = arith.constant 0 : i32
    %c0_i32_0 = arith.constant 0 : i32
    return %arg0, %arg1, %c0_i32 : i32, i32, i32
  }
  func.func @transform_2(%arg0: i32, %arg1: i32) -> (i32, i32, i32) {
    %c0_i32 = arith.constant 0 : i32
    %c0_i32_0 = arith.constant 0 : i32
    return %arg0, %arg1, %c0_i32 : i32, i32, i32
  }
  func.func @transform_3(%arg0: i32, %arg1: i32) -> (i32, i32, i32) {
    %c0_i32 = arith.constant 0 : i32
    %c0_i32_0 = arith.constant 0 : i32
    return %arg0, %arg1, %c0_i32 : i32, i32, i32
  }
  func.func @transform_4(%arg0: i32, %arg1: i32) -> (i32, i32) {
    %c0_i32 = arith.constant 0 : i32
    %c0_i32_0 = arith.constant 0 : i32
    %c0_i32_1 = arith.constant 0 : i32
    return %c0_i32, %c0_i32_0 : i32, i32
  }
  func.func @transform_5(%arg0: i32, %arg1: i32) -> (i32, i32) {
    %c0_i32 = arith.constant 0 : i32
    %c0_i32_0 = arith.constant 0 : i32
    %c0_i32_1 = arith.constant 0 : i32
    return %c0_i32, %c0_i32_0 : i32, i32
  }
  func.func @transform_6(%arg0: i32, %arg1: i32) -> (i32, i32) {
    %c0_i32 = arith.constant 0 : i32
    %c0_i32_0 = arith.constant 0 : i32
    %c0_i32_1 = arith.constant 0 : i32
    return %c0_i32, %c0_i32_0 : i32, i32
  }
  func.func @transform_7(%arg0: i32, %arg1: i32) -> (i32, i32) {
    %c0_i32 = arith.constant 0 : i32
    %c0_i32_0 = arith.constant 0 : i32
    %c0_i32_1 = arith.constant 0 : i32
    return %c0_i32, %c0_i32_0 : i32, i32
  }
  func.func @transform_8(%arg0: i32, %arg1: i32) -> (i32, i32) {
    %c0_i32 = arith.constant 0 : i32
    %c0_i32_0 = arith.constant 0 : i32
    %c0_i32_1 = arith.constant 0 : i32
    return %c0_i32, %c0_i32_0 : i32, i32
  }
  func.func @transform_9(%arg0: i32, %arg1: i32) -> (i32, i32) {
    %c0_i32 = arith.constant 0 : i32
    %c0_i32_0 = arith.constant 0 : i32
    %c0_i32_1 = arith.constant 0 : i32
    return %c0_i32, %c0_i32_0 : i32, i32
  }
  func.func @transform_10(%arg0: i32, %arg1: i32) -> (i32, i32, i32) {
    %c0_i32 = arith.constant 0 : i32
    %c0_i32_0 = arith.constant 0 : i32
    return %arg0, %arg1, %c0_i32 : i32, i32, i32
  }
}

module attributes {stable_mosaic.version = 14 : i64} {
  func.func @_sa3fp3_body(%arg0: i32, %arg1: memref<1x128x1xf32, #tpu.memory_space<vmem>>, %arg2: memref<1x128x1xf32, #tpu.memory_space<vmem>>, %arg3: memref<1x128x1xf32, #tpu.memory_space<vmem>>, %arg4: memref<1x128x256xf32, #tpu.memory_space<vmem>>, %arg5: memref<264x256xf32, #tpu.memory_space<vmem>>, %arg6: memref<3x256xf32, #tpu.memory_space<vmem>>, %arg7: memref<256x512xf32, #tpu.memory_space<vmem>>, %arg8: memref<3x512xf32, #tpu.memory_space<vmem>>, %arg9: memref<512x1024xf32, #tpu.memory_space<vmem>>, %arg10: memref<3x1024xf32, #tpu.memory_space<vmem>>, %arg11: memref<256x256xf32, #tpu.memory_space<vmem>>, %arg12: memref<1024x256xf32, #tpu.memory_space<vmem>>, %arg13: memref<3x256xf32, #tpu.memory_space<vmem>>, %arg14: memref<256x256xf32, #tpu.memory_space<vmem>>, %arg15: memref<3x256xf32, #tpu.memory_space<vmem>>, %arg16: memref<1x128x256xf32, #tpu.memory_space<vmem>>) attributes {dimension_semantics = [#tpu.dimension_semantics<arbitrary>], iteration_bounds = array<i64: 16>, scalar_prefetch = 0 : i64, scratch_operands = 0 : i64, tpu.core_type = #tpu.core_type<tc>, window_params = [{transform_indices = @transform_0, window_bounds = array<i64: 1, 128, 1>}, {transform_indices = @transform_1, window_bounds = array<i64: 1, 128, 1>}, {transform_indices = @transform_2, window_bounds = array<i64: 1, 128, 1>}, {transform_indices = @transform_3, window_bounds = array<i64: 1, 128, 256>}, {pipeline_mode = #tpu.pipeline_mode<synchronous>, transform_indices = @transform_4, window_bounds = array<i64: 264, 256>}, {pipeline_mode = #tpu.pipeline_mode<synchronous>, transform_indices = @transform_5, window_bounds = array<i64: 3, 256>}, {pipeline_mode = #tpu.pipeline_mode<synchronous>, transform_indices = @transform_6, window_bounds = array<i64: 256, 512>}, {pipeline_mode = #tpu.pipeline_mode<synchronous>, transform_indices = @transform_7, window_bounds = array<i64: 3, 512>}, {pipeline_mode = #tpu.pipeline_mode<synchronous>, transform_indices = @transform_8, window_bounds = array<i64: 512, 1024>}, {pipeline_mode = #tpu.pipeline_mode<synchronous>, transform_indices = @transform_9, window_bounds = array<i64: 3, 1024>}, {pipeline_mode = #tpu.pipeline_mode<synchronous>, transform_indices = @transform_10, window_bounds = array<i64: 256, 256>}, {pipeline_mode = #tpu.pipeline_mode<synchronous>, transform_indices = @transform_11, window_bounds = array<i64: 1024, 256>}, {pipeline_mode = #tpu.pipeline_mode<synchronous>, transform_indices = @transform_12, window_bounds = array<i64: 3, 256>}, {pipeline_mode = #tpu.pipeline_mode<synchronous>, transform_indices = @transform_13, window_bounds = array<i64: 256, 256>}, {pipeline_mode = #tpu.pipeline_mode<synchronous>, transform_indices = @transform_14, window_bounds = array<i64: 3, 256>}, {transform_indices = @transform_15, window_bounds = array<i64: 1, 128, 256>}]} {
    %get3A = arith.constant 0 : index
    %get3A_0 = arith.constant 0 : index
    %get3A_1 = arith.constant 0 : index
    %get3A_2 = vector.load %arg4[%get3A, %get3A_0, %get3A_1] : memref<1x128x256xf32, #tpu.memory_space<vmem>>, vector<1x128x256xf32>
    %get3A_3 = vector.shape_cast %get3A_2 : vector<1x128x256xf32> to vector<128x256xf32>
    %get3A_4 = arith.constant 0 : index
    %get3A_5 = arith.constant 0 : index
    %get3A_6 = arith.constant 0 : index
    %get3A_7 = vector.load %arg1[%get3A_4, %get3A_5, %get3A_6] : memref<1x128x1xf32, #tpu.memory_space<vmem>>, vector<1x128x1xf32>
    %get3A_8 = vector.shape_cast %get3A_7 : vector<1x128x1xf32> to vector<128x1xf32>
    %get3A_9 = arith.constant 0 : index
    %get3A_10 = arith.constant 0 : index
    %get3A_11 = arith.constant 0 : index
    %get3A_12 = vector.load %arg2[%get3A_9, %get3A_10, %get3A_11] : memref<1x128x1xf32, #tpu.memory_space<vmem>>, vector<1x128x1xf32>
    %get3A_13 = vector.shape_cast %get3A_12 : vector<1x128x1xf32> to vector<128x1xf32>
    %get3A_14 = arith.constant 0 : index
    %get3A_15 = arith.constant 0 : index
    %get3A_16 = arith.constant 0 : index
    %get3A_17 = vector.load %arg3[%get3A_14, %get3A_15, %get3A_16] : memref<1x128x1xf32, #tpu.memory_space<vmem>>, vector<1x128x1xf32>
    %get3A_18 = vector.shape_cast %get3A_17 : vector<1x128x1xf32> to vector<128x1xf32>
    %broadcast_in_dim3A = arith.constant 0.000000e+00 : f32
    %broadcast_in_dim3A_19 = vector.broadcast %broadcast_in_dim3A : f32 to vector<128x5xf32>
    %concatenate3A = tpu.concatenate %get3A_8, %get3A_13, %get3A_18, %get3A_3, %broadcast_in_dim3A_19 in 1 : vector<128x1xf32>, vector<128x1xf32>, vector<128x1xf32>, vector<128x256xf32>, vector<128x5xf32> -> vector<128x264xf32>
    %get3A_20 = arith.constant 0 : index
    %get3A_21 = arith.constant 0 : index
    %get3A_22 = vector.load %arg5[%get3A_20, %get3A_21] : memref<264x256xf32, #tpu.memory_space<vmem>>, vector<264x256xf32>
    %dot_general3A = arith.constant dense<0.000000e+00> : vector<128x256xf32>
    %dot_general3A_23 = tpu.matmul %concatenate3A, %get3A_22, %dot_general3A {dimension_numbers = #tpu.dot_dimension_numbers<[1], [0], [0], [1], [0, 0, 1, 1], [], []>, transpose_lhs_hint = false} : vector<128x264xf32>, vector<264x256xf32>, vector<128x256xf32> -> vector<128x256xf32>
    %get3A_24 = arith.constant 0 : index
    %get3A_25 = arith.constant 0 : index
    %get3A_26 = vector.load %arg6[%get3A_24, %get3A_25] : memref<3x256xf32, #tpu.memory_space<vmem>>, vector<1x256xf32>
    %add3A = vector.broadcast %get3A_26 : vector<1x256xf32> to vector<128x256xf32>
    %add3A_27 = arith.addf %dot_general3A_23, %add3A : vector<128x256xf32>
    %get3A_28 = arith.constant 0 : index
    %get3A_29 = arith.constant 0 : index
    %get3A_30 = vector.load %arg6[%get3A_28, %get3A_29] : memref<3x256xf32, #tpu.memory_space<vmem>>, vector<3x256xf32>
    %div3A = arith.constant 1.00000501 : f32
    %div3A_31 = vector.broadcast %div3A : f32 to vector<128x256xf32>
    %div3A_32 = arith.divf %add3A_27, %div3A_31 : vector<128x256xf32>
    %slice3A = vector.extract_strided_slice %get3A_30 {offsets = [1, 0], sizes = [1, 256], strides = [1, 1]} : vector<3x256xf32> to vector<1x256xf32>
    %mul3A = vector.broadcast %slice3A : vector<1x256xf32> to vector<128x256xf32>
    %mul3A_33 = arith.mulf %div3A_32, %mul3A : vector<128x256xf32>
    %slice3A_34 = vector.extract_strided_slice %get3A_30 {offsets = [2, 0], sizes = [1, 256], strides = [1, 1]} : vector<3x256xf32> to vector<1x256xf32>
    %add3A_35 = vector.broadcast %slice3A_34 : vector<1x256xf32> to vector<128x256xf32>
    %add3A_36 = arith.addf %mul3A_33, %add3A_35 : vector<128x256xf32>
    %max3A = arith.constant 0.000000e+00 : f32
    %max3A_37 = vector.broadcast %max3A : f32 to vector<128x256xf32>
    %max3A_38 = arith.maximumf %add3A_36, %max3A_37 : vector<128x256xf32>
    %get3A_39 = arith.constant 0 : index
    %get3A_40 = arith.constant 0 : index
    %get3A_41 = vector.load %arg7[%get3A_39, %get3A_40] : memref<256x512xf32, #tpu.memory_space<vmem>>, vector<256x512xf32>
    %dot_general3A_42 = arith.constant dense<0.000000e+00> : vector<128x512xf32>
    %dot_general3A_43 = tpu.matmul %max3A_38, %get3A_41, %dot_general3A_42 {dimension_numbers = #tpu.dot_dimension_numbers<[1], [0], [0], [1], [0, 0, 1, 1], [], []>, transpose_lhs_hint = false} : vector<128x256xf32>, vector<256x512xf32>, vector<128x512xf32> -> vector<128x512xf32>
    %get3A_44 = arith.constant 0 : index
    %get3A_45 = arith.constant 0 : index
    %get3A_46 = vector.load %arg8[%get3A_44, %get3A_45] : memref<3x512xf32, #tpu.memory_space<vmem>>, vector<1x512xf32>
    %add3A_47 = vector.broadcast %get3A_46 : vector<1x512xf32> to vector<128x512xf32>
    %add3A_48 = arith.addf %dot_general3A_43, %add3A_47 : vector<128x512xf32>
    %get3A_49 = arith.constant 0 : index
    %get3A_50 = arith.constant 0 : index
    %get3A_51 = vector.load %arg8[%get3A_49, %get3A_50] : memref<3x512xf32, #tpu.memory_space<vmem>>, vector<3x512xf32>
    %div3A_52 = arith.constant 1.00000501 : f32
    %div3A_53 = vector.broadcast %div3A_52 : f32 to vector<128x512xf32>
    %div3A_54 = arith.divf %add3A_48, %div3A_53 : vector<128x512xf32>
    %slice3A_55 = vector.extract_strided_slice %get3A_51 {offsets = [1, 0], sizes = [1, 512], strides = [1, 1]} : vector<3x512xf32> to vector<1x512xf32>
    %mul3A_56 = vector.broadcast %slice3A_55 : vector<1x512xf32> to vector<128x512xf32>
    %mul3A_57 = arith.mulf %div3A_54, %mul3A_56 : vector<128x512xf32>
    %slice3A_58 = vector.extract_strided_slice %get3A_51 {offsets = [2, 0], sizes = [1, 512], strides = [1, 1]} : vector<3x512xf32> to vector<1x512xf32>
    %add3A_59 = vector.broadcast %slice3A_58 : vector<1x512xf32> to vector<128x512xf32>
    %add3A_60 = arith.addf %mul3A_57, %add3A_59 : vector<128x512xf32>
    %max3A_61 = arith.constant 0.000000e+00 : f32
    %max3A_62 = vector.broadcast %max3A_61 : f32 to vector<128x512xf32>
    %max3A_63 = arith.maximumf %add3A_60, %max3A_62 : vector<128x512xf32>
    %get3A_64 = arith.constant 0 : index
    %get3A_65 = arith.constant 0 : index
    %get3A_66 = vector.load %arg9[%get3A_64, %get3A_65] : memref<512x1024xf32, #tpu.memory_space<vmem>>, vector<512x1024xf32>
    %dot_general3A_67 = arith.constant dense<0.000000e+00> : vector<128x1024xf32>
    %dot_general3A_68 = tpu.matmul %max3A_63, %get3A_66, %dot_general3A_67 {dimension_numbers = #tpu.dot_dimension_numbers<[1], [0], [0], [1], [0, 0, 1, 1], [], []>, transpose_lhs_hint = false} : vector<128x512xf32>, vector<512x1024xf32>, vector<128x1024xf32> -> vector<128x1024xf32>
    %get3A_69 = arith.constant 0 : index
    %get3A_70 = arith.constant 0 : index
    %get3A_71 = vector.load %arg10[%get3A_69, %get3A_70] : memref<3x1024xf32, #tpu.memory_space<vmem>>, vector<1x1024xf32>
    %add3A_72 = vector.broadcast %get3A_71 : vector<1x1024xf32> to vector<128x1024xf32>
    %add3A_73 = arith.addf %dot_general3A_68, %add3A_72 : vector<128x1024xf32>
    %get3A_74 = arith.constant 0 : index
    %get3A_75 = arith.constant 0 : index
    %get3A_76 = vector.load %arg10[%get3A_74, %get3A_75] : memref<3x1024xf32, #tpu.memory_space<vmem>>, vector<3x1024xf32>
    %div3A_77 = arith.constant 1.00000501 : f32
    %div3A_78 = vector.broadcast %div3A_77 : f32 to vector<128x1024xf32>
    %div3A_79 = arith.divf %add3A_73, %div3A_78 : vector<128x1024xf32>
    %slice3A_80 = vector.extract_strided_slice %get3A_76 {offsets = [1, 0], sizes = [1, 1024], strides = [1, 1]} : vector<3x1024xf32> to vector<1x1024xf32>
    %mul3A_81 = vector.broadcast %slice3A_80 : vector<1x1024xf32> to vector<128x1024xf32>
    %mul3A_82 = arith.mulf %div3A_79, %mul3A_81 : vector<128x1024xf32>
    %slice3A_83 = vector.extract_strided_slice %get3A_76 {offsets = [2, 0], sizes = [1, 1024], strides = [1, 1]} : vector<3x1024xf32> to vector<1x1024xf32>
    %add3A_84 = vector.broadcast %slice3A_83 : vector<1x1024xf32> to vector<128x1024xf32>
    %add3A_85 = arith.addf %mul3A_82, %add3A_84 : vector<128x1024xf32>
    %max3A_86 = arith.constant 0.000000e+00 : f32
    %max3A_87 = vector.broadcast %max3A_86 : f32 to vector<128x1024xf32>
    %max3A_88 = arith.maximumf %add3A_85, %max3A_87 : vector<128x1024xf32>
    %reduce_max3A = arith.constant dense<0xFF800000> : vector<1024xf32>
    %reduce_max3A_89 = vector.multi_reduction <maximumf>, %max3A_88, %reduce_max3A [0] : vector<128x1024xf32> to vector<1024xf32>
    %broadcast_in_dim3A_90 = vector.shape_cast %reduce_max3A_89 : vector<1024xf32> to vector<1x1024xf32>
    %get3A_91 = arith.constant 0 : index
    %get3A_92 = arith.constant 0 : index
    %get3A_93 = vector.load %arg11[%get3A_91, %get3A_92] : memref<256x256xf32, #tpu.memory_space<vmem>>, vector<256x256xf32>
    %dot_general3A_94 = arith.constant dense<0.000000e+00> : vector<128x256xf32>
    %dot_general3A_95 = tpu.matmul %get3A_3, %get3A_93, %dot_general3A_94 {dimension_numbers = #tpu.dot_dimension_numbers<[1], [0], [0], [1], [0, 0, 1, 1], [], []>, transpose_lhs_hint = false} : vector<128x256xf32>, vector<256x256xf32>, vector<128x256xf32> -> vector<128x256xf32>
    %get3A_96 = arith.constant 0 : index
    %get3A_97 = arith.constant 0 : index
    %get3A_98 = vector.load %arg12[%get3A_96, %get3A_97] : memref<1024x256xf32, #tpu.memory_space<vmem>>, vector<1024x256xf32>
    %dot_general3A_99 = arith.constant dense<0.000000e+00> : vector<1x256xf32>
    %dot_general3A_100 = tpu.matmul %broadcast_in_dim3A_90, %get3A_98, %dot_general3A_99 {dimension_numbers = #tpu.dot_dimension_numbers<[1], [0], [0], [1], [0, 0, 1, 1], [], []>, transpose_lhs_hint = false} : vector<1x1024xf32>, vector<1024x256xf32>, vector<1x256xf32> -> vector<1x256xf32>
    %add3A_101 = vector.broadcast %dot_general3A_100 : vector<1x256xf32> to vector<128x256xf32>
    %add3A_102 = arith.addf %dot_general3A_95, %add3A_101 : vector<128x256xf32>
    %get3A_103 = arith.constant 0 : index
    %get3A_104 = arith.constant 0 : index
    %get3A_105 = vector.load %arg13[%get3A_103, %get3A_104] : memref<3x256xf32, #tpu.memory_space<vmem>>, vector<1x256xf32>
    %add3A_106 = vector.broadcast %get3A_105 : vector<1x256xf32> to vector<128x256xf32>
    %add3A_107 = arith.addf %add3A_102, %add3A_106 : vector<128x256xf32>
    %get3A_108 = arith.constant 0 : index
    %get3A_109 = arith.constant 0 : index
    %get3A_110 = vector.load %arg13[%get3A_108, %get3A_109] : memref<3x256xf32, #tpu.memory_space<vmem>>, vector<3x256xf32>
    %div3A_111 = arith.constant 1.00000501 : f32
    %div3A_112 = vector.broadcast %div3A_111 : f32 to vector<128x256xf32>
    %div3A_113 = arith.divf %add3A_107, %div3A_112 : vector<128x256xf32>
    %slice3A_114 = vector.extract_strided_slice %get3A_110 {offsets = [1, 0], sizes = [1, 256], strides = [1, 1]} : vector<3x256xf32> to vector<1x256xf32>
    %mul3A_115 = vector.broadcast %slice3A_114 : vector<1x256xf32> to vector<128x256xf32>
    %mul3A_116 = arith.mulf %div3A_113, %mul3A_115 : vector<128x256xf32>
    %slice3A_117 = vector.extract_strided_slice %get3A_110 {offsets = [2, 0], sizes = [1, 256], strides = [1, 1]} : vector<3x256xf32> to vector<1x256xf32>
    %add3A_118 = vector.broadcast %slice3A_117 : vector<1x256xf32> to vector<128x256xf32>
    %add3A_119 = arith.addf %mul3A_116, %add3A_118 : vector<128x256xf32>
    %max3A_120 = arith.constant 0.000000e+00 : f32
    %max3A_121 = vector.broadcast %max3A_120 : f32 to vector<128x256xf32>
    %max3A_122 = arith.maximumf %add3A_119, %max3A_121 : vector<128x256xf32>
    %get3A_123 = arith.constant 0 : index
    %get3A_124 = arith.constant 0 : index
    %get3A_125 = vector.load %arg14[%get3A_123, %get3A_124] : memref<256x256xf32, #tpu.memory_space<vmem>>, vector<256x256xf32>
    %dot_general3A_126 = arith.constant dense<0.000000e+00> : vector<128x256xf32>
    %dot_general3A_127 = tpu.matmul %max3A_122, %get3A_125, %dot_general3A_126 {dimension_numbers = #tpu.dot_dimension_numbers<[1], [0], [0], [1], [0, 0, 1, 1], [], []>, transpose_lhs_hint = false} : vector<128x256xf32>, vector<256x256xf32>, vector<128x256xf32> -> vector<128x256xf32>
    %get3A_128 = arith.constant 0 : index
    %get3A_129 = arith.constant 0 : index
    %get3A_130 = vector.load %arg15[%get3A_128, %get3A_129] : memref<3x256xf32, #tpu.memory_space<vmem>>, vector<1x256xf32>
    %add3A_131 = vector.broadcast %get3A_130 : vector<1x256xf32> to vector<128x256xf32>
    %add3A_132 = arith.addf %dot_general3A_127, %add3A_131 : vector<128x256xf32>
    %get3A_133 = arith.constant 0 : index
    %get3A_134 = arith.constant 0 : index
    %get3A_135 = vector.load %arg15[%get3A_133, %get3A_134] : memref<3x256xf32, #tpu.memory_space<vmem>>, vector<3x256xf32>
    %div3A_136 = arith.constant 1.00000501 : f32
    %div3A_137 = vector.broadcast %div3A_136 : f32 to vector<128x256xf32>
    %div3A_138 = arith.divf %add3A_132, %div3A_137 : vector<128x256xf32>
    %slice3A_139 = vector.extract_strided_slice %get3A_135 {offsets = [1, 0], sizes = [1, 256], strides = [1, 1]} : vector<3x256xf32> to vector<1x256xf32>
    %mul3A_140 = vector.broadcast %slice3A_139 : vector<1x256xf32> to vector<128x256xf32>
    %mul3A_141 = arith.mulf %div3A_138, %mul3A_140 : vector<128x256xf32>
    %slice3A_142 = vector.extract_strided_slice %get3A_135 {offsets = [2, 0], sizes = [1, 256], strides = [1, 1]} : vector<3x256xf32> to vector<1x256xf32>
    %add3A_143 = vector.broadcast %slice3A_142 : vector<1x256xf32> to vector<128x256xf32>
    %add3A_144 = arith.addf %mul3A_141, %add3A_143 : vector<128x256xf32>
    %max3A_145 = arith.constant 0.000000e+00 : f32
    %max3A_146 = vector.broadcast %max3A_145 : f32 to vector<128x256xf32>
    %max3A_147 = arith.maximumf %add3A_144, %max3A_146 : vector<128x256xf32>
    %broadcast_in_dim3A_148 = vector.shape_cast %max3A_147 : vector<128x256xf32> to vector<1x128x256xf32>
    %swap3A = arith.constant 0 : index
    %swap3A_149 = arith.constant 0 : index
    %swap3A_150 = arith.constant 0 : index
    %swap3A_151 = vector.load %arg16[%swap3A, %swap3A_149, %swap3A_150] : memref<1x128x256xf32, #tpu.memory_space<vmem>>, vector<1x128x256xf32>
    tpu.vector_store %arg16[%swap3A, %swap3A_149, %swap3A_150], %broadcast_in_dim3A_148 {strides = array<i32>} : memref<1x128x256xf32, #tpu.memory_space<vmem>>, vector<1x128x256xf32>,
    return
  }
  func.func @transform_0(%arg0: i32) -> (i32, i32, i32) {
    %c0_i32 = arith.constant 0 : i32
    %c0_i32_0 = arith.constant 0 : i32
    %c0_i32_1 = arith.constant 0 : i32
    return %arg0, %c0_i32, %c0_i32_0 : i32, i32, i32
  }
  func.func @transform_1(%arg0: i32) -> (i32, i32, i32) {
    %c0_i32 = arith.constant 0 : i32
    %c0_i32_0 = arith.constant 0 : i32
    %c0_i32_1 = arith.constant 0 : i32
    return %arg0, %c0_i32, %c0_i32_0 : i32, i32, i32
  }
  func.func @transform_2(%arg0: i32) -> (i32, i32, i32) {
    %c0_i32 = arith.constant 0 : i32
    %c0_i32_0 = arith.constant 0 : i32
    %c0_i32_1 = arith.constant 0 : i32
    return %arg0, %c0_i32, %c0_i32_0 : i32, i32, i32
  }
  func.func @transform_3(%arg0: i32) -> (i32, i32, i32) {
    %c0_i32 = arith.constant 0 : i32
    %c0_i32_0 = arith.constant 0 : i32
    %c0_i32_1 = arith.constant 0 : i32
    return %arg0, %c0_i32, %c0_i32_0 : i32, i32, i32
  }
  func.func @transform_4(%arg0: i32) -> (i32, i32) {
    %c0_i32 = arith.constant 0 : i32
    %c0_i32_0 = arith.constant 0 : i32
    %c0_i32_1 = arith.constant 0 : i32
    return %c0_i32, %c0_i32_0 : i32, i32
  }
  func.func @transform_5(%arg0: i32) -> (i32, i32) {
    %c0_i32 = arith.constant 0 : i32
    %c0_i32_0 = arith.constant 0 : i32
    %c0_i32_1 = arith.constant 0 : i32
    return %c0_i32, %c0_i32_0 : i32, i32
  }
  func.func @transform_6(%arg0: i32) -> (i32, i32) {
    %c0_i32 = arith.constant 0 : i32
    %c0_i32_0 = arith.constant 0 : i32
    %c0_i32_1 = arith.constant 0 : i32
    return %c0_i32, %c0_i32_0 : i32, i32
  }
  func.func @transform_7(%arg0: i32) -> (i32, i32) {
    %c0_i32 = arith.constant 0 : i32
    %c0_i32_0 = arith.constant 0 : i32
    %c0_i32_1 = arith.constant 0 : i32
    return %c0_i32, %c0_i32_0 : i32, i32
  }
  func.func @transform_8(%arg0: i32) -> (i32, i32) {
    %c0_i32 = arith.constant 0 : i32
    %c0_i32_0 = arith.constant 0 : i32
    %c0_i32_1 = arith.constant 0 : i32
    return %c0_i32, %c0_i32_0 : i32, i32
  }
  func.func @transform_9(%arg0: i32) -> (i32, i32) {
    %c0_i32 = arith.constant 0 : i32
    %c0_i32_0 = arith.constant 0 : i32
    %c0_i32_1 = arith.constant 0 : i32
    return %c0_i32, %c0_i32_0 : i32, i32
  }
  func.func @transform_10(%arg0: i32) -> (i32, i32) {
    %c0_i32 = arith.constant 0 : i32
    %c0_i32_0 = arith.constant 0 : i32
    %c0_i32_1 = arith.constant 0 : i32
    return %c0_i32, %c0_i32_0 : i32, i32
  }
  func.func @transform_11(%arg0: i32) -> (i32, i32) {
    %c0_i32 = arith.constant 0 : i32
    %c0_i32_0 = arith.constant 0 : i32
    %c0_i32_1 = arith.constant 0 : i32
    return %c0_i32, %c0_i32_0 : i32, i32
  }
  func.func @transform_12(%arg0: i32) -> (i32, i32) {
    %c0_i32 = arith.constant 0 : i32
    %c0_i32_0 = arith.constant 0 : i32
    %c0_i32_1 = arith.constant 0 : i32
    return %c0_i32, %c0_i32_0 : i32, i32
  }
  func.func @transform_13(%arg0: i32) -> (i32, i32) {
    %c0_i32 = arith.constant 0 : i32
    %c0_i32_0 = arith.constant 0 : i32
    %c0_i32_1 = arith.constant 0 : i32
    return %c0_i32, %c0_i32_0 : i32, i32
  }
  func.func @transform_14(%arg0: i32) -> (i32, i32) {
    %c0_i32 = arith.constant 0 : i32
    %c0_i32_0 = arith.constant 0 : i32
    %c0_i32_1 = arith.constant 0 : i32
    return %c0_i32, %c0_i32_0 : i32, i32
  }
  func.func @transform_15(%arg0: i32) -> (i32, i32, i32) {
    %c0_i32 = arith.constant 0 : i32
    %c0_i32_0 = arith.constant 0 : i32
    %c0_i32_1 = arith.constant 0 : i32
    return %arg0, %c0_i32, %c0_i32_0 : i32, i32, i32
  }
}

module attributes {stable_mosaic.version = 14 : i64} {
  func.func @_fp2_body(%arg0: i32, %arg1: memref<1x512x1xf32, #tpu.memory_space<vmem>>, %arg2: memref<1x512x1xf32, #tpu.memory_space<vmem>>, %arg3: memref<1x512x1xf32, #tpu.memory_space<vmem>>, %arg4: memref<1x1x128xf32, #tpu.memory_space<vmem>>, %arg5: memref<1x1x128xf32, #tpu.memory_space<vmem>>, %arg6: memref<1x1x128xf32, #tpu.memory_space<vmem>>, %arg7: memref<1x128x256xf32, #tpu.memory_space<vmem>>, %arg8: memref<1x512x128xf32, #tpu.memory_space<vmem>>, %arg9: memref<128x256xf32, #tpu.memory_space<vmem>>, %arg10: memref<256x256xf32, #tpu.memory_space<vmem>>, %arg11: memref<3x256xf32, #tpu.memory_space<vmem>>, %arg12: memref<256x128xf32, #tpu.memory_space<vmem>>, %arg13: memref<3x128xf32, #tpu.memory_space<vmem>>, %arg14: memref<1x512x128xf32, #tpu.memory_space<vmem>>) attributes {dimension_semantics = [#tpu.dimension_semantics<arbitrary>], iteration_bounds = array<i64: 16>, scalar_prefetch = 0 : i64, scratch_operands = 0 : i64, tpu.core_type = #tpu.core_type<tc>, window_params = [{transform_indices = @transform_0, window_bounds = array<i64: 1, 512, 1>}, {transform_indices = @transform_1, window_bounds = array<i64: 1, 512, 1>}, {transform_indices = @transform_2, window_bounds = array<i64: 1, 512, 1>}, {transform_indices = @transform_3, window_bounds = array<i64: 1, 1, 128>}, {transform_indices = @transform_4, window_bounds = array<i64: 1, 1, 128>}, {transform_indices = @transform_5, window_bounds = array<i64: 1, 1, 128>}, {transform_indices = @transform_6, window_bounds = array<i64: 1, 128, 256>}, {transform_indices = @transform_7, window_bounds = array<i64: 1, 512, 128>}, {pipeline_mode = #tpu.pipeline_mode<synchronous>, transform_indices = @transform_8, window_bounds = array<i64: 128, 256>}, {pipeline_mode = #tpu.pipeline_mode<synchronous>, transform_indices = @transform_9, window_bounds = array<i64: 256, 256>}, {pipeline_mode = #tpu.pipeline_mode<synchronous>, transform_indices = @transform_10, window_bounds = array<i64: 3, 256>}, {pipeline_mode = #tpu.pipeline_mode<synchronous>, transform_indices = @transform_11, window_bounds = array<i64: 256, 128>}, {pipeline_mode = #tpu.pipeline_mode<synchronous>, transform_indices = @transform_12, window_bounds = array<i64: 3, 128>}, {transform_indices = @transform_13, window_bounds = array<i64: 1, 512, 128>}]} {
    %get3A = arith.constant 0 : index
    %get3A_0 = arith.constant 0 : index
    %get3A_1 = arith.constant 0 : index
    %get3A_2 = vector.load %arg7[%get3A, %get3A_0, %get3A_1] : memref<1x128x256xf32, #tpu.memory_space<vmem>>, vector<1x128x256xf32>
    %get3A_3 = vector.shape_cast %get3A_2 : vector<1x128x256xf32> to vector<128x256xf32>
    %get3A_4 = arith.constant 0 : index
    %get3A_5 = arith.constant 0 : index
    %get3A_6 = arith.constant 0 : index
    %get3A_7 = vector.load %arg1[%get3A_4, %get3A_5, %get3A_6] : memref<1x512x1xf32, #tpu.memory_space<vmem>>, vector<1x512x1xf32>
    %get3A_8 = vector.shape_cast %get3A_7 : vector<1x512x1xf32> to vector<512x1xf32>
    %get3A_9 = arith.constant 0 : index
    %get3A_10 = arith.constant 0 : index
    %get3A_11 = arith.constant 0 : index
    %get3A_12 = vector.load %arg2[%get3A_9, %get3A_10, %get3A_11] : memref<1x512x1xf32, #tpu.memory_space<vmem>>, vector<1x512x1xf32>
    %get3A_13 = vector.shape_cast %get3A_12 : vector<1x512x1xf32> to vector<512x1xf32>
    %get3A_14 = arith.constant 0 : index
    %get3A_15 = arith.constant 0 : index
    %get3A_16 = arith.constant 0 : index
    %get3A_17 = vector.load %arg3[%get3A_14, %get3A_15, %get3A_16] : memref<1x512x1xf32, #tpu.memory_space<vmem>>, vector<1x512x1xf32>
    %get3A_18 = vector.shape_cast %get3A_17 : vector<1x512x1xf32> to vector<512x1xf32>
    %get3A_19 = arith.constant 0 : index
    %get3A_20 = arith.constant 0 : index
    %get3A_21 = arith.constant 0 : index
    %get3A_22 = vector.load %arg4[%get3A_19, %get3A_20, %get3A_21] : memref<1x1x128xf32, #tpu.memory_space<vmem>>, vector<1x1x128xf32>
    %get3A_23 = vector.shape_cast %get3A_22 : vector<1x1x128xf32> to vector<1x128xf32>
    %get3A_24 = arith.constant 0 : index
    %get3A_25 = arith.constant 0 : index
    %get3A_26 = arith.constant 0 : index
    %get3A_27 = vector.load %arg5[%get3A_24, %get3A_25, %get3A_26] : memref<1x1x128xf32, #tpu.memory_space<vmem>>, vector<1x1x128xf32>
    %get3A_28 = vector.shape_cast %get3A_27 : vector<1x1x128xf32> to vector<1x128xf32>
    %get3A_29 = arith.constant 0 : index
    %get3A_30 = arith.constant 0 : index
    %get3A_31 = arith.constant 0 : index
    %get3A_32 = vector.load %arg6[%get3A_29, %get3A_30, %get3A_31] : memref<1x1x128xf32, #tpu.memory_space<vmem>>, vector<1x1x128xf32>
    %get3A_33 = vector.shape_cast %get3A_32 : vector<1x1x128xf32> to vector<1x128xf32>
    %broadcast_in_dim3A = arith.constant 0.000000e+00 : f32
    %broadcast_in_dim3A_34 = vector.broadcast %broadcast_in_dim3A : f32 to vector<512x5xf32>
    %concatenate3A = tpu.concatenate %get3A_8, %get3A_13, %get3A_18, %broadcast_in_dim3A_34 in 1 : vector<512x1xf32>, vector<512x1xf32>, vector<512x1xf32>, vector<512x5xf32> -> vector<512x8xf32>
    %broadcast_in_dim3A_35 = arith.constant 0.000000e+00 : f32
    %broadcast_in_dim3A_36 = vector.broadcast %broadcast_in_dim3A_35 : f32 to vector<5x128xf32>
    %concatenate3A_37 = tpu.concatenate %get3A_23, %get3A_28, %get3A_33, %broadcast_in_dim3A_36 in 0 : vector<1x128xf32>, vector<1x128xf32>, vector<1x128xf32>, vector<5x128xf32> -> vector<8x128xf32>
    %dot_general3A = arith.constant dense<0.000000e+00> : vector<512x128xf32>
    %dot_general3A_38 = tpu.matmul %concatenate3A, %concatenate3A_37, %dot_general3A {dimension_numbers = #tpu.dot_dimension_numbers<[1], [0], [0], [1], [0, 0, 1, 1], [], []>, transpose_lhs_hint = false} : vector<512x8xf32>, vector<8x128xf32>, vector<512x128xf32> -> vector<512x128xf32>
    %mul3A = arith.mulf %get3A_8, %get3A_8 : vector<512x1xf32>
    %mul3A_39 = arith.mulf %get3A_13, %get3A_13 : vector<512x1xf32>
    %add3A = arith.addf %mul3A, %mul3A_39 : vector<512x1xf32>
    %mul3A_40 = arith.mulf %get3A_18, %get3A_18 : vector<512x1xf32>
    %add3A_41 = arith.addf %add3A, %mul3A_40 : vector<512x1xf32>
    %mul3A_42 = arith.mulf %get3A_23, %get3A_23 : vector<1x128xf32>
    %mul3A_43 = arith.mulf %get3A_28, %get3A_28 : vector<1x128xf32>
    %add3A_44 = arith.addf %mul3A_42, %mul3A_43 : vector<1x128xf32>
    %mul3A_45 = arith.mulf %get3A_33, %get3A_33 : vector<1x128xf32>
    %add3A_46 = arith.addf %add3A_44, %mul3A_45 : vector<1x128xf32>
    %add3A_47 = vector.broadcast %add3A_41 : vector<512x1xf32> to vector<512x128xf32>
    %add3A_48 = vector.broadcast %add3A_46 : vector<1x128xf32> to vector<512x128xf32>
    %add3A_49 = arith.addf %add3A_47, %add3A_48 : vector<512x128xf32>
    %mul3A_50 = arith.constant 2.000000e+00 : f32
    %mul3A_51 = vector.broadcast %mul3A_50 : f32 to vector<512x128xf32>
    %mul3A_52 = arith.mulf %mul3A_51, %dot_general3A_38 : vector<512x128xf32>
    %sub3A = arith.subf %add3A_49, %mul3A_52 : vector<512x128xf32>
    %iota3A = tpu.iota {dimensions = array<i32: 1>} : vector<512x128xi32>
    %reduce_min3A = arith.constant dense<0x7F800000> : vector<512xf32>
    %reduce_min3A_53 = vector.multi_reduction <minimumf>, %sub3A, %reduce_min3A [1] : vector<512x128xf32> to vector<512xf32>
    %broadcast_in_dim3A_54 = vector.shape_cast %reduce_min3A_53 : vector<512xf32> to vector<512x1xf32>
    %eq3A = vector.broadcast %broadcast_in_dim3A_54 : vector<512x1xf32> to vector<512x128xf32>
    %eq3A_55 = arith.cmpf oeq, %sub3A, %eq3A : vector<512x128xf32>
    %jit3A = arith.constant 128 : i32
    %broadcast_in_dim3A_56 = vector.broadcast %jit3A : i32 to vector<512x128xi32>
    %select_n3A = arith.select %eq3A_55, %iota3A, %broadcast_in_dim3A_56 : vector<512x128xi1>, vector<512x128xi32>
    %reduce_min3A_57 = arith.constant dense<2147483647> : vector<512xi32>
    %reduce_min3A_58 = vector.multi_reduction <minsi>, %select_n3A, %reduce_min3A_57 [1] : vector<512x128xi32> to vector<512xi32>
    %broadcast_in_dim3A_59 = vector.shape_cast %reduce_min3A_58 : vector<512xi32> to vector<512x1xi32>
    %eq3A_60 = vector.broadcast %broadcast_in_dim3A_59 : vector<512x1xi32> to vector<512x128xi32>
    %eq3A_61 = arith.cmpi eq, %iota3A, %eq3A_60 : vector<512x128xi32>
    %jit3A_62 = arith.constant 0x7F800000 : f32
    %broadcast_in_dim3A_63 = vector.broadcast %jit3A_62 : f32 to vector<512x128xf32>
    %select_n3A_64 = arith.select %eq3A_61, %broadcast_in_dim3A_63, %sub3A : vector<512x128xi1>, vector<512x128xf32>
    %reduce_min3A_65 = arith.constant dense<0x7F800000> : vector<512xf32>
    %reduce_min3A_66 = vector.multi_reduction <minimumf>, %select_n3A_64, %reduce_min3A_65 [1] : vector<512x128xf32> to vector<512xf32>
    %broadcast_in_dim3A_67 = vector.shape_cast %reduce_min3A_66 : vector<512xf32> to vector<512x1xf32>
    %eq3A_68 = vector.broadcast %broadcast_in_dim3A_67 : vector<512x1xf32> to vector<512x128xf32>
    %eq3A_69 = arith.cmpf oeq, %select_n3A_64, %eq3A_68 : vector<512x128xf32>
    %jit3A_70 = arith.constant 128 : i32
    %broadcast_in_dim3A_71 = vector.broadcast %jit3A_70 : i32 to vector<512x128xi32>
    %select_n3A_72 = arith.select %eq3A_69, %iota3A, %broadcast_in_dim3A_71 : vector<512x128xi1>, vector<512x128xi32>
    %reduce_min3A_73 = arith.constant dense<2147483647> : vector<512xi32>
    %reduce_min3A_74 = vector.multi_reduction <minsi>, %select_n3A_72, %reduce_min3A_73 [1] : vector<512x128xi32> to vector<512xi32>
    %broadcast_in_dim3A_75 = vector.shape_cast %reduce_min3A_74 : vector<512xi32> to vector<512x1xi32>
    %eq3A_76 = vector.broadcast %broadcast_in_dim3A_75 : vector<512x1xi32> to vector<512x128xi32>
    %eq3A_77 = arith.cmpi eq, %iota3A, %eq3A_76 : vector<512x128xi32>
    %jit3A_78 = arith.constant 0x7F800000 : f32
    %broadcast_in_dim3A_79 = vector.broadcast %jit3A_78 : f32 to vector<512x128xf32>
    %select_n3A_80 = arith.select %eq3A_77, %broadcast_in_dim3A_79, %select_n3A_64 : vector<512x128xi1>, vector<512x128xf32>
    %reduce_min3A_81 = arith.constant dense<0x7F800000> : vector<512xf32>
    %reduce_min3A_82 = vector.multi_reduction <minimumf>, %select_n3A_80, %reduce_min3A_81 [1] : vector<512x128xf32> to vector<512xf32>
    %broadcast_in_dim3A_83 = vector.shape_cast %reduce_min3A_82 : vector<512xf32> to vector<512x1xf32>
    %eq3A_84 = vector.broadcast %broadcast_in_dim3A_83 : vector<512x1xf32> to vector<512x128xf32>
    %eq3A_85 = arith.cmpf oeq, %select_n3A_80, %eq3A_84 : vector<512x128xf32>
    %jit3A_86 = arith.constant 128 : i32
    %broadcast_in_dim3A_87 = vector.broadcast %jit3A_86 : i32 to vector<512x128xi32>
    %select_n3A_88 = arith.select %eq3A_85, %iota3A, %broadcast_in_dim3A_87 : vector<512x128xi1>, vector<512x128xi32>
    %reduce_min3A_89 = arith.constant dense<2147483647> : vector<512xi32>
    %reduce_min3A_90 = vector.multi_reduction <minsi>, %select_n3A_88, %reduce_min3A_89 [1] : vector<512x128xi32> to vector<512xi32>
    %broadcast_in_dim3A_91 = vector.shape_cast %reduce_min3A_90 : vector<512xi32> to vector<512x1xi32>
    %add3A_92 = arith.constant 9.99999993E-9 : f32
    %add3A_93 = vector.broadcast %add3A_92 : f32 to vector<512x1xf32>
    %add3A_94 = arith.addf %broadcast_in_dim3A_54, %add3A_93 : vector<512x1xf32>
    %div3A = arith.constant 1.000000e+00 : f32
    %div3A_95 = vector.broadcast %div3A : f32 to vector<512x1xf32>
    %div3A_96 = arith.divf %div3A_95, %add3A_94 : vector<512x1xf32>
    %add3A_97 = arith.constant 9.99999993E-9 : f32
    %add3A_98 = vector.broadcast %add3A_97 : f32 to vector<512x1xf32>
    %add3A_99 = arith.addf %broadcast_in_dim3A_67, %add3A_98 : vector<512x1xf32>
    %div3A_100 = arith.constant 1.000000e+00 : f32
    %div3A_101 = vector.broadcast %div3A_100 : f32 to vector<512x1xf32>
    %div3A_102 = arith.divf %div3A_101, %add3A_99 : vector<512x1xf32>
    %add3A_103 = arith.constant 9.99999993E-9 : f32
    %add3A_104 = vector.broadcast %add3A_103 : f32 to vector<512x1xf32>
    %add3A_105 = arith.addf %broadcast_in_dim3A_83, %add3A_104 : vector<512x1xf32>
    %div3A_106 = arith.constant 1.000000e+00 : f32
    %div3A_107 = vector.broadcast %div3A_106 : f32 to vector<512x1xf32>
    %div3A_108 = arith.divf %div3A_107, %add3A_105 : vector<512x1xf32>
    %add3A_109 = arith.addf %div3A_96, %div3A_102 : vector<512x1xf32>
    %add3A_110 = arith.addf %add3A_109, %div3A_108 : vector<512x1xf32>
    %broadcast_in_dim3A_111 = arith.constant 0.000000e+00 : f32
    %broadcast_in_dim3A_112 = vector.broadcast %broadcast_in_dim3A_111 : f32 to vector<512x128xf32>
    %eq3A_113 = vector.broadcast %broadcast_in_dim3A_59 : vector<512x1xi32> to vector<512x128xi32>
    %eq3A_114 = arith.cmpi eq, %iota3A, %eq3A_113 : vector<512x128xi32>
    %div3A_115 = arith.divf %div3A_96, %add3A_110 : vector<512x1xf32>
    %jit3A_116 = arith.constant 0.000000e+00 : f32
    %broadcast_in_dim3A_117 = vector.shape_cast %div3A_115 : vector<512x1xf32> to vector<512x1xf32>
    %broadcast_in_dim3A_118 = vector.broadcast %broadcast_in_dim3A_117 : vector<512x1xf32> to vector<512x128xf32>
    %broadcast_in_dim3A_119 = vector.broadcast %jit3A_116 : f32 to vector<512x128xf32>
    %select_n3A_120 = arith.select %eq3A_114, %broadcast_in_dim3A_118, %broadcast_in_dim3A_119 : vector<512x128xi1>, vector<512x128xf32>
    %add3A_121 = arith.addf %broadcast_in_dim3A_112, %select_n3A_120 : vector<512x128xf32>
    %eq3A_122 = vector.broadcast %broadcast_in_dim3A_75 : vector<512x1xi32> to vector<512x128xi32>
    %eq3A_123 = arith.cmpi eq, %iota3A, %eq3A_122 : vector<512x128xi32>
    %div3A_124 = arith.divf %div3A_102, %add3A_110 : vector<512x1xf32>
    %jit3A_125 = arith.constant 0.000000e+00 : f32
    %broadcast_in_dim3A_126 = vector.shape_cast %div3A_124 : vector<512x1xf32> to vector<512x1xf32>
    %broadcast_in_dim3A_127 = vector.broadcast %broadcast_in_dim3A_126 : vector<512x1xf32> to vector<512x128xf32>
    %broadcast_in_dim3A_128 = vector.broadcast %jit3A_125 : f32 to vector<512x128xf32>
    %select_n3A_129 = arith.select %eq3A_123, %broadcast_in_dim3A_127, %broadcast_in_dim3A_128 : vector<512x128xi1>, vector<512x128xf32>
    %add3A_130 = arith.addf %add3A_121, %select_n3A_129 : vector<512x128xf32>
    %eq3A_131 = vector.broadcast %broadcast_in_dim3A_91 : vector<512x1xi32> to vector<512x128xi32>
    %eq3A_132 = arith.cmpi eq, %iota3A, %eq3A_131 : vector<512x128xi32>
    %div3A_133 = arith.divf %div3A_108, %add3A_110 : vector<512x1xf32>
    %jit3A_134 = arith.constant 0.000000e+00 : f32
    %broadcast_in_dim3A_135 = vector.shape_cast %div3A_133 : vector<512x1xf32> to vector<512x1xf32>
    %broadcast_in_dim3A_136 = vector.broadcast %broadcast_in_dim3A_135 : vector<512x1xf32> to vector<512x128xf32>
    %broadcast_in_dim3A_137 = vector.broadcast %jit3A_134 : f32 to vector<512x128xf32>
    %select_n3A_138 = arith.select %eq3A_132, %broadcast_in_dim3A_136, %broadcast_in_dim3A_137 : vector<512x128xi1>, vector<512x128xf32>
    %add3A_139 = arith.addf %add3A_130, %select_n3A_138 : vector<512x128xf32>
    %dot_general3A_140 = arith.constant dense<0.000000e+00> : vector<512x256xf32>
    %dot_general3A_141 = tpu.matmul %add3A_139, %get3A_3, %dot_general3A_140 {dimension_numbers = #tpu.dot_dimension_numbers<[1], [0], [0], [1], [0, 0, 1, 1], [], []>, precision = #tpu.contract_precision<fp32>, transpose_lhs_hint = false} : vector<512x128xf32>, vector<128x256xf32>, vector<512x256xf32> -> vector<512x256xf32>
    %get3A_142 = arith.constant 0 : index
    %get3A_143 = arith.constant 0 : index
    %get3A_144 = arith.constant 0 : index
    %get3A_145 = vector.load %arg8[%get3A_142, %get3A_143, %get3A_144] : memref<1x512x128xf32, #tpu.memory_space<vmem>>, vector<1x512x128xf32>
    %get3A_146 = vector.shape_cast %get3A_145 : vector<1x512x128xf32> to vector<512x128xf32>
    %get3A_147 = arith.constant 0 : index
    %get3A_148 = arith.constant 0 : index
    %get3A_149 = vector.load %arg9[%get3A_147, %get3A_148] : memref<128x256xf32, #tpu.memory_space<vmem>>, vector<128x256xf32>
    %dot_general3A_150 = arith.constant dense<0.000000e+00> : vector<512x256xf32>
    %dot_general3A_151 = tpu.matmul %get3A_146, %get3A_149, %dot_general3A_150 {dimension_numbers = #tpu.dot_dimension_numbers<[1], [0], [0], [1], [0, 0, 1, 1], [], []>, transpose_lhs_hint = false} : vector<512x128xf32>, vector<128x256xf32>, vector<512x256xf32> -> vector<512x256xf32>
    %get3A_152 = arith.constant 0 : index
    %get3A_153 = arith.constant 0 : index
    %get3A_154 = vector.load %arg10[%get3A_152, %get3A_153] : memref<256x256xf32, #tpu.memory_space<vmem>>, vector<256x256xf32>
    %dot_general3A_155 = arith.constant dense<0.000000e+00> : vector<512x256xf32>
    %dot_general3A_156 = tpu.matmul %dot_general3A_141, %get3A_154, %dot_general3A_155 {dimension_numbers = #tpu.dot_dimension_numbers<[1], [0], [0], [1], [0, 0, 1, 1], [], []>, transpose_lhs_hint = false} : vector<512x256xf32>, vector<256x256xf32>, vector<512x256xf32> -> vector<512x256xf32>
    %add3A_157 = arith.addf %dot_general3A_151, %dot_general3A_156 : vector<512x256xf32>
    %get3A_158 = arith.constant 0 : index
    %get3A_159 = arith.constant 0 : index
    %get3A_160 = vector.load %arg11[%get3A_158, %get3A_159] : memref<3x256xf32, #tpu.memory_space<vmem>>, vector<1x256xf32>
    %add3A_161 = vector.broadcast %get3A_160 : vector<1x256xf32> to vector<512x256xf32>
    %add3A_162 = arith.addf %add3A_157, %add3A_161 : vector<512x256xf32>
    %get3A_163 = arith.constant 0 : index
    %get3A_164 = arith.constant 0 : index
    %get3A_165 = vector.load %arg11[%get3A_163, %get3A_164] : memref<3x256xf32, #tpu.memory_space<vmem>>, vector<3x256xf32>
    %div3A_166 = arith.constant 1.00000501 : f32
    %div3A_167 = vector.broadcast %div3A_166 : f32 to vector<512x256xf32>
    %div3A_168 = arith.divf %add3A_162, %div3A_167 : vector<512x256xf32>
    %slice3A = vector.extract_strided_slice %get3A_165 {offsets = [1, 0], sizes = [1, 256], strides = [1, 1]} : vector<3x256xf32> to vector<1x256xf32>
    %mul3A_169 = vector.broadcast %slice3A : vector<1x256xf32> to vector<512x256xf32>
    %mul3A_170 = arith.mulf %div3A_168, %mul3A_169 : vector<512x256xf32>
    %slice3A_171 = vector.extract_strided_slice %get3A_165 {offsets = [2, 0], sizes = [1, 256], strides = [1, 1]} : vector<3x256xf32> to vector<1x256xf32>
    %add3A_172 = vector.broadcast %slice3A_171 : vector<1x256xf32> to vector<512x256xf32>
    %add3A_173 = arith.addf %mul3A_170, %add3A_172 : vector<512x256xf32>
    %max3A = arith.constant 0.000000e+00 : f32
    %max3A_174 = vector.broadcast %max3A : f32 to vector<512x256xf32>
    %max3A_175 = arith.maximumf %add3A_173, %max3A_174 : vector<512x256xf32>
    %get3A_176 = arith.constant 0 : index
    %get3A_177 = arith.constant 0 : index
    %get3A_178 = vector.load %arg12[%get3A_176, %get3A_177] : memref<256x128xf32, #tpu.memory_space<vmem>>, vector<256x128xf32>
    %dot_general3A_179 = arith.constant dense<0.000000e+00> : vector<512x128xf32>
    %dot_general3A_180 = tpu.matmul %max3A_175, %get3A_178, %dot_general3A_179 {dimension_numbers = #tpu.dot_dimension_numbers<[1], [0], [0], [1], [0, 0, 1, 1], [], []>, transpose_lhs_hint = false} : vector<512x256xf32>, vector<256x128xf32>, vector<512x128xf32> -> vector<512x128xf32>
    %get3A_181 = arith.constant 0 : index
    %get3A_182 = arith.constant 0 : index
    %get3A_183 = vector.load %arg13[%get3A_181, %get3A_182] : memref<3x128xf32, #tpu.memory_space<vmem>>, vector<1x128xf32>
    %add3A_184 = vector.broadcast %get3A_183 : vector<1x128xf32> to vector<512x128xf32>
    %add3A_185 = arith.addf %dot_general3A_180, %add3A_184 : vector<512x128xf32>
    %get3A_186 = arith.constant 0 : index
    %get3A_187 = arith.constant 0 : index
    %get3A_188 = vector.load %arg13[%get3A_186, %get3A_187] : memref<3x128xf32, #tpu.memory_space<vmem>>, vector<3x128xf32>
    %div3A_189 = arith.constant 1.00000501 : f32
    %div3A_190 = vector.broadcast %div3A_189 : f32 to vector<512x128xf32>
    %div3A_191 = arith.divf %add3A_185, %div3A_190 : vector<512x128xf32>
    %slice3A_192 = vector.extract_strided_slice %get3A_188 {offsets = [1, 0], sizes = [1, 128], strides = [1, 1]} : vector<3x128xf32> to vector<1x128xf32>
    %mul3A_193 = vector.broadcast %slice3A_192 : vector<1x128xf32> to vector<512x128xf32>
    %mul3A_194 = arith.mulf %div3A_191, %mul3A_193 : vector<512x128xf32>
    %slice3A_195 = vector.extract_strided_slice %get3A_188 {offsets = [2, 0], sizes = [1, 128], strides = [1, 1]} : vector<3x128xf32> to vector<1x128xf32>
    %add3A_196 = vector.broadcast %slice3A_195 : vector<1x128xf32> to vector<512x128xf32>
    %add3A_197 = arith.addf %mul3A_194, %add3A_196 : vector<512x128xf32>
    %max3A_198 = arith.constant 0.000000e+00 : f32
    %max3A_199 = vector.broadcast %max3A_198 : f32 to vector<512x128xf32>
    %max3A_200 = arith.maximumf %add3A_197, %max3A_199 : vector<512x128xf32>
    %broadcast_in_dim3A_201 = vector.shape_cast %max3A_200 : vector<512x128xf32> to vector<1x512x128xf32>
    %swap3A = arith.constant 0 : index
    %swap3A_202 = arith.constant 0 : index
    %swap3A_203 = arith.constant 0 : index
    %swap3A_204 = vector.load %arg14[%swap3A, %swap3A_202, %swap3A_203] : memref<1x512x128xf32, #tpu.memory_space<vmem>>, vector<1x512x128xf32>
    tpu.vector_store %arg14[%swap3A, %swap3A_202, %swap3A_203], %broadcast_in_dim3A_201 {strides = array<i32>} : memref<1x512x128xf32, #tpu.memory_space<vmem>>, vector<1x512x128xf32>,
    return
  }
  func.func @transform_0(%arg0: i32) -> (i32, i32, i32) {
    %c0_i32 = arith.constant 0 : i32
    %c0_i32_0 = arith.constant 0 : i32
    %c0_i32_1 = arith.constant 0 : i32
    return %arg0, %c0_i32, %c0_i32_0 : i32, i32, i32
  }
  func.func @transform_1(%arg0: i32) -> (i32, i32, i32) {
    %c0_i32 = arith.constant 0 : i32
    %c0_i32_0 = arith.constant 0 : i32
    %c0_i32_1 = arith.constant 0 : i32
    return %arg0, %c0_i32, %c0_i32_0 : i32, i32, i32
  }
  func.func @transform_2(%arg0: i32) -> (i32, i32, i32) {
    %c0_i32 = arith.constant 0 : i32
    %c0_i32_0 = arith.constant 0 : i32
    %c0_i32_1 = arith.constant 0 : i32
    return %arg0, %c0_i32, %c0_i32_0 : i32, i32, i32
  }
  func.func @transform_3(%arg0: i32) -> (i32, i32, i32) {
    %c0_i32 = arith.constant 0 : i32
    %c0_i32_0 = arith.constant 0 : i32
    %c0_i32_1 = arith.constant 0 : i32
    return %arg0, %c0_i32, %c0_i32_0 : i32, i32, i32
  }
  func.func @transform_4(%arg0: i32) -> (i32, i32, i32) {
    %c0_i32 = arith.constant 0 : i32
    %c0_i32_0 = arith.constant 0 : i32
    %c0_i32_1 = arith.constant 0 : i32
    return %arg0, %c0_i32, %c0_i32_0 : i32, i32, i32
  }
  func.func @transform_5(%arg0: i32) -> (i32, i32, i32) {
    %c0_i32 = arith.constant 0 : i32
    %c0_i32_0 = arith.constant 0 : i32
    %c0_i32_1 = arith.constant 0 : i32
    return %arg0, %c0_i32, %c0_i32_0 : i32, i32, i32
  }
  func.func @transform_6(%arg0: i32) -> (i32, i32, i32) {
    %c0_i32 = arith.constant 0 : i32
    %c0_i32_0 = arith.constant 0 : i32
    %c0_i32_1 = arith.constant 0 : i32
    return %arg0, %c0_i32, %c0_i32_0 : i32, i32, i32
  }
  func.func @transform_7(%arg0: i32) -> (i32, i32, i32) {
    %c0_i32 = arith.constant 0 : i32
    %c0_i32_0 = arith.constant 0 : i32
    %c0_i32_1 = arith.constant 0 : i32
    return %arg0, %c0_i32, %c0_i32_0 : i32, i32, i32
  }
  func.func @transform_8(%arg0: i32) -> (i32, i32) {
    %c0_i32 = arith.constant 0 : i32
    %c0_i32_0 = arith.constant 0 : i32
    %c0_i32_1 = arith.constant 0 : i32
    return %c0_i32, %c0_i32_0 : i32, i32
  }
  func.func @transform_9(%arg0: i32) -> (i32, i32) {
    %c0_i32 = arith.constant 0 : i32
    %c0_i32_0 = arith.constant 0 : i32
    %c0_i32_1 = arith.constant 0 : i32
    return %c0_i32, %c0_i32_0 : i32, i32
  }
  func.func @transform_10(%arg0: i32) -> (i32, i32) {
    %c0_i32 = arith.constant 0 : i32
    %c0_i32_0 = arith.constant 0 : i32
    %c0_i32_1 = arith.constant 0 : i32
    return %c0_i32, %c0_i32_0 : i32, i32
  }
  func.func @transform_11(%arg0: i32) -> (i32, i32) {
    %c0_i32 = arith.constant 0 : i32
    %c0_i32_0 = arith.constant 0 : i32
    %c0_i32_1 = arith.constant 0 : i32
    return %c0_i32, %c0_i32_0 : i32, i32
  }
  func.func @transform_12(%arg0: i32) -> (i32, i32) {
    %c0_i32 = arith.constant 0 : i32
    %c0_i32_0 = arith.constant 0 : i32
    %c0_i32_1 = arith.constant 0 : i32
    return %c0_i32, %c0_i32_0 : i32, i32
  }
  func.func @transform_13(%arg0: i32) -> (i32, i32, i32) {
    %c0_i32 = arith.constant 0 : i32
    %c0_i32_0 = arith.constant 0 : i32
    %c0_i32_1 = arith.constant 0 : i32
    return %arg0, %c0_i32, %c0_i32_0 : i32, i32, i32
  }
}

module attributes {stable_mosaic.version = 14 : i64} {
  func.func @_fp1_body(%arg0: i32, %arg1: memref<1x2048x1xf32, #tpu.memory_space<vmem>>, %arg2: memref<1x2048x1xf32, #tpu.memory_space<vmem>>, %arg3: memref<1x2048x1xf32, #tpu.memory_space<vmem>>, %arg4: memref<1x1x512xf32, #tpu.memory_space<vmem>>, %arg5: memref<1x1x512xf32, #tpu.memory_space<vmem>>, %arg6: memref<1x1x512xf32, #tpu.memory_space<vmem>>, %arg7: memref<1x512x128xf32, #tpu.memory_space<vmem>>, %arg8: memref<3x128xf32, #tpu.memory_space<vmem>>, %arg9: memref<128x128xf32, #tpu.memory_space<vmem>>, %arg10: memref<3x128xf32, #tpu.memory_space<vmem>>, %arg11: memref<128x128xf32, #tpu.memory_space<vmem>>, %arg12: memref<3x128xf32, #tpu.memory_space<vmem>>, %arg13: memref<128x128xf32, #tpu.memory_space<vmem>>, %arg14: memref<3x128xf32, #tpu.memory_space<vmem>>, %arg15: memref<128x128xf32, #tpu.memory_space<vmem>>, %arg16: memref<3x128xf32, #tpu.memory_space<vmem>>, %arg17: memref<128x128xf32, #tpu.memory_space<vmem>>, %arg18: memref<1x128xf32, #tpu.memory_space<vmem>>, %arg19: memref<1x2048x128xf32, #tpu.memory_space<vmem>>) attributes {dimension_semantics = [#tpu.dimension_semantics<arbitrary>], iteration_bounds = array<i64: 16>, scalar_prefetch = 0 : i64, scratch_operands = 0 : i64, tpu.core_type = #tpu.core_type<tc>, window_params = [{transform_indices = @transform_0, window_bounds = array<i64: 1, 2048, 1>}, {transform_indices = @transform_1, window_bounds = array<i64: 1, 2048, 1>}, {transform_indices = @transform_2, window_bounds = array<i64: 1, 2048, 1>}, {transform_indices = @transform_3, window_bounds = array<i64: 1, 1, 512>}, {transform_indices = @transform_4, window_bounds = array<i64: 1, 1, 512>}, {transform_indices = @transform_5, window_bounds = array<i64: 1, 1, 512>}, {transform_indices = @transform_6, window_bounds = array<i64: 1, 512, 128>}, {pipeline_mode = #tpu.pipeline_mode<synchronous>, transform_indices = @transform_7, window_bounds = array<i64: 3, 128>}, {pipeline_mode = #tpu.pipeline_mode<synchronous>, transform_indices = @transform_8, window_bounds = array<i64: 128, 128>}, {pipeline_mode = #tpu.pipeline_mode<synchronous>, transform_indices = @transform_9, window_bounds = array<i64: 3, 128>}, {pipeline_mode = #tpu.pipeline_mode<synchronous>, transform_indices = @transform_10, window_bounds = array<i64: 128, 128>}, {pipeline_mode = #tpu.pipeline_mode<synchronous>, transform_indices = @transform_11, window_bounds = array<i64: 3, 128>}, {pipeline_mode = #tpu.pipeline_mode<synchronous>, transform_indices = @transform_12, window_bounds = array<i64: 128, 128>}, {pipeline_mode = #tpu.pipeline_mode<synchronous>, transform_indices = @transform_13, window_bounds = array<i64: 3, 128>}, {pipeline_mode = #tpu.pipeline_mode<synchronous>, transform_indices = @transform_14, window_bounds = array<i64: 128, 128>}, {pipeline_mode = #tpu.pipeline_mode<synchronous>, transform_indices = @transform_15, window_bounds = array<i64: 3, 128>}, {pipeline_mode = #tpu.pipeline_mode<synchronous>, transform_indices = @transform_16, window_bounds = array<i64: 128, 128>}, {pipeline_mode = #tpu.pipeline_mode<synchronous>, transform_indices = @transform_17, window_bounds = array<i64: 1, 128>}, {transform_indices = @transform_18, window_bounds = array<i64: 1, 2048, 128>}]} {
    %get3A = arith.constant 0 : index
    %get3A_0 = arith.constant 0 : index
    %get3A_1 = arith.constant 0 : index
    %get3A_2 = vector.load %arg7[%get3A, %get3A_0, %get3A_1] : memref<1x512x128xf32, #tpu.memory_space<vmem>>, vector<1x512x128xf32>
    %get3A_3 = vector.shape_cast %get3A_2 : vector<1x512x128xf32> to vector<512x128xf32>
    %get3A_4 = arith.constant 0 : index
    %get3A_5 = arith.constant 0 : index
    %get3A_6 = arith.constant 0 : index
    %get3A_7 = vector.load %arg1[%get3A_4, %get3A_5, %get3A_6] : memref<1x2048x1xf32, #tpu.memory_space<vmem>>, vector<1x2048x1xf32>
    %get3A_8 = vector.shape_cast %get3A_7 : vector<1x2048x1xf32> to vector<2048x1xf32>
    %get3A_9 = arith.constant 0 : index
    %get3A_10 = arith.constant 0 : index
    %get3A_11 = arith.constant 0 : index
    %get3A_12 = vector.load %arg2[%get3A_9, %get3A_10, %get3A_11] : memref<1x2048x1xf32, #tpu.memory_space<vmem>>, vector<1x2048x1xf32>
    %get3A_13 = vector.shape_cast %get3A_12 : vector<1x2048x1xf32> to vector<2048x1xf32>
    %get3A_14 = arith.constant 0 : index
    %get3A_15 = arith.constant 0 : index
    %get3A_16 = arith.constant 0 : index
    %get3A_17 = vector.load %arg3[%get3A_14, %get3A_15, %get3A_16] : memref<1x2048x1xf32, #tpu.memory_space<vmem>>, vector<1x2048x1xf32>
    %get3A_18 = vector.shape_cast %get3A_17 : vector<1x2048x1xf32> to vector<2048x1xf32>
    %get3A_19 = arith.constant 0 : index
    %get3A_20 = arith.constant 0 : index
    %get3A_21 = arith.constant 0 : index
    %get3A_22 = vector.load %arg4[%get3A_19, %get3A_20, %get3A_21] : memref<1x1x512xf32, #tpu.memory_space<vmem>>, vector<1x1x512xf32>
    %get3A_23 = vector.shape_cast %get3A_22 : vector<1x1x512xf32> to vector<1x512xf32>
    %get3A_24 = arith.constant 0 : index
    %get3A_25 = arith.constant 0 : index
    %get3A_26 = arith.constant 0 : index
    %get3A_27 = vector.load %arg5[%get3A_24, %get3A_25, %get3A_26] : memref<1x1x512xf32, #tpu.memory_space<vmem>>, vector<1x1x512xf32>
    %get3A_28 = vector.shape_cast %get3A_27 : vector<1x1x512xf32> to vector<1x512xf32>
    %get3A_29 = arith.constant 0 : index
    %get3A_30 = arith.constant 0 : index
    %get3A_31 = arith.constant 0 : index
    %get3A_32 = vector.load %arg6[%get3A_29, %get3A_30, %get3A_31] : memref<1x1x512xf32, #tpu.memory_space<vmem>>, vector<1x1x512xf32>
    %get3A_33 = vector.shape_cast %get3A_32 : vector<1x1x512xf32> to vector<1x512xf32>
    %broadcast_in_dim3A = arith.constant 0.000000e+00 : f32
    %broadcast_in_dim3A_34 = vector.broadcast %broadcast_in_dim3A : f32 to vector<2048x5xf32>
    %concatenate3A = tpu.concatenate %get3A_8, %get3A_13, %get3A_18, %broadcast_in_dim3A_34 in 1 : vector<2048x1xf32>, vector<2048x1xf32>, vector<2048x1xf32>, vector<2048x5xf32> -> vector<2048x8xf32>
    %broadcast_in_dim3A_35 = arith.constant 0.000000e+00 : f32
    %broadcast_in_dim3A_36 = vector.broadcast %broadcast_in_dim3A_35 : f32 to vector<5x512xf32>
    %concatenate3A_37 = tpu.concatenate %get3A_23, %get3A_28, %get3A_33, %broadcast_in_dim3A_36 in 0 : vector<1x512xf32>, vector<1x512xf32>, vector<1x512xf32>, vector<5x512xf32> -> vector<8x512xf32>
    %dot_general3A = arith.constant dense<0.000000e+00> : vector<2048x512xf32>
    %dot_general3A_38 = tpu.matmul %concatenate3A, %concatenate3A_37, %dot_general3A {dimension_numbers = #tpu.dot_dimension_numbers<[1], [0], [0], [1], [0, 0, 1, 1], [], []>, transpose_lhs_hint = false} : vector<2048x8xf32>, vector<8x512xf32>, vector<2048x512xf32> -> vector<2048x512xf32>
    %mul3A = arith.mulf %get3A_8, %get3A_8 : vector<2048x1xf32>
    %mul3A_39 = arith.mulf %get3A_13, %get3A_13 : vector<2048x1xf32>
    %add3A = arith.addf %mul3A, %mul3A_39 : vector<2048x1xf32>
    %mul3A_40 = arith.mulf %get3A_18, %get3A_18 : vector<2048x1xf32>
    %add3A_41 = arith.addf %add3A, %mul3A_40 : vector<2048x1xf32>
    %mul3A_42 = arith.mulf %get3A_23, %get3A_23 : vector<1x512xf32>
    %mul3A_43 = arith.mulf %get3A_28, %get3A_28 : vector<1x512xf32>
    %add3A_44 = arith.addf %mul3A_42, %mul3A_43 : vector<1x512xf32>
    %mul3A_45 = arith.mulf %get3A_33, %get3A_33 : vector<1x512xf32>
    %add3A_46 = arith.addf %add3A_44, %mul3A_45 : vector<1x512xf32>
    %add3A_47 = vector.broadcast %add3A_41 : vector<2048x1xf32> to vector<2048x512xf32>
    %add3A_48 = vector.broadcast %add3A_46 : vector<1x512xf32> to vector<2048x512xf32>
    %add3A_49 = arith.addf %add3A_47, %add3A_48 : vector<2048x512xf32>
    %mul3A_50 = arith.constant 2.000000e+00 : f32
    %mul3A_51 = vector.broadcast %mul3A_50 : f32 to vector<2048x512xf32>
    %mul3A_52 = arith.mulf %mul3A_51, %dot_general3A_38 : vector<2048x512xf32>
    %sub3A = arith.subf %add3A_49, %mul3A_52 : vector<2048x512xf32>
    %iota3A = tpu.iota {dimensions = array<i32: 1>} : vector<2048x512xi32>
    %reduce_min3A = arith.constant dense<0x7F800000> : vector<2048xf32>
    %reduce_min3A_53 = vector.multi_reduction <minimumf>, %sub3A, %reduce_min3A [1] : vector<2048x512xf32> to vector<2048xf32>
    %broadcast_in_dim3A_54 = vector.shape_cast %reduce_min3A_53 : vector<2048xf32> to vector<2048x1xf32>
    %eq3A = vector.broadcast %broadcast_in_dim3A_54 : vector<2048x1xf32> to vector<2048x512xf32>
    %eq3A_55 = arith.cmpf oeq, %sub3A, %eq3A : vector<2048x512xf32>
    %jit3A = arith.constant 512 : i32
    %broadcast_in_dim3A_56 = vector.broadcast %jit3A : i32 to vector<2048x512xi32>
    %select_n3A = arith.select %eq3A_55, %iota3A, %broadcast_in_dim3A_56 : vector<2048x512xi1>, vector<2048x512xi32>
    %reduce_min3A_57 = arith.constant dense<2147483647> : vector<2048xi32>
    %reduce_min3A_58 = vector.multi_reduction <minsi>, %select_n3A, %reduce_min3A_57 [1] : vector<2048x512xi32> to vector<2048xi32>
    %broadcast_in_dim3A_59 = vector.shape_cast %reduce_min3A_58 : vector<2048xi32> to vector<2048x1xi32>
    %eq3A_60 = vector.broadcast %broadcast_in_dim3A_59 : vector<2048x1xi32> to vector<2048x512xi32>
    %eq3A_61 = arith.cmpi eq, %iota3A, %eq3A_60 : vector<2048x512xi32>
    %jit3A_62 = arith.constant 0x7F800000 : f32
    %broadcast_in_dim3A_63 = vector.broadcast %jit3A_62 : f32 to vector<2048x512xf32>
    %select_n3A_64 = arith.select %eq3A_61, %broadcast_in_dim3A_63, %sub3A : vector<2048x512xi1>, vector<2048x512xf32>
    %reduce_min3A_65 = arith.constant dense<0x7F800000> : vector<2048xf32>
    %reduce_min3A_66 = vector.multi_reduction <minimumf>, %select_n3A_64, %reduce_min3A_65 [1] : vector<2048x512xf32> to vector<2048xf32>
    %broadcast_in_dim3A_67 = vector.shape_cast %reduce_min3A_66 : vector<2048xf32> to vector<2048x1xf32>
    %eq3A_68 = vector.broadcast %broadcast_in_dim3A_67 : vector<2048x1xf32> to vector<2048x512xf32>
    %eq3A_69 = arith.cmpf oeq, %select_n3A_64, %eq3A_68 : vector<2048x512xf32>
    %jit3A_70 = arith.constant 512 : i32
    %broadcast_in_dim3A_71 = vector.broadcast %jit3A_70 : i32 to vector<2048x512xi32>
    %select_n3A_72 = arith.select %eq3A_69, %iota3A, %broadcast_in_dim3A_71 : vector<2048x512xi1>, vector<2048x512xi32>
    %reduce_min3A_73 = arith.constant dense<2147483647> : vector<2048xi32>
    %reduce_min3A_74 = vector.multi_reduction <minsi>, %select_n3A_72, %reduce_min3A_73 [1] : vector<2048x512xi32> to vector<2048xi32>
    %broadcast_in_dim3A_75 = vector.shape_cast %reduce_min3A_74 : vector<2048xi32> to vector<2048x1xi32>
    %eq3A_76 = vector.broadcast %broadcast_in_dim3A_75 : vector<2048x1xi32> to vector<2048x512xi32>
    %eq3A_77 = arith.cmpi eq, %iota3A, %eq3A_76 : vector<2048x512xi32>
    %jit3A_78 = arith.constant 0x7F800000 : f32
    %broadcast_in_dim3A_79 = vector.broadcast %jit3A_78 : f32 to vector<2048x512xf32>
    %select_n3A_80 = arith.select %eq3A_77, %broadcast_in_dim3A_79, %select_n3A_64 : vector<2048x512xi1>, vector<2048x512xf32>
    %reduce_min3A_81 = arith.constant dense<0x7F800000> : vector<2048xf32>
    %reduce_min3A_82 = vector.multi_reduction <minimumf>, %select_n3A_80, %reduce_min3A_81 [1] : vector<2048x512xf32> to vector<2048xf32>
    %broadcast_in_dim3A_83 = vector.shape_cast %reduce_min3A_82 : vector<2048xf32> to vector<2048x1xf32>
    %eq3A_84 = vector.broadcast %broadcast_in_dim3A_83 : vector<2048x1xf32> to vector<2048x512xf32>
    %eq3A_85 = arith.cmpf oeq, %select_n3A_80, %eq3A_84 : vector<2048x512xf32>
    %jit3A_86 = arith.constant 512 : i32
    %broadcast_in_dim3A_87 = vector.broadcast %jit3A_86 : i32 to vector<2048x512xi32>
    %select_n3A_88 = arith.select %eq3A_85, %iota3A, %broadcast_in_dim3A_87 : vector<2048x512xi1>, vector<2048x512xi32>
    %reduce_min3A_89 = arith.constant dense<2147483647> : vector<2048xi32>
    %reduce_min3A_90 = vector.multi_reduction <minsi>, %select_n3A_88, %reduce_min3A_89 [1] : vector<2048x512xi32> to vector<2048xi32>
    %broadcast_in_dim3A_91 = vector.shape_cast %reduce_min3A_90 : vector<2048xi32> to vector<2048x1xi32>
    %add3A_92 = arith.constant 9.99999993E-9 : f32
    %add3A_93 = vector.broadcast %add3A_92 : f32 to vector<2048x1xf32>
    %add3A_94 = arith.addf %broadcast_in_dim3A_54, %add3A_93 : vector<2048x1xf32>
    %div3A = arith.constant 1.000000e+00 : f32
    %div3A_95 = vector.broadcast %div3A : f32 to vector<2048x1xf32>
    %div3A_96 = arith.divf %div3A_95, %add3A_94 : vector<2048x1xf32>
    %add3A_97 = arith.constant 9.99999993E-9 : f32
    %add3A_98 = vector.broadcast %add3A_97 : f32 to vector<2048x1xf32>
    %add3A_99 = arith.addf %broadcast_in_dim3A_67, %add3A_98 : vector<2048x1xf32>
    %div3A_100 = arith.constant 1.000000e+00 : f32
    %div3A_101 = vector.broadcast %div3A_100 : f32 to vector<2048x1xf32>
    %div3A_102 = arith.divf %div3A_101, %add3A_99 : vector<2048x1xf32>
    %add3A_103 = arith.constant 9.99999993E-9 : f32
    %add3A_104 = vector.broadcast %add3A_103 : f32 to vector<2048x1xf32>
    %add3A_105 = arith.addf %broadcast_in_dim3A_83, %add3A_104 : vector<2048x1xf32>
    %div3A_106 = arith.constant 1.000000e+00 : f32
    %div3A_107 = vector.broadcast %div3A_106 : f32 to vector<2048x1xf32>
    %div3A_108 = arith.divf %div3A_107, %add3A_105 : vector<2048x1xf32>
    %add3A_109 = arith.addf %div3A_96, %div3A_102 : vector<2048x1xf32>
    %add3A_110 = arith.addf %add3A_109, %div3A_108 : vector<2048x1xf32>
    %broadcast_in_dim3A_111 = arith.constant 0.000000e+00 : f32
    %broadcast_in_dim3A_112 = vector.broadcast %broadcast_in_dim3A_111 : f32 to vector<2048x512xf32>
    %eq3A_113 = vector.broadcast %broadcast_in_dim3A_59 : vector<2048x1xi32> to vector<2048x512xi32>
    %eq3A_114 = arith.cmpi eq, %iota3A, %eq3A_113 : vector<2048x512xi32>
    %div3A_115 = arith.divf %div3A_96, %add3A_110 : vector<2048x1xf32>
    %jit3A_116 = arith.constant 0.000000e+00 : f32
    %broadcast_in_dim3A_117 = vector.shape_cast %div3A_115 : vector<2048x1xf32> to vector<2048x1xf32>
    %broadcast_in_dim3A_118 = vector.broadcast %broadcast_in_dim3A_117 : vector<2048x1xf32> to vector<2048x512xf32>
    %broadcast_in_dim3A_119 = vector.broadcast %jit3A_116 : f32 to vector<2048x512xf32>
    %select_n3A_120 = arith.select %eq3A_114, %broadcast_in_dim3A_118, %broadcast_in_dim3A_119 : vector<2048x512xi1>, vector<2048x512xf32>
    %add3A_121 = arith.addf %broadcast_in_dim3A_112, %select_n3A_120 : vector<2048x512xf32>
    %eq3A_122 = vector.broadcast %broadcast_in_dim3A_75 : vector<2048x1xi32> to vector<2048x512xi32>
    %eq3A_123 = arith.cmpi eq, %iota3A, %eq3A_122 : vector<2048x512xi32>
    %div3A_124 = arith.divf %div3A_102, %add3A_110 : vector<2048x1xf32>
    %jit3A_125 = arith.constant 0.000000e+00 : f32
    %broadcast_in_dim3A_126 = vector.shape_cast %div3A_124 : vector<2048x1xf32> to vector<2048x1xf32>
    %broadcast_in_dim3A_127 = vector.broadcast %broadcast_in_dim3A_126 : vector<2048x1xf32> to vector<2048x512xf32>
    %broadcast_in_dim3A_128 = vector.broadcast %jit3A_125 : f32 to vector<2048x512xf32>
    %select_n3A_129 = arith.select %eq3A_123, %broadcast_in_dim3A_127, %broadcast_in_dim3A_128 : vector<2048x512xi1>, vector<2048x512xf32>
    %add3A_130 = arith.addf %add3A_121, %select_n3A_129 : vector<2048x512xf32>
    %eq3A_131 = vector.broadcast %broadcast_in_dim3A_91 : vector<2048x1xi32> to vector<2048x512xi32>
    %eq3A_132 = arith.cmpi eq, %iota3A, %eq3A_131 : vector<2048x512xi32>
    %div3A_133 = arith.divf %div3A_108, %add3A_110 : vector<2048x1xf32>
    %jit3A_134 = arith.constant 0.000000e+00 : f32
    %broadcast_in_dim3A_135 = vector.shape_cast %div3A_133 : vector<2048x1xf32> to vector<2048x1xf32>
    %broadcast_in_dim3A_136 = vector.broadcast %broadcast_in_dim3A_135 : vector<2048x1xf32> to vector<2048x512xf32>
    %broadcast_in_dim3A_137 = vector.broadcast %jit3A_134 : f32 to vector<2048x512xf32>
    %select_n3A_138 = arith.select %eq3A_132, %broadcast_in_dim3A_136, %broadcast_in_dim3A_137 : vector<2048x512xi1>, vector<2048x512xf32>
    %add3A_139 = arith.addf %add3A_130, %select_n3A_138 : vector<2048x512xf32>
    %dot_general3A_140 = arith.constant dense<0.000000e+00> : vector<2048x128xf32>
    %dot_general3A_141 = tpu.matmul %add3A_139, %get3A_3, %dot_general3A_140 {dimension_numbers = #tpu.dot_dimension_numbers<[1], [0], [0], [1], [0, 0, 1, 1], [], []>, precision = #tpu.contract_precision<fp32>, transpose_lhs_hint = false} : vector<2048x512xf32>, vector<512x128xf32>, vector<2048x128xf32> -> vector<2048x128xf32>
    %get3A_142 = arith.constant 0 : index
    %get3A_143 = arith.constant 0 : index
    %get3A_144 = vector.load %arg8[%get3A_142, %get3A_143] : memref<3x128xf32, #tpu.memory_space<vmem>>, vector<3x128xf32>
    %get3A_145 = arith.constant 0 : index
    %get3A_146 = arith.constant 0 : index
    %get3A_147 = arith.constant 0 : index
    %get3A_148 = vector.load %arg1[%get3A_145, %get3A_146, %get3A_147] : memref<1x2048x1xf32, #tpu.memory_space<vmem>>, vector<1x2048x1xf32>
    %get3A_149 = vector.shape_cast %get3A_148 : vector<1x2048x1xf32> to vector<2048x1xf32>
    %get3A_150 = arith.constant 0 : index
    %get3A_151 = arith.constant 0 : index
    %get3A_152 = arith.constant 0 : index
    %get3A_153 = vector.load %arg2[%get3A_150, %get3A_151, %get3A_152] : memref<1x2048x1xf32, #tpu.memory_space<vmem>>, vector<1x2048x1xf32>
    %get3A_154 = vector.shape_cast %get3A_153 : vector<1x2048x1xf32> to vector<2048x1xf32>
    %get3A_155 = arith.constant 0 : index
    %get3A_156 = arith.constant 0 : index
    %get3A_157 = arith.constant 0 : index
    %get3A_158 = vector.load %arg3[%get3A_155, %get3A_156, %get3A_157] : memref<1x2048x1xf32, #tpu.memory_space<vmem>>, vector<1x2048x1xf32>
    %get3A_159 = vector.shape_cast %get3A_158 : vector<1x2048x1xf32> to vector<2048x1xf32>
    %get3A_160 = arith.constant 0 : index
    %get3A_161 = arith.constant 0 : index
    %get3A_162 = vector.load %arg9[%get3A_160, %get3A_161] : memref<128x128xf32, #tpu.memory_space<vmem>>, vector<128x128xf32>
    %dot_general3A_163 = arith.constant dense<0.000000e+00> : vector<2048x128xf32>
    %dot_general3A_164 = tpu.matmul %dot_general3A_141, %get3A_162, %dot_general3A_163 {dimension_numbers = #tpu.dot_dimension_numbers<[1], [0], [0], [1], [0, 0, 1, 1], [], []>, transpose_lhs_hint = false} : vector<2048x128xf32>, vector<128x128xf32>, vector<2048x128xf32> -> vector<2048x128xf32>
    %get3A_165 = arith.constant 0 : index
    %get3A_166 = arith.constant 0 : index
    %get3A_167 = vector.load %arg10[%get3A_165, %get3A_166] : memref<3x128xf32, #tpu.memory_space<vmem>>, vector<1x128xf32>
    %add3A_168 = vector.broadcast %get3A_167 : vector<1x128xf32> to vector<2048x128xf32>
    %add3A_169 = arith.addf %dot_general3A_164, %add3A_168 : vector<2048x128xf32>
    %slice3A = vector.extract_strided_slice %get3A_144 {offsets = [0, 0], sizes = [1, 128], strides = [1, 1]} : vector<3x128xf32> to vector<1x128xf32>
    %mul3A_170 = vector.broadcast %get3A_149 : vector<2048x1xf32> to vector<2048x128xf32>
    %mul3A_171 = vector.broadcast %slice3A : vector<1x128xf32> to vector<2048x128xf32>
    %mul3A_172 = arith.mulf %mul3A_170, %mul3A_171 : vector<2048x128xf32>
    %add3A_173 = arith.addf %add3A_169, %mul3A_172 : vector<2048x128xf32>
    %slice3A_174 = vector.extract_strided_slice %get3A_144 {offsets = [1, 0], sizes = [1, 128], strides = [1, 1]} : vector<3x128xf32> to vector<1x128xf32>
    %mul3A_175 = vector.broadcast %get3A_154 : vector<2048x1xf32> to vector<2048x128xf32>
    %mul3A_176 = vector.broadcast %slice3A_174 : vector<1x128xf32> to vector<2048x128xf32>
    %mul3A_177 = arith.mulf %mul3A_175, %mul3A_176 : vector<2048x128xf32>
    %add3A_178 = arith.addf %add3A_173, %mul3A_177 : vector<2048x128xf32>
    %slice3A_179 = vector.extract_strided_slice %get3A_144 {offsets = [2, 0], sizes = [1, 128], strides = [1, 1]} : vector<3x128xf32> to vector<1x128xf32>
    %mul3A_180 = vector.broadcast %get3A_159 : vector<2048x1xf32> to vector<2048x128xf32>
    %mul3A_181 = vector.broadcast %slice3A_179 : vector<1x128xf32> to vector<2048x128xf32>
    %mul3A_182 = arith.mulf %mul3A_180, %mul3A_181 : vector<2048x128xf32>
    %add3A_183 = arith.addf %add3A_178, %mul3A_182 : vector<2048x128xf32>
    %get3A_184 = arith.constant 0 : index
    %get3A_185 = arith.constant 0 : index
    %get3A_186 = vector.load %arg10[%get3A_184, %get3A_185] : memref<3x128xf32, #tpu.memory_space<vmem>>, vector<3x128xf32>
    %div3A_187 = arith.constant 1.00000501 : f32
    %div3A_188 = vector.broadcast %div3A_187 : f32 to vector<2048x128xf32>
    %div3A_189 = arith.divf %add3A_183, %div3A_188 : vector<2048x128xf32>
    %slice3A_190 = vector.extract_strided_slice %get3A_186 {offsets = [1, 0], sizes = [1, 128], strides = [1, 1]} : vector<3x128xf32> to vector<1x128xf32>
    %mul3A_191 = vector.broadcast %slice3A_190 : vector<1x128xf32> to vector<2048x128xf32>
    %mul3A_192 = arith.mulf %div3A_189, %mul3A_191 : vector<2048x128xf32>
    %slice3A_193 = vector.extract_strided_slice %get3A_186 {offsets = [2, 0], sizes = [1, 128], strides = [1, 1]} : vector<3x128xf32> to vector<1x128xf32>
    %add3A_194 = vector.broadcast %slice3A_193 : vector<1x128xf32> to vector<2048x128xf32>
    %add3A_195 = arith.addf %mul3A_192, %add3A_194 : vector<2048x128xf32>
    %max3A = arith.constant 0.000000e+00 : f32
    %max3A_196 = vector.broadcast %max3A : f32 to vector<2048x128xf32>
    %max3A_197 = arith.maximumf %add3A_195, %max3A_196 : vector<2048x128xf32>
    %get3A_198 = arith.constant 0 : index
    %get3A_199 = arith.constant 0 : index
    %get3A_200 = vector.load %arg11[%get3A_198, %get3A_199] : memref<128x128xf32, #tpu.memory_space<vmem>>, vector<128x128xf32>
    %dot_general3A_201 = arith.constant dense<0.000000e+00> : vector<2048x128xf32>
    %dot_general3A_202 = tpu.matmul %max3A_197, %get3A_200, %dot_general3A_201 {dimension_numbers = #tpu.dot_dimension_numbers<[1], [0], [0], [1], [0, 0, 1, 1], [], []>, transpose_lhs_hint = false} : vector<2048x128xf32>, vector<128x128xf32>, vector<2048x128xf32> -> vector<2048x128xf32>
    %get3A_203 = arith.constant 0 : index
    %get3A_204 = arith.constant 0 : index
    %get3A_205 = vector.load %arg12[%get3A_203, %get3A_204] : memref<3x128xf32, #tpu.memory_space<vmem>>, vector<1x128xf32>
    %add3A_206 = vector.broadcast %get3A_205 : vector<1x128xf32> to vector<2048x128xf32>
    %add3A_207 = arith.addf %dot_general3A_202, %add3A_206 : vector<2048x128xf32>
    %get3A_208 = arith.constant 0 : index
    %get3A_209 = arith.constant 0 : index
    %get3A_210 = vector.load %arg12[%get3A_208, %get3A_209] : memref<3x128xf32, #tpu.memory_space<vmem>>, vector<3x128xf32>
    %div3A_211 = arith.constant 1.00000501 : f32
    %div3A_212 = vector.broadcast %div3A_211 : f32 to vector<2048x128xf32>
    %div3A_213 = arith.divf %add3A_207, %div3A_212 : vector<2048x128xf32>
    %slice3A_214 = vector.extract_strided_slice %get3A_210 {offsets = [1, 0], sizes = [1, 128], strides = [1, 1]} : vector<3x128xf32> to vector<1x128xf32>
    %mul3A_215 = vector.broadcast %slice3A_214 : vector<1x128xf32> to vector<2048x128xf32>
    %mul3A_216 = arith.mulf %div3A_213, %mul3A_215 : vector<2048x128xf32>
    %slice3A_217 = vector.extract_strided_slice %get3A_210 {offsets = [2, 0], sizes = [1, 128], strides = [1, 1]} : vector<3x128xf32> to vector<1x128xf32>
    %add3A_218 = vector.broadcast %slice3A_217 : vector<1x128xf32> to vector<2048x128xf32>
    %add3A_219 = arith.addf %mul3A_216, %add3A_218 : vector<2048x128xf32>
    %max3A_220 = arith.constant 0.000000e+00 : f32
    %max3A_221 = vector.broadcast %max3A_220 : f32 to vector<2048x128xf32>
    %max3A_222 = arith.maximumf %add3A_219, %max3A_221 : vector<2048x128xf32>
    %get3A_223 = arith.constant 0 : index
    %get3A_224 = arith.constant 0 : index
    %get3A_225 = vector.load %arg13[%get3A_223, %get3A_224] : memref<128x128xf32, #tpu.memory_space<vmem>>, vector<128x128xf32>
    %dot_general3A_226 = arith.constant dense<0.000000e+00> : vector<2048x128xf32>
    %dot_general3A_227 = tpu.matmul %max3A_222, %get3A_225, %dot_general3A_226 {dimension_numbers = #tpu.dot_dimension_numbers<[1], [0], [0], [1], [0, 0, 1, 1], [], []>, transpose_lhs_hint = false} : vector<2048x128xf32>, vector<128x128xf32>, vector<2048x128xf32> -> vector<2048x128xf32>
    %get3A_228 = arith.constant 0 : index
    %get3A_229 = arith.constant 0 : index
    %get3A_230 = vector.load %arg14[%get3A_228, %get3A_229] : memref<3x128xf32, #tpu.memory_space<vmem>>, vector<1x128xf32>
    %add3A_231 = vector.broadcast %get3A_230 : vector<1x128xf32> to vector<2048x128xf32>
    %add3A_232 = arith.addf %dot_general3A_227, %add3A_231 : vector<2048x128xf32>
    %get3A_233 = arith.constant 0 : index
    %get3A_234 = arith.constant 0 : index
    %get3A_235 = vector.load %arg14[%get3A_233, %get3A_234] : memref<3x128xf32, #tpu.memory_space<vmem>>, vector<3x128xf32>
    %div3A_236 = arith.constant 1.00000501 : f32
    %div3A_237 = vector.broadcast %div3A_236 : f32 to vector<2048x128xf32>
    %div3A_238 = arith.divf %add3A_232, %div3A_237 : vector<2048x128xf32>
    %slice3A_239 = vector.extract_strided_slice %get3A_235 {offsets = [1, 0], sizes = [1, 128], strides = [1, 1]} : vector<3x128xf32> to vector<1x128xf32>
    %mul3A_240 = vector.broadcast %slice3A_239 : vector<1x128xf32> to vector<2048x128xf32>
    %mul3A_241 = arith.mulf %div3A_238, %mul3A_240 : vector<2048x128xf32>
    %slice3A_242 = vector.extract_strided_slice %get3A_235 {offsets = [2, 0], sizes = [1, 128], strides = [1, 1]} : vector<3x128xf32> to vector<1x128xf32>
    %add3A_243 = vector.broadcast %slice3A_242 : vector<1x128xf32> to vector<2048x128xf32>
    %add3A_244 = arith.addf %mul3A_241, %add3A_243 : vector<2048x128xf32>
    %max3A_245 = arith.constant 0.000000e+00 : f32
    %max3A_246 = vector.broadcast %max3A_245 : f32 to vector<2048x128xf32>
    %max3A_247 = arith.maximumf %add3A_244, %max3A_246 : vector<2048x128xf32>
    %get3A_248 = arith.constant 0 : index
    %get3A_249 = arith.constant 0 : index
    %get3A_250 = vector.load %arg15[%get3A_248, %get3A_249] : memref<128x128xf32, #tpu.memory_space<vmem>>, vector<128x128xf32>
    %dot_general3A_251 = arith.constant dense<0.000000e+00> : vector<2048x128xf32>
    %dot_general3A_252 = tpu.matmul %max3A_247, %get3A_250, %dot_general3A_251 {dimension_numbers = #tpu.dot_dimension_numbers<[1], [0], [0], [1], [0, 0, 1, 1], [], []>, transpose_lhs_hint = false} : vector<2048x128xf32>, vector<128x128xf32>, vector<2048x128xf32> -> vector<2048x128xf32>
    %get3A_253 = arith.constant 0 : index
    %get3A_254 = arith.constant 0 : index
    %get3A_255 = vector.load %arg16[%get3A_253, %get3A_254] : memref<3x128xf32, #tpu.memory_space<vmem>>, vector<1x128xf32>
    %add3A_256 = vector.broadcast %get3A_255 : vector<1x128xf32> to vector<2048x128xf32>
    %add3A_257 = arith.addf %dot_general3A_252, %add3A_256 : vector<2048x128xf32>
    %get3A_258 = arith.constant 0 : index
    %get3A_259 = arith.constant 0 : index
    %get3A_260 = vector.load %arg16[%get3A_258, %get3A_259] : memref<3x128xf32, #tpu.memory_space<vmem>>, vector<3x128xf32>
    %div3A_261 = arith.constant 1.00000501 : f32
    %div3A_262 = vector.broadcast %div3A_261 : f32 to vector<2048x128xf32>
    %div3A_263 = arith.divf %add3A_257, %div3A_262 : vector<2048x128xf32>
    %slice3A_264 = vector.extract_strided_slice %get3A_260 {offsets = [1, 0], sizes = [1, 128], strides = [1, 1]} : vector<3x128xf32> to vector<1x128xf32>
    %mul3A_265 = vector.broadcast %slice3A_264 : vector<1x128xf32> to vector<2048x128xf32>
    %mul3A_266 = arith.mulf %div3A_263, %mul3A_265 : vector<2048x128xf32>
    %slice3A_267 = vector.extract_strided_slice %get3A_260 {offsets = [2, 0], sizes = [1, 128], strides = [1, 1]} : vector<3x128xf32> to vector<1x128xf32>
    %add3A_268 = vector.broadcast %slice3A_267 : vector<1x128xf32> to vector<2048x128xf32>
    %add3A_269 = arith.addf %mul3A_266, %add3A_268 : vector<2048x128xf32>
    %max3A_270 = arith.constant 0.000000e+00 : f32
    %max3A_271 = vector.broadcast %max3A_270 : f32 to vector<2048x128xf32>
    %max3A_272 = arith.maximumf %add3A_269, %max3A_271 : vector<2048x128xf32>
    %get3A_273 = arith.constant 0 : index
    %get3A_274 = arith.constant 0 : index
    %get3A_275 = vector.load %arg17[%get3A_273, %get3A_274] : memref<128x128xf32, #tpu.memory_space<vmem>>, vector<128x128xf32>
    %dot_general3A_276 = arith.constant dense<0.000000e+00> : vector<2048x128xf32>
    %dot_general3A_277 = tpu.matmul %max3A_272, %get3A_275, %dot_general3A_276 {dimension_numbers = #tpu.dot_dimension_numbers<[1], [0], [0], [1], [0, 0, 1, 1], [], []>, transpose_lhs_hint = false} : vector<2048x128xf32>, vector<128x128xf32>, vector<2048x128xf32> -> vector<2048x128xf32>
    %get3A_278 = arith.constant 0 : index
    %get3A_279 = arith.constant 0 : index
    %get3A_280 = vector.load %arg18[%get3A_278, %get3A_279] : memref<1x128xf32, #tpu.memory_space<vmem>>, vector<1x128xf32>
    %add3A_281 = vector.broadcast %get3A_280 : vector<1x128xf32> to vector<2048x128xf32>
    %add3A_282 = arith.addf %dot_general3A_277, %add3A_281 : vector<2048x128xf32>
    %broadcast_in_dim3A_283 = vector.shape_cast %add3A_282 : vector<2048x128xf32> to vector<1x2048x128xf32>
    %swap3A = arith.constant 0 : index
    %swap3A_284 = arith.constant 0 : index
    %swap3A_285 = arith.constant 0 : index
    %swap3A_286 = vector.load %arg19[%swap3A, %swap3A_284, %swap3A_285] : memref<1x2048x128xf32, #tpu.memory_space<vmem>>, vector<1x2048x128xf32>
    tpu.vector_store %arg19[%swap3A, %swap3A_284, %swap3A_285], %broadcast_in_dim3A_283 {strides = array<i32>} : memref<1x2048x128xf32, #tpu.memory_space<vmem>>, vector<1x2048x128xf32>,
    return
  }
  func.func @transform_0(%arg0: i32) -> (i32, i32, i32) {
    %c0_i32 = arith.constant 0 : i32
    %c0_i32_0 = arith.constant 0 : i32
    %c0_i32_1 = arith.constant 0 : i32
    return %arg0, %c0_i32, %c0_i32_0 : i32, i32, i32
  }
  func.func @transform_1(%arg0: i32) -> (i32, i32, i32) {
    %c0_i32 = arith.constant 0 : i32
    %c0_i32_0 = arith.constant 0 : i32
    %c0_i32_1 = arith.constant 0 : i32
    return %arg0, %c0_i32, %c0_i32_0 : i32, i32, i32
  }
  func.func @transform_2(%arg0: i32) -> (i32, i32, i32) {
    %c0_i32 = arith.constant 0 : i32
    %c0_i32_0 = arith.constant 0 : i32
    %c0_i32_1 = arith.constant 0 : i32
    return %arg0, %c0_i32, %c0_i32_0 : i32, i32, i32
  }
  func.func @transform_3(%arg0: i32) -> (i32, i32, i32) {
    %c0_i32 = arith.constant 0 : i32
    %c0_i32_0 = arith.constant 0 : i32
    %c0_i32_1 = arith.constant 0 : i32
    return %arg0, %c0_i32, %c0_i32_0 : i32, i32, i32
  }
  func.func @transform_4(%arg0: i32) -> (i32, i32, i32) {
    %c0_i32 = arith.constant 0 : i32
    %c0_i32_0 = arith.constant 0 : i32
    %c0_i32_1 = arith.constant 0 : i32
    return %arg0, %c0_i32, %c0_i32_0 : i32, i32, i32
  }
  func.func @transform_5(%arg0: i32) -> (i32, i32, i32) {
    %c0_i32 = arith.constant 0 : i32
    %c0_i32_0 = arith.constant 0 : i32
    %c0_i32_1 = arith.constant 0 : i32
    return %arg0, %c0_i32, %c0_i32_0 : i32, i32, i32
  }
  func.func @transform_6(%arg0: i32) -> (i32, i32, i32) {
    %c0_i32 = arith.constant 0 : i32
    %c0_i32_0 = arith.constant 0 : i32
    %c0_i32_1 = arith.constant 0 : i32
    return %arg0, %c0_i32, %c0_i32_0 : i32, i32, i32
  }
  func.func @transform_7(%arg0: i32) -> (i32, i32) {
    %c0_i32 = arith.constant 0 : i32
    %c0_i32_0 = arith.constant 0 : i32
    %c0_i32_1 = arith.constant 0 : i32
    return %c0_i32, %c0_i32_0 : i32, i32
  }
  func.func @transform_8(%arg0: i32) -> (i32, i32) {
    %c0_i32 = arith.constant 0 : i32
    %c0_i32_0 = arith.constant 0 : i32
    %c0_i32_1 = arith.constant 0 : i32
    return %c0_i32, %c0_i32_0 : i32, i32
  }
  func.func @transform_9(%arg0: i32) -> (i32, i32) {
    %c0_i32 = arith.constant 0 : i32
    %c0_i32_0 = arith.constant 0 : i32
    %c0_i32_1 = arith.constant 0 : i32
    return %c0_i32, %c0_i32_0 : i32, i32
  }
  func.func @transform_10(%arg0: i32) -> (i32, i32) {
    %c0_i32 = arith.constant 0 : i32
    %c0_i32_0 = arith.constant 0 : i32
    %c0_i32_1 = arith.constant 0 : i32
    return %c0_i32, %c0_i32_0 : i32, i32
  }
  func.func @transform_11(%arg0: i32) -> (i32, i32) {
    %c0_i32 = arith.constant 0 : i32
    %c0_i32_0 = arith.constant 0 : i32
    %c0_i32_1 = arith.constant 0 : i32
    return %c0_i32, %c0_i32_0 : i32, i32
  }
  func.func @transform_12(%arg0: i32) -> (i32, i32) {
    %c0_i32 = arith.constant 0 : i32
    %c0_i32_0 = arith.constant 0 : i32
    %c0_i32_1 = arith.constant 0 : i32
    return %c0_i32, %c0_i32_0 : i32, i32
  }
  func.func @transform_13(%arg0: i32) -> (i32, i32) {
    %c0_i32 = arith.constant 0 : i32
    %c0_i32_0 = arith.constant 0 : i32
    %c0_i32_1 = arith.constant 0 : i32
    return %c0_i32, %c0_i32_0 : i32, i32
  }
  func.func @transform_14(%arg0: i32) -> (i32, i32) {
    %c0_i32 = arith.constant 0 : i32
    %c0_i32_0 = arith.constant 0 : i32
    %c0_i32_1 = arith.constant 0 : i32
    return %c0_i32, %c0_i32_0 : i32, i32
  }
  func.func @transform_15(%arg0: i32) -> (i32, i32) {
    %c0_i32 = arith.constant 0 : i32
    %c0_i32_0 = arith.constant 0 : i32
    %c0_i32_1 = arith.constant 0 : i32
    return %c0_i32, %c0_i32_0 : i32, i32
  }
  func.func @transform_16(%arg0: i32) -> (i32, i32) {
    %c0_i32 = arith.constant 0 : i32
    %c0_i32_0 = arith.constant 0 : i32
    %c0_i32_1 = arith.constant 0 : i32
    return %c0_i32, %c0_i32_0 : i32, i32
  }
  func.func @transform_17(%arg0: i32) -> (i32, i32) {
    %c0_i32 = arith.constant 0 : i32
    %c0_i32_0 = arith.constant 0 : i32
    %c0_i32_1 = arith.constant 0 : i32
    return %c0_i32, %c0_i32_0 : i32, i32
  }
  func.func @transform_18(%arg0: i32) -> (i32, i32, i32) {
    %c0_i32 = arith.constant 0 : i32
    %c0_i32_0 = arith.constant 0 : i32
    %c0_i32_1 = arith.constant 0 : i32
    return %arg0, %c0_i32, %c0_i32_0 : i32, i32, i32
  }
}

</mosaic_0001>

<sc_bundles>
// kernel: kernel.13.cloned.1.call-start
scs
__scs_entry_jumppad:
0x0: {  	(pc) =	sbr.rel $0x88, $3  }
0x1: {  	(tag) =	ssettag $0x0;
	lr =	simm.s32 $0x1  }
0x2: {  	[smem:$0x3F5A] =	sst lr;
	_ =	strace $0xD0000000  }
0x3: {  	_ = 	snop  }
0x4: {  	_ = 	snop  }
0x5: {  	_ = 	snop  }
0x6: {  	_ = 	snop  }
0x7: {  	_ = 	snop  }
__scs_overlays_trampoline_lowered:
0x8: {  	[smem:$0x3F69] =	sst s0  }
0x9: {  	[smem:$0x3F6A] =	sst s1  }
0xa: {  	[smem:$0x3F6B] =	sst s2  }
0xb: {  	[smem:$0x3F6C] =	sst s3  }
0xc: {  	[smem:$0x3F6D] =	sst s4  }
0xd: {  	[smem:$0x3F6E] =	sst s5  }
0xe: {  	[smem:$0x3F6F] =	sst s6  }
0xf: {  	[smem:$0x3F70] =	sst s7  }
0x10: {  	[smem:$0x3F71] =	sst s8  }
0x11: {  	[smem:$0x3F72] =	sst s9;
	s0 =	simm.s32 @!p0 $0x0  }
0x12: {  	s1 =	sld [smem:$0x3F58];
	s0 =	simm.s32 @p0 $0x1  }
0x13: {  	[smem:$0x3F73] =	sst s0;
	s0 =	simm.s32 @!p1 $0x0  }
0x14: {  	s2 =	sld [smem:$0x3F57];
	s0 =	simm.s32 @p1 $0x1  }
0x15: {  	[smem:$0x3F74] =	sst s0;
	s0 =	simm.s32 @!p2 $0x0  }
0x16: {  	s3 =	sld [smem:$0x3FDB];
	s0 =	simm.s32 @p2 $0x1  }
0x17: {  	s4 =	simm.s32 $0x1BF5;
	[smem:$0x3F76] =	sst s0  }
0x18: {  	s0 =	sld [smem:$0x3F59];
	_ =	swait.ge [sflag:s4], $0x0  }
0x19: {  	s7 =	sld [smem:$0x3F5A]  }
0x1a: {  	s8 =	sadd.s32 $0xFFFFE003, lr  }
0x1b: {  	s9 =	sadd.s32 $0xFFFFFEF7, lr;
	s5 =	simm.s32 $0xFFFFFFFF;
	p2 =	slt.u32 s8, $0xFFFFF086  }
0x1c: {  	p1 =	slt.u32 s9, $0xF7A;
	s5 =	simm.s32 @!p2 $0x0  }
0x1d: {  	s5 =	simm.s32 @p1 $0x1;
	p0 =	seq.s32 s7, s2  }
0x1e: {  	s7 =	smul.u32 @!p0 $0xF7A, s2;
	p2 =	seq.s32 @!p0 s5, $0x0  }
0x1f: {  	s9 =	smul.u32 $0xF7A, s1;
	s8 =	simm.s32 @!p0 $0x1BF5;
	p2 =	por !p2, p0  }
0x20: {  	[sflag:s8] =	ssyncset.s32 @!p0 $0xFFFFF086;
	s6 =	sadd.s32 @!p0 s3, s7;
	s7 =	simm.s32 @!p0 $0x108  }
0x21: {  	s3 =	sadd.s32 s3, s9;
	s6 =	sadd.s32 @!p0 $0x88, s6;
	s7 =	simm.s32 @p2 $0x1082  }
0x22: {  	[simem:s7], [sflag:s8] =	dma.local @!p0 [hbm:s6], $0xF7A  }
0x23: {  	s9 =	sor.u32 $0xD0000000, s2;
	s6 =	simm.s32 $0x108;
	_ =	swait.ge @!p0 [sflag:s8], $0x0  }
0x24: {  	s3 =	sadd.s32 $0x88, s3;
	s6 =	simm.s32 @!p1 $0x1082;
	[sflag:s4] =	ssyncset.s32 $0xFFFFF086  }
0x25: {  	[simem:s6], [sflag:s4] =	dma.local [hbm:s3], $0xF7A  }
0x26: {  	[smem:$0x3F5A] =	sst s1;
	(tag) =	ssettag s2;
	_ =	strace s9  }
0x27: {  	s1 =	sld [smem:$0x3F6A]  }
0x28: {  	s2 =	sld [smem:$0x3F6B]  }
0x29: {  	s4 =	sld [smem:$0x3F6D]  }
0x2a: {  	p0 =	seq.s32 s5, $0x0;
	s5 =	sld [smem:$0x3F6E]  }
0x2b: {  	s6 =	sld [smem:$0x3F6F]  }
0x2c: {  	s7 =	sld [smem:$0x3F70]  }
0x2d: {  	s3 =	simm.s32 $0x108;
	s8 =	sld [smem:$0x3F71]  }
0x2e: {  	s3 =	simm.s32 @!p0 $0x1082;
	s9 =	sld [smem:$0x3F72]  }
0x2f: {  	lr =	sadd.s32 s0, s3;
	s0 =	sld [smem:$0x3F69]  }
0x30: {  	s3 =	sld [smem:$0x3F6C]  }
0x31: {  	[smem:$0x3F75] =	sst s10  }
0x32: {  	s10 =	sld [smem:$0x3F73];
	_ =	sdelay $0x3  }
0x33: {  	p0 =	seq.s32 s10, $0x1;
	s10 =	sld [smem:$0x3F75];
	_ =	sdelay $0x3  }
0x34: {  	[smem:$0x3F75] =	sst s10  }
0x35: {  	s10 =	sld [smem:$0x3F74];
	_ =	sdelay $0x3  }
0x36: {  	p1 =	seq.s32 s10, $0x1;
	s10 =	sld [smem:$0x3F75];
	_ =	sdelay $0x3  }
0x37: {  	[smem:$0x3F75] =	sst s10  }
0x38: {  	s10 =	sld [smem:$0x3F76]  }
0x39: {  	_ = 	snop;
	(pc) =	sbr.ind lr, $3  }
0x3a: {  	_ = 	snop  }
0x3b: {  	_ = 	snop  }
0x3c: {  	p2 =	seq.s32 s10, $0x1;
	s10 =	sld [smem:$0x3F75]  }
0x3d: {  	_ =	shalt  }
0x3e: {  	_ =	shalt  }
0x3f: {  	_ =	shalt  }
0x40: {  	_ =	shalt  }
0x41: {  	_ =	shalt  }
0x42: {  	_ =	shalt  }
0x43: {  	_ =	shalt  }
0x44: {  	_ =	shalt  }
0x45: {  	_ =	shalt  }
0x46: {  	_ =	shalt  }
0x47: {  	_ =	shalt  }
0x48: {  	_ =	shalt  }
0x49: {  	_ =	shalt  }
0x4a: {  	_ =	shalt  }
0x4b: {  	_ =	shalt  }
0x4c: {  	_ =	shalt  }
0x4d: {  	_ =	shalt  }
0x4e: {  	_ =	shalt  }
0x4f: {  	_ =	shalt  }
0x50: {  	_ =	shalt  }
0x51: {  	_ =	shalt  }
0x52: {  	_ =	shalt  }
0x53: {  	_ =	shalt  }
0x54: {  	_ =	shalt  }
0x55: {  	_ =	shalt  }
0x56: {  	_ =	shalt  }
0x57: {  	_ =	shalt  }
0x58: {  	_ =	shalt  }
0x59: {  	_ =	shalt  }
0x5a: {  	_ =	shalt  }
0x5b: {  	_ =	shalt  }
0x5c: {  	_ =	shalt  }
0x5d: {  	_ =	shalt  }
0x5e: {  	_ =	shalt  }
0x5f: {  	_ =	shalt  }
0x60: {  	_ =	shalt  }
0x61: {  	_ =	shalt  }
0x62: {  	_ =	shalt  }
0x63: {  	_ =	shalt  }
0x64: {  	_ =	shalt  }
0x65: {  	_ =	shalt  }
0x66: {  	_ =	shalt  }
0x67: {  	_ =	shalt  }
0x68: {  	_ =	shalt  }
0x69: {  	_ =	shalt  }
0x6a: {  	_ =	shalt  }
0x6b: {  	_ =	shalt  }
0x6c: {  	_ =	shalt  }
0x6d: {  	_ =	shalt  }
0x6e: {  	_ =	shalt  }
0x6f: {  	_ =	shalt  }
0x70: {  	_ =	shalt  }
0x71: {  	_ =	shalt  }
0x72: {  	_ =	shalt  }
0x73: {  	_ =	shalt  }
0x74: {  	_ =	shalt  }
0x75: {  	_ =	shalt  }
0x76: {  	_ =	shalt  }
0x77: {  	_ =	shalt  }
0x78: {  	_ =	shalt  }
0x79: {  	_ =	shalt  }
0x7a: {  	_ =	shalt  }
0x7b: {  	_ =	shalt  }
0x7c: {  	_ =	shalt  }
0x7d: {  	_ =	shalt  }
0x7e: {  	_ =	shalt  }
0x7f: {  	_ =	shalt  }
0x80: {  	_ =	shalt  }
0x81: {  	_ =	shalt  }
0x82: {  	_ =	shalt  }
0x83: {  	_ =	shalt  }
0x84: {  	_ =	shalt  }
0x85: {  	_ =	shalt  }
0x86: {  	_ =	shalt  }
0x87: {  	_ =	shalt  }
.Lfunc_end0:
.L_simem_size_0:
called_computation_lowered:
.L_overlay_start_0:
0x88: {  	s2 =	sld [smem:$0x3FD9]  }
0x89: {  	s3 =	sld [smem:$0x3FFE];
	_ =	sdelay $0x1  }
0x8a: {  	s1 =	srdreg.scid  }
0x8b: {  	s0 =	sand.u32 $0x1, s1  }
0x8c: {  	s16 =	sshll.u32 s0, $0xA;
	s2 =	sadd.s32 s3, s2  }
0x8d: {  	s2 =	sadd.s32 s2, s16  }
0x8e: {  	[smem:$0x3F81] =	sst s2  }
0x8f: {  	_ = 	snop  }
0x90: {  	(tm) =	ssettm $0x1  }
0x91: {  	s17 =	sld [smem:$0x3FFB];
	_ =	sdelay $0x3  }
0x92: {  	_ =	strace s17  }
0x93: {  	s2 =	sld [smem:$0x3FFC];
	_ =	sdelay $0x3  }
0x94: {  	_ =	strace s2  }
0x95: {  	s2 =	sld [smem:$0x3FFD];
	_ =	sdelay $0x3  }
0x96: {  	_ =	strace s2  }
0x97: {  	_ =	strace $0x8FFFFFFF  }
0x98: {  	s18 =	sld [smem:$0x3FDB];
	_ =	sdelay $0x1  }
0x99: {  	s19 =	simm.s32 $_scs_section_size  }
0x9a: {  	s4 =	simm.s32 $_size__tile_overlayer_lowered;
	s5 =	simm.s32 $_tile_overlayer_lowered  }
0x9b: {  	s22 =	simm.s32 $0x1BFF;
	s21 =	sshll.u32 s5, $0x1;
	s2 =	sadd.s32 s19, s18  }
0x9c: {  	s6 =	simm.s32 $0x0;
	s20 =	sshll.u32 s4, $0x1;
	s4 =	sadd.s32 s21, s2  }
0x9d: {  	[timem:s6], [sflag:s22] =	dma.local [hbm:s4], s20  }
0x9e: {  	_ =	swait.ge [sflag:s22], s20  }
0x9f: {  	s3 =	ssub.s32 $0x0, s20;
	[sflag:s22] =	ssyncset.done $0x0  }
0xa0: {  	[sflag:s22] =	ssyncadd.s32 s3;
	_ =	sdelay $0x1  }
0xa1: {  	s23 =	simm.s32 $0x1B8B  }
0xa2: {  	_ =	swait.ge [sflag:s23], $0x1  }
0xa3: {  	[sflag:s23] =	ssyncset.done $0x0  }
0xa4: {  	s25 =	simm.s32 $0x1B8E;
	s24 =	sld [smem:$0x3FFE];
	[sflag:s23] =	ssyncadd.s32 $0xFFFFFFFF  }
0xa5: {  	s26 =	simm.s32 $execute0_lowered;
	[smem:$0x3FD2] =	sst s25  }
0xa6: {  	s4 =	sshll.u32 s26, $0x1;
	_ =	strace $0x80000046;
	[dreg:$0x1] =	wrdreg $0xFFFFFFFF  }
0xa7: {  	s28 =	simm.s32 $_size_execute0_lowered;
	s2 =	sadd.s32 s2, s4;
	[dreg:$0x0] =	wrdreg $0x0  }
0xa8: {  	s4 =	sshll.u32 s28, $0x1;
	[dreg:$0x2] =	wrdreg s2  }
0xa9: {  	[dreg:$0x3] =	wrdreg s4  }
0xaa: {  	[dreg:$0x4] =	wrdreg $0xC0  }
0xab: {  	_ =	task [dreg:s6], $0x5FFFF  }
0xac: {  	[dreg:$0x1] =	wrdreg $0xFFFFFFFF  }
0xad: {  	[dreg:$0x0] =	wrdreg $0x60  }
0xae: {  	[dreg:$0x2] =	wrdreg s24  }
0xaf: {  	[dreg:$0x3] =	wrdreg $0x9  }
0xb0: {  	_ =	task.clear_ibuf [dreg:s6], $0x4FFFF;
	_ =	strace $0x90000046  }
0xb1: {  	s29 =	simm.s32 $0x9;
	_ =	strace $0x80000048  }
0xb2: {  	_ =	swait.ge [sflag:s29], $0x1  }
0xb3: {  	[sflag:s29] =	ssyncadd.s32 $0xFFFFFFFF  }
0xb4: {  	_ =	strace $0x90000048  }
0xb5: {  	_ =	sfence  }
0xb6: {  	s30 =	sld [smem:$0x0];
	_ =	sdelay $0x2  }
0xb7: {  	s31 =	sshll.u32 s1, $0xD;
	s1 =	sshrl.u32 s1, $0x2  }
0xb8: {  	s3 =	sand.u32 $0x4000, s31;
	s1 =	sadd.s32 s1, s30  }
0xb9: {  	s0 =	sor.u32 s3, s0;
	s1 =	sshll.u32 s1, $0x11  }
0xba: {  	s0 =	sor.u32 s1, s0  }
0xbb: {  	s0 =	sadd.s32 $0x8F2B, s0  }
0xbc: {  	[sflag:s0] =	ssyncadd.remote.s32 $0x1  }
0xbd: {  	_ =	sfence.sel $0xFFFF  }
0xbe: {  	[dreg:$0x0] =	wrdreg $0xFFFFFFFF;
	(pc) =	sbr.abs _section_cstart, $3  }
0xbf: {  	[dreg:$0x1] =	wrdreg $0xFFFFFFFF  }
0xc0: {  	_ =	task.clear_ibuf [dreg:s6], $0x2FFFF;
	_ =	strace $0x9FFFFFFF  }
0xc1: {  	(tm) =	ssettm $0x7FFFFFFF  }
tec
execute0_lowered:
.L_overlay_start_1:
0x0: {  	(tag) =	ssettag $0x1  }
0x1: {  	s4 =	rddreg [dreg:$0x0]  }
0x2: {  	s0 =	rddreg [dreg:$0x1];
	s2 =	simm.s32 $0x0;
	s3 =	srdreg.scid  }
0x3: {  	s1 =	stileid.u32;
	s10 =	simm.s32 $0x0;
	[smem:$0x7FF] =	sst s2  }
0x4: {  	s5 =	sand.u32 $0x1, s3;
	s6 =	sshll.u32 s1, $0xE;
	s3 =	sadd.s32 $0x1F4400, s4  }
0x5: {  	s8 =	sshll.u32 s1, $0x12;
	_ =	strace $0x80000047;
	s7 =	sshll.u32 s5, $0xD  }
0x6: {  	s31 =	ssub.s32 $0x2, s5;
	s8 =	sadd.s32 s8, s4;
	s5 =	sshll.u32 s5, $0x11  }
0x7: {  	s6 =	sor.u32 s7, s6;
	s9 =	sshrl.u32 s31, $0x1;
	s5 =	sadd.s32 s5, s8  }
0x8: {  	s8 =	simm.s32 $0x80;
	s6 =	sshrl.u32 s6, $0x3;
	s7 =	ssub.s32 s31, s9  }
0x9: {  	s5 =	sadd.s32 $0x274400, s5;
	s9 =	simm.s32 $0x1;
	s6 =	sadd.s32 s6, s4  }
0xa: {  	s4 =	smax.u32 s7, $0x1;
	s7 =	simm.s32 $0x2;
	s6 =	sadd.s32 $0x1EC400, s6  }
.LBB2_1:
0xb: {  	s11 =	sadd.s32 $0x0, s6  }
0xc: {  	[tilespmem:s2], [sflag:$0x2] =	stream.linear.gather [hbm4b:s11+s2], $0x80, $0x38;
	[tilespmem:$0x4080] =	vst v63  }
0xd: {  	_ =	swait.ge [sflag:s7], $0x80  }
0xe: {  	[sflag:s7] =	ssyncset.done $0x0  }
0xf: {  	[sflag:s7] =	ssyncadd.s32 $0xFFFFFF80  }
0x10: {  	[tilespmem:s8], [sflag:$0x1] =	stream.indirect.gather [hbm4b:s3+s8], $0x80, s2, s8, $0xb8;
	[tilespmem:$0x4080] =	vst v63  }
0x11: {  	_ =	swait.ge [sflag:s9], $0x4000  }
0x12: {  	[sflag:s9] =	ssyncset.done $0x0  }
0x13: {  	[sflag:s9] =	ssyncadd.s32 $0xFFFFC000  }
0x14: {  	[hbm4b:s5+s2] =	stream.linear.scatter [tilespmem:s8], [sflag:$0x2], $0x4000, $0x38;
	[tilespmem:$0x4080] =	vst v63  }
0x15: {  	s12 =	simm.s32 $0x10;
	_ =	swait.ge [sflag:s7], $0x4000  }
0x16: {  	s13 =	simm.s32 $0x20;
	s11 =	sadd.s32 $0x800, s5;
	[sflag:s7] =	ssyncset.done $0x0  }
.LBB2_2:
0x17: {  	s14 =	sadd.s32 s12, s6  }
0x18: {  	[sflag:s7] =	ssyncadd.s32 $0xFFFFC000;
	s12 =	smov.u32 s13;
	s15 =	sadd.s32 $0x10, s13  }
0x19: {  	[tilespmem:s2], [sflag:$0x2] =	stream.linear.gather [hbm4b:s14+s2], $0x80, $0x38;
	[tilespmem:$0x4080] =	vst v63  }
0x1a: {  	p0 =	sne.s32 s13, $0x3F0;
	_ =	swait.ge [sflag:s7], $0x80  }
0x1b: {  	[sflag:s7] =	ssyncset.done $0x0  }
0x1c: {  	[sflag:s7] =	ssyncadd.s32 $0xFFFFFF80  }
0x1d: {  	[tilespmem:s8], [sflag:$0x1] =	stream.indirect.gather [hbm4b:s3+s8], $0x80, s2, s8, $0xb8;
	[tilespmem:$0x4080] =	vst v63  }
0x1e: {  	_ =	swait.ge [sflag:s9], $0x4000  }
.Ltmp0:
0x1f: {  	[sflag:s9] =	ssyncset.done $0x0;
	(pc) =	sbr.rel @p0 .LBB2_2-.Ltmp0, $4  }
0x20: {  	[sflag:s9] =	ssyncadd.s32 $0xFFFFC000  }
0x21: {  	[hbm4b:s11+s2] =	stream.linear.scatter [tilespmem:s8], [sflag:$0x2], $0x4000, $0x38;
	[tilespmem:$0x4080] =	vst v63  }
0x22: {  	_ =	swait.ge [sflag:s7], $0x4000  }
0x23: {  	s13 =	smov.u32 s15;
	s11 =	sadd.s32 $0x800, s11;
	[sflag:s7] =	ssyncset.done $0x0  }
0x24: {  	s12 =	sadd.s32 s12, s6;
	[sflag:s7] =	ssyncadd.s32 $0xFFFFC000  }
0x25: {  	[tilespmem:s2], [sflag:$0x2] =	stream.linear.gather [hbm4b:s12+s2], $0x80, $0x38;
	[tilespmem:$0x4080] =	vst v63  }
0x26: {  	_ =	swait.ge [sflag:s7], $0x80  }
0x27: {  	[sflag:s7] =	ssyncset.done $0x0  }
0x28: {  	[sflag:s7] =	ssyncadd.s32 $0xFFFFFF80  }
0x29: {  	[tilespmem:s8], [sflag:$0x1] =	stream.indirect.gather [hbm4b:s3+s8], $0x80, s2, s8, $0xb8;
	[tilespmem:$0x4080] =	vst v63  }
0x2a: {  	s10 =	sadd.s32 $0x1, s10;
	_ =	swait.ge [sflag:s9], $0x4000  }
0x2b: {  	p0 =	sne.s32 s10, s4;
	[sflag:s9] =	ssyncset.done $0x0  }
.Ltmp1:
0x2c: {  	[sflag:s9] =	ssyncadd.s32 $0xFFFFC000;
	(pc) =	sbr.rel @p0 .LBB2_1-.Ltmp1, $4  }
0x2d: {  	[hbm4b:s11+s2] =	stream.linear.scatter [tilespmem:s8], [sflag:$0x2], $0x4000, $0x38;
	[tilespmem:$0x4080] =	vst v63  }
0x2e: {  	_ =	swait.ge [sflag:s7], $0x4000  }
0x2f: {  	[sflag:s7] =	ssyncset.done $0x0  }
0x30: {  	[sflag:s7] =	ssyncadd.s32 $0xFFFFC000  }
0x31: {  	_ =	sfence.sel $0x180000  }
0x32: {  	[bflag:$0x0] =	sbarrier.arrive $0xFFFF  }
0x33: {  	p0 =	sne.s32 s1, $0x0;
	_ =	strace $0x90000047  }
0x34: {  	s0 =	sadd.s32 @!p0 $0x100000, s0;
	[bflag:$0x2] =	sbarrier.arrive $0xFFFF  }
0x35: {  	[sflag:s0] =	ssyncadd.tile.s32 @!p0 $0x1;
	_ =	shalt  }
.Lfunc_end2:
_tile_overlayer_lowered:
.L_overlay_start_2:
0x36: {  	(tag) =	ssettag $0x2  }
0x37: {  	s0 =	rddreg [dreg:$0x0];
	s2 =	stileid.u32  }
0x38: {  	s1 =	rddreg [dreg:$0x1];
	p0 =	sne.s32 s2, $0x0  }
0x39: {  	s3 =	rddreg [dreg:$0x2];
	[bflag:$0x3] =	sbarrier.arrive $0xFFFF;
	s2 =	simm.s32 @!p0 $0x1C02  }
0x3a: {  	[timem:s3], [sflag:s2] =	dma.local @!p0 [hbm:s0], s1  }
0x3b: {  	s0 =	simm.s32 @!p0 $0x2  }
0x3c: {  	_ =	swait.ge @!p0 [sflag:s0], s1  }
0x3d: {  	s1 =	ssub.s32 @!p0 $0x0, s1;
	[sflag:s0] =	ssyncset.done @!p0 $0x0  }
0x3e: {  	[sflag:s0] =	ssyncadd.s32 @!p0 s1  }
0x3f: {  	[bflag:$0x3] =	sbarrier.arrive $0xFFFF  }
0x40: {  	_ =	shalt  }

// kernel: kernel.16.cloned.1.call-start
scs
__scs_entry_jumppad:
0x0: {  	(pc) =	sbr.rel $0x88, $3  }
0x1: {  	(tag) =	ssettag $0x0;
	lr =	simm.s32 $0x1  }
0x2: {  	[smem:$0x3F5A] =	sst lr;
	_ =	strace $0xD0000000  }
0x3: {  	_ = 	snop  }
0x4: {  	_ = 	snop  }
0x5: {  	_ = 	snop  }
0x6: {  	_ = 	snop  }
0x7: {  	_ = 	snop  }
__scs_overlays_trampoline_lowered:
0x8: {  	[smem:$0x3F69] =	sst s0  }
0x9: {  	[smem:$0x3F6A] =	sst s1  }
0xa: {  	[smem:$0x3F6B] =	sst s2  }
0xb: {  	[smem:$0x3F6C] =	sst s3  }
0xc: {  	[smem:$0x3F6D] =	sst s4  }
0xd: {  	[smem:$0x3F6E] =	sst s5  }
0xe: {  	[smem:$0x3F6F] =	sst s6  }
0xf: {  	[smem:$0x3F70] =	sst s7  }
0x10: {  	[smem:$0x3F71] =	sst s8  }
0x11: {  	[smem:$0x3F72] =	sst s9;
	s0 =	simm.s32 @!p0 $0x0  }
0x12: {  	s1 =	sld [smem:$0x3F58];
	s0 =	simm.s32 @p0 $0x1  }
0x13: {  	[smem:$0x3F73] =	sst s0;
	s0 =	simm.s32 @!p1 $0x0  }
0x14: {  	s2 =	sld [smem:$0x3F57];
	s0 =	simm.s32 @p1 $0x1  }
0x15: {  	[smem:$0x3F74] =	sst s0;
	s0 =	simm.s32 @!p2 $0x0  }
0x16: {  	s3 =	sld [smem:$0x3FDB];
	s0 =	simm.s32 @p2 $0x1  }
0x17: {  	s4 =	simm.s32 $0x1BF5;
	[smem:$0x3F76] =	sst s0  }
0x18: {  	s0 =	sld [smem:$0x3F59];
	_ =	swait.ge [sflag:s4], $0x0  }
0x19: {  	s7 =	sld [smem:$0x3F5A]  }
0x1a: {  	s8 =	sadd.s32 $0xFFFFE003, lr  }
0x1b: {  	s9 =	sadd.s32 $0xFFFFFEF7, lr;
	s5 =	simm.s32 $0xFFFFFFFF;
	p2 =	slt.u32 s8, $0xFFFFF086  }
0x1c: {  	p1 =	slt.u32 s9, $0xF7A;
	s5 =	simm.s32 @!p2 $0x0  }
0x1d: {  	s5 =	simm.s32 @p1 $0x1;
	p0 =	seq.s32 s7, s2  }
0x1e: {  	s7 =	smul.u32 @!p0 $0xF7A, s2;
	p2 =	seq.s32 @!p0 s5, $0x0  }
0x1f: {  	s9 =	smul.u32 $0xF7A, s1;
	s8 =	simm.s32 @!p0 $0x1BF5;
	p2 =	por !p2, p0  }
0x20: {  	[sflag:s8] =	ssyncset.s32 @!p0 $0xFFFFF086;
	s6 =	sadd.s32 @!p0 s3, s7;
	s7 =	simm.s32 @!p0 $0x108  }
0x21: {  	s3 =	sadd.s32 s3, s9;
	s6 =	sadd.s32 @!p0 $0x88, s6;
	s7 =	simm.s32 @p2 $0x1082  }
0x22: {  	[simem:s7], [sflag:s8] =	dma.local @!p0 [hbm:s6], $0xF7A  }
0x23: {  	s9 =	sor.u32 $0xD0000000, s2;
	s6 =	simm.s32 $0x108;
	_ =	swait.ge @!p0 [sflag:s8], $0x0  }
0x24: {  	s3 =	sadd.s32 $0x88, s3;
	s6 =	simm.s32 @!p1 $0x1082;
	[sflag:s4] =	ssyncset.s32 $0xFFFFF086  }
0x25: {  	[simem:s6], [sflag:s4] =	dma.local [hbm:s3], $0xF7A  }
0x26: {  	[smem:$0x3F5A] =	sst s1;
	(tag) =	ssettag s2;
	_ =	strace s9  }
0x27: {  	s1 =	sld [smem:$0x3F6A]  }
0x28: {  	s2 =	sld [smem:$0x3F6B]  }
0x29: {  	s4 =	sld [smem:$0x3F6D]  }
0x2a: {  	p0 =	seq.s32 s5, $0x0;
	s5 =	sld [smem:$0x3F6E]  }
0x2b: {  	s6 =	sld [smem:$0x3F6F]  }
0x2c: {  	s7 =	sld [smem:$0x3F70]  }
0x2d: {  	s3 =	simm.s32 $0x108;
	s8 =	sld [smem:$0x3F71]  }
0x2e: {  	s3 =	simm.s32 @!p0 $0x1082;
	s9 =	sld [smem:$0x3F72]  }
0x2f: {  	lr =	sadd.s32 s0, s3;
	s0 =	sld [smem:$0x3F69]  }
0x30: {  	s3 =	sld [smem:$0x3F6C]  }
0x31: {  	[smem:$0x3F75] =	sst s10  }
0x32: {  	s10 =	sld [smem:$0x3F73];
	_ =	sdelay $0x3  }
0x33: {  	p0 =	seq.s32 s10, $0x1;
	s10 =	sld [smem:$0x3F75];
	_ =	sdelay $0x3  }
0x34: {  	[smem:$0x3F75] =	sst s10  }
0x35: {  	s10 =	sld [smem:$0x3F74];
	_ =	sdelay $0x3  }
0x36: {  	p1 =	seq.s32 s10, $0x1;
	s10 =	sld [smem:$0x3F75];
	_ =	sdelay $0x3  }
0x37: {  	[smem:$0x3F75] =	sst s10  }
0x38: {  	s10 =	sld [smem:$0x3F76]  }
0x39: {  	_ = 	snop;
	(pc) =	sbr.ind lr, $3  }
0x3a: {  	_ = 	snop  }
0x3b: {  	_ = 	snop  }
0x3c: {  	p2 =	seq.s32 s10, $0x1;
	s10 =	sld [smem:$0x3F75]  }
0x3d: {  	_ =	shalt  }
0x3e: {  	_ =	shalt  }
0x3f: {  	_ =	shalt  }
0x40: {  	_ =	shalt  }
0x41: {  	_ =	shalt  }
0x42: {  	_ =	shalt  }
0x43: {  	_ =	shalt  }
0x44: {  	_ =	shalt  }
0x45: {  	_ =	shalt  }
0x46: {  	_ =	shalt  }
0x47: {  	_ =	shalt  }
0x48: {  	_ =	shalt  }
0x49: {  	_ =	shalt  }
0x4a: {  	_ =	shalt  }
0x4b: {  	_ =	shalt  }
0x4c: {  	_ =	shalt  }
0x4d: {  	_ =	shalt  }
0x4e: {  	_ =	shalt  }
0x4f: {  	_ =	shalt  }
0x50: {  	_ =	shalt  }
0x51: {  	_ =	shalt  }
0x52: {  	_ =	shalt  }
0x53: {  	_ =	shalt  }
0x54: {  	_ =	shalt  }
0x55: {  	_ =	shalt  }
0x56: {  	_ =	shalt  }
0x57: {  	_ =	shalt  }
0x58: {  	_ =	shalt  }
0x59: {  	_ =	shalt  }
0x5a: {  	_ =	shalt  }
0x5b: {  	_ =	shalt  }
0x5c: {  	_ =	shalt  }
0x5d: {  	_ =	shalt  }
0x5e: {  	_ =	shalt  }
0x5f: {  	_ =	shalt  }
0x60: {  	_ =	shalt  }
0x61: {  	_ =	shalt  }
0x62: {  	_ =	shalt  }
0x63: {  	_ =	shalt  }
0x64: {  	_ =	shalt  }
0x65: {  	_ =	shalt  }
0x66: {  	_ =	shalt  }
0x67: {  	_ =	shalt  }
0x68: {  	_ =	shalt  }
0x69: {  	_ =	shalt  }
0x6a: {  	_ =	shalt  }
0x6b: {  	_ =	shalt  }
0x6c: {  	_ =	shalt  }
0x6d: {  	_ =	shalt  }
0x6e: {  	_ =	shalt  }
0x6f: {  	_ =	shalt  }
0x70: {  	_ =	shalt  }
0x71: {  	_ =	shalt  }
0x72: {  	_ =	shalt  }
0x73: {  	_ =	shalt  }
0x74: {  	_ =	shalt  }
0x75: {  	_ =	shalt  }
0x76: {  	_ =	shalt  }
0x77: {  	_ =	shalt  }
0x78: {  	_ =	shalt  }
0x79: {  	_ =	shalt  }
0x7a: {  	_ =	shalt  }
0x7b: {  	_ =	shalt  }
0x7c: {  	_ =	shalt  }
0x7d: {  	_ =	shalt  }
0x7e: {  	_ =	shalt  }
0x7f: {  	_ =	shalt  }
0x80: {  	_ =	shalt  }
0x81: {  	_ =	shalt  }
0x82: {  	_ =	shalt  }
0x83: {  	_ =	shalt  }
0x84: {  	_ =	shalt  }
0x85: {  	_ =	shalt  }
0x86: {  	_ =	shalt  }
0x87: {  	_ =	shalt  }
.Lfunc_end0:
.L_simem_size_0:
called_computation.1_lowered:
.L_overlay_start_0:
0x88: {  	s2 =	sld [smem:$0x3FD9]  }
0x89: {  	s3 =	sld [smem:$0x3FFE];
	_ =	sdelay $0x1  }
0x8a: {  	s1 =	srdreg.scid  }
0x8b: {  	s0 =	sand.u32 $0x1, s1  }
0x8c: {  	s16 =	sshll.u32 s0, $0xA;
	s2 =	sadd.s32 s3, s2  }
0x8d: {  	s2 =	sadd.s32 s2, s16  }
0x8e: {  	[smem:$0x3F81] =	sst s2  }
0x8f: {  	_ = 	snop  }
0x90: {  	(tm) =	ssettm $0x1  }
0x91: {  	s17 =	sld [smem:$0x3FFB];
	_ =	sdelay $0x3  }
0x92: {  	_ =	strace s17  }
0x93: {  	s2 =	sld [smem:$0x3FFC];
	_ =	sdelay $0x3  }
0x94: {  	_ =	strace s2  }
0x95: {  	s2 =	sld [smem:$0x3FFD];
	_ =	sdelay $0x3  }
0x96: {  	_ =	strace s2  }
0x97: {  	_ =	strace $0x8FFFFFFF  }
0x98: {  	s18 =	sld [smem:$0x3FDB];
	_ =	sdelay $0x1  }
0x99: {  	s19 =	simm.s32 $_scs_section_size  }
0x9a: {  	s4 =	simm.s32 $_size__tile_overlayer_lowered;
	s5 =	simm.s32 $_tile_overlayer_lowered  }
0x9b: {  	s22 =	simm.s32 $0x1BFF;
	s21 =	sshll.u32 s5, $0x1;
	s2 =	sadd.s32 s19, s18  }
0x9c: {  	s6 =	simm.s32 $0x0;
	s20 =	sshll.u32 s4, $0x1;
	s4 =	sadd.s32 s21, s2  }
0x9d: {  	[timem:s6], [sflag:s22] =	dma.local [hbm:s4], s20  }
0x9e: {  	_ =	swait.ge [sflag:s22], s20  }
0x9f: {  	s3 =	ssub.s32 $0x0, s20;
	[sflag:s22] =	ssyncset.done $0x0  }
0xa0: {  	[sflag:s22] =	ssyncadd.s32 s3;
	_ =	sdelay $0x1  }
0xa1: {  	s23 =	simm.s32 $0x1B8B  }
0xa2: {  	_ =	swait.ge [sflag:s23], $0x1  }
0xa3: {  	[sflag:s23] =	ssyncset.done $0x0  }
0xa4: {  	s25 =	simm.s32 $0x1B8E;
	s24 =	sld [smem:$0x3FFE];
	[sflag:s23] =	ssyncadd.s32 $0xFFFFFFFF  }
0xa5: {  	s26 =	simm.s32 $execute0_lowered;
	[smem:$0x3FD2] =	sst s25  }
0xa6: {  	s4 =	sshll.u32 s26, $0x1;
	_ =	strace $0x80000049;
	[dreg:$0x1] =	wrdreg $0xFFFFFFFF  }
0xa7: {  	s28 =	simm.s32 $_size_execute0_lowered;
	s2 =	sadd.s32 s2, s4;
	[dreg:$0x0] =	wrdreg $0x0  }
0xa8: {  	s4 =	sshll.u32 s28, $0x1;
	[dreg:$0x2] =	wrdreg s2  }
0xa9: {  	[dreg:$0x3] =	wrdreg s4  }
0xaa: {  	[dreg:$0x4] =	wrdreg $0xC0  }
0xab: {  	_ =	task [dreg:s6], $0x5FFFF  }
0xac: {  	[dreg:$0x1] =	wrdreg $0xFFFFFFFF  }
0xad: {  	[dreg:$0x0] =	wrdreg $0x60  }
0xae: {  	[dreg:$0x2] =	wrdreg s24  }
0xaf: {  	[dreg:$0x3] =	wrdreg $0x9  }
0xb0: {  	_ =	task.clear_ibuf [dreg:s6], $0x4FFFF;
	_ =	strace $0x90000049  }
0xb1: {  	s29 =	simm.s32 $0x9;
	_ =	strace $0x8000004B  }
0xb2: {  	_ =	swait.ge [sflag:s29], $0x1  }
0xb3: {  	[sflag:s29] =	ssyncadd.s32 $0xFFFFFFFF  }
0xb4: {  	_ =	strace $0x9000004B  }
0xb5: {  	_ =	sfence  }
0xb6: {  	s30 =	sld [smem:$0x0];
	_ =	sdelay $0x2  }
0xb7: {  	s31 =	sshll.u32 s1, $0xD;
	s1 =	sshrl.u32 s1, $0x2  }
0xb8: {  	s3 =	sand.u32 $0x4000, s31;
	s1 =	sadd.s32 s1, s30  }
0xb9: {  	s0 =	sor.u32 s3, s0;
	s1 =	sshll.u32 s1, $0x11  }
0xba: {  	s0 =	sor.u32 s1, s0  }
0xbb: {  	s0 =	sadd.s32 $0x8F2B, s0  }
0xbc: {  	[sflag:s0] =	ssyncadd.remote.s32 $0x1  }
0xbd: {  	_ =	sfence.sel $0xFFFF  }
0xbe: {  	[dreg:$0x0] =	wrdreg $0xFFFFFFFF;
	(pc) =	sbr.abs _section_cstart, $3  }
0xbf: {  	[dreg:$0x1] =	wrdreg $0xFFFFFFFF  }
0xc0: {  	_ =	task.clear_ibuf [dreg:s6], $0x2FFFF;
	_ =	strace $0x9FFFFFFF  }
0xc1: {  	(tm) =	ssettm $0x7FFFFFFF  }
tec
execute0_lowered:
.L_overlay_start_1:
0x0: {  	(tag) =	ssettag $0x1  }
0x1: {  	s4 =	rddreg [dreg:$0x0]  }
0x2: {  	s0 =	rddreg [dreg:$0x1];
	s2 =	simm.s32 $0x0;
	s3 =	srdreg.scid  }
0x3: {  	s1 =	stileid.u32;
	s10 =	simm.s32 $0x1080;
	s11 =	simm.s32 $0x1880  }
0x4: {  	s12 =	simm.s32 $0x2080;
	s13 =	simm.s32 $0x2880;
	s14 =	simm.s32 $0x3080  }
0x5: {  	s15 =	simm.s32 $0x3880;
	s16 =	simm.s32 $0x4080;
	s17 =	simm.s32 $0x4880  }
0x6: {  	s18 =	simm.s32 $0x5080;
	s19 =	simm.s32 $0x5880;
	s20 =	simm.s32 $0x6080  }
0x7: {  	s21 =	simm.s32 $0x6880;
	s22 =	simm.s32 $0x7080;
	s23 =	simm.s32 $0x7880  }
0x8: {  	s24 =	simm.s32 $0x1;
	s25 =	simm.s32 $0x0;
	[smem:$0x7FF] =	sst s2  }
0x9: {  	s5 =	sand.u32 $0x1, s3;
	s6 =	sshll.u32 s1, $0xD;
	s3 =	sadd.s32 $0x47E00, s4  }
0xa: {  	s8 =	sshll.u32 s1, $0x12;
	_ =	strace $0x8000004A;
	s7 =	sshll.u32 s5, $0xC  }
0xb: {  	s31 =	ssub.s32 $0x2, s5;
	s8 =	sadd.s32 s8, s4;
	s5 =	sshll.u32 s5, $0x11  }
0xc: {  	s6 =	sor.u32 s7, s6;
	s9 =	sshrl.u32 s31, $0x1;
	s5 =	sadd.s32 s5, s8  }
0xd: {  	v2 =	vlaneseq.u32;
	s8 =	simm.s32 $0x80;
	s6 =	sshrl.u32 s6, $0x3;
	s7 =	ssub.s32 s31, s9  }
0xe: {  	vm0 =	vmmov $0xffff;
	v1 =	vshrl.u32 v2, $0x3;
	s5 =	sadd.s32 $0x1EC400, s5;
	s9 =	simm.s32 $0x880;
	s6 =	sadd.s32 s6, s4  }
0xf: {  	v0 =	vand.u32 $0x7, v2;
	v2 =	vor.u32 $0x8, v2;
	v1 =	vmul.u32 $0x8, v1;
	s4 =	smax.u32 s7, $0x1;
	s7 =	simm.s32 $0x2;
	s6 =	sadd.s32 $0x23E00, s6  }
.LBB2_1:
0x10: {  	s26 =	smov.u32 s5;
	s28 =	simm.s32 $0x0  }
.LBB2_2:
0x11: {  	s29 =	sadd.s32 s28, s6  }
0x12: {  	[tilespmem:s2], [sflag:$0x2] =	stream.linear.gather [hbm4b:s29+s2], $0x80, $0x38;
	[tilespmem:$0x8080] =	vst v63  }
0x13: {  	_ =	swait.ge [sflag:s7], $0x80  }
0x14: {  	[sflag:s7] =	ssyncset.done $0x0  }
0x15: {  	[sflag:s7] =	ssyncadd.s32 $0xFFFFFF80  }
0x16: {  	v3 =	vld [tilespmem:$0x0];
	_ =	sdelay $0x4  }
0x17: {  	v4 =	vshll.u32 v3, $0x1  }
0x18: {  	v3 =	vand.u32 $0x7, v3;
	v4 =	vand.u32 $0xFFFFFFF0, v4  }
0x19: {  	v3 =	vor.u32 v3, v4  }
0x1a: {  	v4 =	vperm.xlane v3, v0;
	_ =	sdelay $0x1  }
0x1b: {  	v3 =	vperm.xlane v3, v2;
	v4 =	vadd.s32 v1, v4;
	_ =	sdelay $0x1  }
0x1c: {  	v3 =	vadd.s32 v1, v3;
	_ =	sdelay $0x2  }
0x1d: {  	[tilespmem:s8], [sflag:$0x1] =	stream.indirect_vreg.gather [hbm4b:s3+s2], $0x80, v4, vm0, $0xb8;
	[tilespmem:$0x8080] =	vst v63  }
0x1e: {  	_ = 	snop  }
0x1f: {  	[tilespmem:s9], [sflag:$0x1] =	stream.indirect_vreg.gather [hbm4b:s3+s2], $0x80, v3, vm0, $0xb8;
	[tilespmem:$0x8080] =	vst v63  }
0x20: {  	v3 =	vld [tilespmem:$0x10];
	_ =	sdelay $0x4  }
0x21: {  	v57 =	vshll.u32 v3, $0x1  }
0x22: {  	v3 =	vand.u32 $0x7, v3;
	v4 =	vand.u32 $0xFFFFFFF0, v57  }
0x23: {  	v3 =	vor.u32 v3, v4  }
0x24: {  	v4 =	vperm.xlane v3, v0;
	_ =	sdelay $0x1  }
0x25: {  	v3 =	vperm.xlane v3, v2;
	v4 =	vadd.s32 v1, v4;
	_ =	sdelay $0x1  }
0x26: {  	v3 =	vadd.s32 v1, v3;
	_ =	sdelay $0x2  }
0x27: {  	[tilespmem:s10], [sflag:$0x1] =	stream.indirect_vreg.gather [hbm4b:s3+s2], $0x80, v4, vm0, $0xb8;
	[tilespmem:$0x8080] =	vst v63  }
0x28: {  	_ = 	snop  }
0x29: {  	[tilespmem:s11], [sflag:$0x1] =	stream.indirect_vreg.gather [hbm4b:s3+s2], $0x80, v3, vm0, $0xb8;
	[tilespmem:$0x8080] =	vst v63  }
0x2a: {  	v3 =	vld [tilespmem:$0x20];
	_ =	sdelay $0x4  }
0x2b: {  	v58 =	vshll.u32 v3, $0x1  }
0x2c: {  	v3 =	vand.u32 $0x7, v3;
	v4 =	vand.u32 $0xFFFFFFF0, v58  }
0x2d: {  	v3 =	vor.u32 v3, v4  }
0x2e: {  	v4 =	vperm.xlane v3, v0;
	_ =	sdelay $0x1  }
0x2f: {  	v3 =	vperm.xlane v3, v2;
	v4 =	vadd.s32 v1, v4;
	_ =	sdelay $0x1  }
0x30: {  	v3 =	vadd.s32 v1, v3;
	_ =	sdelay $0x2  }
0x31: {  	[tilespmem:s12], [sflag:$0x1] =	stream.indirect_vreg.gather [hbm4b:s3+s2], $0x80, v4, vm0, $0xb8;
	[tilespmem:$0x8080] =	vst v63  }
0x32: {  	_ = 	snop  }
0x33: {  	[tilespmem:s13], [sflag:$0x1] =	stream.indirect_vreg.gather [hbm4b:s3+s2], $0x80, v3, vm0, $0xb8;
	[tilespmem:$0x8080] =	vst v63  }
0x34: {  	v3 =	vld [tilespmem:$0x30];
	_ =	sdelay $0x4  }
0x35: {  	v59 =	vshll.u32 v3, $0x1  }
0x36: {  	v3 =	vand.u32 $0x7, v3;
	v4 =	vand.u32 $0xFFFFFFF0, v59  }
0x37: {  	v3 =	vor.u32 v3, v4  }
0x38: {  	v4 =	vperm.xlane v3, v0;
	_ =	sdelay $0x1  }
0x39: {  	v3 =	vperm.xlane v3, v2;
	v4 =	vadd.s32 v1, v4;
	_ =	sdelay $0x1  }
0x3a: {  	v3 =	vadd.s32 v1, v3;
	_ =	sdelay $0x2  }
0x3b: {  	[tilespmem:s14], [sflag:$0x1] =	stream.indirect_vreg.gather [hbm4b:s3+s2], $0x80, v4, vm0, $0xb8;
	[tilespmem:$0x8080] =	vst v63  }
0x3c: {  	_ = 	snop  }
0x3d: {  	[tilespmem:s15], [sflag:$0x1] =	stream.indirect_vreg.gather [hbm4b:s3+s2], $0x80, v3, vm0, $0xb8;
	[tilespmem:$0x8080] =	vst v63  }
0x3e: {  	v3 =	vld [tilespmem:$0x40];
	_ =	sdelay $0x4  }
0x3f: {  	v60 =	vshll.u32 v3, $0x1  }
0x40: {  	v3 =	vand.u32 $0x7, v3;
	v4 =	vand.u32 $0xFFFFFFF0, v60  }
0x41: {  	v3 =	vor.u32 v3, v4  }
0x42: {  	v4 =	vperm.xlane v3, v0;
	_ =	sdelay $0x1  }
0x43: {  	v3 =	vperm.xlane v3, v2;
	v4 =	vadd.s32 v1, v4;
	_ =	sdelay $0x1  }
0x44: {  	v3 =	vadd.s32 v1, v3;
	_ =	sdelay $0x2  }
0x45: {  	[tilespmem:s16], [sflag:$0x1] =	stream.indirect_vreg.gather [hbm4b:s3+s2], $0x80, v4, vm0, $0xb8;
	[tilespmem:$0x8080] =	vst v63  }
0x46: {  	_ = 	snop  }
0x47: {  	[tilespmem:s17], [sflag:$0x1] =	stream.indirect_vreg.gather [hbm4b:s3+s2], $0x80, v3, vm0, $0xb8;
	[tilespmem:$0x8080] =	vst v63  }
0x48: {  	v3 =	vld [tilespmem:$0x50];
	_ =	sdelay $0x4  }
0x49: {  	v61 =	vshll.u32 v3, $0x1  }
0x4a: {  	v3 =	vand.u32 $0x7, v3;
	v4 =	vand.u32 $0xFFFFFFF0, v61  }
0x4b: {  	v3 =	vor.u32 v3, v4  }
0x4c: {  	v4 =	vperm.xlane v3, v0;
	_ =	sdelay $0x1  }
0x4d: {  	v3 =	vperm.xlane v3, v2;
	v4 =	vadd.s32 v1, v4;
	_ =	sdelay $0x1  }
0x4e: {  	v3 =	vadd.s32 v1, v3;
	_ =	sdelay $0x2  }
0x4f: {  	[tilespmem:s18], [sflag:$0x1] =	stream.indirect_vreg.gather [hbm4b:s3+s2], $0x80, v4, vm0, $0xb8;
	[tilespmem:$0x8080] =	vst v63  }
0x50: {  	_ = 	snop  }
0x51: {  	[tilespmem:s19], [sflag:$0x1] =	stream.indirect_vreg.gather [hbm4b:s3+s2], $0x80, v3, vm0, $0xb8;
	[tilespmem:$0x8080] =	vst v63  }
0x52: {  	v3 =	vld [tilespmem:$0x60];
	_ =	sdelay $0x4  }
0x53: {  	v62 =	vshll.u32 v3, $0x1  }
0x54: {  	v3 =	vand.u32 $0x7, v3;
	v4 =	vand.u32 $0xFFFFFFF0, v62  }
0x55: {  	v3 =	vor.u32 v3, v4  }
0x56: {  	v4 =	vperm.xlane v3, v0;
	_ =	sdelay $0x1  }
0x57: {  	v3 =	vperm.xlane v3, v2;
	v4 =	vadd.s32 v1, v4;
	_ =	sdelay $0x1  }
0x58: {  	v3 =	vadd.s32 v1, v3;
	_ =	sdelay $0x2  }
0x59: {  	[tilespmem:s20], [sflag:$0x1] =	stream.indirect_vreg.gather [hbm4b:s3+s2], $0x80, v4, vm0, $0xb8;
	[tilespmem:$0x8080] =	vst v63  }
0x5a: {  	_ = 	snop  }
0x5b: {  	[tilespmem:s21], [sflag:$0x1] =	stream.indirect_vreg.gather [hbm4b:s3+s2], $0x80, v3, vm0, $0xb8;
	[tilespmem:$0x8080] =	vst v63  }
0x5c: {  	v3 =	vld [tilespmem:$0x70];
	_ =	sdelay $0x4  }
0x5d: {  	v63 =	vshll.u32 v3, $0x1  }
0x5e: {  	v3 =	vand.u32 $0x7, v3;
	v4 =	vand.u32 $0xFFFFFFF0, v63  }
0x5f: {  	v3 =	vor.u32 v3, v4  }
0x60: {  	v4 =	vperm.xlane v3, v0;
	_ =	sdelay $0x1  }
0x61: {  	v3 =	vperm.xlane v3, v2;
	v4 =	vadd.s32 v1, v4;
	_ =	sdelay $0x1  }
0x62: {  	v3 =	vadd.s32 v1, v3;
	_ =	sdelay $0x2  }
0x63: {  	[tilespmem:s22], [sflag:$0x1] =	stream.indirect_vreg.gather [hbm4b:s3+s2], $0x80, v4, vm0, $0xb8;
	[tilespmem:$0x8080] =	vst v63  }
0x64: {  	_ = 	snop  }
0x65: {  	[tilespmem:s23], [sflag:$0x1] =	stream.indirect_vreg.gather [hbm4b:s3+s2], $0x80, v3, vm0, $0xb8;
	[tilespmem:$0x8080] =	vst v63  }
0x66: {  	_ =	swait.ge [sflag:s24], $0x8000  }
0x67: {  	p0 =	sne.s32 s28, $0x1F0;
	[sflag:s24] =	ssyncset.done $0x0  }
.Ltmp0:
0x68: {  	[sflag:s24] =	ssyncadd.s32 $0xFFFF8000;
	(pc) =	sbr.rel @p0 .LBB2_2-.Ltmp0, $4  }
0x69: {  	[hbm4b:s26+s2] =	stream.linear.scatter [tilespmem:s8], [sflag:$0x2], $0x8000, $0x38;
	[tilespmem:$0x8080] =	vst v63  }
0x6a: {  	_ =	swait.ge [sflag:s7], $0x8000  }
0x6b: {  	[sflag:s7] =	ssyncset.done $0x0  }
0x6c: {  	s28 =	sadd.s32 $0x10, s28;
	s26 =	sadd.s32 $0x1000, s26;
	[sflag:s7] =	ssyncadd.s32 $0xFFFF8000  }
0x6d: {  	s25 =	sadd.s32 $0x1, s25  }
0x6e: {  	p0 =	sne.s32 s25, s4  }
.Ltmp1:
0x6f: {  	_ = 	snop;
	(pc) =	sbr.rel @p0 .LBB2_1-.Ltmp1, $1  }
0x70: {  	_ =	sdelay $0x3  }
0x71: {  	_ =	sfence.sel $0x180000  }
0x72: {  	[bflag:$0x0] =	sbarrier.arrive $0xFFFF  }
0x73: {  	p0 =	sne.s32 s1, $0x0;
	_ =	strace $0x9000004A  }
0x74: {  	s0 =	sadd.s32 @!p0 $0x100000, s0;
	[bflag:$0x2] =	sbarrier.arrive $0xFFFF  }
0x75: {  	[sflag:s0] =	ssyncadd.tile.s32 @!p0 $0x1;
	_ =	shalt  }
.Lfunc_end2:
_tile_overlayer_lowered:
.L_overlay_start_2:
0x76: {  	(tag) =	ssettag $0x2  }
0x77: {  	s0 =	rddreg [dreg:$0x0];
	s2 =	stileid.u32  }
0x78: {  	s1 =	rddreg [dreg:$0x1];
	p0 =	sne.s32 s2, $0x0  }
0x79: {  	s3 =	rddreg [dreg:$0x2];
	[bflag:$0x3] =	sbarrier.arrive $0xFFFF;
	s2 =	simm.s32 @!p0 $0x1C02  }
0x7a: {  	[timem:s3], [sflag:s2] =	dma.local @!p0 [hbm:s0], s1  }
0x7b: {  	s0 =	simm.s32 @!p0 $0x2  }
0x7c: {  	_ =	swait.ge @!p0 [sflag:s0], s1  }
0x7d: {  	s1 =	ssub.s32 @!p0 $0x0, s1;
	[sflag:s0] =	ssyncset.done @!p0 $0x0  }
0x7e: {  	[sflag:s0] =	ssyncadd.s32 @!p0 s1  }
0x7f: {  	[bflag:$0x3] =	sbarrier.arrive $0xFFFF  }
0x80: {  	_ =	shalt  }

</sc_bundles>
